<compile_context>
chip_gen: v7x
topology: tpu7x:2x2x1
jax: 0.10.2.dev20260603
libtpu: 0.0.44.dev20260713+nightly
codegen_flags: <defaults>
</compile_context>

<pallas_src>
import functools

import jax
import jax.numpy as jnp
from jax import lax
from jax.experimental import pallas as pl
from jax.experimental.pallas import tpu as pltpu
from jax.experimental.pallas import tpu_sc as plsc

NC, NS = 2, 16
NW = NC * NS
B = 128

N_PAD = 10240
TC_ROWS = 1280


def _mesh():
    return plsc.VectorSubcoreMesh(
        core_axis_name="c", subcore_axis_name="s",
        num_cores=NC, num_subcores=NS)


def _make_deg_hist(n_pad, nv):
    nr = n_pad // 128
    nft = nr // 8

    @functools.partial(
        pl.kernel,
        out_type=pltpu.HBM((NC, nr, 128), jnp.float32),
        mesh=_mesh(),
        compiler_params=pltpu.CompilerParams(needs_layout_passes=False,
                                             skip_device_barrier=True),
        scratch_types=[
            pltpu.VMEM((nv, 16), jnp.int32),
            pltpu.VMEM((nr, 128), jnp.float32),
            pltpu.VMEM((nr,), jnp.int32),
            pltpu.VMEM_SHARED((nr, 128), jnp.float32),
        ],
    )
    def deg_kernel(dst_hbm, iota_hbm, out_hbm, idx_v, deg_v, iota_v, deg_sh):
        c = lax.axis_index("c")
        s = lax.axis_index("s")
        w = c * NS + s
        pltpu.sync_copy(dst_hbm.at[w], idx_v)
        pltpu.sync_copy(iota_hbm, iota_v)
        zeros = jnp.zeros((16,), jnp.float32)

        def zbody(i, carry):
            for k in range(8):
                deg_v[i, pl.ds(k * 16, 16)] = zeros
            return carry
        lax.fori_loop(0, nr, zbody, 0)

        @pl.when(s < nft)
        def _():
            pltpu.sync_copy(deg_v.at[pl.ds(0, 8)],
                            deg_sh.at[pl.ds(s * 8, 8)])
        plsc.subcore_barrier()

        ones16 = jnp.ones((16,), jnp.float32)

        def body(i, carry):
            d16 = idx_v[i]
            hi = lax.shift_right_logical(d16, 7)
            lo = lax.bitwise_and(d16, 127)
            plsc.addupdate_scatter(deg_v, [hi, lo], ones16)
            return carry
        lax.fori_loop(0, nv, body, 0)

        pltpu.sync_copy(deg_v, deg_sh.at[iota_v], add=True)
        plsc.subcore_barrier()

        @pl.when(s < nft)
        def _():
            pltpu.sync_copy(deg_sh.at[pl.ds(s * 8, 8)],
                            out_hbm.at[c, pl.ds(s * 8, 8)])

    return deg_kernel


CH = 8


def _make_spmm(n_pad, f, nch, edge_split):
    rpt = n_pad // NS

    @functools.partial(
        pl.kernel,
        out_type=pltpu.HBM((NC, n_pad, f), jnp.float32),
        mesh=_mesh(),
        compiler_params=pltpu.CompilerParams(skip_device_barrier=True),
        scratch_types=[
            pltpu.VMEM((2, CH, 2, B), jnp.int32),
            pltpu.VMEM((2, B, f), jnp.float32),
            pltpu.VMEM_SHARED((n_pad, f), jnp.float32),
            pltpu.SemaphoreType.DMA,
            pltpu.SemaphoreType.DMA,
            pltpu.SemaphoreType.DMA,
            pltpu.SemaphoreType.DMA,
            pltpu.SemaphoreType.DMA,
        ],
    )
    def spmm_kernel(hs_hbm, sd_hbm, out_hbm, idx_v, rows_v, acc_sh,
                    g0, g1, s0, s1, isem):
        c = lax.axis_index("c")
        s = lax.axis_index("s")
        hs_ref = hs_hbm if edge_split else hs_hbm.at[c]
        row = c * NS + s if edge_split else s
        gsem = (g0, g1)
        ssem = (s0, s1)

        pltpu.sync_copy(hs_ref.at[pl.ds(s * rpt, rpt)],
                        acc_sh.at[pl.ds(s * rpt, rpt)])
        pltpu.sync_copy(sd_hbm.at[row, 0], idx_v.at[0])
        plsc.subcore_barrier()

        def ga(q, b, p):
            return pltpu.make_async_copy(hs_ref.at[idx_v.at[q, b, 0]],
                                         rows_v.at[p], gsem[p])

        def sc(q, b, p):
            return pltpu.make_async_copy(rows_v.at[p],
                                         acc_sh.at[idx_v.at[q, b, 1]],
                                         ssem[p])

        def ichunk(k, q):
            return pltpu.make_async_copy(sd_hbm.at[row, k], idx_v.at[q],
                                         isem)

        ga(0, 0, 0).start()
        for b in range(CH):
            p = b % 2
            if b > 0:
                sc(0, b - 1, 1 - p).wait()
            if b == 0 and nch > 1:
                ichunk(1, 1).start()
            if b < CH - 1:
                ga(0, b + 1, 1 - p).start()
            elif nch > 1:
                ichunk(1, 1).wait()
                ga(1, 0, 1 - p).start()
            ga(0, b, p).wait()
            sc(0, b, p).start(add=True)

        def body(k, carry):
            q = lax.rem(k, 2)
            qp = 1 - q
            for b in range(CH):
                p = b % 2
                if b == 0:
                    sc(qp, CH - 1, 1 - p).wait()
                else:
                    sc(q, b - 1, 1 - p).wait()
                if b == 0:
                    @pl.when(k + 1 < nch)
                    def _():
                        ichunk(k + 1, qp).start()
                if b < CH - 1:
                    ga(q, b + 1, 1 - p).start()
                else:
                    @pl.when(k + 1 < nch)
                    def _():
                        ichunk(k + 1, qp).wait()
                        ga(qp, 0, 1 - p).start()
                ga(q, b, p).wait()
                sc(q, b, p).start(add=True)
            return carry
        lax.fori_loop(1, nch, body, 0)

        sc((nch - 1) % 2, CH - 1, (CH - 1) % 2).wait()
        plsc.subcore_barrier()
        pltpu.sync_copy(acc_sh.at[pl.ds(s * rpt, rpt)],
                        out_hbm.at[c, pl.ds(s * rpt, rpt)])

    return spmm_kernel


def _dinv_block(degp_blk):
    deg = degp_blk[0, :, 0:1] + degp_blk[1, :, 0:1] + 1.0
    return lax.rsqrt(jnp.maximum(deg, 1.0))


def _tc_a_body(x_ref, w_ref, degp_ref, out_ref):
    dinv = _dinv_block(degp_ref[...])
    h = jnp.dot(x_ref[...], w_ref[...], preferred_element_type=jnp.float32)
    hs = h * dinv
    f = h.shape[1] // 2
    out_ref[0] = hs[:, :f]
    out_ref[1] = hs[:, f:]


def _tc_b_body(acc_ref, degp_ref, b1_ref, w2_ref, out_ref):
    dinv = _dinv_block(degp_ref[...])
    accf = jnp.concatenate([acc_ref[0], acc_ref[1]], axis=1)
    h1 = jnp.maximum(accf * dinv + b1_ref[...], 0.0)
    out_ref[...] = jnp.dot(h1.astype(jnp.bfloat16), w2_ref[...],
                           preferred_element_type=jnp.float32) * dinv


def _tc_c_body(acc_ref, hs2_ref, degp_ref, b2_ref, out_ref):
    dinv = _dinv_block(degp_ref[...])
    accf = acc_ref[0] + acc_ref[1] - hs2_ref[...]
    out_ref[...] = jnp.maximum(accf * dinv + b2_ref[...], 0.0)


def _row_spec(r, width):
    return pl.BlockSpec((r, width), lambda i: (i, 0))


def _half_spec(r, half):
    return pl.BlockSpec((2, r, half), lambda i: (0, i, 0))


def _degp_spec(r):
    return pl.BlockSpec((2, r, 1), lambda i: (0, i, 0))


def _full_spec(shape):
    return pl.BlockSpec(shape, lambda i: (0,) * len(shape))


def kernel(x, edge_index, W1, b1, W2, b2):
    n, d_in = x.shape
    d_hid = W1.shape[1]
    d_out = W2.shape[1]
    e = edge_index.shape[1]

    chunk = NW * B * CH
    e_pad = -(-e // chunk) * chunk
    nch = e_pad // (NS * B * CH)
    nch2 = e_pad // (NW * B * CH)

    src = edge_index[0].astype(jnp.int32)
    dst = edge_index[1].astype(jnp.int32)
    pad = e_pad - e
    npad_rows = N_PAD - n
    dummy = n + jnp.arange(pad, dtype=jnp.int32) % npad_rows
    src_p = jnp.concatenate([src, dummy])
    dst_p = jnp.concatenate([dst, dummy])
    chunks = e_pad // (CH * B)
    sd = jnp.stack([src_p.reshape(chunks, CH, B),
                    dst_p.reshape(chunks, CH, B)], axis=2)
    sd5 = sd.reshape(NS, nch, CH, 2, B)
    sdw5 = sd.reshape(NW, nch2, CH, 2, B)
    nv = e_pad // (NW * 16)
    dst16 = dst_p.reshape(NW, nv, 16)
    iota_nr = jnp.arange(N_PAD // 128, dtype=jnp.int32)

    x_p = jnp.zeros((N_PAD, d_in), jnp.bfloat16).at[:n].set(
        x.astype(jnp.bfloat16))
    w1b = W1.astype(jnp.bfloat16)
    w2b = W2.astype(jnp.bfloat16)
    b1r = b1.reshape(1, d_hid)
    b2r = b2.reshape(1, d_out)

    grid = (N_PAD // TC_ROWS,)
    r = TC_ROWS

    degp = _make_deg_hist(N_PAD, nv)(dst16, iota_nr).reshape(NC, N_PAD, 1)

    hs1 = pl.pallas_call(
        _tc_a_body,
        grid=grid,
        in_specs=[_row_spec(r, d_in), _full_spec((d_in, d_hid)), _degp_spec(r)],
        out_specs=_half_spec(r, d_hid // 2),
        out_shape=jax.ShapeDtypeStruct((2, N_PAD, d_hid // 2), jnp.float32),
    )(x_p, w1b, degp)

    acc1 = _make_spmm(N_PAD, d_hid // 2, nch, False)(hs1, sd5)

    hs2 = pl.pallas_call(
        _tc_b_body,
        grid=grid,
        in_specs=[_half_spec(r, d_hid // 2), _degp_spec(r),
                  _full_spec((1, d_hid)), _full_spec((d_hid, d_out))],
        out_specs=_row_spec(r, d_out),
        out_shape=jax.ShapeDtypeStruct((N_PAD, d_out), jnp.float32),
    )(acc1, degp, b1r, w2b)

    acc2 = _make_spmm(N_PAD, d_out, nch2, True)(hs2, sdw5)

    rc = 2000
    out = pl.pallas_call(
        _tc_c_body,
        grid=(n // rc,),
        in_specs=[_half_spec(rc, d_out), _row_spec(rc, d_out),
                  _degp_spec(rc), _full_spec((1, d_out))],
        out_specs=_row_spec(rc, d_out),
        out_shape=jax.ShapeDtypeStruct((n, d_out), jnp.float32),
    )(acc2, hs2, degp, b2r)

    return out

# --- scband reference (transcript-rebuilt; emitter-appended) ---
"""Pipeline reference for scband-gcn2-layer-11081015623741 (READ-ONLY COPY).

The authoritative reference and input builder live on the scoring server;
editing this copy changes nothing except your own understanding.
"""

import jax, jax.numpy as jnp
import numpy as np

N_NODES = 10000
N_EDGES = 320000
D_IN = 128
D_HID = 256
D_OUT = 128


def setup_inputs(seed: int = 0) -> dict:
    key = jax.random.key(seed)
    k1, k2, k3, k4, k5, k6 = jax.random.split(key, 6)
    x = jax.random.normal(k1, (N_NODES, D_IN), dtype=jnp.float32)
    edge_index = jax.random.randint(k2, (2, N_EDGES), 0, N_NODES, dtype=jnp.int64)
    # GCNConv weights (glorot) and biases (zeros init in PyG; use small randn for non-degenerate grads)
    s1 = 1.0 / np.sqrt(D_IN)
    s2 = 1.0 / np.sqrt(D_HID)
    W1 = jax.random.uniform(k3, (D_IN, D_HID), minval=-s1, maxval=s1, dtype=jnp.float32)
    b1 = jax.random.normal(k4, (D_HID,), dtype=jnp.float32) * 0.01
    W2 = jax.random.uniform(k5, (D_HID, D_OUT), minval=-s2, maxval=s2, dtype=jnp.float32)
    b2 = jax.random.normal(k6, (D_OUT,), dtype=jnp.float32) * 0.01
    return {"x": x, "edge_index": edge_index, "W1": W1, "b1": b1, "W2": W2, "b2": b2}


def _gcn_conv(x, src, dst, W, b, n_nodes):
    # PyG GCNConv: h = x @ W; add self-loops; norm = deg^-1/2[src] * deg^-1/2[dst];
    # scatter-add normalized messages at dst; add bias.
    h = x @ W
    deg = jnp.zeros((n_nodes,), dtype=h.dtype).at[dst].add(1.0)
    dinv = jax.lax.rsqrt(jnp.maximum(deg, 1.0))
    norm = dinv[src] * dinv[dst]
    msg = jnp.take(h, src, axis=0) * norm[:, None]
    out = jnp.zeros((n_nodes, h.shape[1]), dtype=h.dtype).at[dst].add(msg)
    return out + b


def reference(x, edge_index, W1, b1, W2, b2):
    n_nodes = x.shape[0]
    loop = jnp.arange(n_nodes, dtype=edge_index.dtype)
    src = jnp.concatenate([edge_index[0], loop])
    dst = jnp.concatenate([edge_index[1], loop])
    h = jax.nn.relu(_gcn_conv(x, src, dst, W1, b1, n_nodes))
    # F.dropout(training=self.training): module in eval mode -> identity
    out = jax.nn.relu(_gcn_conv(h, src, dst, W2, b2, n_nodes))
    return out

if __name__ == "__main__":
    import jax
    _d = setup_inputs()
    print(jax.jit(kernel)(*tuple(_d.values())))

</pallas_src>

<mosaic_0001>
#map = affine_map<(d0, d1) -> (0, 0, 0)>
#map1 = affine_map<(d0, d1) -> (0)>
module attributes {stable_mosaic.version = 14 : i64} {
  func.func @deg_kernel(%arg0: i32, %arg1: i32, %arg2: memref<32x640x16xi32, #tpu.memory_space<hbm>>, %arg3: memref<80xi32, #tpu.memory_space<hbm>>, %arg4: memref<2x80x128xf32, #tpu.memory_space<hbm>>, %arg5: memref<640x16xi32, #tpu.memory_space<vmem>>, %arg6: memref<80x128xf32, #tpu.memory_space<vmem>>, %arg7: memref<80xi32, #tpu.memory_space<vmem>>, %arg8: memref<80x128xf32, #tpu.memory_space<vmem_shared>>) attributes {dimension_semantics = [#tpu.dimension_semantics<core_parallel>, #tpu.dimension_semantics<subcore_parallel>], iteration_bounds = array<i64: 2, 16>, scalar_prefetch = 0 : i64, scratch_operands = 4 : i64, tpu.core_type = #tpu.core_type<sc_vector_subcore>, window_params = [{transform_indices = #map}, {transform_indices = #map1}, {transform_indices = #map}]} {
    %mul3A = arith.constant 16 : i32
    %mul3A_0 = arith.muli %arg0, %mul3A : i32
    %add3A = arith.addi %mul3A_0, %arg1 : i32
    "tpu.region"() ({
      %run_scoped3A = tpu.sem_alloc : memref<!tpu.dma_semaphore, #tpu.memory_space<semaphore_mem>>
      %dma_start3A = arith.constant 0 : i32
      %dma_start3A_23 = arith.constant 0 : i32
      %dma_start3A_24 = tpu.memref_slice %arg2[%add3A, %dma_start3A, %dma_start3A_23] : memref<32x640x16xi32, #tpu.memory_space<hbm>> -> memref<1x640x16xi32, #tpu.memory_space<hbm>>
      %dma_start3A_25 = tpu.memref_squeeze %dma_start3A_24 : memref<1x640x16xi32, #tpu.memory_space<hbm>> -> memref<640x16xi32, #tpu.memory_space<hbm>>
      %dma_start3A_26 = arith.constant 0 : i32
      %dma_start3A_27 = arith.constant 0 : i32
      %dma_start3A_28 = tpu.memref_slice %arg2[%add3A, %dma_start3A_26, %dma_start3A_27] : memref<32x640x16xi32, #tpu.memory_space<hbm>> -> memref<1x640x16xi32, #tpu.memory_space<hbm>>
      %dma_start3A_29 = tpu.memref_squeeze %dma_start3A_28 : memref<1x640x16xi32, #tpu.memory_space<hbm>> -> memref<640x16xi32, #tpu.memory_space<hbm>>
      tpu.enqueue_dma source(%dma_start3A_29 : memref<640x16xi32, #tpu.memory_space<hbm>>) target(%arg5 : memref<640x16xi32, #tpu.memory_space<vmem>>) target_semaphore(%run_scoped3A : memref<!tpu.dma_semaphore, #tpu.memory_space<semaphore_mem>>)
      %dma_wait3A = arith.constant 0 : i32
      %dma_wait3A_30 = arith.constant 0 : i32
      %dma_wait3A_31 = tpu.memref_slice %arg2[%add3A, %dma_wait3A, %dma_wait3A_30] : memref<32x640x16xi32, #tpu.memory_space<hbm>> -> memref<1x640x16xi32, #tpu.memory_space<hbm>>
      %dma_wait3A_32 = tpu.memref_squeeze %dma_wait3A_31 : memref<1x640x16xi32, #tpu.memory_space<hbm>> -> memref<640x16xi32, #tpu.memory_space<hbm>>
      %dma_wait3A_33 = arith.constant 0 : i32
      %dma_wait3A_34 = arith.constant 0 : i32
      %dma_wait3A_35 = tpu.memref_slice %arg2[%add3A, %dma_wait3A_33, %dma_wait3A_34] : memref<32x640x16xi32, #tpu.memory_space<hbm>> -> memref<1x640x16xi32, #tpu.memory_space<hbm>>
      %dma_wait3A_36 = tpu.memref_squeeze %dma_wait3A_35 : memref<1x640x16xi32, #tpu.memory_space<hbm>> -> memref<640x16xi32, #tpu.memory_space<hbm>>
      tpu.wait_dma2 semaphore(%run_scoped3A : memref<!tpu.dma_semaphore, #tpu.memory_space<semaphore_mem>>) src(%dma_wait3A_36 : memref<640x16xi32, #tpu.memory_space<hbm>>) dst(%arg5 : memref<640x16xi32, #tpu.memory_space<vmem>>)
      tpu.yield
    }) : () -> ()
    "tpu.region"() ({
      %run_scoped3A = tpu.sem_alloc : memref<!tpu.dma_semaphore, #tpu.memory_space<semaphore_mem>>
      tpu.enqueue_dma source(%arg3 : memref<80xi32, #tpu.memory_space<hbm>>) target(%arg7 : memref<80xi32, #tpu.memory_space<vmem>>) target_semaphore(%run_scoped3A : memref<!tpu.dma_semaphore, #tpu.memory_space<semaphore_mem>>)
      tpu.wait_dma2 semaphore(%run_scoped3A : memref<!tpu.dma_semaphore, #tpu.memory_space<semaphore_mem>>) src(%arg3 : memref<80xi32, #tpu.memory_space<hbm>>) dst(%arg7 : memref<80xi32, #tpu.memory_space<vmem>>)
      tpu.yield
    }) : () -> ()
    %broadcast_in_dim3A = arith.constant 0.000000e+00 : f32
    %broadcast_in_dim3A_1 = vector.broadcast %broadcast_in_dim3A : f32 to vector<16xf32>
    %scan3A = arith.constant 0 : i32
    %scan3A_2 = arith.constant 0 : i32
    %scan3A_3 = arith.constant 80 : i32
    %scan3A_4 = arith.addi %scan3A_2, %scan3A_3 : i32
    %scan3A_5 = arith.constant 1 : i32
    scf.for %scan3A_23 = %scan3A_2 to %scan3A_4 step %scan3A_5  : i32 {
      %swap3A = arith.index_cast %scan3A_23 : i32 to index
      %swap3A_24 = arith.constant 0 : index
      %swap3A_25 = tpu.vector_load %arg6[%swap3A, %swap3A_24] {strides = array<i32>} : memref<80x128xf32, #tpu.memory_space<vmem>>, vector<16xf32>,
      tpu.vector_store %arg6[%swap3A, %swap3A_24], %broadcast_in_dim3A_1 {strides = array<i32>} : memref<80x128xf32, #tpu.memory_space<vmem>>, vector<16xf32>,
      %swap3A_26 = arith.index_cast %scan3A_23 : i32 to index
      %swap3A_27 = arith.constant 16 : index
      %swap3A_28 = tpu.vector_load %arg6[%swap3A_26, %swap3A_27] {strides = array<i32>} : memref<80x128xf32, #tpu.memory_space<vmem>>, vector<16xf32>,
      tpu.vector_store %arg6[%swap3A_26, %swap3A_27], %broadcast_in_dim3A_1 {strides = array<i32>} : memref<80x128xf32, #tpu.memory_space<vmem>>, vector<16xf32>,
      %swap3A_29 = arith.index_cast %scan3A_23 : i32 to index
      %swap3A_30 = arith.constant 32 : index
      %swap3A_31 = tpu.vector_load %arg6[%swap3A_29, %swap3A_30] {strides = array<i32>} : memref<80x128xf32, #tpu.memory_space<vmem>>, vector<16xf32>,
      tpu.vector_store %arg6[%swap3A_29, %swap3A_30], %broadcast_in_dim3A_1 {strides = array<i32>} : memref<80x128xf32, #tpu.memory_space<vmem>>, vector<16xf32>,
      %swap3A_32 = arith.index_cast %scan3A_23 : i32 to index
      %swap3A_33 = arith.constant 48 : index
      %swap3A_34 = tpu.vector_load %arg6[%swap3A_32, %swap3A_33] {strides = array<i32>} : memref<80x128xf32, #tpu.memory_space<vmem>>, vector<16xf32>,
      tpu.vector_store %arg6[%swap3A_32, %swap3A_33], %broadcast_in_dim3A_1 {strides = array<i32>} : memref<80x128xf32, #tpu.memory_space<vmem>>, vector<16xf32>,
      %swap3A_35 = arith.index_cast %scan3A_23 : i32 to index
      %swap3A_36 = arith.constant 64 : index
      %swap3A_37 = tpu.vector_load %arg6[%swap3A_35, %swap3A_36] {strides = array<i32>} : memref<80x128xf32, #tpu.memory_space<vmem>>, vector<16xf32>,
      tpu.vector_store %arg6[%swap3A_35, %swap3A_36], %broadcast_in_dim3A_1 {strides = array<i32>} : memref<80x128xf32, #tpu.memory_space<vmem>>, vector<16xf32>,
      %swap3A_38 = arith.index_cast %scan3A_23 : i32 to index
      %swap3A_39 = arith.constant 80 : index
      %swap3A_40 = tpu.vector_load %arg6[%swap3A_38, %swap3A_39] {strides = array<i32>} : memref<80x128xf32, #tpu.memory_space<vmem>>, vector<16xf32>,
      tpu.vector_store %arg6[%swap3A_38, %swap3A_39], %broadcast_in_dim3A_1 {strides = array<i32>} : memref<80x128xf32, #tpu.memory_space<vmem>>, vector<16xf32>,
      %swap3A_41 = arith.index_cast %scan3A_23 : i32 to index
      %swap3A_42 = arith.constant 96 : index
      %swap3A_43 = tpu.vector_load %arg6[%swap3A_41, %swap3A_42] {strides = array<i32>} : memref<80x128xf32, #tpu.memory_space<vmem>>, vector<16xf32>,
      tpu.vector_store %arg6[%swap3A_41, %swap3A_42], %broadcast_in_dim3A_1 {strides = array<i32>} : memref<80x128xf32, #tpu.memory_space<vmem>>, vector<16xf32>,
      %swap3A_44 = arith.index_cast %scan3A_23 : i32 to index
      %swap3A_45 = arith.constant 112 : index
      %swap3A_46 = tpu.vector_load %arg6[%swap3A_44, %swap3A_45] {strides = array<i32>} : memref<80x128xf32, #tpu.memory_space<vmem>>, vector<16xf32>,
      tpu.vector_store %arg6[%swap3A_44, %swap3A_45], %broadcast_in_dim3A_1 {strides = array<i32>} : memref<80x128xf32, #tpu.memory_space<vmem>>, vector<16xf32>,
    }
    %scan3A_6 = arith.constant 80 : i32
    %lt3A = arith.constant 10 : i32
    %lt3A_7 = arith.cmpi slt, %arg1, %lt3A : i32
    %convert_element_type3A = arith.extui %lt3A_7 : i1 to i32
    %cond3A = arith.constant 0 : i32
    %cond3A_8 = arith.cmpi ne, %convert_element_type3A, %cond3A : i32
    scf.if %cond3A_8 {
      %mul3A_23 = arith.constant 8 : i32
      %mul3A_24 = arith.muli %arg1, %mul3A_23 : i32
      "tpu.region"() ({
        %run_scoped3A = tpu.sem_alloc : memref<!tpu.dma_semaphore, #tpu.memory_space<semaphore_mem>>
        %dma_start3A = arith.constant 0 : i32
        %dma_start3A_25 = arith.constant 0 : i32
        %dma_start3A_26 = tpu.memref_slice %arg6[%dma_start3A, %dma_start3A_25] : memref<80x128xf32, #tpu.memory_space<vmem>> -> memref<8x128xf32, #tpu.memory_space<vmem>>
        %dma_start3A_27 = arith.constant 0 : i32
        %dma_start3A_28 = tpu.memref_slice %arg8[%mul3A_24, %dma_start3A_27] : memref<80x128xf32, #tpu.memory_space<vmem_shared>> -> memref<8x128xf32, #tpu.memory_space<vmem_shared>>
        %dma_start3A_29 = arith.constant 0 : i32
        %dma_start3A_30 = tpu.memref_slice %arg8[%mul3A_24, %dma_start3A_29] : memref<80x128xf32, #tpu.memory_space<vmem_shared>> -> memref<8x128xf32, #tpu.memory_space<vmem_shared>>
        %dma_start3A_31 = arith.constant 0 : i32
        %dma_start3A_32 = arith.constant 0 : i32
        %dma_start3A_33 = tpu.memref_slice %arg6[%dma_start3A_31, %dma_start3A_32] : memref<80x128xf32, #tpu.memory_space<vmem>> -> memref<8x128xf32, #tpu.memory_space<vmem>>
        tpu.enqueue_dma source(%dma_start3A_33 : memref<8x128xf32, #tpu.memory_space<vmem>>) target(%dma_start3A_30 : memref<8x128xf32, #tpu.memory_space<vmem_shared>>) target_semaphore(%run_scoped3A : memref<!tpu.dma_semaphore, #tpu.memory_space<semaphore_mem>>)
        %dma_wait3A = arith.constant 0 : i32
        %dma_wait3A_34 = arith.constant 0 : i32
        %dma_wait3A_35 = tpu.memref_slice %arg6[%dma_wait3A, %dma_wait3A_34] : memref<80x128xf32, #tpu.memory_space<vmem>> -> memref<8x128xf32, #tpu.memory_space<vmem>>
        %dma_wait3A_36 = arith.constant 0 : i32
        %dma_wait3A_37 = tpu.memref_slice %arg8[%mul3A_24, %dma_wait3A_36] : memref<80x128xf32, #tpu.memory_space<vmem_shared>> -> memref<8x128xf32, #tpu.memory_space<vmem_shared>>
        %dma_wait3A_38 = arith.constant 0 : i32
        %dma_wait3A_39 = tpu.memref_slice %arg8[%mul3A_24, %dma_wait3A_38] : memref<80x128xf32, #tpu.memory_space<vmem_shared>> -> memref<8x128xf32, #tpu.memory_space<vmem_shared>>
        %dma_wait3A_40 = arith.constant 0 : i32
        %dma_wait3A_41 = arith.constant 0 : i32
        %dma_wait3A_42 = tpu.memref_slice %arg6[%dma_wait3A_40, %dma_wait3A_41] : memref<80x128xf32, #tpu.memory_space<vmem>> -> memref<8x128xf32, #tpu.memory_space<vmem>>
        tpu.wait_dma2 semaphore(%run_scoped3A : memref<!tpu.dma_semaphore, #tpu.memory_space<semaphore_mem>>) src(%dma_wait3A_42 : memref<8x128xf32, #tpu.memory_space<vmem>>) dst(%dma_wait3A_39 : memref<8x128xf32, #tpu.memory_space<vmem_shared>>)
        tpu.yield
      }) : () -> ()
    } else {
    }
    %barrier3A = arith.constant 0 : index
    tpu.barrier barrier_id(%barrier3A)
    %broadcast_in_dim3A_9 = arith.constant 1.000000e+00 : f32
    %broadcast_in_dim3A_10 = vector.broadcast %broadcast_in_dim3A_9 : f32 to vector<16xf32>
    %scan3A_11 = arith.constant 0 : i32
    %scan3A_12 = arith.constant 0 : i32
    %scan3A_13 = arith.constant 640 : i32
    %scan3A_14 = arith.addi %scan3A_12, %scan3A_13 : i32
    %scan3A_15 = arith.constant 1 : i32
    scf.for %scan3A_23 = %scan3A_12 to %scan3A_14 step %scan3A_15  : i32 {
      %get3A = arith.index_cast %scan3A_23 : i32 to index
      %get3A_24 = arith.constant 0 : index
      %get3A_25 = tpu.vector_load %arg5[%get3A, %get3A_24] {strides = array<i32>} : memref<640x16xi32, #tpu.memory_space<vmem>>, vector<16xi32>,
      %shift_right_logical3A = arith.constant 7 : i32
      %shift_right_logical3A_26 = vector.broadcast %shift_right_logical3A : i32 to vector<16xi32>
      %shift_right_logical3A_27 = arith.shrui %get3A_25, %shift_right_logical3A_26 : vector<16xi32>
      %and3A = arith.constant 127 : i32
      %and3A_28 = vector.broadcast %and3A : i32 to vector<16xi32>
      %and3A_29 = arith.andi %get3A_25, %and3A_28 : vector<16xi32>
      tpu.vector_store_idx %arg6[%shift_right_logical3A_27, %and3A_29], %broadcast_in_dim3A_10 {add = true} : memref<80x128xf32, #tpu.memory_space<vmem>>[vector<16xi32>, vector<16xi32>], vector<16xf32>,
    }
    %scan3A_16 = arith.constant 640 : i32
    "tpu.region"() ({
      %run_scoped3A = tpu.sem_alloc : memref<!tpu.dma_semaphore, #tpu.memory_space<semaphore_mem>>
      %dma_start3A = arith.constant 0 : i32
      %dma_start3A_23 = arith.constant 0 : i32
      %dma_start3A_24 = tpu.memref_slice %arg8[%dma_start3A, %dma_start3A_23] : memref<80x128xf32, #tpu.memory_space<vmem_shared>> -> memref<80x128xf32, #tpu.memory_space<vmem_shared>>
      tpu.enqueue_indirect_dma source(%arg6 : memref<80x128xf32, #tpu.memory_space<vmem>>) target(%dma_start3A_24 : memref<80x128xf32, #tpu.memory_space<vmem_shared>>) offsets(%arg7 : memref<80xi32, #tpu.memory_space<vmem>>) semaphore(%run_scoped3A : memref<!tpu.dma_semaphore, #tpu.memory_space<semaphore_mem>>) {add = true}
      %dma_wait3A = arith.constant 0 : i32
      %dma_wait3A_25 = arith.constant 0 : i32
      %dma_wait3A_26 = tpu.memref_slice %arg8[%dma_wait3A, %dma_wait3A_25] : memref<80x128xf32, #tpu.memory_space<vmem_shared>> -> memref<80x128xf32, #tpu.memory_space<vmem_shared>>
      tpu.wait_indirect_dma semaphore(%run_scoped3A : memref<!tpu.dma_semaphore, #tpu.memory_space<semaphore_mem>>) src(%arg6 : memref<80x128xf32, #tpu.memory_space<vmem>>) dst(%dma_wait3A_26 : memref<80x128xf32, #tpu.memory_space<vmem_shared>>)
      tpu.yield
    }) : () -> ()
    %barrier3A_17 = arith.constant 0 : index
    tpu.barrier barrier_id(%barrier3A_17)
    %lt3A_18 = arith.constant 10 : i32
    %lt3A_19 = arith.cmpi slt, %arg1, %lt3A_18 : i32
    %convert_element_type3A_20 = arith.extui %lt3A_19 : i1 to i32
    %cond3A_21 = arith.constant 0 : i32
    %cond3A_22 = arith.cmpi ne, %convert_element_type3A_20, %cond3A_21 : i32
    scf.if %cond3A_22 {
      %mul3A_23 = arith.constant 8 : i32
      %mul3A_24 = arith.muli %arg1, %mul3A_23 : i32
      %mul3A_25 = arith.constant 8 : i32
      %mul3A_26 = arith.muli %arg1, %mul3A_25 : i32
      "tpu.region"() ({
        %run_scoped3A = tpu.sem_alloc : memref<!tpu.dma_semaphore, #tpu.memory_space<semaphore_mem>>
        %dma_start3A = arith.constant 0 : i32
        %dma_start3A_27 = tpu.memref_slice %arg4[%arg0, %mul3A_26, %dma_start3A] : memref<2x80x128xf32, #tpu.memory_space<hbm>> -> memref<1x8x128xf32, #tpu.memory_space<hbm>>
        %dma_start3A_28 = tpu.memref_squeeze %dma_start3A_27 : memref<1x8x128xf32, #tpu.memory_space<hbm>> -> memref<8x128xf32, #tpu.memory_space<hbm>>
        %dma_start3A_29 = arith.constant 0 : i32
        %dma_start3A_30 = tpu.memref_slice %arg8[%mul3A_24, %dma_start3A_29] : memref<80x128xf32, #tpu.memory_space<vmem_shared>> -> memref<8x128xf32, #tpu.memory_space<vmem_shared>>
        tpu.enqueue_dma source(%dma_start3A_30 : memref<8x128xf32, #tpu.memory_space<vmem_shared>>) target(%dma_start3A_28 : memref<8x128xf32, #tpu.memory_space<hbm>>) target_semaphore(%run_scoped3A : memref<!tpu.dma_semaphore, #tpu.memory_space<semaphore_mem>>)
        %dma_wait3A = arith.constant 0 : i32
        %dma_wait3A_31 = tpu.memref_slice %arg4[%arg0, %mul3A_26, %dma_wait3A] : memref<2x80x128xf32, #tpu.memory_space<hbm>> -> memref<1x8x128xf32, #tpu.memory_space<hbm>>
        %dma_wait3A_32 = tpu.memref_squeeze %dma_wait3A_31 : memref<1x8x128xf32, #tpu.memory_space<hbm>> -> memref<8x128xf32, #tpu.memory_space<hbm>>
        %dma_wait3A_33 = arith.constant 0 : i32
        %dma_wait3A_34 = tpu.memref_slice %arg8[%mul3A_24, %dma_wait3A_33] : memref<80x128xf32, #tpu.memory_space<vmem_shared>> -> memref<8x128xf32, #tpu.memory_space<vmem_shared>>
        tpu.wait_dma2 semaphore(%run_scoped3A : memref<!tpu.dma_semaphore, #tpu.memory_space<semaphore_mem>>) src(%dma_wait3A_34 : memref<8x128xf32, #tpu.memory_space<vmem_shared>>) dst(%dma_wait3A_32 : memref<8x128xf32, #tpu.memory_space<hbm>>)
        tpu.yield
      }) : () -> ()
    } else {
    }
    return
  }
}

#map = affine_map<(d0, d1) -> (0, 0)>
#map1 = affine_map<(d0, d1) -> (0, 0, 0, 0, 0)>
#map2 = affine_map<(d0, d1) -> (0, 0, 0)>
module attributes {stable_mosaic.version = 14 : i64} {
  func.func @spmm_kernel(%arg0: i32, %arg1: i32, %arg2: memref<10240x128xf32, #tpu.memory_space<hbm>>, %arg3: memref<32x10x8x2x128xi32, #tpu.memory_space<hbm>>, %arg4: memref<2x10240x128xf32, #tpu.memory_space<hbm>>, %arg5: memref<2x8x2x128xi32, #tpu.memory_space<vmem>>, %arg6: memref<2x128x128xf32, #tpu.memory_space<vmem>>, %arg7: memref<10240x128xf32, #tpu.memory_space<vmem_shared>>, %arg8: memref<!tpu.dma_semaphore, #tpu.memory_space<semaphore_mem>>, %arg9: memref<!tpu.dma_semaphore, #tpu.memory_space<semaphore_mem>>, %arg10: memref<!tpu.dma_semaphore, #tpu.memory_space<semaphore_mem>>, %arg11: memref<!tpu.dma_semaphore, #tpu.memory_space<semaphore_mem>>, %arg12: memref<!tpu.dma_semaphore, #tpu.memory_space<semaphore_mem>>) attributes {dimension_semantics = [#tpu.dimension_semantics<core_parallel>, #tpu.dimension_semantics<subcore_parallel>], iteration_bounds = array<i64: 2, 16>, scalar_prefetch = 0 : i64, scratch_operands = 8 : i64, tpu.core_type = #tpu.core_type<sc_vector_subcore>, window_params = [{transform_indices = #map}, {transform_indices = #map1}, {transform_indices = #map2}]} {
    %mul3A = arith.constant 16 : i32
    %mul3A_0 = arith.muli %arg0, %mul3A : i32
    %add3A = arith.addi %mul3A_0, %arg1 : i32
    %mul3A_1 = arith.constant 640 : i32
    %mul3A_2 = arith.muli %arg1, %mul3A_1 : i32
    %mul3A_3 = arith.constant 640 : i32
    %mul3A_4 = arith.muli %arg1, %mul3A_3 : i32
    "tpu.region"() ({
      %run_scoped3A_520 = tpu.sem_alloc : memref<!tpu.dma_semaphore, #tpu.memory_space<semaphore_mem>>
      %dma_start3A_521 = arith.constant 0 : i32
      %dma_start3A_522 = tpu.memref_slice %arg7[%mul3A_4, %dma_start3A_521] : memref<10240x128xf32, #tpu.memory_space<vmem_shared>> -> memref<640x128xf32, #tpu.memory_space<vmem_shared>>
      %dma_start3A_523 = arith.constant 0 : i32
      %dma_start3A_524 = tpu.memref_slice %arg2[%mul3A_2, %dma_start3A_523] : memref<10240x128xf32, #tpu.memory_space<hbm>> -> memref<640x128xf32, #tpu.memory_space<hbm>>
      tpu.enqueue_dma source(%dma_start3A_524 : memref<640x128xf32, #tpu.memory_space<hbm>>) target(%dma_start3A_522 : memref<640x128xf32, #tpu.memory_space<vmem_shared>>) target_semaphore(%run_scoped3A_520 : memref<!tpu.dma_semaphore, #tpu.memory_space<semaphore_mem>>)
      %dma_wait3A_525 = arith.constant 0 : i32
      %dma_wait3A_526 = tpu.memref_slice %arg7[%mul3A_4, %dma_wait3A_525] : memref<10240x128xf32, #tpu.memory_space<vmem_shared>> -> memref<640x128xf32, #tpu.memory_space<vmem_shared>>
      %dma_wait3A_527 = arith.constant 0 : i32
      %dma_wait3A_528 = tpu.memref_slice %arg2[%mul3A_2, %dma_wait3A_527] : memref<10240x128xf32, #tpu.memory_space<hbm>> -> memref<640x128xf32, #tpu.memory_space<hbm>>
      tpu.wait_dma2 semaphore(%run_scoped3A_520 : memref<!tpu.dma_semaphore, #tpu.memory_space<semaphore_mem>>) src(%dma_wait3A_528 : memref<640x128xf32, #tpu.memory_space<hbm>>) dst(%dma_wait3A_526 : memref<640x128xf32, #tpu.memory_space<vmem_shared>>)
      tpu.yield
    }) : () -> ()
    %run_scoped3A = arith.constant 0 : i32
    %run_scoped3A_5 = arith.constant 0 : i32
    "tpu.region"() ({
      %run_scoped3A_520 = tpu.sem_alloc : memref<!tpu.dma_semaphore, #tpu.memory_space<semaphore_mem>>
      %dma_start3A_521 = arith.constant 0 : i32
      %dma_start3A_522 = arith.constant 0 : i32
      %dma_start3A_523 = arith.constant 0 : i32
      %dma_start3A_524 = tpu.memref_slice %arg5[%run_scoped3A_5, %dma_start3A_521, %dma_start3A_522, %dma_start3A_523] : memref<2x8x2x128xi32, #tpu.memory_space<vmem>> -> memref<1x8x2x128xi32, #tpu.memory_space<vmem>>
      %dma_start3A_525 = tpu.memref_squeeze %dma_start3A_524 : memref<1x8x2x128xi32, #tpu.memory_space<vmem>> -> memref<8x2x128xi32, #tpu.memory_space<vmem>>
      %dma_start3A_526 = arith.constant 0 : i32
      %dma_start3A_527 = arith.constant 0 : i32
      %dma_start3A_528 = arith.constant 0 : i32
      %dma_start3A_529 = tpu.memref_slice %arg3[%add3A, %run_scoped3A, %dma_start3A_526, %dma_start3A_527, %dma_start3A_528] : memref<32x10x8x2x128xi32, #tpu.memory_space<hbm>> -> memref<1x1x8x2x128xi32, #tpu.memory_space<hbm>>
      %dma_start3A_530 = tpu.memref_squeeze %dma_start3A_529 : memref<1x1x8x2x128xi32, #tpu.memory_space<hbm>> -> memref<8x2x128xi32, #tpu.memory_space<hbm>>
      %dma_start3A_531 = arith.constant 0 : i32
      %dma_start3A_532 = arith.constant 0 : i32
      %dma_start3A_533 = arith.constant 0 : i32
      %dma_start3A_534 = tpu.memref_slice %arg5[%run_scoped3A_5, %dma_start3A_531, %dma_start3A_532, %dma_start3A_533] : memref<2x8x2x128xi32, #tpu.memory_space<vmem>> -> memref<1x8x2x128xi32, #tpu.memory_space<vmem>>
      %dma_start3A_535 = tpu.memref_squeeze %dma_start3A_534 : memref<1x8x2x128xi32, #tpu.memory_space<vmem>> -> memref<8x2x128xi32, #tpu.memory_space<vmem>>
      %dma_start3A_536 = arith.constant 0 : i32
      %dma_start3A_537 = arith.constant 0 : i32
      %dma_start3A_538 = arith.constant 0 : i32
      %dma_start3A_539 = tpu.memref_slice %arg3[%add3A, %run_scoped3A, %dma_start3A_536, %dma_start3A_537, %dma_start3A_538] : memref<32x10x8x2x128xi32, #tpu.memory_space<hbm>> -> memref<1x1x8x2x128xi32, #tpu.memory_space<hbm>>
      %dma_start3A_540 = tpu.memref_squeeze %dma_start3A_539 : memref<1x1x8x2x128xi32, #tpu.memory_space<hbm>> -> memref<8x2x128xi32, #tpu.memory_space<hbm>>
      tpu.enqueue_dma source(%dma_start3A_540 : memref<8x2x128xi32, #tpu.memory_space<hbm>>) target(%dma_start3A_535 : memref<8x2x128xi32, #tpu.memory_space<vmem>>) target_semaphore(%run_scoped3A_520 : memref<!tpu.dma_semaphore, #tpu.memory_space<semaphore_mem>>)
      %dma_wait3A_541 = arith.constant 0 : i32
      %dma_wait3A_542 = arith.constant 0 : i32
      %dma_wait3A_543 = arith.constant 0 : i32
      %dma_wait3A_544 = tpu.memref_slice %arg5[%run_scoped3A_5, %dma_wait3A_541, %dma_wait3A_542, %dma_wait3A_543] : memref<2x8x2x128xi32, #tpu.memory_space<vmem>> -> memref<1x8x2x128xi32, #tpu.memory_space<vmem>>
      %dma_wait3A_545 = tpu.memref_squeeze %dma_wait3A_544 : memref<1x8x2x128xi32, #tpu.memory_space<vmem>> -> memref<8x2x128xi32, #tpu.memory_space<vmem>>
      %dma_wait3A_546 = arith.constant 0 : i32
      %dma_wait3A_547 = arith.constant 0 : i32
      %dma_wait3A_548 = arith.constant 0 : i32
      %dma_wait3A_549 = tpu.memref_slice %arg3[%add3A, %run_scoped3A, %dma_wait3A_546, %dma_wait3A_547, %dma_wait3A_548] : memref<32x10x8x2x128xi32, #tpu.memory_space<hbm>> -> memref<1x1x8x2x128xi32, #tpu.memory_space<hbm>>
      %dma_wait3A_550 = tpu.memref_squeeze %dma_wait3A_549 : memref<1x1x8x2x128xi32, #tpu.memory_space<hbm>> -> memref<8x2x128xi32, #tpu.memory_space<hbm>>
      %dma_wait3A_551 = arith.constant 0 : i32
      %dma_wait3A_552 = arith.constant 0 : i32
      %dma_wait3A_553 = arith.constant 0 : i32
      %dma_wait3A_554 = tpu.memref_slice %arg5[%run_scoped3A_5, %dma_wait3A_551, %dma_wait3A_552, %dma_wait3A_553] : memref<2x8x2x128xi32, #tpu.memory_space<vmem>> -> memref<1x8x2x128xi32, #tpu.memory_space<vmem>>
      %dma_wait3A_555 = tpu.memref_squeeze %dma_wait3A_554 : memref<1x8x2x128xi32, #tpu.memory_space<vmem>> -> memref<8x2x128xi32, #tpu.memory_space<vmem>>
      %dma_wait3A_556 = arith.constant 0 : i32
      %dma_wait3A_557 = arith.constant 0 : i32
      %dma_wait3A_558 = arith.constant 0 : i32
      %dma_wait3A_559 = tpu.memref_slice %arg3[%add3A, %run_scoped3A, %dma_wait3A_556, %dma_wait3A_557, %dma_wait3A_558] : memref<32x10x8x2x128xi32, #tpu.memory_space<hbm>> -> memref<1x1x8x2x128xi32, #tpu.memory_space<hbm>>
      %dma_wait3A_560 = tpu.memref_squeeze %dma_wait3A_559 : memref<1x1x8x2x128xi32, #tpu.memory_space<hbm>> -> memref<8x2x128xi32, #tpu.memory_space<hbm>>
      tpu.wait_dma2 semaphore(%run_scoped3A_520 : memref<!tpu.dma_semaphore, #tpu.memory_space<semaphore_mem>>) src(%dma_wait3A_560 : memref<8x2x128xi32, #tpu.memory_space<hbm>>) dst(%dma_wait3A_555 : memref<8x2x128xi32, #tpu.memory_space<vmem>>)
      tpu.yield
    }) : () -> ()
    %barrier3A = arith.constant 0 : index
    tpu.barrier barrier_id(%barrier3A)
    %dma_start3A = arith.constant 0 : i32
    %dma_start3A_6 = arith.constant 0 : i32
    %dma_start3A_7 = arith.constant 0 : i32
    %dma_start3A_8 = arith.constant 0 : i32
    %dma_start3A_9 = arith.constant 0 : i32
    %dma_start3A_10 = arith.constant 0 : i32
    %dma_start3A_11 = tpu.memref_slice %arg6[%dma_start3A_8, %dma_start3A_9, %dma_start3A_10] : memref<2x128x128xf32, #tpu.memory_space<vmem>> -> memref<1x128x128xf32, #tpu.memory_space<vmem>>
    %dma_start3A_12 = tpu.memref_squeeze %dma_start3A_11 : memref<1x128x128xf32, #tpu.memory_space<vmem>> -> memref<128x128xf32, #tpu.memory_space<vmem>>
    %dma_start3A_13 = arith.constant 0 : i32
    %dma_start3A_14 = tpu.memref_slice %arg5[%dma_start3A, %dma_start3A_6, %dma_start3A_7, %dma_start3A_13] : memref<2x8x2x128xi32, #tpu.memory_space<vmem>> -> memref<1x1x1x128xi32, #tpu.memory_space<vmem>>
    %dma_start3A_15 = tpu.memref_squeeze %dma_start3A_14 : memref<1x1x1x128xi32, #tpu.memory_space<vmem>> -> memref<128xi32, #tpu.memory_space<vmem>>
    %dma_start3A_16 = arith.constant 0 : i32
    %dma_start3A_17 = arith.constant 0 : i32
    %dma_start3A_18 = tpu.memref_slice %arg2[%dma_start3A_16, %dma_start3A_17] : memref<10240x128xf32, #tpu.memory_space<hbm>> -> memref<10240x128xf32, #tpu.memory_space<hbm>>
    tpu.enqueue_indirect_dma source(%dma_start3A_18 : memref<10240x128xf32, #tpu.memory_space<hbm>>) target(%dma_start3A_12 : memref<128x128xf32, #tpu.memory_space<vmem>>) offsets(%dma_start3A_15 : memref<128xi32, #tpu.memory_space<vmem>>) semaphore(%arg8 : memref<!tpu.dma_semaphore, #tpu.memory_space<semaphore_mem>>)
    %dma_start3A_19 = arith.constant 1 : i32
    %dma_start3A_20 = arith.constant 1 : i32
    %dma_start3A_21 = arith.constant 0 : i32
    %dma_start3A_22 = arith.constant 0 : i32
    %dma_start3A_23 = arith.constant 0 : i32
    %dma_start3A_24 = tpu.memref_slice %arg5[%dma_start3A_20, %dma_start3A_21, %dma_start3A_22, %dma_start3A_23] : memref<2x8x2x128xi32, #tpu.memory_space<vmem>> -> memref<1x8x2x128xi32, #tpu.memory_space<vmem>>
    %dma_start3A_25 = tpu.memref_squeeze %dma_start3A_24 : memref<1x8x2x128xi32, #tpu.memory_space<vmem>> -> memref<8x2x128xi32, #tpu.memory_space<vmem>>
    %dma_start3A_26 = arith.constant 0 : i32
    %dma_start3A_27 = arith.constant 0 : i32
    %dma_start3A_28 = arith.constant 0 : i32
    %dma_start3A_29 = tpu.memref_slice %arg3[%add3A, %dma_start3A_19, %dma_start3A_26, %dma_start3A_27, %dma_start3A_28] : memref<32x10x8x2x128xi32, #tpu.memory_space<hbm>> -> memref<1x1x8x2x128xi32, #tpu.memory_space<hbm>>
    %dma_start3A_30 = tpu.memref_squeeze %dma_start3A_29 : memref<1x1x8x2x128xi32, #tpu.memory_space<hbm>> -> memref<8x2x128xi32, #tpu.memory_space<hbm>>
    %dma_start3A_31 = arith.constant 0 : i32
    %dma_start3A_32 = arith.constant 0 : i32
    %dma_start3A_33 = arith.constant 0 : i32
    %dma_start3A_34 = tpu.memref_slice %arg5[%dma_start3A_20, %dma_start3A_31, %dma_start3A_32, %dma_start3A_33] : memref<2x8x2x128xi32, #tpu.memory_space<vmem>> -> memref<1x8x2x128xi32, #tpu.memory_space<vmem>>
    %dma_start3A_35 = tpu.memref_squeeze %dma_start3A_34 : memref<1x8x2x128xi32, #tpu.memory_space<vmem>> -> memref<8x2x128xi32, #tpu.memory_space<vmem>>
    %dma_start3A_36 = arith.constant 0 : i32
    %dma_start3A_37 = arith.constant 0 : i32
    %dma_start3A_38 = arith.constant 0 : i32
    %dma_start3A_39 = tpu.memref_slice %arg3[%add3A, %dma_start3A_19, %dma_start3A_36, %dma_start3A_37, %dma_start3A_38] : memref<32x10x8x2x128xi32, #tpu.memory_space<hbm>> -> memref<1x1x8x2x128xi32, #tpu.memory_space<hbm>>
    %dma_start3A_40 = tpu.memref_squeeze %dma_start3A_39 : memref<1x1x8x2x128xi32, #tpu.memory_space<hbm>> -> memref<8x2x128xi32, #tpu.memory_space<hbm>>
    tpu.enqueue_dma source(%dma_start3A_40 : memref<8x2x128xi32, #tpu.memory_space<hbm>>) target(%dma_start3A_35 : memref<8x2x128xi32, #tpu.memory_space<vmem>>) target_semaphore(%arg12 : memref<!tpu.dma_semaphore, #tpu.memory_space<semaphore_mem>>)
    %dma_start3A_41 = arith.constant 0 : i32
    %dma_start3A_42 = arith.constant 1 : i32
    %dma_start3A_43 = arith.constant 0 : i32
    %dma_start3A_44 = arith.constant 1 : i32
    %dma_start3A_45 = arith.constant 0 : i32
    %dma_start3A_46 = arith.constant 0 : i32
    %dma_start3A_47 = tpu.memref_slice %arg6[%dma_start3A_44, %dma_start3A_45, %dma_start3A_46] : memref<2x128x128xf32, #tpu.memory_space<vmem>> -> memref<1x128x128xf32, #tpu.memory_space<vmem>>
    %dma_start3A_48 = tpu.memref_squeeze %dma_start3A_47 : memref<1x128x128xf32, #tpu.memory_space<vmem>> -> memref<128x128xf32, #tpu.memory_space<vmem>>
    %dma_start3A_49 = arith.constant 0 : i32
    %dma_start3A_50 = tpu.memref_slice %arg5[%dma_start3A_41, %dma_start3A_42, %dma_start3A_43, %dma_start3A_49] : memref<2x8x2x128xi32, #tpu.memory_space<vmem>> -> memref<1x1x1x128xi32, #tpu.memory_space<vmem>>
    %dma_start3A_51 = tpu.memref_squeeze %dma_start3A_50 : memref<1x1x1x128xi32, #tpu.memory_space<vmem>> -> memref<128xi32, #tpu.memory_space<vmem>>
    %dma_start3A_52 = arith.constant 0 : i32
    %dma_start3A_53 = arith.constant 0 : i32
    %dma_start3A_54 = tpu.memref_slice %arg2[%dma_start3A_52, %dma_start3A_53] : memref<10240x128xf32, #tpu.memory_space<hbm>> -> memref<10240x128xf32, #tpu.memory_space<hbm>>
    tpu.enqueue_indirect_dma source(%dma_start3A_54 : memref<10240x128xf32, #tpu.memory_space<hbm>>) target(%dma_start3A_48 : memref<128x128xf32, #tpu.memory_space<vmem>>) offsets(%dma_start3A_51 : memref<128xi32, #tpu.memory_space<vmem>>) semaphore(%arg9 : memref<!tpu.dma_semaphore, #tpu.memory_space<semaphore_mem>>)
    %dma_wait3A = arith.constant 0 : i32
    %dma_wait3A_55 = arith.constant 0 : i32
    %dma_wait3A_56 = arith.constant 0 : i32
    %dma_wait3A_57 = arith.constant 0 : i32
    %dma_wait3A_58 = arith.constant 0 : i32
    %dma_wait3A_59 = arith.constant 0 : i32
    %dma_wait3A_60 = tpu.memref_slice %arg6[%dma_wait3A_57, %dma_wait3A_58, %dma_wait3A_59] : memref<2x128x128xf32, #tpu.memory_space<vmem>> -> memref<1x128x128xf32, #tpu.memory_space<vmem>>
    %dma_wait3A_61 = tpu.memref_squeeze %dma_wait3A_60 : memref<1x128x128xf32, #tpu.memory_space<vmem>> -> memref<128x128xf32, #tpu.memory_space<vmem>>
    %dma_wait3A_62 = arith.constant 0 : i32
    %dma_wait3A_63 = tpu.memref_slice %arg5[%dma_wait3A, %dma_wait3A_55, %dma_wait3A_56, %dma_wait3A_62] : memref<2x8x2x128xi32, #tpu.memory_space<vmem>> -> memref<1x1x1x128xi32, #tpu.memory_space<vmem>>
    %dma_wait3A_64 = tpu.memref_squeeze %dma_wait3A_63 : memref<1x1x1x128xi32, #tpu.memory_space<vmem>> -> memref<128xi32, #tpu.memory_space<vmem>>
    %dma_wait3A_65 = arith.constant 0 : i32
    %dma_wait3A_66 = arith.constant 0 : i32
    %dma_wait3A_67 = tpu.memref_slice %arg2[%dma_wait3A_65, %dma_wait3A_66] : memref<10240x128xf32, #tpu.memory_space<hbm>> -> memref<10240x128xf32, #tpu.memory_space<hbm>>
    tpu.wait_indirect_dma semaphore(%arg8 : memref<!tpu.dma_semaphore, #tpu.memory_space<semaphore_mem>>) src(%dma_wait3A_67 : memref<10240x128xf32, #tpu.memory_space<hbm>>) dst(%dma_wait3A_61 : memref<128x128xf32, #tpu.memory_space<vmem>>)
    %dma_start3A_68 = arith.constant 0 : i32
    %dma_start3A_69 = arith.constant 0 : i32
    %dma_start3A_70 = arith.constant 0 : i32
    %dma_start3A_71 = arith.constant 1 : i32
    %dma_start3A_72 = arith.constant 0 : i32
    %dma_start3A_73 = arith.constant 0 : i32
    %dma_start3A_74 = tpu.memref_slice %arg6[%dma_start3A_68, %dma_start3A_72, %dma_start3A_73] : memref<2x128x128xf32, #tpu.memory_space<vmem>> -> memref<1x128x128xf32, #tpu.memory_space<vmem>>
    %dma_start3A_75 = tpu.memref_squeeze %dma_start3A_74 : memref<1x128x128xf32, #tpu.memory_space<vmem>> -> memref<128x128xf32, #tpu.memory_space<vmem>>
    %dma_start3A_76 = arith.constant 0 : i32
    %dma_start3A_77 = tpu.memref_slice %arg5[%dma_start3A_69, %dma_start3A_70, %dma_start3A_71, %dma_start3A_76] : memref<2x8x2x128xi32, #tpu.memory_space<vmem>> -> memref<1x1x1x128xi32, #tpu.memory_space<vmem>>
    %dma_start3A_78 = tpu.memref_squeeze %dma_start3A_77 : memref<1x1x1x128xi32, #tpu.memory_space<vmem>> -> memref<128xi32, #tpu.memory_space<vmem>>
    %dma_start3A_79 = arith.constant 0 : i32
    %dma_start3A_80 = arith.constant 0 : i32
    %dma_start3A_81 = tpu.memref_slice %arg7[%dma_start3A_79, %dma_start3A_80] : memref<10240x128xf32, #tpu.memory_space<vmem_shared>> -> memref<10240x128xf32, #tpu.memory_space<vmem_shared>>
    tpu.enqueue_indirect_dma source(%dma_start3A_75 : memref<128x128xf32, #tpu.memory_space<vmem>>) target(%dma_start3A_81 : memref<10240x128xf32, #tpu.memory_space<vmem_shared>>) offsets(%dma_start3A_78 : memref<128xi32, #tpu.memory_space<vmem>>) semaphore(%arg10 : memref<!tpu.dma_semaphore, #tpu.memory_space<semaphore_mem>>) {add = true}
    %dma_wait3A_82 = arith.constant 0 : i32
    %dma_wait3A_83 = arith.constant 0 : i32
    %dma_wait3A_84 = arith.constant 0 : i32
    %dma_wait3A_85 = arith.constant 1 : i32
    %dma_wait3A_86 = arith.constant 0 : i32
    %dma_wait3A_87 = arith.constant 0 : i32
    %dma_wait3A_88 = tpu.memref_slice %arg6[%dma_wait3A_82, %dma_wait3A_86, %dma_wait3A_87] : memref<2x128x128xf32, #tpu.memory_space<vmem>> -> memref<1x128x128xf32, #tpu.memory_space<vmem>>
    %dma_wait3A_89 = tpu.memref_squeeze %dma_wait3A_88 : memref<1x128x128xf32, #tpu.memory_space<vmem>> -> memref<128x128xf32, #tpu.memory_space<vmem>>
    %dma_wait3A_90 = arith.constant 0 : i32
    %dma_wait3A_91 = tpu.memref_slice %arg5[%dma_wait3A_83, %dma_wait3A_84, %dma_wait3A_85, %dma_wait3A_90] : memref<2x8x2x128xi32, #tpu.memory_space<vmem>> -> memref<1x1x1x128xi32, #tpu.memory_space<vmem>>
    %dma_wait3A_92 = tpu.memref_squeeze %dma_wait3A_91 : memref<1x1x1x128xi32, #tpu.memory_space<vmem>> -> memref<128xi32, #tpu.memory_space<vmem>>
    %dma_wait3A_93 = arith.constant 0 : i32
    %dma_wait3A_94 = arith.constant 0 : i32
    %dma_wait3A_95 = tpu.memref_slice %arg7[%dma_wait3A_93, %dma_wait3A_94] : memref<10240x128xf32, #tpu.memory_space<vmem_shared>> -> memref<10240x128xf32, #tpu.memory_space<vmem_shared>>
    tpu.wait_indirect_dma semaphore(%arg10 : memref<!tpu.dma_semaphore, #tpu.memory_space<semaphore_mem>>) src(%dma_wait3A_89 : memref<128x128xf32, #tpu.memory_space<vmem>>) dst(%dma_wait3A_95 : memref<10240x128xf32, #tpu.memory_space<vmem_shared>>)
    %dma_start3A_96 = arith.constant 0 : i32
    %dma_start3A_97 = arith.constant 2 : i32
    %dma_start3A_98 = arith.constant 0 : i32
    %dma_start3A_99 = arith.constant 0 : i32
    %dma_start3A_100 = arith.constant 0 : i32
    %dma_start3A_101 = arith.constant 0 : i32
    %dma_start3A_102 = tpu.memref_slice %arg6[%dma_start3A_99, %dma_start3A_100, %dma_start3A_101] : memref<2x128x128xf32, #tpu.memory_space<vmem>> -> memref<1x128x128xf32, #tpu.memory_space<vmem>>
    %dma_start3A_103 = tpu.memref_squeeze %dma_start3A_102 : memref<1x128x128xf32, #tpu.memory_space<vmem>> -> memref<128x128xf32, #tpu.memory_space<vmem>>
    %dma_start3A_104 = arith.constant 0 : i32
    %dma_start3A_105 = tpu.memref_slice %arg5[%dma_start3A_96, %dma_start3A_97, %dma_start3A_98, %dma_start3A_104] : memref<2x8x2x128xi32, #tpu.memory_space<vmem>> -> memref<1x1x1x128xi32, #tpu.memory_space<vmem>>
    %dma_start3A_106 = tpu.memref_squeeze %dma_start3A_105 : memref<1x1x1x128xi32, #tpu.memory_space<vmem>> -> memref<128xi32, #tpu.memory_space<vmem>>
    %dma_start3A_107 = arith.constant 0 : i32
    %dma_start3A_108 = arith.constant 0 : i32
    %dma_start3A_109 = tpu.memref_slice %arg2[%dma_start3A_107, %dma_start3A_108] : memref<10240x128xf32, #tpu.memory_space<hbm>> -> memref<10240x128xf32, #tpu.memory_space<hbm>>
    tpu.enqueue_indirect_dma source(%dma_start3A_109 : memref<10240x128xf32, #tpu.memory_space<hbm>>) target(%dma_start3A_103 : memref<128x128xf32, #tpu.memory_space<vmem>>) offsets(%dma_start3A_106 : memref<128xi32, #tpu.memory_space<vmem>>) semaphore(%arg8 : memref<!tpu.dma_semaphore, #tpu.memory_space<semaphore_mem>>)
    %dma_wait3A_110 = arith.constant 0 : i32
    %dma_wait3A_111 = arith.constant 1 : i32
    %dma_wait3A_112 = arith.constant 0 : i32
    %dma_wait3A_113 = arith.constant 1 : i32
    %dma_wait3A_114 = arith.constant 0 : i32
    %dma_wait3A_115 = arith.constant 0 : i32
    %dma_wait3A_116 = tpu.memref_slice %arg6[%dma_wait3A_113, %dma_wait3A_114, %dma_wait3A_115] : memref<2x128x128xf32, #tpu.memory_space<vmem>> -> memref<1x128x128xf32, #tpu.memory_space<vmem>>
    %dma_wait3A_117 = tpu.memref_squeeze %dma_wait3A_116 : memref<1x128x128xf32, #tpu.memory_space<vmem>> -> memref<128x128xf32, #tpu.memory_space<vmem>>
    %dma_wait3A_118 = arith.constant 0 : i32
    %dma_wait3A_119 = tpu.memref_slice %arg5[%dma_wait3A_110, %dma_wait3A_111, %dma_wait3A_112, %dma_wait3A_118] : memref<2x8x2x128xi32, #tpu.memory_space<vmem>> -> memref<1x1x1x128xi32, #tpu.memory_space<vmem>>
    %dma_wait3A_120 = tpu.memref_squeeze %dma_wait3A_119 : memref<1x1x1x128xi32, #tpu.memory_space<vmem>> -> memref<128xi32, #tpu.memory_space<vmem>>
    %dma_wait3A_121 = arith.constant 0 : i32
    %dma_wait3A_122 = arith.constant 0 : i32
    %dma_wait3A_123 = tpu.memref_slice %arg2[%dma_wait3A_121, %dma_wait3A_122] : memref<10240x128xf32, #tpu.memory_space<hbm>> -> memref<10240x128xf32, #tpu.memory_space<hbm>>
    tpu.wait_indirect_dma semaphore(%arg9 : memref<!tpu.dma_semaphore, #tpu.memory_space<semaphore_mem>>) src(%dma_wait3A_123 : memref<10240x128xf32, #tpu.memory_space<hbm>>) dst(%dma_wait3A_117 : memref<128x128xf32, #tpu.memory_space<vmem>>)
    %dma_start3A_124 = arith.constant 1 : i32
    %dma_start3A_125 = arith.constant 0 : i32
    %dma_start3A_126 = arith.constant 1 : i32
    %dma_start3A_127 = arith.constant 1 : i32
    %dma_start3A_128 = arith.constant 0 : i32
    %dma_start3A_129 = arith.constant 0 : i32
    %dma_start3A_130 = tpu.memref_slice %arg6[%dma_start3A_124, %dma_start3A_128, %dma_start3A_129] : memref<2x128x128xf32, #tpu.memory_space<vmem>> -> memref<1x128x128xf32, #tpu.memory_space<vmem>>
    %dma_start3A_131 = tpu.memref_squeeze %dma_start3A_130 : memref<1x128x128xf32, #tpu.memory_space<vmem>> -> memref<128x128xf32, #tpu.memory_space<vmem>>
    %dma_start3A_132 = arith.constant 0 : i32
    %dma_start3A_133 = tpu.memref_slice %arg5[%dma_start3A_125, %dma_start3A_126, %dma_start3A_127, %dma_start3A_132] : memref<2x8x2x128xi32, #tpu.memory_space<vmem>> -> memref<1x1x1x128xi32, #tpu.memory_space<vmem>>
    %dma_start3A_134 = tpu.memref_squeeze %dma_start3A_133 : memref<1x1x1x128xi32, #tpu.memory_space<vmem>> -> memref<128xi32, #tpu.memory_space<vmem>>
    %dma_start3A_135 = arith.constant 0 : i32
    %dma_start3A_136 = arith.constant 0 : i32
    %dma_start3A_137 = tpu.memref_slice %arg7[%dma_start3A_135, %dma_start3A_136] : memref<10240x128xf32, #tpu.memory_space<vmem_shared>> -> memref<10240x128xf32, #tpu.memory_space<vmem_shared>>
    tpu.enqueue_indirect_dma source(%dma_start3A_131 : memref<128x128xf32, #tpu.memory_space<vmem>>) target(%dma_start3A_137 : memref<10240x128xf32, #tpu.memory_space<vmem_shared>>) offsets(%dma_start3A_134 : memref<128xi32, #tpu.memory_space<vmem>>) semaphore(%arg11 : memref<!tpu.dma_semaphore, #tpu.memory_space<semaphore_mem>>) {add = true}
    %dma_wait3A_138 = arith.constant 1 : i32
    %dma_wait3A_139 = arith.constant 0 : i32
    %dma_wait3A_140 = arith.constant 1 : i32
    %dma_wait3A_141 = arith.constant 1 : i32
    %dma_wait3A_142 = arith.constant 0 : i32
    %dma_wait3A_143 = arith.constant 0 : i32
    %dma_wait3A_144 = tpu.memref_slice %arg6[%dma_wait3A_138, %dma_wait3A_142, %dma_wait3A_143] : memref<2x128x128xf32, #tpu.memory_space<vmem>> -> memref<1x128x128xf32, #tpu.memory_space<vmem>>
    %dma_wait3A_145 = tpu.memref_squeeze %dma_wait3A_144 : memref<1x128x128xf32, #tpu.memory_space<vmem>> -> memref<128x128xf32, #tpu.memory_space<vmem>>
    %dma_wait3A_146 = arith.constant 0 : i32
    %dma_wait3A_147 = tpu.memref_slice %arg5[%dma_wait3A_139, %dma_wait3A_140, %dma_wait3A_141, %dma_wait3A_146] : memref<2x8x2x128xi32, #tpu.memory_space<vmem>> -> memref<1x1x1x128xi32, #tpu.memory_space<vmem>>
    %dma_wait3A_148 = tpu.memref_squeeze %dma_wait3A_147 : memref<1x1x1x128xi32, #tpu.memory_space<vmem>> -> memref<128xi32, #tpu.memory_space<vmem>>
    %dma_wait3A_149 = arith.constant 0 : i32
    %dma_wait3A_150 = arith.constant 0 : i32
    %dma_wait3A_151 = tpu.memref_slice %arg7[%dma_wait3A_149, %dma_wait3A_150] : memref<10240x128xf32, #tpu.memory_space<vmem_shared>> -> memref<10240x128xf32, #tpu.memory_space<vmem_shared>>
    tpu.wait_indirect_dma semaphore(%arg11 : memref<!tpu.dma_semaphore, #tpu.memory_space<semaphore_mem>>) src(%dma_wait3A_145 : memref<128x128xf32, #tpu.memory_space<vmem>>) dst(%dma_wait3A_151 : memref<10240x128xf32, #tpu.memory_space<vmem_shared>>)
    %dma_start3A_152 = arith.constant 0 : i32
    %dma_start3A_153 = arith.constant 3 : i32
    %dma_start3A_154 = arith.constant 0 : i32
    %dma_start3A_155 = arith.constant 1 : i32
    %dma_start3A_156 = arith.constant 0 : i32
    %dma_start3A_157 = arith.constant 0 : i32
    %dma_start3A_158 = tpu.memref_slice %arg6[%dma_start3A_155, %dma_start3A_156, %dma_start3A_157] : memref<2x128x128xf32, #tpu.memory_space<vmem>> -> memref<1x128x128xf32, #tpu.memory_space<vmem>>
    %dma_start3A_159 = tpu.memref_squeeze %dma_start3A_158 : memref<1x128x128xf32, #tpu.memory_space<vmem>> -> memref<128x128xf32, #tpu.memory_space<vmem>>
    %dma_start3A_160 = arith.constant 0 : i32
    %dma_start3A_161 = tpu.memref_slice %arg5[%dma_start3A_152, %dma_start3A_153, %dma_start3A_154, %dma_start3A_160] : memref<2x8x2x128xi32, #tpu.memory_space<vmem>> -> memref<1x1x1x128xi32, #tpu.memory_space<vmem>>
    %dma_start3A_162 = tpu.memref_squeeze %dma_start3A_161 : memref<1x1x1x128xi32, #tpu.memory_space<vmem>> -> memref<128xi32, #tpu.memory_space<vmem>>
    %dma_start3A_163 = arith.constant 0 : i32
    %dma_start3A_164 = arith.constant 0 : i32
    %dma_start3A_165 = tpu.memref_slice %arg2[%dma_start3A_163, %dma_start3A_164] : memref<10240x128xf32, #tpu.memory_space<hbm>> -> memref<10240x128xf32, #tpu.memory_space<hbm>>
    tpu.enqueue_indirect_dma source(%dma_start3A_165 : memref<10240x128xf32, #tpu.memory_space<hbm>>) target(%dma_start3A_159 : memref<128x128xf32, #tpu.memory_space<vmem>>) offsets(%dma_start3A_162 : memref<128xi32, #tpu.memory_space<vmem>>) semaphore(%arg9 : memref<!tpu.dma_semaphore, #tpu.memory_space<semaphore_mem>>)
    %dma_wait3A_166 = arith.constant 0 : i32
    %dma_wait3A_167 = arith.constant 2 : i32
    %dma_wait3A_168 = arith.constant 0 : i32
    %dma_wait3A_169 = arith.constant 0 : i32
    %dma_wait3A_170 = arith.constant 0 : i32
    %dma_wait3A_171 = arith.constant 0 : i32
    %dma_wait3A_172 = tpu.memref_slice %arg6[%dma_wait3A_169, %dma_wait3A_170, %dma_wait3A_171] : memref<2x128x128xf32, #tpu.memory_space<vmem>> -> memref<1x128x128xf32, #tpu.memory_space<vmem>>
    %dma_wait3A_173 = tpu.memref_squeeze %dma_wait3A_172 : memref<1x128x128xf32, #tpu.memory_space<vmem>> -> memref<128x128xf32, #tpu.memory_space<vmem>>
    %dma_wait3A_174 = arith.constant 0 : i32
    %dma_wait3A_175 = tpu.memref_slice %arg5[%dma_wait3A_166, %dma_wait3A_167, %dma_wait3A_168, %dma_wait3A_174] : memref<2x8x2x128xi32, #tpu.memory_space<vmem>> -> memref<1x1x1x128xi32, #tpu.memory_space<vmem>>
    %dma_wait3A_176 = tpu.memref_squeeze %dma_wait3A_175 : memref<1x1x1x128xi32, #tpu.memory_space<vmem>> -> memref<128xi32, #tpu.memory_space<vmem>>
    %dma_wait3A_177 = arith.constant 0 : i32
    %dma_wait3A_178 = arith.constant 0 : i32
    %dma_wait3A_179 = tpu.memref_slice %arg2[%dma_wait3A_177, %dma_wait3A_178] : memref<10240x128xf32, #tpu.memory_space<hbm>> -> memref<10240x128xf32, #tpu.memory_space<hbm>>
    tpu.wait_indirect_dma semaphore(%arg8 : memref<!tpu.dma_semaphore, #tpu.memory_space<semaphore_mem>>) src(%dma_wait3A_179 : memref<10240x128xf32, #tpu.memory_space<hbm>>) dst(%dma_wait3A_173 : memref<128x128xf32, #tpu.memory_space<vmem>>)
    %dma_start3A_180 = arith.constant 0 : i32
    %dma_start3A_181 = arith.constant 0 : i32
    %dma_start3A_182 = arith.constant 2 : i32
    %dma_start3A_183 = arith.constant 1 : i32
    %dma_start3A_184 = arith.constant 0 : i32
    %dma_start3A_185 = arith.constant 0 : i32
    %dma_start3A_186 = tpu.memref_slice %arg6[%dma_start3A_180, %dma_start3A_184, %dma_start3A_185] : memref<2x128x128xf32, #tpu.memory_space<vmem>> -> memref<1x128x128xf32, #tpu.memory_space<vmem>>
    %dma_start3A_187 = tpu.memref_squeeze %dma_start3A_186 : memref<1x128x128xf32, #tpu.memory_space<vmem>> -> memref<128x128xf32, #tpu.memory_space<vmem>>
    %dma_start3A_188 = arith.constant 0 : i32
    %dma_start3A_189 = tpu.memref_slice %arg5[%dma_start3A_181, %dma_start3A_182, %dma_start3A_183, %dma_start3A_188] : memref<2x8x2x128xi32, #tpu.memory_space<vmem>> -> memref<1x1x1x128xi32, #tpu.memory_space<vmem>>
    %dma_start3A_190 = tpu.memref_squeeze %dma_start3A_189 : memref<1x1x1x128xi32, #tpu.memory_space<vmem>> -> memref<128xi32, #tpu.memory_space<vmem>>
    %dma_start3A_191 = arith.constant 0 : i32
    %dma_start3A_192 = arith.constant 0 : i32
    %dma_start3A_193 = tpu.memref_slice %arg7[%dma_start3A_191, %dma_start3A_192] : memref<10240x128xf32, #tpu.memory_space<vmem_shared>> -> memref<10240x128xf32, #tpu.memory_space<vmem_shared>>
    tpu.enqueue_indirect_dma source(%dma_start3A_187 : memref<128x128xf32, #tpu.memory_space<vmem>>) target(%dma_start3A_193 : memref<10240x128xf32, #tpu.memory_space<vmem_shared>>) offsets(%dma_start3A_190 : memref<128xi32, #tpu.memory_space<vmem>>) semaphore(%arg10 : memref<!tpu.dma_semaphore, #tpu.memory_space<semaphore_mem>>) {add = true}
    %dma_wait3A_194 = arith.constant 0 : i32
    %dma_wait3A_195 = arith.constant 0 : i32
    %dma_wait3A_196 = arith.constant 2 : i32
    %dma_wait3A_197 = arith.constant 1 : i32
    %dma_wait3A_198 = arith.constant 0 : i32
    %dma_wait3A_199 = arith.constant 0 : i32
    %dma_wait3A_200 = tpu.memref_slice %arg6[%dma_wait3A_194, %dma_wait3A_198, %dma_wait3A_199] : memref<2x128x128xf32, #tpu.memory_space<vmem>> -> memref<1x128x128xf32, #tpu.memory_space<vmem>>
    %dma_wait3A_201 = tpu.memref_squeeze %dma_wait3A_200 : memref<1x128x128xf32, #tpu.memory_space<vmem>> -> memref<128x128xf32, #tpu.memory_space<vmem>>
    %dma_wait3A_202 = arith.constant 0 : i32
    %dma_wait3A_203 = tpu.memref_slice %arg5[%dma_wait3A_195, %dma_wait3A_196, %dma_wait3A_197, %dma_wait3A_202] : memref<2x8x2x128xi32, #tpu.memory_space<vmem>> -> memref<1x1x1x128xi32, #tpu.memory_space<vmem>>
    %dma_wait3A_204 = tpu.memref_squeeze %dma_wait3A_203 : memref<1x1x1x128xi32, #tpu.memory_space<vmem>> -> memref<128xi32, #tpu.memory_space<vmem>>
    %dma_wait3A_205 = arith.constant 0 : i32
    %dma_wait3A_206 = arith.constant 0 : i32
    %dma_wait3A_207 = tpu.memref_slice %arg7[%dma_wait3A_205, %dma_wait3A_206] : memref<10240x128xf32, #tpu.memory_space<vmem_shared>> -> memref<10240x128xf32, #tpu.memory_space<vmem_shared>>
    tpu.wait_indirect_dma semaphore(%arg10 : memref<!tpu.dma_semaphore, #tpu.memory_space<semaphore_mem>>) src(%dma_wait3A_201 : memref<128x128xf32, #tpu.memory_space<vmem>>) dst(%dma_wait3A_207 : memref<10240x128xf32, #tpu.memory_space<vmem_shared>>)
    %dma_start3A_208 = arith.constant 0 : i32
    %dma_start3A_209 = arith.constant 4 : i32
    %dma_start3A_210 = arith.constant 0 : i32
    %dma_start3A_211 = arith.constant 0 : i32
    %dma_start3A_212 = arith.constant 0 : i32
    %dma_start3A_213 = arith.constant 0 : i32
    %dma_start3A_214 = tpu.memref_slice %arg6[%dma_start3A_211, %dma_start3A_212, %dma_start3A_213] : memref<2x128x128xf32, #tpu.memory_space<vmem>> -> memref<1x128x128xf32, #tpu.memory_space<vmem>>
    %dma_start3A_215 = tpu.memref_squeeze %dma_start3A_214 : memref<1x128x128xf32, #tpu.memory_space<vmem>> -> memref<128x128xf32, #tpu.memory_space<vmem>>
    %dma_start3A_216 = arith.constant 0 : i32
    %dma_start3A_217 = tpu.memref_slice %arg5[%dma_start3A_208, %dma_start3A_209, %dma_start3A_210, %dma_start3A_216] : memref<2x8x2x128xi32, #tpu.memory_space<vmem>> -> memref<1x1x1x128xi32, #tpu.memory_space<vmem>>
    %dma_start3A_218 = tpu.memref_squeeze %dma_start3A_217 : memref<1x1x1x128xi32, #tpu.memory_space<vmem>> -> memref<128xi32, #tpu.memory_space<vmem>>
    %dma_start3A_219 = arith.constant 0 : i32
    %dma_start3A_220 = arith.constant 0 : i32
    %dma_start3A_221 = tpu.memref_slice %arg2[%dma_start3A_219, %dma_start3A_220] : memref<10240x128xf32, #tpu.memory_space<hbm>> -> memref<10240x128xf32, #tpu.memory_space<hbm>>
    tpu.enqueue_indirect_dma source(%dma_start3A_221 : memref<10240x128xf32, #tpu.memory_space<hbm>>) target(%dma_start3A_215 : memref<128x128xf32, #tpu.memory_space<vmem>>) offsets(%dma_start3A_218 : memref<128xi32, #tpu.memory_space<vmem>>) semaphore(%arg8 : memref<!tpu.dma_semaphore, #tpu.memory_space<semaphore_mem>>)
    %dma_wait3A_222 = arith.constant 0 : i32
    %dma_wait3A_223 = arith.constant 3 : i32
    %dma_wait3A_224 = arith.constant 0 : i32
    %dma_wait3A_225 = arith.constant 1 : i32
    %dma_wait3A_226 = arith.constant 0 : i32
    %dma_wait3A_227 = arith.constant 0 : i32
    %dma_wait3A_228 = tpu.memref_slice %arg6[%dma_wait3A_225, %dma_wait3A_226, %dma_wait3A_227] : memref<2x128x128xf32, #tpu.memory_space<vmem>> -> memref<1x128x128xf32, #tpu.memory_space<vmem>>
    %dma_wait3A_229 = tpu.memref_squeeze %dma_wait3A_228 : memref<1x128x128xf32, #tpu.memory_space<vmem>> -> memref<128x128xf32, #tpu.memory_space<vmem>>
    %dma_wait3A_230 = arith.constant 0 : i32
    %dma_wait3A_231 = tpu.memref_slice %arg5[%dma_wait3A_222, %dma_wait3A_223, %dma_wait3A_224, %dma_wait3A_230] : memref<2x8x2x128xi32, #tpu.memory_space<vmem>> -> memref<1x1x1x128xi32, #tpu.memory_space<vmem>>
    %dma_wait3A_232 = tpu.memref_squeeze %dma_wait3A_231 : memref<1x1x1x128xi32, #tpu.memory_space<vmem>> -> memref<128xi32, #tpu.memory_space<vmem>>
    %dma_wait3A_233 = arith.constant 0 : i32
    %dma_wait3A_234 = arith.constant 0 : i32
    %dma_wait3A_235 = tpu.memref_slice %arg2[%dma_wait3A_233, %dma_wait3A_234] : memref<10240x128xf32, #tpu.memory_space<hbm>> -> memref<10240x128xf32, #tpu.memory_space<hbm>>
    tpu.wait_indirect_dma semaphore(%arg9 : memref<!tpu.dma_semaphore, #tpu.memory_space<semaphore_mem>>) src(%dma_wait3A_235 : memref<10240x128xf32, #tpu.memory_space<hbm>>) dst(%dma_wait3A_229 : memref<128x128xf32, #tpu.memory_space<vmem>>)
    %dma_start3A_236 = arith.constant 1 : i32
    %dma_start3A_237 = arith.constant 0 : i32
    %dma_start3A_238 = arith.constant 3 : i32
    %dma_start3A_239 = arith.constant 1 : i32
    %dma_start3A_240 = arith.constant 0 : i32
    %dma_start3A_241 = arith.constant 0 : i32
    %dma_start3A_242 = tpu.memref_slice %arg6[%dma_start3A_236, %dma_start3A_240, %dma_start3A_241] : memref<2x128x128xf32, #tpu.memory_space<vmem>> -> memref<1x128x128xf32, #tpu.memory_space<vmem>>
    %dma_start3A_243 = tpu.memref_squeeze %dma_start3A_242 : memref<1x128x128xf32, #tpu.memory_space<vmem>> -> memref<128x128xf32, #tpu.memory_space<vmem>>
    %dma_start3A_244 = arith.constant 0 : i32
    %dma_start3A_245 = tpu.memref_slice %arg5[%dma_start3A_237, %dma_start3A_238, %dma_start3A_239, %dma_start3A_244] : memref<2x8x2x128xi32, #tpu.memory_space<vmem>> -> memref<1x1x1x128xi32, #tpu.memory_space<vmem>>
    %dma_start3A_246 = tpu.memref_squeeze %dma_start3A_245 : memref<1x1x1x128xi32, #tpu.memory_space<vmem>> -> memref<128xi32, #tpu.memory_space<vmem>>
    %dma_start3A_247 = arith.constant 0 : i32
    %dma_start3A_248 = arith.constant 0 : i32
    %dma_start3A_249 = tpu.memref_slice %arg7[%dma_start3A_247, %dma_start3A_248] : memref<10240x128xf32, #tpu.memory_space<vmem_shared>> -> memref<10240x128xf32, #tpu.memory_space<vmem_shared>>
    tpu.enqueue_indirect_dma source(%dma_start3A_243 : memref<128x128xf32, #tpu.memory_space<vmem>>) target(%dma_start3A_249 : memref<10240x128xf32, #tpu.memory_space<vmem_shared>>) offsets(%dma_start3A_246 : memref<128xi32, #tpu.memory_space<vmem>>) semaphore(%arg11 : memref<!tpu.dma_semaphore, #tpu.memory_space<semaphore_mem>>) {add = true}
    %dma_wait3A_250 = arith.constant 1 : i32
    %dma_wait3A_251 = arith.constant 0 : i32
    %dma_wait3A_252 = arith.constant 3 : i32
    %dma_wait3A_253 = arith.constant 1 : i32
    %dma_wait3A_254 = arith.constant 0 : i32
    %dma_wait3A_255 = arith.constant 0 : i32
    %dma_wait3A_256 = tpu.memref_slice %arg6[%dma_wait3A_250, %dma_wait3A_254, %dma_wait3A_255] : memref<2x128x128xf32, #tpu.memory_space<vmem>> -> memref<1x128x128xf32, #tpu.memory_space<vmem>>
    %dma_wait3A_257 = tpu.memref_squeeze %dma_wait3A_256 : memref<1x128x128xf32, #tpu.memory_space<vmem>> -> memref<128x128xf32, #tpu.memory_space<vmem>>
    %dma_wait3A_258 = arith.constant 0 : i32
    %dma_wait3A_259 = tpu.memref_slice %arg5[%dma_wait3A_251, %dma_wait3A_252, %dma_wait3A_253, %dma_wait3A_258] : memref<2x8x2x128xi32, #tpu.memory_space<vmem>> -> memref<1x1x1x128xi32, #tpu.memory_space<vmem>>
    %dma_wait3A_260 = tpu.memref_squeeze %dma_wait3A_259 : memref<1x1x1x128xi32, #tpu.memory_space<vmem>> -> memref<128xi32, #tpu.memory_space<vmem>>
    %dma_wait3A_261 = arith.constant 0 : i32
    %dma_wait3A_262 = arith.constant 0 : i32
    %dma_wait3A_263 = tpu.memref_slice %arg7[%dma_wait3A_261, %dma_wait3A_262] : memref<10240x128xf32, #tpu.memory_space<vmem_shared>> -> memref<10240x128xf32, #tpu.memory_space<vmem_shared>>
    tpu.wait_indirect_dma semaphore(%arg11 : memref<!tpu.dma_semaphore, #tpu.memory_space<semaphore_mem>>) src(%dma_wait3A_257 : memref<128x128xf32, #tpu.memory_space<vmem>>) dst(%dma_wait3A_263 : memref<10240x128xf32, #tpu.memory_space<vmem_shared>>)
    %dma_start3A_264 = arith.constant 0 : i32
    %dma_start3A_265 = arith.constant 5 : i32
    %dma_start3A_266 = arith.constant 0 : i32
    %dma_start3A_267 = arith.constant 1 : i32
    %dma_start3A_268 = arith.constant 0 : i32
    %dma_start3A_269 = arith.constant 0 : i32
    %dma_start3A_270 = tpu.memref_slice %arg6[%dma_start3A_267, %dma_start3A_268, %dma_start3A_269] : memref<2x128x128xf32, #tpu.memory_space<vmem>> -> memref<1x128x128xf32, #tpu.memory_space<vmem>>
    %dma_start3A_271 = tpu.memref_squeeze %dma_start3A_270 : memref<1x128x128xf32, #tpu.memory_space<vmem>> -> memref<128x128xf32, #tpu.memory_space<vmem>>
    %dma_start3A_272 = arith.constant 0 : i32
    %dma_start3A_273 = tpu.memref_slice %arg5[%dma_start3A_264, %dma_start3A_265, %dma_start3A_266, %dma_start3A_272] : memref<2x8x2x128xi32, #tpu.memory_space<vmem>> -> memref<1x1x1x128xi32, #tpu.memory_space<vmem>>
    %dma_start3A_274 = tpu.memref_squeeze %dma_start3A_273 : memref<1x1x1x128xi32, #tpu.memory_space<vmem>> -> memref<128xi32, #tpu.memory_space<vmem>>
    %dma_start3A_275 = arith.constant 0 : i32
    %dma_start3A_276 = arith.constant 0 : i32
    %dma_start3A_277 = tpu.memref_slice %arg2[%dma_start3A_275, %dma_start3A_276] : memref<10240x128xf32, #tpu.memory_space<hbm>> -> memref<10240x128xf32, #tpu.memory_space<hbm>>
    tpu.enqueue_indirect_dma source(%dma_start3A_277 : memref<10240x128xf32, #tpu.memory_space<hbm>>) target(%dma_start3A_271 : memref<128x128xf32, #tpu.memory_space<vmem>>) offsets(%dma_start3A_274 : memref<128xi32, #tpu.memory_space<vmem>>) semaphore(%arg9 : memref<!tpu.dma_semaphore, #tpu.memory_space<semaphore_mem>>)
    %dma_wait3A_278 = arith.constant 0 : i32
    %dma_wait3A_279 = arith.constant 4 : i32
    %dma_wait3A_280 = arith.constant 0 : i32
    %dma_wait3A_281 = arith.constant 0 : i32
    %dma_wait3A_282 = arith.constant 0 : i32
    %dma_wait3A_283 = arith.constant 0 : i32
    %dma_wait3A_284 = tpu.memref_slice %arg6[%dma_wait3A_281, %dma_wait3A_282, %dma_wait3A_283] : memref<2x128x128xf32, #tpu.memory_space<vmem>> -> memref<1x128x128xf32, #tpu.memory_space<vmem>>
    %dma_wait3A_285 = tpu.memref_squeeze %dma_wait3A_284 : memref<1x128x128xf32, #tpu.memory_space<vmem>> -> memref<128x128xf32, #tpu.memory_space<vmem>>
    %dma_wait3A_286 = arith.constant 0 : i32
    %dma_wait3A_287 = tpu.memref_slice %arg5[%dma_wait3A_278, %dma_wait3A_279, %dma_wait3A_280, %dma_wait3A_286] : memref<2x8x2x128xi32, #tpu.memory_space<vmem>> -> memref<1x1x1x128xi32, #tpu.memory_space<vmem>>
    %dma_wait3A_288 = tpu.memref_squeeze %dma_wait3A_287 : memref<1x1x1x128xi32, #tpu.memory_space<vmem>> -> memref<128xi32, #tpu.memory_space<vmem>>
    %dma_wait3A_289 = arith.constant 0 : i32
    %dma_wait3A_290 = arith.constant 0 : i32
    %dma_wait3A_291 = tpu.memref_slice %arg2[%dma_wait3A_289, %dma_wait3A_290] : memref<10240x128xf32, #tpu.memory_space<hbm>> -> memref<10240x128xf32, #tpu.memory_space<hbm>>
    tpu.wait_indirect_dma semaphore(%arg8 : memref<!tpu.dma_semaphore, #tpu.memory_space<semaphore_mem>>) src(%dma_wait3A_291 : memref<10240x128xf32, #tpu.memory_space<hbm>>) dst(%dma_wait3A_285 : memref<128x128xf32, #tpu.memory_space<vmem>>)
    %dma_start3A_292 = arith.constant 0 : i32
    %dma_start3A_293 = arith.constant 0 : i32
    %dma_start3A_294 = arith.constant 4 : i32
    %dma_start3A_295 = arith.constant 1 : i32
    %dma_start3A_296 = arith.constant 0 : i32
    %dma_start3A_297 = arith.constant 0 : i32
    %dma_start3A_298 = tpu.memref_slice %arg6[%dma_start3A_292, %dma_start3A_296, %dma_start3A_297] : memref<2x128x128xf32, #tpu.memory_space<vmem>> -> memref<1x128x128xf32, #tpu.memory_space<vmem>>
    %dma_start3A_299 = tpu.memref_squeeze %dma_start3A_298 : memref<1x128x128xf32, #tpu.memory_space<vmem>> -> memref<128x128xf32, #tpu.memory_space<vmem>>
    %dma_start3A_300 = arith.constant 0 : i32
    %dma_start3A_301 = tpu.memref_slice %arg5[%dma_start3A_293, %dma_start3A_294, %dma_start3A_295, %dma_start3A_300] : memref<2x8x2x128xi32, #tpu.memory_space<vmem>> -> memref<1x1x1x128xi32, #tpu.memory_space<vmem>>
    %dma_start3A_302 = tpu.memref_squeeze %dma_start3A_301 : memref<1x1x1x128xi32, #tpu.memory_space<vmem>> -> memref<128xi32, #tpu.memory_space<vmem>>
    %dma_start3A_303 = arith.constant 0 : i32
    %dma_start3A_304 = arith.constant 0 : i32
    %dma_start3A_305 = tpu.memref_slice %arg7[%dma_start3A_303, %dma_start3A_304] : memref<10240x128xf32, #tpu.memory_space<vmem_shared>> -> memref<10240x128xf32, #tpu.memory_space<vmem_shared>>
    tpu.enqueue_indirect_dma source(%dma_start3A_299 : memref<128x128xf32, #tpu.memory_space<vmem>>) target(%dma_start3A_305 : memref<10240x128xf32, #tpu.memory_space<vmem_shared>>) offsets(%dma_start3A_302 : memref<128xi32, #tpu.memory_space<vmem>>) semaphore(%arg10 : memref<!tpu.dma_semaphore, #tpu.memory_space<semaphore_mem>>) {add = true}
    %dma_wait3A_306 = arith.constant 0 : i32
    %dma_wait3A_307 = arith.constant 0 : i32
    %dma_wait3A_308 = arith.constant 4 : i32
    %dma_wait3A_309 = arith.constant 1 : i32
    %dma_wait3A_310 = arith.constant 0 : i32
    %dma_wait3A_311 = arith.constant 0 : i32
    %dma_wait3A_312 = tpu.memref_slice %arg6[%dma_wait3A_306, %dma_wait3A_310, %dma_wait3A_311] : memref<2x128x128xf32, #tpu.memory_space<vmem>> -> memref<1x128x128xf32, #tpu.memory_space<vmem>>
    %dma_wait3A_313 = tpu.memref_squeeze %dma_wait3A_312 : memref<1x128x128xf32, #tpu.memory_space<vmem>> -> memref<128x128xf32, #tpu.memory_space<vmem>>
    %dma_wait3A_314 = arith.constant 0 : i32
    %dma_wait3A_315 = tpu.memref_slice %arg5[%dma_wait3A_307, %dma_wait3A_308, %dma_wait3A_309, %dma_wait3A_314] : memref<2x8x2x128xi32, #tpu.memory_space<vmem>> -> memref<1x1x1x128xi32, #tpu.memory_space<vmem>>
    %dma_wait3A_316 = tpu.memref_squeeze %dma_wait3A_315 : memref<1x1x1x128xi32, #tpu.memory_space<vmem>> -> memref<128xi32, #tpu.memory_space<vmem>>
    %dma_wait3A_317 = arith.constant 0 : i32
    %dma_wait3A_318 = arith.constant 0 : i32
    %dma_wait3A_319 = tpu.memref_slice %arg7[%dma_wait3A_317, %dma_wait3A_318] : memref<10240x128xf32, #tpu.memory_space<vmem_shared>> -> memref<10240x128xf32, #tpu.memory_space<vmem_shared>>
    tpu.wait_indirect_dma semaphore(%arg10 : memref<!tpu.dma_semaphore, #tpu.memory_space<semaphore_mem>>) src(%dma_wait3A_313 : memref<128x128xf32, #tpu.memory_space<vmem>>) dst(%dma_wait3A_319 : memref<10240x128xf32, #tpu.memory_space<vmem_shared>>)
    %dma_start3A_320 = arith.constant 0 : i32
    %dma_start3A_321 = arith.constant 6 : i32
    %dma_start3A_322 = arith.constant 0 : i32
    %dma_start3A_323 = arith.constant 0 : i32
    %dma_start3A_324 = arith.constant 0 : i32
    %dma_start3A_325 = arith.constant 0 : i32
    %dma_start3A_326 = tpu.memref_slice %arg6[%dma_start3A_323, %dma_start3A_324, %dma_start3A_325] : memref<2x128x128xf32, #tpu.memory_space<vmem>> -> memref<1x128x128xf32, #tpu.memory_space<vmem>>
    %dma_start3A_327 = tpu.memref_squeeze %dma_start3A_326 : memref<1x128x128xf32, #tpu.memory_space<vmem>> -> memref<128x128xf32, #tpu.memory_space<vmem>>
    %dma_start3A_328 = arith.constant 0 : i32
    %dma_start3A_329 = tpu.memref_slice %arg5[%dma_start3A_320, %dma_start3A_321, %dma_start3A_322, %dma_start3A_328] : memref<2x8x2x128xi32, #tpu.memory_space<vmem>> -> memref<1x1x1x128xi32, #tpu.memory_space<vmem>>
    %dma_start3A_330 = tpu.memref_squeeze %dma_start3A_329 : memref<1x1x1x128xi32, #tpu.memory_space<vmem>> -> memref<128xi32, #tpu.memory_space<vmem>>
    %dma_start3A_331 = arith.constant 0 : i32
    %dma_start3A_332 = arith.constant 0 : i32
    %dma_start3A_333 = tpu.memref_slice %arg2[%dma_start3A_331, %dma_start3A_332] : memref<10240x128xf32, #tpu.memory_space<hbm>> -> memref<10240x128xf32, #tpu.memory_space<hbm>>
    tpu.enqueue_indirect_dma source(%dma_start3A_333 : memref<10240x128xf32, #tpu.memory_space<hbm>>) target(%dma_start3A_327 : memref<128x128xf32, #tpu.memory_space<vmem>>) offsets(%dma_start3A_330 : memref<128xi32, #tpu.memory_space<vmem>>) semaphore(%arg8 : memref<!tpu.dma_semaphore, #tpu.memory_space<semaphore_mem>>)
    %dma_wait3A_334 = arith.constant 0 : i32
    %dma_wait3A_335 = arith.constant 5 : i32
    %dma_wait3A_336 = arith.constant 0 : i32
    %dma_wait3A_337 = arith.constant 1 : i32
    %dma_wait3A_338 = arith.constant 0 : i32
    %dma_wait3A_339 = arith.constant 0 : i32
    %dma_wait3A_340 = tpu.memref_slice %arg6[%dma_wait3A_337, %dma_wait3A_338, %dma_wait3A_339] : memref<2x128x128xf32, #tpu.memory_space<vmem>> -> memref<1x128x128xf32, #tpu.memory_space<vmem>>
    %dma_wait3A_341 = tpu.memref_squeeze %dma_wait3A_340 : memref<1x128x128xf32, #tpu.memory_space<vmem>> -> memref<128x128xf32, #tpu.memory_space<vmem>>
    %dma_wait3A_342 = arith.constant 0 : i32
    %dma_wait3A_343 = tpu.memref_slice %arg5[%dma_wait3A_334, %dma_wait3A_335, %dma_wait3A_336, %dma_wait3A_342] : memref<2x8x2x128xi32, #tpu.memory_space<vmem>> -> memref<1x1x1x128xi32, #tpu.memory_space<vmem>>
    %dma_wait3A_344 = tpu.memref_squeeze %dma_wait3A_343 : memref<1x1x1x128xi32, #tpu.memory_space<vmem>> -> memref<128xi32, #tpu.memory_space<vmem>>
    %dma_wait3A_345 = arith.constant 0 : i32
    %dma_wait3A_346 = arith.constant 0 : i32
    %dma_wait3A_347 = tpu.memref_slice %arg2[%dma_wait3A_345, %dma_wait3A_346] : memref<10240x128xf32, #tpu.memory_space<hbm>> -> memref<10240x128xf32, #tpu.memory_space<hbm>>
    tpu.wait_indirect_dma semaphore(%arg9 : memref<!tpu.dma_semaphore, #tpu.memory_space<semaphore_mem>>) src(%dma_wait3A_347 : memref<10240x128xf32, #tpu.memory_space<hbm>>) dst(%dma_wait3A_341 : memref<128x128xf32, #tpu.memory_space<vmem>>)
    %dma_start3A_348 = arith.constant 1 : i32
    %dma_start3A_349 = arith.constant 0 : i32
    %dma_start3A_350 = arith.constant 5 : i32
    %dma_start3A_351 = arith.constant 1 : i32
    %dma_start3A_352 = arith.constant 0 : i32
    %dma_start3A_353 = arith.constant 0 : i32
    %dma_start3A_354 = tpu.memref_slice %arg6[%dma_start3A_348, %dma_start3A_352, %dma_start3A_353] : memref<2x128x128xf32, #tpu.memory_space<vmem>> -> memref<1x128x128xf32, #tpu.memory_space<vmem>>
    %dma_start3A_355 = tpu.memref_squeeze %dma_start3A_354 : memref<1x128x128xf32, #tpu.memory_space<vmem>> -> memref<128x128xf32, #tpu.memory_space<vmem>>
    %dma_start3A_356 = arith.constant 0 : i32
    %dma_start3A_357 = tpu.memref_slice %arg5[%dma_start3A_349, %dma_start3A_350, %dma_start3A_351, %dma_start3A_356] : memref<2x8x2x128xi32, #tpu.memory_space<vmem>> -> memref<1x1x1x128xi32, #tpu.memory_space<vmem>>
    %dma_start3A_358 = tpu.memref_squeeze %dma_start3A_357 : memref<1x1x1x128xi32, #tpu.memory_space<vmem>> -> memref<128xi32, #tpu.memory_space<vmem>>
    %dma_start3A_359 = arith.constant 0 : i32
    %dma_start3A_360 = arith.constant 0 : i32
    %dma_start3A_361 = tpu.memref_slice %arg7[%dma_start3A_359, %dma_start3A_360] : memref<10240x128xf32, #tpu.memory_space<vmem_shared>> -> memref<10240x128xf32, #tpu.memory_space<vmem_shared>>
    tpu.enqueue_indirect_dma source(%dma_start3A_355 : memref<128x128xf32, #tpu.memory_space<vmem>>) target(%dma_start3A_361 : memref<10240x128xf32, #tpu.memory_space<vmem_shared>>) offsets(%dma_start3A_358 : memref<128xi32, #tpu.memory_space<vmem>>) semaphore(%arg11 : memref<!tpu.dma_semaphore, #tpu.memory_space<semaphore_mem>>) {add = true}
    %dma_wait3A_362 = arith.constant 1 : i32
    %dma_wait3A_363 = arith.constant 0 : i32
    %dma_wait3A_364 = arith.constant 5 : i32
    %dma_wait3A_365 = arith.constant 1 : i32
    %dma_wait3A_366 = arith.constant 0 : i32
    %dma_wait3A_367 = arith.constant 0 : i32
    %dma_wait3A_368 = tpu.memref_slice %arg6[%dma_wait3A_362, %dma_wait3A_366, %dma_wait3A_367] : memref<2x128x128xf32, #tpu.memory_space<vmem>> -> memref<1x128x128xf32, #tpu.memory_space<vmem>>
    %dma_wait3A_369 = tpu.memref_squeeze %dma_wait3A_368 : memref<1x128x128xf32, #tpu.memory_space<vmem>> -> memref<128x128xf32, #tpu.memory_space<vmem>>
    %dma_wait3A_370 = arith.constant 0 : i32
    %dma_wait3A_371 = tpu.memref_slice %arg5[%dma_wait3A_363, %dma_wait3A_364, %dma_wait3A_365, %dma_wait3A_370] : memref<2x8x2x128xi32, #tpu.memory_space<vmem>> -> memref<1x1x1x128xi32, #tpu.memory_space<vmem>>
    %dma_wait3A_372 = tpu.memref_squeeze %dma_wait3A_371 : memref<1x1x1x128xi32, #tpu.memory_space<vmem>> -> memref<128xi32, #tpu.memory_space<vmem>>
    %dma_wait3A_373 = arith.constant 0 : i32
    %dma_wait3A_374 = arith.constant 0 : i32
    %dma_wait3A_375 = tpu.memref_slice %arg7[%dma_wait3A_373, %dma_wait3A_374] : memref<10240x128xf32, #tpu.memory_space<vmem_shared>> -> memref<10240x128xf32, #tpu.memory_space<vmem_shared>>
    tpu.wait_indirect_dma semaphore(%arg11 : memref<!tpu.dma_semaphore, #tpu.memory_space<semaphore_mem>>) src(%dma_wait3A_369 : memref<128x128xf32, #tpu.memory_space<vmem>>) dst(%dma_wait3A_375 : memref<10240x128xf32, #tpu.memory_space<vmem_shared>>)
    %dma_start3A_376 = arith.constant 0 : i32
    %dma_start3A_377 = arith.constant 7 : i32
    %dma_start3A_378 = arith.constant 0 : i32
    %dma_start3A_379 = arith.constant 1 : i32
    %dma_start3A_380 = arith.constant 0 : i32
    %dma_start3A_381 = arith.constant 0 : i32
    %dma_start3A_382 = tpu.memref_slice %arg6[%dma_start3A_379, %dma_start3A_380, %dma_start3A_381] : memref<2x128x128xf32, #tpu.memory_space<vmem>> -> memref<1x128x128xf32, #tpu.memory_space<vmem>>
    %dma_start3A_383 = tpu.memref_squeeze %dma_start3A_382 : memref<1x128x128xf32, #tpu.memory_space<vmem>> -> memref<128x128xf32, #tpu.memory_space<vmem>>
    %dma_start3A_384 = arith.constant 0 : i32
    %dma_start3A_385 = tpu.memref_slice %arg5[%dma_start3A_376, %dma_start3A_377, %dma_start3A_378, %dma_start3A_384] : memref<2x8x2x128xi32, #tpu.memory_space<vmem>> -> memref<1x1x1x128xi32, #tpu.memory_space<vmem>>
    %dma_start3A_386 = tpu.memref_squeeze %dma_start3A_385 : memref<1x1x1x128xi32, #tpu.memory_space<vmem>> -> memref<128xi32, #tpu.memory_space<vmem>>
    %dma_start3A_387 = arith.constant 0 : i32
    %dma_start3A_388 = arith.constant 0 : i32
    %dma_start3A_389 = tpu.memref_slice %arg2[%dma_start3A_387, %dma_start3A_388] : memref<10240x128xf32, #tpu.memory_space<hbm>> -> memref<10240x128xf32, #tpu.memory_space<hbm>>
    tpu.enqueue_indirect_dma source(%dma_start3A_389 : memref<10240x128xf32, #tpu.memory_space<hbm>>) target(%dma_start3A_383 : memref<128x128xf32, #tpu.memory_space<vmem>>) offsets(%dma_start3A_386 : memref<128xi32, #tpu.memory_space<vmem>>) semaphore(%arg9 : memref<!tpu.dma_semaphore, #tpu.memory_space<semaphore_mem>>)
    %dma_wait3A_390 = arith.constant 0 : i32
    %dma_wait3A_391 = arith.constant 6 : i32
    %dma_wait3A_392 = arith.constant 0 : i32
    %dma_wait3A_393 = arith.constant 0 : i32
    %dma_wait3A_394 = arith.constant 0 : i32
    %dma_wait3A_395 = arith.constant 0 : i32
    %dma_wait3A_396 = tpu.memref_slice %arg6[%dma_wait3A_393, %dma_wait3A_394, %dma_wait3A_395] : memref<2x128x128xf32, #tpu.memory_space<vmem>> -> memref<1x128x128xf32, #tpu.memory_space<vmem>>
    %dma_wait3A_397 = tpu.memref_squeeze %dma_wait3A_396 : memref<1x128x128xf32, #tpu.memory_space<vmem>> -> memref<128x128xf32, #tpu.memory_space<vmem>>
    %dma_wait3A_398 = arith.constant 0 : i32
    %dma_wait3A_399 = tpu.memref_slice %arg5[%dma_wait3A_390, %dma_wait3A_391, %dma_wait3A_392, %dma_wait3A_398] : memref<2x8x2x128xi32, #tpu.memory_space<vmem>> -> memref<1x1x1x128xi32, #tpu.memory_space<vmem>>
    %dma_wait3A_400 = tpu.memref_squeeze %dma_wait3A_399 : memref<1x1x1x128xi32, #tpu.memory_space<vmem>> -> memref<128xi32, #tpu.memory_space<vmem>>
    %dma_wait3A_401 = arith.constant 0 : i32
    %dma_wait3A_402 = arith.constant 0 : i32
    %dma_wait3A_403 = tpu.memref_slice %arg2[%dma_wait3A_401, %dma_wait3A_402] : memref<10240x128xf32, #tpu.memory_space<hbm>> -> memref<10240x128xf32, #tpu.memory_space<hbm>>
    tpu.wait_indirect_dma semaphore(%arg8 : memref<!tpu.dma_semaphore, #tpu.memory_space<semaphore_mem>>) src(%dma_wait3A_403 : memref<10240x128xf32, #tpu.memory_space<hbm>>) dst(%dma_wait3A_397 : memref<128x128xf32, #tpu.memory_space<vmem>>)
    %dma_start3A_404 = arith.constant 0 : i32
    %dma_start3A_405 = arith.constant 0 : i32
    %dma_start3A_406 = arith.constant 6 : i32
    %dma_start3A_407 = arith.constant 1 : i32
    %dma_start3A_408 = arith.constant 0 : i32
    %dma_start3A_409 = arith.constant 0 : i32
    %dma_start3A_410 = tpu.memref_slice %arg6[%dma_start3A_404, %dma_start3A_408, %dma_start3A_409] : memref<2x128x128xf32, #tpu.memory_space<vmem>> -> memref<1x128x128xf32, #tpu.memory_space<vmem>>
    %dma_start3A_411 = tpu.memref_squeeze %dma_start3A_410 : memref<1x128x128xf32, #tpu.memory_space<vmem>> -> memref<128x128xf32, #tpu.memory_space<vmem>>
    %dma_start3A_412 = arith.constant 0 : i32
    %dma_start3A_413 = tpu.memref_slice %arg5[%dma_start3A_405, %dma_start3A_406, %dma_start3A_407, %dma_start3A_412] : memref<2x8x2x128xi32, #tpu.memory_space<vmem>> -> memref<1x1x1x128xi32, #tpu.memory_space<vmem>>
    %dma_start3A_414 = tpu.memref_squeeze %dma_start3A_413 : memref<1x1x1x128xi32, #tpu.memory_space<vmem>> -> memref<128xi32, #tpu.memory_space<vmem>>
    %dma_start3A_415 = arith.constant 0 : i32
    %dma_start3A_416 = arith.constant 0 : i32
    %dma_start3A_417 = tpu.memref_slice %arg7[%dma_start3A_415, %dma_start3A_416] : memref<10240x128xf32, #tpu.memory_space<vmem_shared>> -> memref<10240x128xf32, #tpu.memory_space<vmem_shared>>
    tpu.enqueue_indirect_dma source(%dma_start3A_411 : memref<128x128xf32, #tpu.memory_space<vmem>>) target(%dma_start3A_417 : memref<10240x128xf32, #tpu.memory_space<vmem_shared>>) offsets(%dma_start3A_414 : memref<128xi32, #tpu.memory_space<vmem>>) semaphore(%arg10 : memref<!tpu.dma_semaphore, #tpu.memory_space<semaphore_mem>>) {add = true}
    %dma_wait3A_418 = arith.constant 0 : i32
    %dma_wait3A_419 = arith.constant 0 : i32
    %dma_wait3A_420 = arith.constant 6 : i32
    %dma_wait3A_421 = arith.constant 1 : i32
    %dma_wait3A_422 = arith.constant 0 : i32
    %dma_wait3A_423 = arith.constant 0 : i32
    %dma_wait3A_424 = tpu.memref_slice %arg6[%dma_wait3A_418, %dma_wait3A_422, %dma_wait3A_423] : memref<2x128x128xf32, #tpu.memory_space<vmem>> -> memref<1x128x128xf32, #tpu.memory_space<vmem>>
    %dma_wait3A_425 = tpu.memref_squeeze %dma_wait3A_424 : memref<1x128x128xf32, #tpu.memory_space<vmem>> -> memref<128x128xf32, #tpu.memory_space<vmem>>
    %dma_wait3A_426 = arith.constant 0 : i32
    %dma_wait3A_427 = tpu.memref_slice %arg5[%dma_wait3A_419, %dma_wait3A_420, %dma_wait3A_421, %dma_wait3A_426] : memref<2x8x2x128xi32, #tpu.memory_space<vmem>> -> memref<1x1x1x128xi32, #tpu.memory_space<vmem>>
    %dma_wait3A_428 = tpu.memref_squeeze %dma_wait3A_427 : memref<1x1x1x128xi32, #tpu.memory_space<vmem>> -> memref<128xi32, #tpu.memory_space<vmem>>
    %dma_wait3A_429 = arith.constant 0 : i32
    %dma_wait3A_430 = arith.constant 0 : i32
    %dma_wait3A_431 = tpu.memref_slice %arg7[%dma_wait3A_429, %dma_wait3A_430] : memref<10240x128xf32, #tpu.memory_space<vmem_shared>> -> memref<10240x128xf32, #tpu.memory_space<vmem_shared>>
    tpu.wait_indirect_dma semaphore(%arg10 : memref<!tpu.dma_semaphore, #tpu.memory_space<semaphore_mem>>) src(%dma_wait3A_425 : memref<128x128xf32, #tpu.memory_space<vmem>>) dst(%dma_wait3A_431 : memref<10240x128xf32, #tpu.memory_space<vmem_shared>>)
    %dma_wait3A_432 = arith.constant 1 : i32
    %dma_wait3A_433 = arith.constant 1 : i32
    %dma_wait3A_434 = arith.constant 0 : i32
    %dma_wait3A_435 = arith.constant 0 : i32
    %dma_wait3A_436 = arith.constant 0 : i32
    %dma_wait3A_437 = tpu.memref_slice %arg5[%dma_wait3A_433, %dma_wait3A_434, %dma_wait3A_435, %dma_wait3A_436] : memref<2x8x2x128xi32, #tpu.memory_space<vmem>> -> memref<1x8x2x128xi32, #tpu.memory_space<vmem>>
    %dma_wait3A_438 = tpu.memref_squeeze %dma_wait3A_437 : memref<1x8x2x128xi32, #tpu.memory_space<vmem>> -> memref<8x2x128xi32, #tpu.memory_space<vmem>>
    %dma_wait3A_439 = arith.constant 0 : i32
    %dma_wait3A_440 = arith.constant 0 : i32
    %dma_wait3A_441 = arith.constant 0 : i32
    %dma_wait3A_442 = tpu.memref_slice %arg3[%add3A, %dma_wait3A_432, %dma_wait3A_439, %dma_wait3A_440, %dma_wait3A_441] : memref<32x10x8x2x128xi32, #tpu.memory_space<hbm>> -> memref<1x1x8x2x128xi32, #tpu.memory_space<hbm>>
    %dma_wait3A_443 = tpu.memref_squeeze %dma_wait3A_442 : memref<1x1x8x2x128xi32, #tpu.memory_space<hbm>> -> memref<8x2x128xi32, #tpu.memory_space<hbm>>
    %dma_wait3A_444 = arith.constant 0 : i32
    %dma_wait3A_445 = arith.constant 0 : i32
    %dma_wait3A_446 = arith.constant 0 : i32
    %dma_wait3A_447 = tpu.memref_slice %arg5[%dma_wait3A_433, %dma_wait3A_444, %dma_wait3A_445, %dma_wait3A_446] : memref<2x8x2x128xi32, #tpu.memory_space<vmem>> -> memref<1x8x2x128xi32, #tpu.memory_space<vmem>>
    %dma_wait3A_448 = tpu.memref_squeeze %dma_wait3A_447 : memref<1x8x2x128xi32, #tpu.memory_space<vmem>> -> memref<8x2x128xi32, #tpu.memory_space<vmem>>
    %dma_wait3A_449 = arith.constant 0 : i32
    %dma_wait3A_450 = arith.constant 0 : i32
    %dma_wait3A_451 = arith.constant 0 : i32
    %dma_wait3A_452 = tpu.memref_slice %arg3[%add3A, %dma_wait3A_432, %dma_wait3A_449, %dma_wait3A_450, %dma_wait3A_451] : memref<32x10x8x2x128xi32, #tpu.memory_space<hbm>> -> memref<1x1x8x2x128xi32, #tpu.memory_space<hbm>>
    %dma_wait3A_453 = tpu.memref_squeeze %dma_wait3A_452 : memref<1x1x8x2x128xi32, #tpu.memory_space<hbm>> -> memref<8x2x128xi32, #tpu.memory_space<hbm>>
    tpu.wait_dma2 semaphore(%arg12 : memref<!tpu.dma_semaphore, #tpu.memory_space<semaphore_mem>>) src(%dma_wait3A_453 : memref<8x2x128xi32, #tpu.memory_space<hbm>>) dst(%dma_wait3A_448 : memref<8x2x128xi32, #tpu.memory_space<vmem>>)
    %dma_start3A_454 = arith.constant 1 : i32
    %dma_start3A_455 = arith.constant 0 : i32
    %dma_start3A_456 = arith.constant 0 : i32
    %dma_start3A_457 = arith.constant 0 : i32
    %dma_start3A_458 = arith.constant 0 : i32
    %dma_start3A_459 = arith.constant 0 : i32
    %dma_start3A_460 = tpu.memref_slice %arg6[%dma_start3A_457, %dma_start3A_458, %dma_start3A_459] : memref<2x128x128xf32, #tpu.memory_space<vmem>> -> memref<1x128x128xf32, #tpu.memory_space<vmem>>
    %dma_start3A_461 = tpu.memref_squeeze %dma_start3A_460 : memref<1x128x128xf32, #tpu.memory_space<vmem>> -> memref<128x128xf32, #tpu.memory_space<vmem>>
    %dma_start3A_462 = arith.constant 0 : i32
    %dma_start3A_463 = tpu.memref_slice %arg5[%dma_start3A_454, %dma_start3A_455, %dma_start3A_456, %dma_start3A_462] : memref<2x8x2x128xi32, #tpu.memory_space<vmem>> -> memref<1x1x1x128xi32, #tpu.memory_space<vmem>>
    %dma_start3A_464 = tpu.memref_squeeze %dma_start3A_463 : memref<1x1x1x128xi32, #tpu.memory_space<vmem>> -> memref<128xi32, #tpu.memory_space<vmem>>
    %dma_start3A_465 = arith.constant 0 : i32
    %dma_start3A_466 = arith.constant 0 : i32
    %dma_start3A_467 = tpu.memref_slice %arg2[%dma_start3A_465, %dma_start3A_466] : memref<10240x128xf32, #tpu.memory_space<hbm>> -> memref<10240x128xf32, #tpu.memory_space<hbm>>
    tpu.enqueue_indirect_dma source(%dma_start3A_467 : memref<10240x128xf32, #tpu.memory_space<hbm>>) target(%dma_start3A_461 : memref<128x128xf32, #tpu.memory_space<vmem>>) offsets(%dma_start3A_464 : memref<128xi32, #tpu.memory_space<vmem>>) semaphore(%arg8 : memref<!tpu.dma_semaphore, #tpu.memory_space<semaphore_mem>>)
    %dma_wait3A_468 = arith.constant 0 : i32
    %dma_wait3A_469 = arith.constant 7 : i32
    %dma_wait3A_470 = arith.constant 0 : i32
    %dma_wait3A_471 = arith.constant 1 : i32
    %dma_wait3A_472 = arith.constant 0 : i32
    %dma_wait3A_473 = arith.constant 0 : i32
    %dma_wait3A_474 = tpu.memref_slice %arg6[%dma_wait3A_471, %dma_wait3A_472, %dma_wait3A_473] : memref<2x128x128xf32, #tpu.memory_space<vmem>> -> memref<1x128x128xf32, #tpu.memory_space<vmem>>
    %dma_wait3A_475 = tpu.memref_squeeze %dma_wait3A_474 : memref<1x128x128xf32, #tpu.memory_space<vmem>> -> memref<128x128xf32, #tpu.memory_space<vmem>>
    %dma_wait3A_476 = arith.constant 0 : i32
    %dma_wait3A_477 = tpu.memref_slice %arg5[%dma_wait3A_468, %dma_wait3A_469, %dma_wait3A_470, %dma_wait3A_476] : memref<2x8x2x128xi32, #tpu.memory_space<vmem>> -> memref<1x1x1x128xi32, #tpu.memory_space<vmem>>
    %dma_wait3A_478 = tpu.memref_squeeze %dma_wait3A_477 : memref<1x1x1x128xi32, #tpu.memory_space<vmem>> -> memref<128xi32, #tpu.memory_space<vmem>>
    %dma_wait3A_479 = arith.constant 0 : i32
    %dma_wait3A_480 = arith.constant 0 : i32
    %dma_wait3A_481 = tpu.memref_slice %arg2[%dma_wait3A_479, %dma_wait3A_480] : memref<10240x128xf32, #tpu.memory_space<hbm>> -> memref<10240x128xf32, #tpu.memory_space<hbm>>
    tpu.wait_indirect_dma semaphore(%arg9 : memref<!tpu.dma_semaphore, #tpu.memory_space<semaphore_mem>>) src(%dma_wait3A_481 : memref<10240x128xf32, #tpu.memory_space<hbm>>) dst(%dma_wait3A_475 : memref<128x128xf32, #tpu.memory_space<vmem>>)
    %dma_start3A_482 = arith.constant 1 : i32
    %dma_start3A_483 = arith.constant 0 : i32
    %dma_start3A_484 = arith.constant 7 : i32
    %dma_start3A_485 = arith.constant 1 : i32
    %dma_start3A_486 = arith.constant 0 : i32
    %dma_start3A_487 = arith.constant 0 : i32
    %dma_start3A_488 = tpu.memref_slice %arg6[%dma_start3A_482, %dma_start3A_486, %dma_start3A_487] : memref<2x128x128xf32, #tpu.memory_space<vmem>> -> memref<1x128x128xf32, #tpu.memory_space<vmem>>
    %dma_start3A_489 = tpu.memref_squeeze %dma_start3A_488 : memref<1x128x128xf32, #tpu.memory_space<vmem>> -> memref<128x128xf32, #tpu.memory_space<vmem>>
    %dma_start3A_490 = arith.constant 0 : i32
    %dma_start3A_491 = tpu.memref_slice %arg5[%dma_start3A_483, %dma_start3A_484, %dma_start3A_485, %dma_start3A_490] : memref<2x8x2x128xi32, #tpu.memory_space<vmem>> -> memref<1x1x1x128xi32, #tpu.memory_space<vmem>>
    %dma_start3A_492 = tpu.memref_squeeze %dma_start3A_491 : memref<1x1x1x128xi32, #tpu.memory_space<vmem>> -> memref<128xi32, #tpu.memory_space<vmem>>
    %dma_start3A_493 = arith.constant 0 : i32
    %dma_start3A_494 = arith.constant 0 : i32
    %dma_start3A_495 = tpu.memref_slice %arg7[%dma_start3A_493, %dma_start3A_494] : memref<10240x128xf32, #tpu.memory_space<vmem_shared>> -> memref<10240x128xf32, #tpu.memory_space<vmem_shared>>
    tpu.enqueue_indirect_dma source(%dma_start3A_489 : memref<128x128xf32, #tpu.memory_space<vmem>>) target(%dma_start3A_495 : memref<10240x128xf32, #tpu.memory_space<vmem_shared>>) offsets(%dma_start3A_492 : memref<128xi32, #tpu.memory_space<vmem>>) semaphore(%arg11 : memref<!tpu.dma_semaphore, #tpu.memory_space<semaphore_mem>>) {add = true}
    %scan3A = arith.constant 0 : i32
    %scan3A_496 = arith.constant 1 : i32
    %scan3A_497 = arith.constant 9 : i32
    %scan3A_498 = arith.addi %scan3A_496, %scan3A_497 : i32
    %scan3A_499 = arith.constant 1 : i32
    scf.for %scan3A_520 = %scan3A_496 to %scan3A_498 step %scan3A_499  : i32 {
      %rem3A = arith.constant 2 : i32
      %rem3A_521 = arith.remsi %scan3A_520, %rem3A : i32
      %sub3A = arith.constant 1 : i32
      %sub3A_522 = arith.subi %sub3A, %rem3A_521 : i32
      %dma_wait3A_523 = arith.constant 1 : i32
      %dma_wait3A_524 = arith.constant 7 : i32
      %dma_wait3A_525 = arith.constant 1 : i32
      %dma_wait3A_526 = arith.constant 0 : i32
      %dma_wait3A_527 = arith.constant 0 : i32
      %dma_wait3A_528 = tpu.memref_slice %arg6[%dma_wait3A_523, %dma_wait3A_526, %dma_wait3A_527] : memref<2x128x128xf32, #tpu.memory_space<vmem>> -> memref<1x128x128xf32, #tpu.memory_space<vmem>>
      %dma_wait3A_529 = tpu.memref_squeeze %dma_wait3A_528 : memref<1x128x128xf32, #tpu.memory_space<vmem>> -> memref<128x128xf32, #tpu.memory_space<vmem>>
      %dma_wait3A_530 = arith.constant 0 : i32
      %dma_wait3A_531 = tpu.memref_slice %arg5[%sub3A_522, %dma_wait3A_524, %dma_wait3A_525, %dma_wait3A_530] : memref<2x8x2x128xi32, #tpu.memory_space<vmem>> -> memref<1x1x1x128xi32, #tpu.memory_space<vmem>>
      %dma_wait3A_532 = tpu.memref_squeeze %dma_wait3A_531 : memref<1x1x1x128xi32, #tpu.memory_space<vmem>> -> memref<128xi32, #tpu.memory_space<vmem>>
      %dma_wait3A_533 = arith.constant 0 : i32
      %dma_wait3A_534 = arith.constant 0 : i32
      %dma_wait3A_535 = tpu.memref_slice %arg7[%dma_wait3A_533, %dma_wait3A_534] : memref<10240x128xf32, #tpu.memory_space<vmem_shared>> -> memref<10240x128xf32, #tpu.memory_space<vmem_shared>>
      tpu.wait_indirect_dma semaphore(%arg11 : memref<!tpu.dma_semaphore, #tpu.memory_space<semaphore_mem>>) src(%dma_wait3A_529 : memref<128x128xf32, #tpu.memory_space<vmem>>) dst(%dma_wait3A_535 : memref<10240x128xf32, #tpu.memory_space<vmem_shared>>)
      %add3A_536 = arith.constant 1 : i32
      %add3A_537 = arith.addi %scan3A_520, %add3A_536 : i32
      %lt3A = arith.constant 10 : i32
      %lt3A_538 = arith.cmpi slt, %add3A_537, %lt3A : i32
      %convert_element_type3A = arith.extui %lt3A_538 : i1 to i32
      %cond3A = arith.constant 0 : i32
      %cond3A_539 = arith.cmpi ne, %convert_element_type3A, %cond3A : i32
      scf.if %cond3A_539 {
        %add3A_937 = arith.constant 1 : i32
        %add3A_938 = arith.addi %scan3A_520, %add3A_937 : i32
        %dma_start3A_939 = arith.constant 0 : i32
        %dma_start3A_940 = arith.constant 0 : i32
        %dma_start3A_941 = arith.constant 0 : i32
        %dma_start3A_942 = tpu.memref_slice %arg5[%sub3A_522, %dma_start3A_939, %dma_start3A_940, %dma_start3A_941] : memref<2x8x2x128xi32, #tpu.memory_space<vmem>> -> memref<1x8x2x128xi32, #tpu.memory_space<vmem>>
        %dma_start3A_943 = tpu.memref_squeeze %dma_start3A_942 : memref<1x8x2x128xi32, #tpu.memory_space<vmem>> -> memref<8x2x128xi32, #tpu.memory_space<vmem>>
        %dma_start3A_944 = arith.constant 0 : i32
        %dma_start3A_945 = arith.constant 0 : i32
        %dma_start3A_946 = arith.constant 0 : i32
        %dma_start3A_947 = tpu.memref_slice %arg3[%add3A, %add3A_938, %dma_start3A_944, %dma_start3A_945, %dma_start3A_946] : memref<32x10x8x2x128xi32, #tpu.memory_space<hbm>> -> memref<1x1x8x2x128xi32, #tpu.memory_space<hbm>>
        %dma_start3A_948 = tpu.memref_squeeze %dma_start3A_947 : memref<1x1x8x2x128xi32, #tpu.memory_space<hbm>> -> memref<8x2x128xi32, #tpu.memory_space<hbm>>
        %dma_start3A_949 = arith.constant 0 : i32
        %dma_start3A_950 = arith.constant 0 : i32
        %dma_start3A_951 = arith.constant 0 : i32
        %dma_start3A_952 = tpu.memref_slice %arg5[%sub3A_522, %dma_start3A_949, %dma_start3A_950, %dma_start3A_951] : memref<2x8x2x128xi32, #tpu.memory_space<vmem>> -> memref<1x8x2x128xi32, #tpu.memory_space<vmem>>
        %dma_start3A_953 = tpu.memref_squeeze %dma_start3A_952 : memref<1x8x2x128xi32, #tpu.memory_space<vmem>> -> memref<8x2x128xi32, #tpu.memory_space<vmem>>
        %dma_start3A_954 = arith.constant 0 : i32
        %dma_start3A_955 = arith.constant 0 : i32
        %dma_start3A_956 = arith.constant 0 : i32
        %dma_start3A_957 = tpu.memref_slice %arg3[%add3A, %add3A_938, %dma_start3A_954, %dma_start3A_955, %dma_start3A_956] : memref<32x10x8x2x128xi32, #tpu.memory_space<hbm>> -> memref<1x1x8x2x128xi32, #tpu.memory_space<hbm>>
        %dma_start3A_958 = tpu.memref_squeeze %dma_start3A_957 : memref<1x1x8x2x128xi32, #tpu.memory_space<hbm>> -> memref<8x2x128xi32, #tpu.memory_space<hbm>>
        tpu.enqueue_dma source(%dma_start3A_958 : memref<8x2x128xi32, #tpu.memory_space<hbm>>) target(%dma_start3A_953 : memref<8x2x128xi32, #tpu.memory_space<vmem>>) target_semaphore(%arg12 : memref<!tpu.dma_semaphore, #tpu.memory_space<semaphore_mem>>)
      } else {
      }
      %dma_start3A_540 = arith.constant 1 : i32
      %dma_start3A_541 = arith.constant 0 : i32
      %dma_start3A_542 = arith.constant 1 : i32
      %dma_start3A_543 = arith.constant 0 : i32
      %dma_start3A_544 = arith.constant 0 : i32
      %dma_start3A_545 = tpu.memref_slice %arg6[%dma_start3A_542, %dma_start3A_543, %dma_start3A_544] : memref<2x128x128xf32, #tpu.memory_space<vmem>> -> memref<1x128x128xf32, #tpu.memory_space<vmem>>
      %dma_start3A_546 = tpu.memref_squeeze %dma_start3A_545 : memref<1x128x128xf32, #tpu.memory_space<vmem>> -> memref<128x128xf32, #tpu.memory_space<vmem>>
      %dma_start3A_547 = arith.constant 0 : i32
      %dma_start3A_548 = tpu.memref_slice %arg5[%rem3A_521, %dma_start3A_540, %dma_start3A_541, %dma_start3A_547] : memref<2x8x2x128xi32, #tpu.memory_space<vmem>> -> memref<1x1x1x128xi32, #tpu.memory_space<vmem>>
      %dma_start3A_549 = tpu.memref_squeeze %dma_start3A_548 : memref<1x1x1x128xi32, #tpu.memory_space<vmem>> -> memref<128xi32, #tpu.memory_space<vmem>>
      %dma_start3A_550 = arith.constant 0 : i32
      %dma_start3A_551 = arith.constant 0 : i32
      %dma_start3A_552 = tpu.memref_slice %arg2[%dma_start3A_550, %dma_start3A_551] : memref<10240x128xf32, #tpu.memory_space<hbm>> -> memref<10240x128xf32, #tpu.memory_space<hbm>>
      tpu.enqueue_indirect_dma source(%dma_start3A_552 : memref<10240x128xf32, #tpu.memory_space<hbm>>) target(%dma_start3A_546 : memref<128x128xf32, #tpu.memory_space<vmem>>) offsets(%dma_start3A_549 : memref<128xi32, #tpu.memory_space<vmem>>) semaphore(%arg9 : memref<!tpu.dma_semaphore, #tpu.memory_space<semaphore_mem>>)
      %dma_wait3A_553 = arith.constant 0 : i32
      %dma_wait3A_554 = arith.constant 0 : i32
      %dma_wait3A_555 = arith.constant 0 : i32
      %dma_wait3A_556 = arith.constant 0 : i32
      %dma_wait3A_557 = arith.constant 0 : i32
      %dma_wait3A_558 = tpu.memref_slice %arg6[%dma_wait3A_555, %dma_wait3A_556, %dma_wait3A_557] : memref<2x128x128xf32, #tpu.memory_space<vmem>> -> memref<1x128x128xf32, #tpu.memory_space<vmem>>
      %dma_wait3A_559 = tpu.memref_squeeze %dma_wait3A_558 : memref<1x128x128xf32, #tpu.memory_space<vmem>> -> memref<128x128xf32, #tpu.memory_space<vmem>>
      %dma_wait3A_560 = arith.constant 0 : i32
      %dma_wait3A_561 = tpu.memref_slice %arg5[%rem3A_521, %dma_wait3A_553, %dma_wait3A_554, %dma_wait3A_560] : memref<2x8x2x128xi32, #tpu.memory_space<vmem>> -> memref<1x1x1x128xi32, #tpu.memory_space<vmem>>
      %dma_wait3A_562 = tpu.memref_squeeze %dma_wait3A_561 : memref<1x1x1x128xi32, #tpu.memory_space<vmem>> -> memref<128xi32, #tpu.memory_space<vmem>>
      %dma_wait3A_563 = arith.constant 0 : i32
      %dma_wait3A_564 = arith.constant 0 : i32
      %dma_wait3A_565 = tpu.memref_slice %arg2[%dma_wait3A_563, %dma_wait3A_564] : memref<10240x128xf32, #tpu.memory_space<hbm>> -> memref<10240x128xf32, #tpu.memory_space<hbm>>
      tpu.wait_indirect_dma semaphore(%arg8 : memref<!tpu.dma_semaphore, #tpu.memory_space<semaphore_mem>>) src(%dma_wait3A_565 : memref<10240x128xf32, #tpu.memory_space<hbm>>) dst(%dma_wait3A_559 : memref<128x128xf32, #tpu.memory_space<vmem>>)
      %dma_start3A_566 = arith.constant 0 : i32
      %dma_start3A_567 = arith.constant 0 : i32
      %dma_start3A_568 = arith.constant 1 : i32
      %dma_start3A_569 = arith.constant 0 : i32
      %dma_start3A_570 = arith.constant 0 : i32
      %dma_start3A_571 = tpu.memref_slice %arg6[%dma_start3A_566, %dma_start3A_569, %dma_start3A_570] : memref<2x128x128xf32, #tpu.memory_space<vmem>> -> memref<1x128x128xf32, #tpu.memory_space<vmem>>
      %dma_start3A_572 = tpu.memref_squeeze %dma_start3A_571 : memref<1x128x128xf32, #tpu.memory_space<vmem>> -> memref<128x128xf32, #tpu.memory_space<vmem>>
      %dma_start3A_573 = arith.constant 0 : i32
      %dma_start3A_574 = tpu.memref_slice %arg5[%rem3A_521, %dma_start3A_567, %dma_start3A_568, %dma_start3A_573] : memref<2x8x2x128xi32, #tpu.memory_space<vmem>> -> memref<1x1x1x128xi32, #tpu.memory_space<vmem>>
      %dma_start3A_575 = tpu.memref_squeeze %dma_start3A_574 : memref<1x1x1x128xi32, #tpu.memory_space<vmem>> -> memref<128xi32, #tpu.memory_space<vmem>>
      %dma_start3A_576 = arith.constant 0 : i32
      %dma_start3A_577 = arith.constant 0 : i32
      %dma_start3A_578 = tpu.memref_slice %arg7[%dma_start3A_576, %dma_start3A_577] : memref<10240x128xf32, #tpu.memory_space<vmem_shared>> -> memref<10240x128xf32, #tpu.memory_space<vmem_shared>>
      tpu.enqueue_indirect_dma source(%dma_start3A_572 : memref<128x128xf32, #tpu.memory_space<vmem>>) target(%dma_start3A_578 : memref<10240x128xf32, #tpu.memory_space<vmem_shared>>) offsets(%dma_start3A_575 : memref<128xi32, #tpu.memory_space<vmem>>) semaphore(%arg10 : memref<!tpu.dma_semaphore, #tpu.memory_space<semaphore_mem>>) {add = true}
      %dma_wait3A_579 = arith.constant 0 : i32
      %dma_wait3A_580 = arith.constant 0 : i32
      %dma_wait3A_581 = arith.constant 1 : i32
      %dma_wait3A_582 = arith.constant 0 : i32
      %dma_wait3A_583 = arith.constant 0 : i32
      %dma_wait3A_584 = tpu.memref_slice %arg6[%dma_wait3A_579, %dma_wait3A_582, %dma_wait3A_583] : memref<2x128x128xf32, #tpu.memory_space<vmem>> -> memref<1x128x128xf32, #tpu.memory_space<vmem>>
      %dma_wait3A_585 = tpu.memref_squeeze %dma_wait3A_584 : memref<1x128x128xf32, #tpu.memory_space<vmem>> -> memref<128x128xf32, #tpu.memory_space<vmem>>
      %dma_wait3A_586 = arith.constant 0 : i32
      %dma_wait3A_587 = tpu.memref_slice %arg5[%rem3A_521, %dma_wait3A_580, %dma_wait3A_581, %dma_wait3A_586] : memref<2x8x2x128xi32, #tpu.memory_space<vmem>> -> memref<1x1x1x128xi32, #tpu.memory_space<vmem>>
      %dma_wait3A_588 = tpu.memref_squeeze %dma_wait3A_587 : memref<1x1x1x128xi32, #tpu.memory_space<vmem>> -> memref<128xi32, #tpu.memory_space<vmem>>
      %dma_wait3A_589 = arith.constant 0 : i32
      %dma_wait3A_590 = arith.constant 0 : i32
      %dma_wait3A_591 = tpu.memref_slice %arg7[%dma_wait3A_589, %dma_wait3A_590] : memref<10240x128xf32, #tpu.memory_space<vmem_shared>> -> memref<10240x128xf32, #tpu.memory_space<vmem_shared>>
      tpu.wait_indirect_dma semaphore(%arg10 : memref<!tpu.dma_semaphore, #tpu.memory_space<semaphore_mem>>) src(%dma_wait3A_585 : memref<128x128xf32, #tpu.memory_space<vmem>>) dst(%dma_wait3A_591 : memref<10240x128xf32, #tpu.memory_space<vmem_shared>>)
      %dma_start3A_592 = arith.constant 2 : i32
      %dma_start3A_593 = arith.constant 0 : i32
      %dma_start3A_594 = arith.constant 0 : i32
      %dma_start3A_595 = arith.constant 0 : i32
      %dma_start3A_596 = arith.constant 0 : i32
      %dma_start3A_597 = tpu.memref_slice %arg6[%dma_start3A_594, %dma_start3A_595, %dma_start3A_596] : memref<2x128x128xf32, #tpu.memory_space<vmem>> -> memref<1x128x128xf32, #tpu.memory_space<vmem>>
      %dma_start3A_598 = tpu.memref_squeeze %dma_start3A_597 : memref<1x128x128xf32, #tpu.memory_space<vmem>> -> memref<128x128xf32, #tpu.memory_space<vmem>>
      %dma_start3A_599 = arith.constant 0 : i32
      %dma_start3A_600 = tpu.memref_slice %arg5[%rem3A_521, %dma_start3A_592, %dma_start3A_593, %dma_start3A_599] : memref<2x8x2x128xi32, #tpu.memory_space<vmem>> -> memref<1x1x1x128xi32, #tpu.memory_space<vmem>>
      %dma_start3A_601 = tpu.memref_squeeze %dma_start3A_600 : memref<1x1x1x128xi32, #tpu.memory_space<vmem>> -> memref<128xi32, #tpu.memory_space<vmem>>
      %dma_start3A_602 = arith.constant 0 : i32
      %dma_start3A_603 = arith.constant 0 : i32
      %dma_start3A_604 = tpu.memref_slice %arg2[%dma_start3A_602, %dma_start3A_603] : memref<10240x128xf32, #tpu.memory_space<hbm>> -> memref<10240x128xf32, #tpu.memory_space<hbm>>
      tpu.enqueue_indirect_dma source(%dma_start3A_604 : memref<10240x128xf32, #tpu.memory_space<hbm>>) target(%dma_start3A_598 : memref<128x128xf32, #tpu.memory_space<vmem>>) offsets(%dma_start3A_601 : memref<128xi32, #tpu.memory_space<vmem>>) semaphore(%arg8 : memref<!tpu.dma_semaphore, #tpu.memory_space<semaphore_mem>>)
      %dma_wait3A_605 = arith.constant 1 : i32
      %dma_wait3A_606 = arith.constant 0 : i32
      %dma_wait3A_607 = arith.constant 1 : i32
      %dma_wait3A_608 = arith.constant 0 : i32
      %dma_wait3A_609 = arith.constant 0 : i32
      %dma_wait3A_610 = tpu.memref_slice %arg6[%dma_wait3A_607, %dma_wait3A_608, %dma_wait3A_609] : memref<2x128x128xf32, #tpu.memory_space<vmem>> -> memref<1x128x128xf32, #tpu.memory_space<vmem>>
      %dma_wait3A_611 = tpu.memref_squeeze %dma_wait3A_610 : memref<1x128x128xf32, #tpu.memory_space<vmem>> -> memref<128x128xf32, #tpu.memory_space<vmem>>
      %dma_wait3A_612 = arith.constant 0 : i32
      %dma_wait3A_613 = tpu.memref_slice %arg5[%rem3A_521, %dma_wait3A_605, %dma_wait3A_606, %dma_wait3A_612] : memref<2x8x2x128xi32, #tpu.memory_space<vmem>> -> memref<1x1x1x128xi32, #tpu.memory_space<vmem>>
      %dma_wait3A_614 = tpu.memref_squeeze %dma_wait3A_613 : memref<1x1x1x128xi32, #tpu.memory_space<vmem>> -> memref<128xi32, #tpu.memory_space<vmem>>
      %dma_wait3A_615 = arith.constant 0 : i32
      %dma_wait3A_616 = arith.constant 0 : i32
      %dma_wait3A_617 = tpu.memref_slice %arg2[%dma_wait3A_615, %dma_wait3A_616] : memref<10240x128xf32, #tpu.memory_space<hbm>> -> memref<10240x128xf32, #tpu.memory_space<hbm>>
      tpu.wait_indirect_dma semaphore(%arg9 : memref<!tpu.dma_semaphore, #tpu.memory_space<semaphore_mem>>) src(%dma_wait3A_617 : memref<10240x128xf32, #tpu.memory_space<hbm>>) dst(%dma_wait3A_611 : memref<128x128xf32, #tpu.memory_space<vmem>>)
      %dma_start3A_618 = arith.constant 1 : i32
      %dma_start3A_619 = arith.constant 1 : i32
      %dma_start3A_620 = arith.constant 1 : i32
      %dma_start3A_621 = arith.constant 0 : i32
      %dma_start3A_622 = arith.constant 0 : i32
      %dma_start3A_623 = tpu.memref_slice %arg6[%dma_start3A_618, %dma_start3A_621, %dma_start3A_622] : memref<2x128x128xf32, #tpu.memory_space<vmem>> -> memref<1x128x128xf32, #tpu.memory_space<vmem>>
      %dma_start3A_624 = tpu.memref_squeeze %dma_start3A_623 : memref<1x128x128xf32, #tpu.memory_space<vmem>> -> memref<128x128xf32, #tpu.memory_space<vmem>>
      %dma_start3A_625 = arith.constant 0 : i32
      %dma_start3A_626 = tpu.memref_slice %arg5[%rem3A_521, %dma_start3A_619, %dma_start3A_620, %dma_start3A_625] : memref<2x8x2x128xi32, #tpu.memory_space<vmem>> -> memref<1x1x1x128xi32, #tpu.memory_space<vmem>>
      %dma_start3A_627 = tpu.memref_squeeze %dma_start3A_626 : memref<1x1x1x128xi32, #tpu.memory_space<vmem>> -> memref<128xi32, #tpu.memory_space<vmem>>
      %dma_start3A_628 = arith.constant 0 : i32
      %dma_start3A_629 = arith.constant 0 : i32
      %dma_start3A_630 = tpu.memref_slice %arg7[%dma_start3A_628, %dma_start3A_629] : memref<10240x128xf32, #tpu.memory_space<vmem_shared>> -> memref<10240x128xf32, #tpu.memory_space<vmem_shared>>
      tpu.enqueue_indirect_dma source(%dma_start3A_624 : memref<128x128xf32, #tpu.memory_space<vmem>>) target(%dma_start3A_630 : memref<10240x128xf32, #tpu.memory_space<vmem_shared>>) offsets(%dma_start3A_627 : memref<128xi32, #tpu.memory_space<vmem>>) semaphore(%arg11 : memref<!tpu.dma_semaphore, #tpu.memory_space<semaphore_mem>>) {add = true}
      %dma_wait3A_631 = arith.constant 1 : i32
      %dma_wait3A_632 = arith.constant 1 : i32
      %dma_wait3A_633 = arith.constant 1 : i32
      %dma_wait3A_634 = arith.constant 0 : i32
      %dma_wait3A_635 = arith.constant 0 : i32
      %dma_wait3A_636 = tpu.memref_slice %arg6[%dma_wait3A_631, %dma_wait3A_634, %dma_wait3A_635] : memref<2x128x128xf32, #tpu.memory_space<vmem>> -> memref<1x128x128xf32, #tpu.memory_space<vmem>>
      %dma_wait3A_637 = tpu.memref_squeeze %dma_wait3A_636 : memref<1x128x128xf32, #tpu.memory_space<vmem>> -> memref<128x128xf32, #tpu.memory_space<vmem>>
      %dma_wait3A_638 = arith.constant 0 : i32
      %dma_wait3A_639 = tpu.memref_slice %arg5[%rem3A_521, %dma_wait3A_632, %dma_wait3A_633, %dma_wait3A_638] : memref<2x8x2x128xi32, #tpu.memory_space<vmem>> -> memref<1x1x1x128xi32, #tpu.memory_space<vmem>>
      %dma_wait3A_640 = tpu.memref_squeeze %dma_wait3A_639 : memref<1x1x1x128xi32, #tpu.memory_space<vmem>> -> memref<128xi32, #tpu.memory_space<vmem>>
      %dma_wait3A_641 = arith.constant 0 : i32
      %dma_wait3A_642 = arith.constant 0 : i32
      %dma_wait3A_643 = tpu.memref_slice %arg7[%dma_wait3A_641, %dma_wait3A_642] : memref<10240x128xf32, #tpu.memory_space<vmem_shared>> -> memref<10240x128xf32, #tpu.memory_space<vmem_shared>>
      tpu.wait_indirect_dma semaphore(%arg11 : memref<!tpu.dma_semaphore, #tpu.memory_space<semaphore_mem>>) src(%dma_wait3A_637 : memref<128x128xf32, #tpu.memory_space<vmem>>) dst(%dma_wait3A_643 : memref<10240x128xf32, #tpu.memory_space<vmem_shared>>)
      %dma_start3A_644 = arith.constant 3 : i32
      %dma_start3A_645 = arith.constant 0 : i32
      %dma_start3A_646 = arith.constant 1 : i32
      %dma_start3A_647 = arith.constant 0 : i32
      %dma_start3A_648 = arith.constant 0 : i32
      %dma_start3A_649 = tpu.memref_slice %arg6[%dma_start3A_646, %dma_start3A_647, %dma_start3A_648] : memref<2x128x128xf32, #tpu.memory_space<vmem>> -> memref<1x128x128xf32, #tpu.memory_space<vmem>>
      %dma_start3A_650 = tpu.memref_squeeze %dma_start3A_649 : memref<1x128x128xf32, #tpu.memory_space<vmem>> -> memref<128x128xf32, #tpu.memory_space<vmem>>
      %dma_start3A_651 = arith.constant 0 : i32
      %dma_start3A_652 = tpu.memref_slice %arg5[%rem3A_521, %dma_start3A_644, %dma_start3A_645, %dma_start3A_651] : memref<2x8x2x128xi32, #tpu.memory_space<vmem>> -> memref<1x1x1x128xi32, #tpu.memory_space<vmem>>
      %dma_start3A_653 = tpu.memref_squeeze %dma_start3A_652 : memref<1x1x1x128xi32, #tpu.memory_space<vmem>> -> memref<128xi32, #tpu.memory_space<vmem>>
      %dma_start3A_654 = arith.constant 0 : i32
      %dma_start3A_655 = arith.constant 0 : i32
      %dma_start3A_656 = tpu.memref_slice %arg2[%dma_start3A_654, %dma_start3A_655] : memref<10240x128xf32, #tpu.memory_space<hbm>> -> memref<10240x128xf32, #tpu.memory_space<hbm>>
      tpu.enqueue_indirect_dma source(%dma_start3A_656 : memref<10240x128xf32, #tpu.memory_space<hbm>>) target(%dma_start3A_650 : memref<128x128xf32, #tpu.memory_space<vmem>>) offsets(%dma_start3A_653 : memref<128xi32, #tpu.memory_space<vmem>>) semaphore(%arg9 : memref<!tpu.dma_semaphore, #tpu.memory_space<semaphore_mem>>)
      %dma_wait3A_657 = arith.constant 2 : i32
      %dma_wait3A_658 = arith.constant 0 : i32
      %dma_wait3A_659 = arith.constant 0 : i32
      %dma_wait3A_660 = arith.constant 0 : i32
      %dma_wait3A_661 = arith.constant 0 : i32
      %dma_wait3A_662 = tpu.memref_slice %arg6[%dma_wait3A_659, %dma_wait3A_660, %dma_wait3A_661] : memref<2x128x128xf32, #tpu.memory_space<vmem>> -> memref<1x128x128xf32, #tpu.memory_space<vmem>>
      %dma_wait3A_663 = tpu.memref_squeeze %dma_wait3A_662 : memref<1x128x128xf32, #tpu.memory_space<vmem>> -> memref<128x128xf32, #tpu.memory_space<vmem>>
      %dma_wait3A_664 = arith.constant 0 : i32
      %dma_wait3A_665 = tpu.memref_slice %arg5[%rem3A_521, %dma_wait3A_657, %dma_wait3A_658, %dma_wait3A_664] : memref<2x8x2x128xi32, #tpu.memory_space<vmem>> -> memref<1x1x1x128xi32, #tpu.memory_space<vmem>>
      %dma_wait3A_666 = tpu.memref_squeeze %dma_wait3A_665 : memref<1x1x1x128xi32, #tpu.memory_space<vmem>> -> memref<128xi32, #tpu.memory_space<vmem>>
      %dma_wait3A_667 = arith.constant 0 : i32
      %dma_wait3A_668 = arith.constant 0 : i32
      %dma_wait3A_669 = tpu.memref_slice %arg2[%dma_wait3A_667, %dma_wait3A_668] : memref<10240x128xf32, #tpu.memory_space<hbm>> -> memref<10240x128xf32, #tpu.memory_space<hbm>>
      tpu.wait_indirect_dma semaphore(%arg8 : memref<!tpu.dma_semaphore, #tpu.memory_space<semaphore_mem>>) src(%dma_wait3A_669 : memref<10240x128xf32, #tpu.memory_space<hbm>>) dst(%dma_wait3A_663 : memref<128x128xf32, #tpu.memory_space<vmem>>)
      %dma_start3A_670 = arith.constant 0 : i32
      %dma_start3A_671 = arith.constant 2 : i32
      %dma_start3A_672 = arith.constant 1 : i32
      %dma_start3A_673 = arith.constant 0 : i32
      %dma_start3A_674 = arith.constant 0 : i32
      %dma_start3A_675 = tpu.memref_slice %arg6[%dma_start3A_670, %dma_start3A_673, %dma_start3A_674] : memref<2x128x128xf32, #tpu.memory_space<vmem>> -> memref<1x128x128xf32, #tpu.memory_space<vmem>>
      %dma_start3A_676 = tpu.memref_squeeze %dma_start3A_675 : memref<1x128x128xf32, #tpu.memory_space<vmem>> -> memref<128x128xf32, #tpu.memory_space<vmem>>
      %dma_start3A_677 = arith.constant 0 : i32
      %dma_start3A_678 = tpu.memref_slice %arg5[%rem3A_521, %dma_start3A_671, %dma_start3A_672, %dma_start3A_677] : memref<2x8x2x128xi32, #tpu.memory_space<vmem>> -> memref<1x1x1x128xi32, #tpu.memory_space<vmem>>
      %dma_start3A_679 = tpu.memref_squeeze %dma_start3A_678 : memref<1x1x1x128xi32, #tpu.memory_space<vmem>> -> memref<128xi32, #tpu.memory_space<vmem>>
      %dma_start3A_680 = arith.constant 0 : i32
      %dma_start3A_681 = arith.constant 0 : i32
      %dma_start3A_682 = tpu.memref_slice %arg7[%dma_start3A_680, %dma_start3A_681] : memref<10240x128xf32, #tpu.memory_space<vmem_shared>> -> memref<10240x128xf32, #tpu.memory_space<vmem_shared>>
      tpu.enqueue_indirect_dma source(%dma_start3A_676 : memref<128x128xf32, #tpu.memory_space<vmem>>) target(%dma_start3A_682 : memref<10240x128xf32, #tpu.memory_space<vmem_shared>>) offsets(%dma_start3A_679 : memref<128xi32, #tpu.memory_space<vmem>>) semaphore(%arg10 : memref<!tpu.dma_semaphore, #tpu.memory_space<semaphore_mem>>) {add = true}
      %dma_wait3A_683 = arith.constant 0 : i32
      %dma_wait3A_684 = arith.constant 2 : i32
      %dma_wait3A_685 = arith.constant 1 : i32
      %dma_wait3A_686 = arith.constant 0 : i32
      %dma_wait3A_687 = arith.constant 0 : i32
      %dma_wait3A_688 = tpu.memref_slice %arg6[%dma_wait3A_683, %dma_wait3A_686, %dma_wait3A_687] : memref<2x128x128xf32, #tpu.memory_space<vmem>> -> memref<1x128x128xf32, #tpu.memory_space<vmem>>
      %dma_wait3A_689 = tpu.memref_squeeze %dma_wait3A_688 : memref<1x128x128xf32, #tpu.memory_space<vmem>> -> memref<128x128xf32, #tpu.memory_space<vmem>>
      %dma_wait3A_690 = arith.constant 0 : i32
      %dma_wait3A_691 = tpu.memref_slice %arg5[%rem3A_521, %dma_wait3A_684, %dma_wait3A_685, %dma_wait3A_690] : memref<2x8x2x128xi32, #tpu.memory_space<vmem>> -> memref<1x1x1x128xi32, #tpu.memory_space<vmem>>
      %dma_wait3A_692 = tpu.memref_squeeze %dma_wait3A_691 : memref<1x1x1x128xi32, #tpu.memory_space<vmem>> -> memref<128xi32, #tpu.memory_space<vmem>>
      %dma_wait3A_693 = arith.constant 0 : i32
      %dma_wait3A_694 = arith.constant 0 : i32
      %dma_wait3A_695 = tpu.memref_slice %arg7[%dma_wait3A_693, %dma_wait3A_694] : memref<10240x128xf32, #tpu.memory_space<vmem_shared>> -> memref<10240x128xf32, #tpu.memory_space<vmem_shared>>
      tpu.wait_indirect_dma semaphore(%arg10 : memref<!tpu.dma_semaphore, #tpu.memory_space<semaphore_mem>>) src(%dma_wait3A_689 : memref<128x128xf32, #tpu.memory_space<vmem>>) dst(%dma_wait3A_695 : memref<10240x128xf32, #tpu.memory_space<vmem_shared>>)
      %dma_start3A_696 = arith.constant 4 : i32
      %dma_start3A_697 = arith.constant 0 : i32
      %dma_start3A_698 = arith.constant 0 : i32
      %dma_start3A_699 = arith.constant 0 : i32
      %dma_start3A_700 = arith.constant 0 : i32
      %dma_start3A_701 = tpu.memref_slice %arg6[%dma_start3A_698, %dma_start3A_699, %dma_start3A_700] : memref<2x128x128xf32, #tpu.memory_space<vmem>> -> memref<1x128x128xf32, #tpu.memory_space<vmem>>
      %dma_start3A_702 = tpu.memref_squeeze %dma_start3A_701 : memref<1x128x128xf32, #tpu.memory_space<vmem>> -> memref<128x128xf32, #tpu.memory_space<vmem>>
      %dma_start3A_703 = arith.constant 0 : i32
      %dma_start3A_704 = tpu.memref_slice %arg5[%rem3A_521, %dma_start3A_696, %dma_start3A_697, %dma_start3A_703] : memref<2x8x2x128xi32, #tpu.memory_space<vmem>> -> memref<1x1x1x128xi32, #tpu.memory_space<vmem>>
      %dma_start3A_705 = tpu.memref_squeeze %dma_start3A_704 : memref<1x1x1x128xi32, #tpu.memory_space<vmem>> -> memref<128xi32, #tpu.memory_space<vmem>>
      %dma_start3A_706 = arith.constant 0 : i32
      %dma_start3A_707 = arith.constant 0 : i32
      %dma_start3A_708 = tpu.memref_slice %arg2[%dma_start3A_706, %dma_start3A_707] : memref<10240x128xf32, #tpu.memory_space<hbm>> -> memref<10240x128xf32, #tpu.memory_space<hbm>>
      tpu.enqueue_indirect_dma source(%dma_start3A_708 : memref<10240x128xf32, #tpu.memory_space<hbm>>) target(%dma_start3A_702 : memref<128x128xf32, #tpu.memory_space<vmem>>) offsets(%dma_start3A_705 : memref<128xi32, #tpu.memory_space<vmem>>) semaphore(%arg8 : memref<!tpu.dma_semaphore, #tpu.memory_space<semaphore_mem>>)
      %dma_wait3A_709 = arith.constant 3 : i32
      %dma_wait3A_710 = arith.constant 0 : i32
      %dma_wait3A_711 = arith.constant 1 : i32
      %dma_wait3A_712 = arith.constant 0 : i32
      %dma_wait3A_713 = arith.constant 0 : i32
      %dma_wait3A_714 = tpu.memref_slice %arg6[%dma_wait3A_711, %dma_wait3A_712, %dma_wait3A_713] : memref<2x128x128xf32, #tpu.memory_space<vmem>> -> memref<1x128x128xf32, #tpu.memory_space<vmem>>
      %dma_wait3A_715 = tpu.memref_squeeze %dma_wait3A_714 : memref<1x128x128xf32, #tpu.memory_space<vmem>> -> memref<128x128xf32, #tpu.memory_space<vmem>>
      %dma_wait3A_716 = arith.constant 0 : i32
      %dma_wait3A_717 = tpu.memref_slice %arg5[%rem3A_521, %dma_wait3A_709, %dma_wait3A_710, %dma_wait3A_716] : memref<2x8x2x128xi32, #tpu.memory_space<vmem>> -> memref<1x1x1x128xi32, #tpu.memory_space<vmem>>
      %dma_wait3A_718 = tpu.memref_squeeze %dma_wait3A_717 : memref<1x1x1x128xi32, #tpu.memory_space<vmem>> -> memref<128xi32, #tpu.memory_space<vmem>>
      %dma_wait3A_719 = arith.constant 0 : i32
      %dma_wait3A_720 = arith.constant 0 : i32
      %dma_wait3A_721 = tpu.memref_slice %arg2[%dma_wait3A_719, %dma_wait3A_720] : memref<10240x128xf32, #tpu.memory_space<hbm>> -> memref<10240x128xf32, #tpu.memory_space<hbm>>
      tpu.wait_indirect_dma semaphore(%arg9 : memref<!tpu.dma_semaphore, #tpu.memory_space<semaphore_mem>>) src(%dma_wait3A_721 : memref<10240x128xf32, #tpu.memory_space<hbm>>) dst(%dma_wait3A_715 : memref<128x128xf32, #tpu.memory_space<vmem>>)
      %dma_start3A_722 = arith.constant 1 : i32
      %dma_start3A_723 = arith.constant 3 : i32
      %dma_start3A_724 = arith.constant 1 : i32
      %dma_start3A_725 = arith.constant 0 : i32
      %dma_start3A_726 = arith.constant 0 : i32
      %dma_start3A_727 = tpu.memref_slice %arg6[%dma_start3A_722, %dma_start3A_725, %dma_start3A_726] : memref<2x128x128xf32, #tpu.memory_space<vmem>> -> memref<1x128x128xf32, #tpu.memory_space<vmem>>
      %dma_start3A_728 = tpu.memref_squeeze %dma_start3A_727 : memref<1x128x128xf32, #tpu.memory_space<vmem>> -> memref<128x128xf32, #tpu.memory_space<vmem>>
      %dma_start3A_729 = arith.constant 0 : i32
      %dma_start3A_730 = tpu.memref_slice %arg5[%rem3A_521, %dma_start3A_723, %dma_start3A_724, %dma_start3A_729] : memref<2x8x2x128xi32, #tpu.memory_space<vmem>> -> memref<1x1x1x128xi32, #tpu.memory_space<vmem>>
      %dma_start3A_731 = tpu.memref_squeeze %dma_start3A_730 : memref<1x1x1x128xi32, #tpu.memory_space<vmem>> -> memref<128xi32, #tpu.memory_space<vmem>>
      %dma_start3A_732 = arith.constant 0 : i32
      %dma_start3A_733 = arith.constant 0 : i32
      %dma_start3A_734 = tpu.memref_slice %arg7[%dma_start3A_732, %dma_start3A_733] : memref<10240x128xf32, #tpu.memory_space<vmem_shared>> -> memref<10240x128xf32, #tpu.memory_space<vmem_shared>>
      tpu.enqueue_indirect_dma source(%dma_start3A_728 : memref<128x128xf32, #tpu.memory_space<vmem>>) target(%dma_start3A_734 : memref<10240x128xf32, #tpu.memory_space<vmem_shared>>) offsets(%dma_start3A_731 : memref<128xi32, #tpu.memory_space<vmem>>) semaphore(%arg11 : memref<!tpu.dma_semaphore, #tpu.memory_space<semaphore_mem>>) {add = true}
      %dma_wait3A_735 = arith.constant 1 : i32
      %dma_wait3A_736 = arith.constant 3 : i32
      %dma_wait3A_737 = arith.constant 1 : i32
      %dma_wait3A_738 = arith.constant 0 : i32
      %dma_wait3A_739 = arith.constant 0 : i32
      %dma_wait3A_740 = tpu.memref_slice %arg6[%dma_wait3A_735, %dma_wait3A_738, %dma_wait3A_739] : memref<2x128x128xf32, #tpu.memory_space<vmem>> -> memref<1x128x128xf32, #tpu.memory_space<vmem>>
      %dma_wait3A_741 = tpu.memref_squeeze %dma_wait3A_740 : memref<1x128x128xf32, #tpu.memory_space<vmem>> -> memref<128x128xf32, #tpu.memory_space<vmem>>
      %dma_wait3A_742 = arith.constant 0 : i32
      %dma_wait3A_743 = tpu.memref_slice %arg5[%rem3A_521, %dma_wait3A_736, %dma_wait3A_737, %dma_wait3A_742] : memref<2x8x2x128xi32, #tpu.memory_space<vmem>> -> memref<1x1x1x128xi32, #tpu.memory_space<vmem>>
      %dma_wait3A_744 = tpu.memref_squeeze %dma_wait3A_743 : memref<1x1x1x128xi32, #tpu.memory_space<vmem>> -> memref<128xi32, #tpu.memory_space<vmem>>
      %dma_wait3A_745 = arith.constant 0 : i32
      %dma_wait3A_746 = arith.constant 0 : i32
      %dma_wait3A_747 = tpu.memref_slice %arg7[%dma_wait3A_745, %dma_wait3A_746] : memref<10240x128xf32, #tpu.memory_space<vmem_shared>> -> memref<10240x128xf32, #tpu.memory_space<vmem_shared>>
      tpu.wait_indirect_dma semaphore(%arg11 : memref<!tpu.dma_semaphore, #tpu.memory_space<semaphore_mem>>) src(%dma_wait3A_741 : memref<128x128xf32, #tpu.memory_space<vmem>>) dst(%dma_wait3A_747 : memref<10240x128xf32, #tpu.memory_space<vmem_shared>>)
      %dma_start3A_748 = arith.constant 5 : i32
      %dma_start3A_749 = arith.constant 0 : i32
      %dma_start3A_750 = arith.constant 1 : i32
      %dma_start3A_751 = arith.constant 0 : i32
      %dma_start3A_752 = arith.constant 0 : i32
      %dma_start3A_753 = tpu.memref_slice %arg6[%dma_start3A_750, %dma_start3A_751, %dma_start3A_752] : memref<2x128x128xf32, #tpu.memory_space<vmem>> -> memref<1x128x128xf32, #tpu.memory_space<vmem>>
      %dma_start3A_754 = tpu.memref_squeeze %dma_start3A_753 : memref<1x128x128xf32, #tpu.memory_space<vmem>> -> memref<128x128xf32, #tpu.memory_space<vmem>>
      %dma_start3A_755 = arith.constant 0 : i32
      %dma_start3A_756 = tpu.memref_slice %arg5[%rem3A_521, %dma_start3A_748, %dma_start3A_749, %dma_start3A_755] : memref<2x8x2x128xi32, #tpu.memory_space<vmem>> -> memref<1x1x1x128xi32, #tpu.memory_space<vmem>>
      %dma_start3A_757 = tpu.memref_squeeze %dma_start3A_756 : memref<1x1x1x128xi32, #tpu.memory_space<vmem>> -> memref<128xi32, #tpu.memory_space<vmem>>
      %dma_start3A_758 = arith.constant 0 : i32
      %dma_start3A_759 = arith.constant 0 : i32
      %dma_start3A_760 = tpu.memref_slice %arg2[%dma_start3A_758, %dma_start3A_759] : memref<10240x128xf32, #tpu.memory_space<hbm>> -> memref<10240x128xf32, #tpu.memory_space<hbm>>
      tpu.enqueue_indirect_dma source(%dma_start3A_760 : memref<10240x128xf32, #tpu.memory_space<hbm>>) target(%dma_start3A_754 : memref<128x128xf32, #tpu.memory_space<vmem>>) offsets(%dma_start3A_757 : memref<128xi32, #tpu.memory_space<vmem>>) semaphore(%arg9 : memref<!tpu.dma_semaphore, #tpu.memory_space<semaphore_mem>>)
      %dma_wait3A_761 = arith.constant 4 : i32
      %dma_wait3A_762 = arith.constant 0 : i32
      %dma_wait3A_763 = arith.constant 0 : i32
      %dma_wait3A_764 = arith.constant 0 : i32
      %dma_wait3A_765 = arith.constant 0 : i32
      %dma_wait3A_766 = tpu.memref_slice %arg6[%dma_wait3A_763, %dma_wait3A_764, %dma_wait3A_765] : memref<2x128x128xf32, #tpu.memory_space<vmem>> -> memref<1x128x128xf32, #tpu.memory_space<vmem>>
      %dma_wait3A_767 = tpu.memref_squeeze %dma_wait3A_766 : memref<1x128x128xf32, #tpu.memory_space<vmem>> -> memref<128x128xf32, #tpu.memory_space<vmem>>
      %dma_wait3A_768 = arith.constant 0 : i32
      %dma_wait3A_769 = tpu.memref_slice %arg5[%rem3A_521, %dma_wait3A_761, %dma_wait3A_762, %dma_wait3A_768] : memref<2x8x2x128xi32, #tpu.memory_space<vmem>> -> memref<1x1x1x128xi32, #tpu.memory_space<vmem>>
      %dma_wait3A_770 = tpu.memref_squeeze %dma_wait3A_769 : memref<1x1x1x128xi32, #tpu.memory_space<vmem>> -> memref<128xi32, #tpu.memory_space<vmem>>
      %dma_wait3A_771 = arith.constant 0 : i32
      %dma_wait3A_772 = arith.constant 0 : i32
      %dma_wait3A_773 = tpu.memref_slice %arg2[%dma_wait3A_771, %dma_wait3A_772] : memref<10240x128xf32, #tpu.memory_space<hbm>> -> memref<10240x128xf32, #tpu.memory_space<hbm>>
      tpu.wait_indirect_dma semaphore(%arg8 : memref<!tpu.dma_semaphore, #tpu.memory_space<semaphore_mem>>) src(%dma_wait3A_773 : memref<10240x128xf32, #tpu.memory_space<hbm>>) dst(%dma_wait3A_767 : memref<128x128xf32, #tpu.memory_space<vmem>>)
      %dma_start3A_774 = arith.constant 0 : i32
      %dma_start3A_775 = arith.constant 4 : i32
      %dma_start3A_776 = arith.constant 1 : i32
      %dma_start3A_777 = arith.constant 0 : i32
      %dma_start3A_778 = arith.constant 0 : i32
      %dma_start3A_779 = tpu.memref_slice %arg6[%dma_start3A_774, %dma_start3A_777, %dma_start3A_778] : memref<2x128x128xf32, #tpu.memory_space<vmem>> -> memref<1x128x128xf32, #tpu.memory_space<vmem>>
      %dma_start3A_780 = tpu.memref_squeeze %dma_start3A_779 : memref<1x128x128xf32, #tpu.memory_space<vmem>> -> memref<128x128xf32, #tpu.memory_space<vmem>>
      %dma_start3A_781 = arith.constant 0 : i32
      %dma_start3A_782 = tpu.memref_slice %arg5[%rem3A_521, %dma_start3A_775, %dma_start3A_776, %dma_start3A_781] : memref<2x8x2x128xi32, #tpu.memory_space<vmem>> -> memref<1x1x1x128xi32, #tpu.memory_space<vmem>>
      %dma_start3A_783 = tpu.memref_squeeze %dma_start3A_782 : memref<1x1x1x128xi32, #tpu.memory_space<vmem>> -> memref<128xi32, #tpu.memory_space<vmem>>
      %dma_start3A_784 = arith.constant 0 : i32
      %dma_start3A_785 = arith.constant 0 : i32
      %dma_start3A_786 = tpu.memref_slice %arg7[%dma_start3A_784, %dma_start3A_785] : memref<10240x128xf32, #tpu.memory_space<vmem_shared>> -> memref<10240x128xf32, #tpu.memory_space<vmem_shared>>
      tpu.enqueue_indirect_dma source(%dma_start3A_780 : memref<128x128xf32, #tpu.memory_space<vmem>>) target(%dma_start3A_786 : memref<10240x128xf32, #tpu.memory_space<vmem_shared>>) offsets(%dma_start3A_783 : memref<128xi32, #tpu.memory_space<vmem>>) semaphore(%arg10 : memref<!tpu.dma_semaphore, #tpu.memory_space<semaphore_mem>>) {add = true}
      %dma_wait3A_787 = arith.constant 0 : i32
      %dma_wait3A_788 = arith.constant 4 : i32
      %dma_wait3A_789 = arith.constant 1 : i32
      %dma_wait3A_790 = arith.constant 0 : i32
      %dma_wait3A_791 = arith.constant 0 : i32
      %dma_wait3A_792 = tpu.memref_slice %arg6[%dma_wait3A_787, %dma_wait3A_790, %dma_wait3A_791] : memref<2x128x128xf32, #tpu.memory_space<vmem>> -> memref<1x128x128xf32, #tpu.memory_space<vmem>>
      %dma_wait3A_793 = tpu.memref_squeeze %dma_wait3A_792 : memref<1x128x128xf32, #tpu.memory_space<vmem>> -> memref<128x128xf32, #tpu.memory_space<vmem>>
      %dma_wait3A_794 = arith.constant 0 : i32
      %dma_wait3A_795 = tpu.memref_slice %arg5[%rem3A_521, %dma_wait3A_788, %dma_wait3A_789, %dma_wait3A_794] : memref<2x8x2x128xi32, #tpu.memory_space<vmem>> -> memref<1x1x1x128xi32, #tpu.memory_space<vmem>>
      %dma_wait3A_796 = tpu.memref_squeeze %dma_wait3A_795 : memref<1x1x1x128xi32, #tpu.memory_space<vmem>> -> memref<128xi32, #tpu.memory_space<vmem>>
      %dma_wait3A_797 = arith.constant 0 : i32
      %dma_wait3A_798 = arith.constant 0 : i32
      %dma_wait3A_799 = tpu.memref_slice %arg7[%dma_wait3A_797, %dma_wait3A_798] : memref<10240x128xf32, #tpu.memory_space<vmem_shared>> -> memref<10240x128xf32, #tpu.memory_space<vmem_shared>>
      tpu.wait_indirect_dma semaphore(%arg10 : memref<!tpu.dma_semaphore, #tpu.memory_space<semaphore_mem>>) src(%dma_wait3A_793 : memref<128x128xf32, #tpu.memory_space<vmem>>) dst(%dma_wait3A_799 : memref<10240x128xf32, #tpu.memory_space<vmem_shared>>)
      %dma_start3A_800 = arith.constant 6 : i32
      %dma_start3A_801 = arith.constant 0 : i32
      %dma_start3A_802 = arith.constant 0 : i32
      %dma_start3A_803 = arith.constant 0 : i32
      %dma_start3A_804 = arith.constant 0 : i32
      %dma_start3A_805 = tpu.memref_slice %arg6[%dma_start3A_802, %dma_start3A_803, %dma_start3A_804] : memref<2x128x128xf32, #tpu.memory_space<vmem>> -> memref<1x128x128xf32, #tpu.memory_space<vmem>>
      %dma_start3A_806 = tpu.memref_squeeze %dma_start3A_805 : memref<1x128x128xf32, #tpu.memory_space<vmem>> -> memref<128x128xf32, #tpu.memory_space<vmem>>
      %dma_start3A_807 = arith.constant 0 : i32
      %dma_start3A_808 = tpu.memref_slice %arg5[%rem3A_521, %dma_start3A_800, %dma_start3A_801, %dma_start3A_807] : memref<2x8x2x128xi32, #tpu.memory_space<vmem>> -> memref<1x1x1x128xi32, #tpu.memory_space<vmem>>
      %dma_start3A_809 = tpu.memref_squeeze %dma_start3A_808 : memref<1x1x1x128xi32, #tpu.memory_space<vmem>> -> memref<128xi32, #tpu.memory_space<vmem>>
      %dma_start3A_810 = arith.constant 0 : i32
      %dma_start3A_811 = arith.constant 0 : i32
      %dma_start3A_812 = tpu.memref_slice %arg2[%dma_start3A_810, %dma_start3A_811] : memref<10240x128xf32, #tpu.memory_space<hbm>> -> memref<10240x128xf32, #tpu.memory_space<hbm>>
      tpu.enqueue_indirect_dma source(%dma_start3A_812 : memref<10240x128xf32, #tpu.memory_space<hbm>>) target(%dma_start3A_806 : memref<128x128xf32, #tpu.memory_space<vmem>>) offsets(%dma_start3A_809 : memref<128xi32, #tpu.memory_space<vmem>>) semaphore(%arg8 : memref<!tpu.dma_semaphore, #tpu.memory_space<semaphore_mem>>)
      %dma_wait3A_813 = arith.constant 5 : i32
      %dma_wait3A_814 = arith.constant 0 : i32
      %dma_wait3A_815 = arith.constant 1 : i32
      %dma_wait3A_816 = arith.constant 0 : i32
      %dma_wait3A_817 = arith.constant 0 : i32
      %dma_wait3A_818 = tpu.memref_slice %arg6[%dma_wait3A_815, %dma_wait3A_816, %dma_wait3A_817] : memref<2x128x128xf32, #tpu.memory_space<vmem>> -> memref<1x128x128xf32, #tpu.memory_space<vmem>>
      %dma_wait3A_819 = tpu.memref_squeeze %dma_wait3A_818 : memref<1x128x128xf32, #tpu.memory_space<vmem>> -> memref<128x128xf32, #tpu.memory_space<vmem>>
      %dma_wait3A_820 = arith.constant 0 : i32
      %dma_wait3A_821 = tpu.memref_slice %arg5[%rem3A_521, %dma_wait3A_813, %dma_wait3A_814, %dma_wait3A_820] : memref<2x8x2x128xi32, #tpu.memory_space<vmem>> -> memref<1x1x1x128xi32, #tpu.memory_space<vmem>>
      %dma_wait3A_822 = tpu.memref_squeeze %dma_wait3A_821 : memref<1x1x1x128xi32, #tpu.memory_space<vmem>> -> memref<128xi32, #tpu.memory_space<vmem>>
      %dma_wait3A_823 = arith.constant 0 : i32
      %dma_wait3A_824 = arith.constant 0 : i32
      %dma_wait3A_825 = tpu.memref_slice %arg2[%dma_wait3A_823, %dma_wait3A_824] : memref<10240x128xf32, #tpu.memory_space<hbm>> -> memref<10240x128xf32, #tpu.memory_space<hbm>>
      tpu.wait_indirect_dma semaphore(%arg9 : memref<!tpu.dma_semaphore, #tpu.memory_space<semaphore_mem>>) src(%dma_wait3A_825 : memref<10240x128xf32, #tpu.memory_space<hbm>>) dst(%dma_wait3A_819 : memref<128x128xf32, #tpu.memory_space<vmem>>)
      %dma_start3A_826 = arith.constant 1 : i32
      %dma_start3A_827 = arith.constant 5 : i32
      %dma_start3A_828 = arith.constant 1 : i32
      %dma_start3A_829 = arith.constant 0 : i32
      %dma_start3A_830 = arith.constant 0 : i32
      %dma_start3A_831 = tpu.memref_slice %arg6[%dma_start3A_826, %dma_start3A_829, %dma_start3A_830] : memref<2x128x128xf32, #tpu.memory_space<vmem>> -> memref<1x128x128xf32, #tpu.memory_space<vmem>>
      %dma_start3A_832 = tpu.memref_squeeze %dma_start3A_831 : memref<1x128x128xf32, #tpu.memory_space<vmem>> -> memref<128x128xf32, #tpu.memory_space<vmem>>
      %dma_start3A_833 = arith.constant 0 : i32
      %dma_start3A_834 = tpu.memref_slice %arg5[%rem3A_521, %dma_start3A_827, %dma_start3A_828, %dma_start3A_833] : memref<2x8x2x128xi32, #tpu.memory_space<vmem>> -> memref<1x1x1x128xi32, #tpu.memory_space<vmem>>
      %dma_start3A_835 = tpu.memref_squeeze %dma_start3A_834 : memref<1x1x1x128xi32, #tpu.memory_space<vmem>> -> memref<128xi32, #tpu.memory_space<vmem>>
      %dma_start3A_836 = arith.constant 0 : i32
      %dma_start3A_837 = arith.constant 0 : i32
      %dma_start3A_838 = tpu.memref_slice %arg7[%dma_start3A_836, %dma_start3A_837] : memref<10240x128xf32, #tpu.memory_space<vmem_shared>> -> memref<10240x128xf32, #tpu.memory_space<vmem_shared>>
      tpu.enqueue_indirect_dma source(%dma_start3A_832 : memref<128x128xf32, #tpu.memory_space<vmem>>) target(%dma_start3A_838 : memref<10240x128xf32, #tpu.memory_space<vmem_shared>>) offsets(%dma_start3A_835 : memref<128xi32, #tpu.memory_space<vmem>>) semaphore(%arg11 : memref<!tpu.dma_semaphore, #tpu.memory_space<semaphore_mem>>) {add = true}
      %dma_wait3A_839 = arith.constant 1 : i32
      %dma_wait3A_840 = arith.constant 5 : i32
      %dma_wait3A_841 = arith.constant 1 : i32
      %dma_wait3A_842 = arith.constant 0 : i32
      %dma_wait3A_843 = arith.constant 0 : i32
      %dma_wait3A_844 = tpu.memref_slice %arg6[%dma_wait3A_839, %dma_wait3A_842, %dma_wait3A_843] : memref<2x128x128xf32, #tpu.memory_space<vmem>> -> memref<1x128x128xf32, #tpu.memory_space<vmem>>
      %dma_wait3A_845 = tpu.memref_squeeze %dma_wait3A_844 : memref<1x128x128xf32, #tpu.memory_space<vmem>> -> memref<128x128xf32, #tpu.memory_space<vmem>>
      %dma_wait3A_846 = arith.constant 0 : i32
      %dma_wait3A_847 = tpu.memref_slice %arg5[%rem3A_521, %dma_wait3A_840, %dma_wait3A_841, %dma_wait3A_846] : memref<2x8x2x128xi32, #tpu.memory_space<vmem>> -> memref<1x1x1x128xi32, #tpu.memory_space<vmem>>
      %dma_wait3A_848 = tpu.memref_squeeze %dma_wait3A_847 : memref<1x1x1x128xi32, #tpu.memory_space<vmem>> -> memref<128xi32, #tpu.memory_space<vmem>>
      %dma_wait3A_849 = arith.constant 0 : i32
      %dma_wait3A_850 = arith.constant 0 : i32
      %dma_wait3A_851 = tpu.memref_slice %arg7[%dma_wait3A_849, %dma_wait3A_850] : memref<10240x128xf32, #tpu.memory_space<vmem_shared>> -> memref<10240x128xf32, #tpu.memory_space<vmem_shared>>
      tpu.wait_indirect_dma semaphore(%arg11 : memref<!tpu.dma_semaphore, #tpu.memory_space<semaphore_mem>>) src(%dma_wait3A_845 : memref<128x128xf32, #tpu.memory_space<vmem>>) dst(%dma_wait3A_851 : memref<10240x128xf32, #tpu.memory_space<vmem_shared>>)
      %dma_start3A_852 = arith.constant 7 : i32
      %dma_start3A_853 = arith.constant 0 : i32
      %dma_start3A_854 = arith.constant 1 : i32
      %dma_start3A_855 = arith.constant 0 : i32
      %dma_start3A_856 = arith.constant 0 : i32
      %dma_start3A_857 = tpu.memref_slice %arg6[%dma_start3A_854, %dma_start3A_855, %dma_start3A_856] : memref<2x128x128xf32, #tpu.memory_space<vmem>> -> memref<1x128x128xf32, #tpu.memory_space<vmem>>
      %dma_start3A_858 = tpu.memref_squeeze %dma_start3A_857 : memref<1x128x128xf32, #tpu.memory_space<vmem>> -> memref<128x128xf32, #tpu.memory_space<vmem>>
      %dma_start3A_859 = arith.constant 0 : i32
      %dma_start3A_860 = tpu.memref_slice %arg5[%rem3A_521, %dma_start3A_852, %dma_start3A_853, %dma_start3A_859] : memref<2x8x2x128xi32, #tpu.memory_space<vmem>> -> memref<1x1x1x128xi32, #tpu.memory_space<vmem>>
      %dma_start3A_861 = tpu.memref_squeeze %dma_start3A_860 : memref<1x1x1x128xi32, #tpu.memory_space<vmem>> -> memref<128xi32, #tpu.memory_space<vmem>>
      %dma_start3A_862 = arith.constant 0 : i32
      %dma_start3A_863 = arith.constant 0 : i32
      %dma_start3A_864 = tpu.memref_slice %arg2[%dma_start3A_862, %dma_start3A_863] : memref<10240x128xf32, #tpu.memory_space<hbm>> -> memref<10240x128xf32, #tpu.memory_space<hbm>>
      tpu.enqueue_indirect_dma source(%dma_start3A_864 : memref<10240x128xf32, #tpu.memory_space<hbm>>) target(%dma_start3A_858 : memref<128x128xf32, #tpu.memory_space<vmem>>) offsets(%dma_start3A_861 : memref<128xi32, #tpu.memory_space<vmem>>) semaphore(%arg9 : memref<!tpu.dma_semaphore, #tpu.memory_space<semaphore_mem>>)
      %dma_wait3A_865 = arith.constant 6 : i32
      %dma_wait3A_866 = arith.constant 0 : i32
      %dma_wait3A_867 = arith.constant 0 : i32
      %dma_wait3A_868 = arith.constant 0 : i32
      %dma_wait3A_869 = arith.constant 0 : i32
      %dma_wait3A_870 = tpu.memref_slice %arg6[%dma_wait3A_867, %dma_wait3A_868, %dma_wait3A_869] : memref<2x128x128xf32, #tpu.memory_space<vmem>> -> memref<1x128x128xf32, #tpu.memory_space<vmem>>
      %dma_wait3A_871 = tpu.memref_squeeze %dma_wait3A_870 : memref<1x128x128xf32, #tpu.memory_space<vmem>> -> memref<128x128xf32, #tpu.memory_space<vmem>>
      %dma_wait3A_872 = arith.constant 0 : i32
      %dma_wait3A_873 = tpu.memref_slice %arg5[%rem3A_521, %dma_wait3A_865, %dma_wait3A_866, %dma_wait3A_872] : memref<2x8x2x128xi32, #tpu.memory_space<vmem>> -> memref<1x1x1x128xi32, #tpu.memory_space<vmem>>
      %dma_wait3A_874 = tpu.memref_squeeze %dma_wait3A_873 : memref<1x1x1x128xi32, #tpu.memory_space<vmem>> -> memref<128xi32, #tpu.memory_space<vmem>>
      %dma_wait3A_875 = arith.constant 0 : i32
      %dma_wait3A_876 = arith.constant 0 : i32
      %dma_wait3A_877 = tpu.memref_slice %arg2[%dma_wait3A_875, %dma_wait3A_876] : memref<10240x128xf32, #tpu.memory_space<hbm>> -> memref<10240x128xf32, #tpu.memory_space<hbm>>
      tpu.wait_indirect_dma semaphore(%arg8 : memref<!tpu.dma_semaphore, #tpu.memory_space<semaphore_mem>>) src(%dma_wait3A_877 : memref<10240x128xf32, #tpu.memory_space<hbm>>) dst(%dma_wait3A_871 : memref<128x128xf32, #tpu.memory_space<vmem>>)
      %dma_start3A_878 = arith.constant 0 : i32
      %dma_start3A_879 = arith.constant 6 : i32
      %dma_start3A_880 = arith.constant 1 : i32
      %dma_start3A_881 = arith.constant 0 : i32
      %dma_start3A_882 = arith.constant 0 : i32
      %dma_start3A_883 = tpu.memref_slice %arg6[%dma_start3A_878, %dma_start3A_881, %dma_start3A_882] : memref<2x128x128xf32, #tpu.memory_space<vmem>> -> memref<1x128x128xf32, #tpu.memory_space<vmem>>
      %dma_start3A_884 = tpu.memref_squeeze %dma_start3A_883 : memref<1x128x128xf32, #tpu.memory_space<vmem>> -> memref<128x128xf32, #tpu.memory_space<vmem>>
      %dma_start3A_885 = arith.constant 0 : i32
      %dma_start3A_886 = tpu.memref_slice %arg5[%rem3A_521, %dma_start3A_879, %dma_start3A_880, %dma_start3A_885] : memref<2x8x2x128xi32, #tpu.memory_space<vmem>> -> memref<1x1x1x128xi32, #tpu.memory_space<vmem>>
      %dma_start3A_887 = tpu.memref_squeeze %dma_start3A_886 : memref<1x1x1x128xi32, #tpu.memory_space<vmem>> -> memref<128xi32, #tpu.memory_space<vmem>>
      %dma_start3A_888 = arith.constant 0 : i32
      %dma_start3A_889 = arith.constant 0 : i32
      %dma_start3A_890 = tpu.memref_slice %arg7[%dma_start3A_888, %dma_start3A_889] : memref<10240x128xf32, #tpu.memory_space<vmem_shared>> -> memref<10240x128xf32, #tpu.memory_space<vmem_shared>>
      tpu.enqueue_indirect_dma source(%dma_start3A_884 : memref<128x128xf32, #tpu.memory_space<vmem>>) target(%dma_start3A_890 : memref<10240x128xf32, #tpu.memory_space<vmem_shared>>) offsets(%dma_start3A_887 : memref<128xi32, #tpu.memory_space<vmem>>) semaphore(%arg10 : memref<!tpu.dma_semaphore, #tpu.memory_space<semaphore_mem>>) {add = true}
      %dma_wait3A_891 = arith.constant 0 : i32
      %dma_wait3A_892 = arith.constant 6 : i32
      %dma_wait3A_893 = arith.constant 1 : i32
      %dma_wait3A_894 = arith.constant 0 : i32
      %dma_wait3A_895 = arith.constant 0 : i32
      %dma_wait3A_896 = tpu.memref_slice %arg6[%dma_wait3A_891, %dma_wait3A_894, %dma_wait3A_895] : memref<2x128x128xf32, #tpu.memory_space<vmem>> -> memref<1x128x128xf32, #tpu.memory_space<vmem>>
      %dma_wait3A_897 = tpu.memref_squeeze %dma_wait3A_896 : memref<1x128x128xf32, #tpu.memory_space<vmem>> -> memref<128x128xf32, #tpu.memory_space<vmem>>
      %dma_wait3A_898 = arith.constant 0 : i32
      %dma_wait3A_899 = tpu.memref_slice %arg5[%rem3A_521, %dma_wait3A_892, %dma_wait3A_893, %dma_wait3A_898] : memref<2x8x2x128xi32, #tpu.memory_space<vmem>> -> memref<1x1x1x128xi32, #tpu.memory_space<vmem>>
      %dma_wait3A_900 = tpu.memref_squeeze %dma_wait3A_899 : memref<1x1x1x128xi32, #tpu.memory_space<vmem>> -> memref<128xi32, #tpu.memory_space<vmem>>
      %dma_wait3A_901 = arith.constant 0 : i32
      %dma_wait3A_902 = arith.constant 0 : i32
      %dma_wait3A_903 = tpu.memref_slice %arg7[%dma_wait3A_901, %dma_wait3A_902] : memref<10240x128xf32, #tpu.memory_space<vmem_shared>> -> memref<10240x128xf32, #tpu.memory_space<vmem_shared>>
      tpu.wait_indirect_dma semaphore(%arg10 : memref<!tpu.dma_semaphore, #tpu.memory_space<semaphore_mem>>) src(%dma_wait3A_897 : memref<128x128xf32, #tpu.memory_space<vmem>>) dst(%dma_wait3A_903 : memref<10240x128xf32, #tpu.memory_space<vmem_shared>>)
      %add3A_904 = arith.constant 1 : i32
      %add3A_905 = arith.addi %scan3A_520, %add3A_904 : i32
      %lt3A_906 = arith.constant 10 : i32
      %lt3A_907 = arith.cmpi slt, %add3A_905, %lt3A_906 : i32
      %convert_element_type3A_908 = arith.extui %lt3A_907 : i1 to i32
      %cond3A_909 = arith.constant 0 : i32
      %cond3A_910 = arith.cmpi ne, %convert_element_type3A_908, %cond3A_909 : i32
      scf.if %cond3A_910 {
        %add3A_937 = arith.constant 1 : i32
        %add3A_938 = arith.addi %scan3A_520, %add3A_937 : i32
        %dma_wait3A_939 = arith.constant 0 : i32
        %dma_wait3A_940 = arith.constant 0 : i32
        %dma_wait3A_941 = arith.constant 0 : i32
        %dma_wait3A_942 = tpu.memref_slice %arg5[%sub3A_522, %dma_wait3A_939, %dma_wait3A_940, %dma_wait3A_941] : memref<2x8x2x128xi32, #tpu.memory_space<vmem>> -> memref<1x8x2x128xi32, #tpu.memory_space<vmem>>
        %dma_wait3A_943 = tpu.memref_squeeze %dma_wait3A_942 : memref<1x8x2x128xi32, #tpu.memory_space<vmem>> -> memref<8x2x128xi32, #tpu.memory_space<vmem>>
        %dma_wait3A_944 = arith.constant 0 : i32
        %dma_wait3A_945 = arith.constant 0 : i32
        %dma_wait3A_946 = arith.constant 0 : i32
        %dma_wait3A_947 = tpu.memref_slice %arg3[%add3A, %add3A_938, %dma_wait3A_944, %dma_wait3A_945, %dma_wait3A_946] : memref<32x10x8x2x128xi32, #tpu.memory_space<hbm>> -> memref<1x1x8x2x128xi32, #tpu.memory_space<hbm>>
        %dma_wait3A_948 = tpu.memref_squeeze %dma_wait3A_947 : memref<1x1x8x2x128xi32, #tpu.memory_space<hbm>> -> memref<8x2x128xi32, #tpu.memory_space<hbm>>
        %dma_wait3A_949 = arith.constant 0 : i32
        %dma_wait3A_950 = arith.constant 0 : i32
        %dma_wait3A_951 = arith.constant 0 : i32
        %dma_wait3A_952 = tpu.memref_slice %arg5[%sub3A_522, %dma_wait3A_949, %dma_wait3A_950, %dma_wait3A_951] : memref<2x8x2x128xi32, #tpu.memory_space<vmem>> -> memref<1x8x2x128xi32, #tpu.memory_space<vmem>>
        %dma_wait3A_953 = tpu.memref_squeeze %dma_wait3A_952 : memref<1x8x2x128xi32, #tpu.memory_space<vmem>> -> memref<8x2x128xi32, #tpu.memory_space<vmem>>
        %dma_wait3A_954 = arith.constant 0 : i32
        %dma_wait3A_955 = arith.constant 0 : i32
        %dma_wait3A_956 = arith.constant 0 : i32
        %dma_wait3A_957 = tpu.memref_slice %arg3[%add3A, %add3A_938, %dma_wait3A_954, %dma_wait3A_955, %dma_wait3A_956] : memref<32x10x8x2x128xi32, #tpu.memory_space<hbm>> -> memref<1x1x8x2x128xi32, #tpu.memory_space<hbm>>
        %dma_wait3A_958 = tpu.memref_squeeze %dma_wait3A_957 : memref<1x1x8x2x128xi32, #tpu.memory_space<hbm>> -> memref<8x2x128xi32, #tpu.memory_space<hbm>>
        tpu.wait_dma2 semaphore(%arg12 : memref<!tpu.dma_semaphore, #tpu.memory_space<semaphore_mem>>) src(%dma_wait3A_958 : memref<8x2x128xi32, #tpu.memory_space<hbm>>) dst(%dma_wait3A_953 : memref<8x2x128xi32, #tpu.memory_space<vmem>>)
        %dma_start3A_959 = arith.constant 0 : i32
        %dma_start3A_960 = arith.constant 0 : i32
        %dma_start3A_961 = arith.constant 0 : i32
        %dma_start3A_962 = arith.constant 0 : i32
        %dma_start3A_963 = arith.constant 0 : i32
        %dma_start3A_964 = tpu.memref_slice %arg6[%dma_start3A_961, %dma_start3A_962, %dma_start3A_963] : memref<2x128x128xf32, #tpu.memory_space<vmem>> -> memref<1x128x128xf32, #tpu.memory_space<vmem>>
        %dma_start3A_965 = tpu.memref_squeeze %dma_start3A_964 : memref<1x128x128xf32, #tpu.memory_space<vmem>> -> memref<128x128xf32, #tpu.memory_space<vmem>>
        %dma_start3A_966 = arith.constant 0 : i32
        %dma_start3A_967 = tpu.memref_slice %arg5[%sub3A_522, %dma_start3A_959, %dma_start3A_960, %dma_start3A_966] : memref<2x8x2x128xi32, #tpu.memory_space<vmem>> -> memref<1x1x1x128xi32, #tpu.memory_space<vmem>>
        %dma_start3A_968 = tpu.memref_squeeze %dma_start3A_967 : memref<1x1x1x128xi32, #tpu.memory_space<vmem>> -> memref<128xi32, #tpu.memory_space<vmem>>
        %dma_start3A_969 = arith.constant 0 : i32
        %dma_start3A_970 = arith.constant 0 : i32
        %dma_start3A_971 = tpu.memref_slice %arg2[%dma_start3A_969, %dma_start3A_970] : memref<10240x128xf32, #tpu.memory_space<hbm>> -> memref<10240x128xf32, #tpu.memory_space<hbm>>
        tpu.enqueue_indirect_dma source(%dma_start3A_971 : memref<10240x128xf32, #tpu.memory_space<hbm>>) target(%dma_start3A_965 : memref<128x128xf32, #tpu.memory_space<vmem>>) offsets(%dma_start3A_968 : memref<128xi32, #tpu.memory_space<vmem>>) semaphore(%arg8 : memref<!tpu.dma_semaphore, #tpu.memory_space<semaphore_mem>>)
      } else {
      }
      %dma_wait3A_911 = arith.constant 7 : i32
      %dma_wait3A_912 = arith.constant 0 : i32
      %dma_wait3A_913 = arith.constant 1 : i32
      %dma_wait3A_914 = arith.constant 0 : i32
      %dma_wait3A_915 = arith.constant 0 : i32
      %dma_wait3A_916 = tpu.memref_slice %arg6[%dma_wait3A_913, %dma_wait3A_914, %dma_wait3A_915] : memref<2x128x128xf32, #tpu.memory_space<vmem>> -> memref<1x128x128xf32, #tpu.memory_space<vmem>>
      %dma_wait3A_917 = tpu.memref_squeeze %dma_wait3A_916 : memref<1x128x128xf32, #tpu.memory_space<vmem>> -> memref<128x128xf32, #tpu.memory_space<vmem>>
      %dma_wait3A_918 = arith.constant 0 : i32
      %dma_wait3A_919 = tpu.memref_slice %arg5[%rem3A_521, %dma_wait3A_911, %dma_wait3A_912, %dma_wait3A_918] : memref<2x8x2x128xi32, #tpu.memory_space<vmem>> -> memref<1x1x1x128xi32, #tpu.memory_space<vmem>>
      %dma_wait3A_920 = tpu.memref_squeeze %dma_wait3A_919 : memref<1x1x1x128xi32, #tpu.memory_space<vmem>> -> memref<128xi32, #tpu.memory_space<vmem>>
      %dma_wait3A_921 = arith.constant 0 : i32
      %dma_wait3A_922 = arith.constant 0 : i32
      %dma_wait3A_923 = tpu.memref_slice %arg2[%dma_wait3A_921, %dma_wait3A_922] : memref<10240x128xf32, #tpu.memory_space<hbm>> -> memref<10240x128xf32, #tpu.memory_space<hbm>>
      tpu.wait_indirect_dma semaphore(%arg9 : memref<!tpu.dma_semaphore, #tpu.memory_space<semaphore_mem>>) src(%dma_wait3A_923 : memref<10240x128xf32, #tpu.memory_space<hbm>>) dst(%dma_wait3A_917 : memref<128x128xf32, #tpu.memory_space<vmem>>)
      %dma_start3A_924 = arith.constant 1 : i32
      %dma_start3A_925 = arith.constant 7 : i32
      %dma_start3A_926 = arith.constant 1 : i32
      %dma_start3A_927 = arith.constant 0 : i32
      %dma_start3A_928 = arith.constant 0 : i32
      %dma_start3A_929 = tpu.memref_slice %arg6[%dma_start3A_924, %dma_start3A_927, %dma_start3A_928] : memref<2x128x128xf32, #tpu.memory_space<vmem>> -> memref<1x128x128xf32, #tpu.memory_space<vmem>>
      %dma_start3A_930 = tpu.memref_squeeze %dma_start3A_929 : memref<1x128x128xf32, #tpu.memory_space<vmem>> -> memref<128x128xf32, #tpu.memory_space<vmem>>
      %dma_start3A_931 = arith.constant 0 : i32
      %dma_start3A_932 = tpu.memref_slice %arg5[%rem3A_521, %dma_start3A_925, %dma_start3A_926, %dma_start3A_931] : memref<2x8x2x128xi32, #tpu.memory_space<vmem>> -> memref<1x1x1x128xi32, #tpu.memory_space<vmem>>
      %dma_start3A_933 = tpu.memref_squeeze %dma_start3A_932 : memref<1x1x1x128xi32, #tpu.memory_space<vmem>> -> memref<128xi32, #tpu.memory_space<vmem>>
      %dma_start3A_934 = arith.constant 0 : i32
      %dma_start3A_935 = arith.constant 0 : i32
      %dma_start3A_936 = tpu.memref_slice %arg7[%dma_start3A_934, %dma_start3A_935] : memref<10240x128xf32, #tpu.memory_space<vmem_shared>> -> memref<10240x128xf32, #tpu.memory_space<vmem_shared>>
      tpu.enqueue_indirect_dma source(%dma_start3A_930 : memref<128x128xf32, #tpu.memory_space<vmem>>) target(%dma_start3A_936 : memref<10240x128xf32, #tpu.memory_space<vmem_shared>>) offsets(%dma_start3A_933 : memref<128xi32, #tpu.memory_space<vmem>>) semaphore(%arg11 : memref<!tpu.dma_semaphore, #tpu.memory_space<semaphore_mem>>) {add = true}
    }
    %scan3A_500 = arith.constant 9 : i32
    %dma_wait3A_501 = arith.constant 1 : i32
    %dma_wait3A_502 = arith.constant 1 : i32
    %dma_wait3A_503 = arith.constant 7 : i32
    %dma_wait3A_504 = arith.constant 1 : i32
    %dma_wait3A_505 = arith.constant 0 : i32
    %dma_wait3A_506 = arith.constant 0 : i32
    %dma_wait3A_507 = tpu.memref_slice %arg6[%dma_wait3A_501, %dma_wait3A_505, %dma_wait3A_506] : memref<2x128x128xf32, #tpu.memory_space<vmem>> -> memref<1x128x128xf32, #tpu.memory_space<vmem>>
    %dma_wait3A_508 = tpu.memref_squeeze %dma_wait3A_507 : memref<1x128x128xf32, #tpu.memory_space<vmem>> -> memref<128x128xf32, #tpu.memory_space<vmem>>
    %dma_wait3A_509 = arith.constant 0 : i32
    %dma_wait3A_510 = tpu.memref_slice %arg5[%dma_wait3A_502, %dma_wait3A_503, %dma_wait3A_504, %dma_wait3A_509] : memref<2x8x2x128xi32, #tpu.memory_space<vmem>> -> memref<1x1x1x128xi32, #tpu.memory_space<vmem>>
    %dma_wait3A_511 = tpu.memref_squeeze %dma_wait3A_510 : memref<1x1x1x128xi32, #tpu.memory_space<vmem>> -> memref<128xi32, #tpu.memory_space<vmem>>
    %dma_wait3A_512 = arith.constant 0 : i32
    %dma_wait3A_513 = arith.constant 0 : i32
    %dma_wait3A_514 = tpu.memref_slice %arg7[%dma_wait3A_512, %dma_wait3A_513] : memref<10240x128xf32, #tpu.memory_space<vmem_shared>> -> memref<10240x128xf32, #tpu.memory_space<vmem_shared>>
    tpu.wait_indirect_dma semaphore(%arg11 : memref<!tpu.dma_semaphore, #tpu.memory_space<semaphore_mem>>) src(%dma_wait3A_508 : memref<128x128xf32, #tpu.memory_space<vmem>>) dst(%dma_wait3A_514 : memref<10240x128xf32, #tpu.memory_space<vmem_shared>>)
    %barrier3A_515 = arith.constant 0 : index
    tpu.barrier barrier_id(%barrier3A_515)
    %mul3A_516 = arith.constant 640 : i32
    %mul3A_517 = arith.muli %arg1, %mul3A_516 : i32
    %mul3A_518 = arith.constant 640 : i32
    %mul3A_519 = arith.muli %arg1, %mul3A_518 : i32
    "tpu.region"() ({
      %run_scoped3A_520 = tpu.sem_alloc : memref<!tpu.dma_semaphore, #tpu.memory_space<semaphore_mem>>
      %dma_start3A_521 = arith.constant 0 : i32
      %dma_start3A_522 = tpu.memref_slice %arg4[%arg0, %mul3A_519, %dma_start3A_521] : memref<2x10240x128xf32, #tpu.memory_space<hbm>> -> memref<1x640x128xf32, #tpu.memory_space<hbm>>
      %dma_start3A_523 = tpu.memref_squeeze %dma_start3A_522 : memref<1x640x128xf32, #tpu.memory_space<hbm>> -> memref<640x128xf32, #tpu.memory_space<hbm>>
      %dma_start3A_524 = arith.constant 0 : i32
      %dma_start3A_525 = tpu.memref_slice %arg7[%mul3A_517, %dma_start3A_524] : memref<10240x128xf32, #tpu.memory_space<vmem_shared>> -> memref<640x128xf32, #tpu.memory_space<vmem_shared>>
      tpu.enqueue_dma source(%dma_start3A_525 : memref<640x128xf32, #tpu.memory_space<vmem_shared>>) target(%dma_start3A_523 : memref<640x128xf32, #tpu.memory_space<hbm>>) target_semaphore(%run_scoped3A_520 : memref<!tpu.dma_semaphore, #tpu.memory_space<semaphore_mem>>)
      %dma_wait3A_526 = arith.constant 0 : i32
      %dma_wait3A_527 = tpu.memref_slice %arg4[%arg0, %mul3A_519, %dma_wait3A_526] : memref<2x10240x128xf32, #tpu.memory_space<hbm>> -> memref<1x640x128xf32, #tpu.memory_space<hbm>>
      %dma_wait3A_528 = tpu.memref_squeeze %dma_wait3A_527 : memref<1x640x128xf32, #tpu.memory_space<hbm>> -> memref<640x128xf32, #tpu.memory_space<hbm>>
      %dma_wait3A_529 = arith.constant 0 : i32
      %dma_wait3A_530 = tpu.memref_slice %arg7[%mul3A_517, %dma_wait3A_529] : memref<10240x128xf32, #tpu.memory_space<vmem_shared>> -> memref<640x128xf32, #tpu.memory_space<vmem_shared>>
      tpu.wait_dma2 semaphore(%run_scoped3A_520 : memref<!tpu.dma_semaphore, #tpu.memory_space<semaphore_mem>>) src(%dma_wait3A_530 : memref<640x128xf32, #tpu.memory_space<vmem_shared>>) dst(%dma_wait3A_528 : memref<640x128xf32, #tpu.memory_space<hbm>>)
      tpu.yield
    }) : () -> ()
    return
  }
}

#map = affine_map<(d0, d1) -> (0, 0, 0)>
#map1 = affine_map<(d0, d1) -> (0, 0, 0, 0, 0)>
module attributes {stable_mosaic.version = 14 : i64} {
  func.func @spmm_kernel(%arg0: i32, %arg1: i32, %arg2: memref<2x10240x128xf32, #tpu.memory_space<hbm>>, %arg3: memref<16x20x8x2x128xi32, #tpu.memory_space<hbm>>, %arg4: memref<2x10240x128xf32, #tpu.memory_space<hbm>>, %arg5: memref<2x8x2x128xi32, #tpu.memory_space<vmem>>, %arg6: memref<2x128x128xf32, #tpu.memory_space<vmem>>, %arg7: memref<10240x128xf32, #tpu.memory_space<vmem_shared>>, %arg8: memref<!tpu.dma_semaphore, #tpu.memory_space<semaphore_mem>>, %arg9: memref<!tpu.dma_semaphore, #tpu.memory_space<semaphore_mem>>, %arg10: memref<!tpu.dma_semaphore, #tpu.memory_space<semaphore_mem>>, %arg11: memref<!tpu.dma_semaphore, #tpu.memory_space<semaphore_mem>>, %arg12: memref<!tpu.dma_semaphore, #tpu.memory_space<semaphore_mem>>) attributes {dimension_semantics = [#tpu.dimension_semantics<core_parallel>, #tpu.dimension_semantics<subcore_parallel>], iteration_bounds = array<i64: 2, 16>, scalar_prefetch = 0 : i64, scratch_operands = 8 : i64, tpu.core_type = #tpu.core_type<sc_vector_subcore>, window_params = [{transform_indices = #map}, {transform_indices = #map1}, {transform_indices = #map}]} {
    %mul3A = arith.constant 640 : i32
    %mul3A_0 = arith.muli %arg1, %mul3A : i32
    %mul3A_1 = arith.constant 640 : i32
    %mul3A_2 = arith.muli %arg1, %mul3A_1 : i32
    "tpu.region"() ({
      %run_scoped3A_586 = tpu.sem_alloc : memref<!tpu.dma_semaphore, #tpu.memory_space<semaphore_mem>>
      %dma_start3A_587 = arith.constant 0 : i32
      %dma_start3A_588 = tpu.memref_slice %arg7[%mul3A_2, %dma_start3A_587] : memref<10240x128xf32, #tpu.memory_space<vmem_shared>> -> memref<640x128xf32, #tpu.memory_space<vmem_shared>>
      %dma_start3A_589 = arith.constant 0 : i32
      %dma_start3A_590 = arith.constant 0 : i32
      %dma_start3A_591 = tpu.memref_slice %arg2[%arg0, %dma_start3A_589, %dma_start3A_590] : memref<2x10240x128xf32, #tpu.memory_space<hbm>> -> memref<1x10240x128xf32, #tpu.memory_space<hbm>>
      %dma_start3A_592 = tpu.memref_squeeze %dma_start3A_591 : memref<1x10240x128xf32, #tpu.memory_space<hbm>> -> memref<10240x128xf32, #tpu.memory_space<hbm>>
      %dma_start3A_593 = arith.constant 0 : i32
      %dma_start3A_594 = tpu.memref_slice %dma_start3A_592[%mul3A_0, %dma_start3A_593] : memref<10240x128xf32, #tpu.memory_space<hbm>> -> memref<640x128xf32, #tpu.memory_space<hbm>>
      tpu.enqueue_dma source(%dma_start3A_594 : memref<640x128xf32, #tpu.memory_space<hbm>>) target(%dma_start3A_588 : memref<640x128xf32, #tpu.memory_space<vmem_shared>>) target_semaphore(%run_scoped3A_586 : memref<!tpu.dma_semaphore, #tpu.memory_space<semaphore_mem>>)
      %dma_wait3A_595 = arith.constant 0 : i32
      %dma_wait3A_596 = tpu.memref_slice %arg7[%mul3A_2, %dma_wait3A_595] : memref<10240x128xf32, #tpu.memory_space<vmem_shared>> -> memref<640x128xf32, #tpu.memory_space<vmem_shared>>
      %dma_wait3A_597 = arith.constant 0 : i32
      %dma_wait3A_598 = arith.constant 0 : i32
      %dma_wait3A_599 = tpu.memref_slice %arg2[%arg0, %dma_wait3A_597, %dma_wait3A_598] : memref<2x10240x128xf32, #tpu.memory_space<hbm>> -> memref<1x10240x128xf32, #tpu.memory_space<hbm>>
      %dma_wait3A_600 = tpu.memref_squeeze %dma_wait3A_599 : memref<1x10240x128xf32, #tpu.memory_space<hbm>> -> memref<10240x128xf32, #tpu.memory_space<hbm>>
      %dma_wait3A_601 = arith.constant 0 : i32
      %dma_wait3A_602 = tpu.memref_slice %dma_wait3A_600[%mul3A_0, %dma_wait3A_601] : memref<10240x128xf32, #tpu.memory_space<hbm>> -> memref<640x128xf32, #tpu.memory_space<hbm>>
      tpu.wait_dma2 semaphore(%run_scoped3A_586 : memref<!tpu.dma_semaphore, #tpu.memory_space<semaphore_mem>>) src(%dma_wait3A_602 : memref<640x128xf32, #tpu.memory_space<hbm>>) dst(%dma_wait3A_596 : memref<640x128xf32, #tpu.memory_space<vmem_shared>>)
      tpu.yield
    }) : () -> ()
    %run_scoped3A = arith.constant 0 : i32
    %run_scoped3A_3 = arith.constant 0 : i32
    "tpu.region"() ({
      %run_scoped3A_586 = tpu.sem_alloc : memref<!tpu.dma_semaphore, #tpu.memory_space<semaphore_mem>>
      %dma_start3A_587 = arith.constant 0 : i32
      %dma_start3A_588 = arith.constant 0 : i32
      %dma_start3A_589 = arith.constant 0 : i32
      %dma_start3A_590 = tpu.memref_slice %arg5[%run_scoped3A_3, %dma_start3A_587, %dma_start3A_588, %dma_start3A_589] : memref<2x8x2x128xi32, #tpu.memory_space<vmem>> -> memref<1x8x2x128xi32, #tpu.memory_space<vmem>>
      %dma_start3A_591 = tpu.memref_squeeze %dma_start3A_590 : memref<1x8x2x128xi32, #tpu.memory_space<vmem>> -> memref<8x2x128xi32, #tpu.memory_space<vmem>>
      %dma_start3A_592 = arith.constant 0 : i32
      %dma_start3A_593 = arith.constant 0 : i32
      %dma_start3A_594 = arith.constant 0 : i32
      %dma_start3A_595 = tpu.memref_slice %arg3[%arg1, %run_scoped3A, %dma_start3A_592, %dma_start3A_593, %dma_start3A_594] : memref<16x20x8x2x128xi32, #tpu.memory_space<hbm>> -> memref<1x1x8x2x128xi32, #tpu.memory_space<hbm>>
      %dma_start3A_596 = tpu.memref_squeeze %dma_start3A_595 : memref<1x1x8x2x128xi32, #tpu.memory_space<hbm>> -> memref<8x2x128xi32, #tpu.memory_space<hbm>>
      %dma_start3A_597 = arith.constant 0 : i32
      %dma_start3A_598 = arith.constant 0 : i32
      %dma_start3A_599 = arith.constant 0 : i32
      %dma_start3A_600 = tpu.memref_slice %arg5[%run_scoped3A_3, %dma_start3A_597, %dma_start3A_598, %dma_start3A_599] : memref<2x8x2x128xi32, #tpu.memory_space<vmem>> -> memref<1x8x2x128xi32, #tpu.memory_space<vmem>>
      %dma_start3A_601 = tpu.memref_squeeze %dma_start3A_600 : memref<1x8x2x128xi32, #tpu.memory_space<vmem>> -> memref<8x2x128xi32, #tpu.memory_space<vmem>>
      %dma_start3A_602 = arith.constant 0 : i32
      %dma_start3A_603 = arith.constant 0 : i32
      %dma_start3A_604 = arith.constant 0 : i32
      %dma_start3A_605 = tpu.memref_slice %arg3[%arg1, %run_scoped3A, %dma_start3A_602, %dma_start3A_603, %dma_start3A_604] : memref<16x20x8x2x128xi32, #tpu.memory_space<hbm>> -> memref<1x1x8x2x128xi32, #tpu.memory_space<hbm>>
      %dma_start3A_606 = tpu.memref_squeeze %dma_start3A_605 : memref<1x1x8x2x128xi32, #tpu.memory_space<hbm>> -> memref<8x2x128xi32, #tpu.memory_space<hbm>>
      tpu.enqueue_dma source(%dma_start3A_606 : memref<8x2x128xi32, #tpu.memory_space<hbm>>) target(%dma_start3A_601 : memref<8x2x128xi32, #tpu.memory_space<vmem>>) target_semaphore(%run_scoped3A_586 : memref<!tpu.dma_semaphore, #tpu.memory_space<semaphore_mem>>)
      %dma_wait3A_607 = arith.constant 0 : i32
      %dma_wait3A_608 = arith.constant 0 : i32
      %dma_wait3A_609 = arith.constant 0 : i32
      %dma_wait3A_610 = tpu.memref_slice %arg5[%run_scoped3A_3, %dma_wait3A_607, %dma_wait3A_608, %dma_wait3A_609] : memref<2x8x2x128xi32, #tpu.memory_space<vmem>> -> memref<1x8x2x128xi32, #tpu.memory_space<vmem>>
      %dma_wait3A_611 = tpu.memref_squeeze %dma_wait3A_610 : memref<1x8x2x128xi32, #tpu.memory_space<vmem>> -> memref<8x2x128xi32, #tpu.memory_space<vmem>>
      %dma_wait3A_612 = arith.constant 0 : i32
      %dma_wait3A_613 = arith.constant 0 : i32
      %dma_wait3A_614 = arith.constant 0 : i32
      %dma_wait3A_615 = tpu.memref_slice %arg3[%arg1, %run_scoped3A, %dma_wait3A_612, %dma_wait3A_613, %dma_wait3A_614] : memref<16x20x8x2x128xi32, #tpu.memory_space<hbm>> -> memref<1x1x8x2x128xi32, #tpu.memory_space<hbm>>
      %dma_wait3A_616 = tpu.memref_squeeze %dma_wait3A_615 : memref<1x1x8x2x128xi32, #tpu.memory_space<hbm>> -> memref<8x2x128xi32, #tpu.memory_space<hbm>>
      %dma_wait3A_617 = arith.constant 0 : i32
      %dma_wait3A_618 = arith.constant 0 : i32
      %dma_wait3A_619 = arith.constant 0 : i32
      %dma_wait3A_620 = tpu.memref_slice %arg5[%run_scoped3A_3, %dma_wait3A_617, %dma_wait3A_618, %dma_wait3A_619] : memref<2x8x2x128xi32, #tpu.memory_space<vmem>> -> memref<1x8x2x128xi32, #tpu.memory_space<vmem>>
      %dma_wait3A_621 = tpu.memref_squeeze %dma_wait3A_620 : memref<1x8x2x128xi32, #tpu.memory_space<vmem>> -> memref<8x2x128xi32, #tpu.memory_space<vmem>>
      %dma_wait3A_622 = arith.constant 0 : i32
      %dma_wait3A_623 = arith.constant 0 : i32
      %dma_wait3A_624 = arith.constant 0 : i32
      %dma_wait3A_625 = tpu.memref_slice %arg3[%arg1, %run_scoped3A, %dma_wait3A_622, %dma_wait3A_623, %dma_wait3A_624] : memref<16x20x8x2x128xi32, #tpu.memory_space<hbm>> -> memref<1x1x8x2x128xi32, #tpu.memory_space<hbm>>
      %dma_wait3A_626 = tpu.memref_squeeze %dma_wait3A_625 : memref<1x1x8x2x128xi32, #tpu.memory_space<hbm>> -> memref<8x2x128xi32, #tpu.memory_space<hbm>>
      tpu.wait_dma2 semaphore(%run_scoped3A_586 : memref<!tpu.dma_semaphore, #tpu.memory_space<semaphore_mem>>) src(%dma_wait3A_626 : memref<8x2x128xi32, #tpu.memory_space<hbm>>) dst(%dma_wait3A_621 : memref<8x2x128xi32, #tpu.memory_space<vmem>>)
      tpu.yield
    }) : () -> ()
    %barrier3A = arith.constant 0 : index
    tpu.barrier barrier_id(%barrier3A)
    %dma_start3A = arith.constant 0 : i32
    %dma_start3A_4 = arith.constant 0 : i32
    %dma_start3A_5 = arith.constant 0 : i32
    %dma_start3A_6 = arith.constant 0 : i32
    %dma_start3A_7 = arith.constant 0 : i32
    %dma_start3A_8 = arith.constant 0 : i32
    %dma_start3A_9 = tpu.memref_slice %arg6[%dma_start3A_6, %dma_start3A_7, %dma_start3A_8] : memref<2x128x128xf32, #tpu.memory_space<vmem>> -> memref<1x128x128xf32, #tpu.memory_space<vmem>>
    %dma_start3A_10 = tpu.memref_squeeze %dma_start3A_9 : memref<1x128x128xf32, #tpu.memory_space<vmem>> -> memref<128x128xf32, #tpu.memory_space<vmem>>
    %dma_start3A_11 = arith.constant 0 : i32
    %dma_start3A_12 = tpu.memref_slice %arg5[%dma_start3A, %dma_start3A_4, %dma_start3A_5, %dma_start3A_11] : memref<2x8x2x128xi32, #tpu.memory_space<vmem>> -> memref<1x1x1x128xi32, #tpu.memory_space<vmem>>
    %dma_start3A_13 = tpu.memref_squeeze %dma_start3A_12 : memref<1x1x1x128xi32, #tpu.memory_space<vmem>> -> memref<128xi32, #tpu.memory_space<vmem>>
    %dma_start3A_14 = arith.constant 0 : i32
    %dma_start3A_15 = arith.constant 0 : i32
    %dma_start3A_16 = tpu.memref_slice %arg2[%arg0, %dma_start3A_14, %dma_start3A_15] : memref<2x10240x128xf32, #tpu.memory_space<hbm>> -> memref<1x10240x128xf32, #tpu.memory_space<hbm>>
    %dma_start3A_17 = tpu.memref_squeeze %dma_start3A_16 : memref<1x10240x128xf32, #tpu.memory_space<hbm>> -> memref<10240x128xf32, #tpu.memory_space<hbm>>
    %dma_start3A_18 = arith.constant 0 : i32
    %dma_start3A_19 = arith.constant 0 : i32
    %dma_start3A_20 = tpu.memref_slice %dma_start3A_17[%dma_start3A_18, %dma_start3A_19] : memref<10240x128xf32, #tpu.memory_space<hbm>> -> memref<10240x128xf32, #tpu.memory_space<hbm>>
    tpu.enqueue_indirect_dma source(%dma_start3A_20 : memref<10240x128xf32, #tpu.memory_space<hbm>>) target(%dma_start3A_10 : memref<128x128xf32, #tpu.memory_space<vmem>>) offsets(%dma_start3A_13 : memref<128xi32, #tpu.memory_space<vmem>>) semaphore(%arg8 : memref<!tpu.dma_semaphore, #tpu.memory_space<semaphore_mem>>)
    %dma_start3A_21 = arith.constant 1 : i32
    %dma_start3A_22 = arith.constant 1 : i32
    %dma_start3A_23 = arith.constant 0 : i32
    %dma_start3A_24 = arith.constant 0 : i32
    %dma_start3A_25 = arith.constant 0 : i32
    %dma_start3A_26 = tpu.memref_slice %arg5[%dma_start3A_22, %dma_start3A_23, %dma_start3A_24, %dma_start3A_25] : memref<2x8x2x128xi32, #tpu.memory_space<vmem>> -> memref<1x8x2x128xi32, #tpu.memory_space<vmem>>
    %dma_start3A_27 = tpu.memref_squeeze %dma_start3A_26 : memref<1x8x2x128xi32, #tpu.memory_space<vmem>> -> memref<8x2x128xi32, #tpu.memory_space<vmem>>
    %dma_start3A_28 = arith.constant 0 : i32
    %dma_start3A_29 = arith.constant 0 : i32
    %dma_start3A_30 = arith.constant 0 : i32
    %dma_start3A_31 = tpu.memref_slice %arg3[%arg1, %dma_start3A_21, %dma_start3A_28, %dma_start3A_29, %dma_start3A_30] : memref<16x20x8x2x128xi32, #tpu.memory_space<hbm>> -> memref<1x1x8x2x128xi32, #tpu.memory_space<hbm>>
    %dma_start3A_32 = tpu.memref_squeeze %dma_start3A_31 : memref<1x1x8x2x128xi32, #tpu.memory_space<hbm>> -> memref<8x2x128xi32, #tpu.memory_space<hbm>>
    %dma_start3A_33 = arith.constant 0 : i32
    %dma_start3A_34 = arith.constant 0 : i32
    %dma_start3A_35 = arith.constant 0 : i32
    %dma_start3A_36 = tpu.memref_slice %arg5[%dma_start3A_22, %dma_start3A_33, %dma_start3A_34, %dma_start3A_35] : memref<2x8x2x128xi32, #tpu.memory_space<vmem>> -> memref<1x8x2x128xi32, #tpu.memory_space<vmem>>
    %dma_start3A_37 = tpu.memref_squeeze %dma_start3A_36 : memref<1x8x2x128xi32, #tpu.memory_space<vmem>> -> memref<8x2x128xi32, #tpu.memory_space<vmem>>
    %dma_start3A_38 = arith.constant 0 : i32
    %dma_start3A_39 = arith.constant 0 : i32
    %dma_start3A_40 = arith.constant 0 : i32
    %dma_start3A_41 = tpu.memref_slice %arg3[%arg1, %dma_start3A_21, %dma_start3A_38, %dma_start3A_39, %dma_start3A_40] : memref<16x20x8x2x128xi32, #tpu.memory_space<hbm>> -> memref<1x1x8x2x128xi32, #tpu.memory_space<hbm>>
    %dma_start3A_42 = tpu.memref_squeeze %dma_start3A_41 : memref<1x1x8x2x128xi32, #tpu.memory_space<hbm>> -> memref<8x2x128xi32, #tpu.memory_space<hbm>>
    tpu.enqueue_dma source(%dma_start3A_42 : memref<8x2x128xi32, #tpu.memory_space<hbm>>) target(%dma_start3A_37 : memref<8x2x128xi32, #tpu.memory_space<vmem>>) target_semaphore(%arg12 : memref<!tpu.dma_semaphore, #tpu.memory_space<semaphore_mem>>)
    %dma_start3A_43 = arith.constant 0 : i32
    %dma_start3A_44 = arith.constant 1 : i32
    %dma_start3A_45 = arith.constant 0 : i32
    %dma_start3A_46 = arith.constant 1 : i32
    %dma_start3A_47 = arith.constant 0 : i32
    %dma_start3A_48 = arith.constant 0 : i32
    %dma_start3A_49 = tpu.memref_slice %arg6[%dma_start3A_46, %dma_start3A_47, %dma_start3A_48] : memref<2x128x128xf32, #tpu.memory_space<vmem>> -> memref<1x128x128xf32, #tpu.memory_space<vmem>>
    %dma_start3A_50 = tpu.memref_squeeze %dma_start3A_49 : memref<1x128x128xf32, #tpu.memory_space<vmem>> -> memref<128x128xf32, #tpu.memory_space<vmem>>
    %dma_start3A_51 = arith.constant 0 : i32
    %dma_start3A_52 = tpu.memref_slice %arg5[%dma_start3A_43, %dma_start3A_44, %dma_start3A_45, %dma_start3A_51] : memref<2x8x2x128xi32, #tpu.memory_space<vmem>> -> memref<1x1x1x128xi32, #tpu.memory_space<vmem>>
    %dma_start3A_53 = tpu.memref_squeeze %dma_start3A_52 : memref<1x1x1x128xi32, #tpu.memory_space<vmem>> -> memref<128xi32, #tpu.memory_space<vmem>>
    %dma_start3A_54 = arith.constant 0 : i32
    %dma_start3A_55 = arith.constant 0 : i32
    %dma_start3A_56 = tpu.memref_slice %arg2[%arg0, %dma_start3A_54, %dma_start3A_55] : memref<2x10240x128xf32, #tpu.memory_space<hbm>> -> memref<1x10240x128xf32, #tpu.memory_space<hbm>>
    %dma_start3A_57 = tpu.memref_squeeze %dma_start3A_56 : memref<1x10240x128xf32, #tpu.memory_space<hbm>> -> memref<10240x128xf32, #tpu.memory_space<hbm>>
    %dma_start3A_58 = arith.constant 0 : i32
    %dma_start3A_59 = arith.constant 0 : i32
    %dma_start3A_60 = tpu.memref_slice %dma_start3A_57[%dma_start3A_58, %dma_start3A_59] : memref<10240x128xf32, #tpu.memory_space<hbm>> -> memref<10240x128xf32, #tpu.memory_space<hbm>>
    tpu.enqueue_indirect_dma source(%dma_start3A_60 : memref<10240x128xf32, #tpu.memory_space<hbm>>) target(%dma_start3A_50 : memref<128x128xf32, #tpu.memory_space<vmem>>) offsets(%dma_start3A_53 : memref<128xi32, #tpu.memory_space<vmem>>) semaphore(%arg9 : memref<!tpu.dma_semaphore, #tpu.memory_space<semaphore_mem>>)
    %dma_wait3A = arith.constant 0 : i32
    %dma_wait3A_61 = arith.constant 0 : i32
    %dma_wait3A_62 = arith.constant 0 : i32
    %dma_wait3A_63 = arith.constant 0 : i32
    %dma_wait3A_64 = arith.constant 0 : i32
    %dma_wait3A_65 = arith.constant 0 : i32
    %dma_wait3A_66 = tpu.memref_slice %arg6[%dma_wait3A_63, %dma_wait3A_64, %dma_wait3A_65] : memref<2x128x128xf32, #tpu.memory_space<vmem>> -> memref<1x128x128xf32, #tpu.memory_space<vmem>>
    %dma_wait3A_67 = tpu.memref_squeeze %dma_wait3A_66 : memref<1x128x128xf32, #tpu.memory_space<vmem>> -> memref<128x128xf32, #tpu.memory_space<vmem>>
    %dma_wait3A_68 = arith.constant 0 : i32
    %dma_wait3A_69 = tpu.memref_slice %arg5[%dma_wait3A, %dma_wait3A_61, %dma_wait3A_62, %dma_wait3A_68] : memref<2x8x2x128xi32, #tpu.memory_space<vmem>> -> memref<1x1x1x128xi32, #tpu.memory_space<vmem>>
    %dma_wait3A_70 = tpu.memref_squeeze %dma_wait3A_69 : memref<1x1x1x128xi32, #tpu.memory_space<vmem>> -> memref<128xi32, #tpu.memory_space<vmem>>
    %dma_wait3A_71 = arith.constant 0 : i32
    %dma_wait3A_72 = arith.constant 0 : i32
    %dma_wait3A_73 = tpu.memref_slice %arg2[%arg0, %dma_wait3A_71, %dma_wait3A_72] : memref<2x10240x128xf32, #tpu.memory_space<hbm>> -> memref<1x10240x128xf32, #tpu.memory_space<hbm>>
    %dma_wait3A_74 = tpu.memref_squeeze %dma_wait3A_73 : memref<1x10240x128xf32, #tpu.memory_space<hbm>> -> memref<10240x128xf32, #tpu.memory_space<hbm>>
    %dma_wait3A_75 = arith.constant 0 : i32
    %dma_wait3A_76 = arith.constant 0 : i32
    %dma_wait3A_77 = tpu.memref_slice %dma_wait3A_74[%dma_wait3A_75, %dma_wait3A_76] : memref<10240x128xf32, #tpu.memory_space<hbm>> -> memref<10240x128xf32, #tpu.memory_space<hbm>>
    tpu.wait_indirect_dma semaphore(%arg8 : memref<!tpu.dma_semaphore, #tpu.memory_space<semaphore_mem>>) src(%dma_wait3A_77 : memref<10240x128xf32, #tpu.memory_space<hbm>>) dst(%dma_wait3A_67 : memref<128x128xf32, #tpu.memory_space<vmem>>)
    %dma_start3A_78 = arith.constant 0 : i32
    %dma_start3A_79 = arith.constant 0 : i32
    %dma_start3A_80 = arith.constant 0 : i32
    %dma_start3A_81 = arith.constant 1 : i32
    %dma_start3A_82 = arith.constant 0 : i32
    %dma_start3A_83 = arith.constant 0 : i32
    %dma_start3A_84 = tpu.memref_slice %arg6[%dma_start3A_78, %dma_start3A_82, %dma_start3A_83] : memref<2x128x128xf32, #tpu.memory_space<vmem>> -> memref<1x128x128xf32, #tpu.memory_space<vmem>>
    %dma_start3A_85 = tpu.memref_squeeze %dma_start3A_84 : memref<1x128x128xf32, #tpu.memory_space<vmem>> -> memref<128x128xf32, #tpu.memory_space<vmem>>
    %dma_start3A_86 = arith.constant 0 : i32
    %dma_start3A_87 = tpu.memref_slice %arg5[%dma_start3A_79, %dma_start3A_80, %dma_start3A_81, %dma_start3A_86] : memref<2x8x2x128xi32, #tpu.memory_space<vmem>> -> memref<1x1x1x128xi32, #tpu.memory_space<vmem>>
    %dma_start3A_88 = tpu.memref_squeeze %dma_start3A_87 : memref<1x1x1x128xi32, #tpu.memory_space<vmem>> -> memref<128xi32, #tpu.memory_space<vmem>>
    %dma_start3A_89 = arith.constant 0 : i32
    %dma_start3A_90 = arith.constant 0 : i32
    %dma_start3A_91 = tpu.memref_slice %arg7[%dma_start3A_89, %dma_start3A_90] : memref<10240x128xf32, #tpu.memory_space<vmem_shared>> -> memref<10240x128xf32, #tpu.memory_space<vmem_shared>>
    tpu.enqueue_indirect_dma source(%dma_start3A_85 : memref<128x128xf32, #tpu.memory_space<vmem>>) target(%dma_start3A_91 : memref<10240x128xf32, #tpu.memory_space<vmem_shared>>) offsets(%dma_start3A_88 : memref<128xi32, #tpu.memory_space<vmem>>) semaphore(%arg10 : memref<!tpu.dma_semaphore, #tpu.memory_space<semaphore_mem>>) {add = true}
    %dma_wait3A_92 = arith.constant 0 : i32
    %dma_wait3A_93 = arith.constant 0 : i32
    %dma_wait3A_94 = arith.constant 0 : i32
    %dma_wait3A_95 = arith.constant 1 : i32
    %dma_wait3A_96 = arith.constant 0 : i32
    %dma_wait3A_97 = arith.constant 0 : i32
    %dma_wait3A_98 = tpu.memref_slice %arg6[%dma_wait3A_92, %dma_wait3A_96, %dma_wait3A_97] : memref<2x128x128xf32, #tpu.memory_space<vmem>> -> memref<1x128x128xf32, #tpu.memory_space<vmem>>
    %dma_wait3A_99 = tpu.memref_squeeze %dma_wait3A_98 : memref<1x128x128xf32, #tpu.memory_space<vmem>> -> memref<128x128xf32, #tpu.memory_space<vmem>>
    %dma_wait3A_100 = arith.constant 0 : i32
    %dma_wait3A_101 = tpu.memref_slice %arg5[%dma_wait3A_93, %dma_wait3A_94, %dma_wait3A_95, %dma_wait3A_100] : memref<2x8x2x128xi32, #tpu.memory_space<vmem>> -> memref<1x1x1x128xi32, #tpu.memory_space<vmem>>
    %dma_wait3A_102 = tpu.memref_squeeze %dma_wait3A_101 : memref<1x1x1x128xi32, #tpu.memory_space<vmem>> -> memref<128xi32, #tpu.memory_space<vmem>>
    %dma_wait3A_103 = arith.constant 0 : i32
    %dma_wait3A_104 = arith.constant 0 : i32
    %dma_wait3A_105 = tpu.memref_slice %arg7[%dma_wait3A_103, %dma_wait3A_104] : memref<10240x128xf32, #tpu.memory_space<vmem_shared>> -> memref<10240x128xf32, #tpu.memory_space<vmem_shared>>
    tpu.wait_indirect_dma semaphore(%arg10 : memref<!tpu.dma_semaphore, #tpu.memory_space<semaphore_mem>>) src(%dma_wait3A_99 : memref<128x128xf32, #tpu.memory_space<vmem>>) dst(%dma_wait3A_105 : memref<10240x128xf32, #tpu.memory_space<vmem_shared>>)
    %dma_start3A_106 = arith.constant 0 : i32
    %dma_start3A_107 = arith.constant 2 : i32
    %dma_start3A_108 = arith.constant 0 : i32
    %dma_start3A_109 = arith.constant 0 : i32
    %dma_start3A_110 = arith.constant 0 : i32
    %dma_start3A_111 = arith.constant 0 : i32
    %dma_start3A_112 = tpu.memref_slice %arg6[%dma_start3A_109, %dma_start3A_110, %dma_start3A_111] : memref<2x128x128xf32, #tpu.memory_space<vmem>> -> memref<1x128x128xf32, #tpu.memory_space<vmem>>
    %dma_start3A_113 = tpu.memref_squeeze %dma_start3A_112 : memref<1x128x128xf32, #tpu.memory_space<vmem>> -> memref<128x128xf32, #tpu.memory_space<vmem>>
    %dma_start3A_114 = arith.constant 0 : i32
    %dma_start3A_115 = tpu.memref_slice %arg5[%dma_start3A_106, %dma_start3A_107, %dma_start3A_108, %dma_start3A_114] : memref<2x8x2x128xi32, #tpu.memory_space<vmem>> -> memref<1x1x1x128xi32, #tpu.memory_space<vmem>>
    %dma_start3A_116 = tpu.memref_squeeze %dma_start3A_115 : memref<1x1x1x128xi32, #tpu.memory_space<vmem>> -> memref<128xi32, #tpu.memory_space<vmem>>
    %dma_start3A_117 = arith.constant 0 : i32
    %dma_start3A_118 = arith.constant 0 : i32
    %dma_start3A_119 = tpu.memref_slice %arg2[%arg0, %dma_start3A_117, %dma_start3A_118] : memref<2x10240x128xf32, #tpu.memory_space<hbm>> -> memref<1x10240x128xf32, #tpu.memory_space<hbm>>
    %dma_start3A_120 = tpu.memref_squeeze %dma_start3A_119 : memref<1x10240x128xf32, #tpu.memory_space<hbm>> -> memref<10240x128xf32, #tpu.memory_space<hbm>>
    %dma_start3A_121 = arith.constant 0 : i32
    %dma_start3A_122 = arith.constant 0 : i32
    %dma_start3A_123 = tpu.memref_slice %dma_start3A_120[%dma_start3A_121, %dma_start3A_122] : memref<10240x128xf32, #tpu.memory_space<hbm>> -> memref<10240x128xf32, #tpu.memory_space<hbm>>
    tpu.enqueue_indirect_dma source(%dma_start3A_123 : memref<10240x128xf32, #tpu.memory_space<hbm>>) target(%dma_start3A_113 : memref<128x128xf32, #tpu.memory_space<vmem>>) offsets(%dma_start3A_116 : memref<128xi32, #tpu.memory_space<vmem>>) semaphore(%arg8 : memref<!tpu.dma_semaphore, #tpu.memory_space<semaphore_mem>>)
    %dma_wait3A_124 = arith.constant 0 : i32
    %dma_wait3A_125 = arith.constant 1 : i32
    %dma_wait3A_126 = arith.constant 0 : i32
    %dma_wait3A_127 = arith.constant 1 : i32
    %dma_wait3A_128 = arith.constant 0 : i32
    %dma_wait3A_129 = arith.constant 0 : i32
    %dma_wait3A_130 = tpu.memref_slice %arg6[%dma_wait3A_127, %dma_wait3A_128, %dma_wait3A_129] : memref<2x128x128xf32, #tpu.memory_space<vmem>> -> memref<1x128x128xf32, #tpu.memory_space<vmem>>
    %dma_wait3A_131 = tpu.memref_squeeze %dma_wait3A_130 : memref<1x128x128xf32, #tpu.memory_space<vmem>> -> memref<128x128xf32, #tpu.memory_space<vmem>>
    %dma_wait3A_132 = arith.constant 0 : i32
    %dma_wait3A_133 = tpu.memref_slice %arg5[%dma_wait3A_124, %dma_wait3A_125, %dma_wait3A_126, %dma_wait3A_132] : memref<2x8x2x128xi32, #tpu.memory_space<vmem>> -> memref<1x1x1x128xi32, #tpu.memory_space<vmem>>
    %dma_wait3A_134 = tpu.memref_squeeze %dma_wait3A_133 : memref<1x1x1x128xi32, #tpu.memory_space<vmem>> -> memref<128xi32, #tpu.memory_space<vmem>>
    %dma_wait3A_135 = arith.constant 0 : i32
    %dma_wait3A_136 = arith.constant 0 : i32
    %dma_wait3A_137 = tpu.memref_slice %arg2[%arg0, %dma_wait3A_135, %dma_wait3A_136] : memref<2x10240x128xf32, #tpu.memory_space<hbm>> -> memref<1x10240x128xf32, #tpu.memory_space<hbm>>
    %dma_wait3A_138 = tpu.memref_squeeze %dma_wait3A_137 : memref<1x10240x128xf32, #tpu.memory_space<hbm>> -> memref<10240x128xf32, #tpu.memory_space<hbm>>
    %dma_wait3A_139 = arith.constant 0 : i32
    %dma_wait3A_140 = arith.constant 0 : i32
    %dma_wait3A_141 = tpu.memref_slice %dma_wait3A_138[%dma_wait3A_139, %dma_wait3A_140] : memref<10240x128xf32, #tpu.memory_space<hbm>> -> memref<10240x128xf32, #tpu.memory_space<hbm>>
    tpu.wait_indirect_dma semaphore(%arg9 : memref<!tpu.dma_semaphore, #tpu.memory_space<semaphore_mem>>) src(%dma_wait3A_141 : memref<10240x128xf32, #tpu.memory_space<hbm>>) dst(%dma_wait3A_131 : memref<128x128xf32, #tpu.memory_space<vmem>>)
    %dma_start3A_142 = arith.constant 1 : i32
    %dma_start3A_143 = arith.constant 0 : i32
    %dma_start3A_144 = arith.constant 1 : i32
    %dma_start3A_145 = arith.constant 1 : i32
    %dma_start3A_146 = arith.constant 0 : i32
    %dma_start3A_147 = arith.constant 0 : i32
    %dma_start3A_148 = tpu.memref_slice %arg6[%dma_start3A_142, %dma_start3A_146, %dma_start3A_147] : memref<2x128x128xf32, #tpu.memory_space<vmem>> -> memref<1x128x128xf32, #tpu.memory_space<vmem>>
    %dma_start3A_149 = tpu.memref_squeeze %dma_start3A_148 : memref<1x128x128xf32, #tpu.memory_space<vmem>> -> memref<128x128xf32, #tpu.memory_space<vmem>>
    %dma_start3A_150 = arith.constant 0 : i32
    %dma_start3A_151 = tpu.memref_slice %arg5[%dma_start3A_143, %dma_start3A_144, %dma_start3A_145, %dma_start3A_150] : memref<2x8x2x128xi32, #tpu.memory_space<vmem>> -> memref<1x1x1x128xi32, #tpu.memory_space<vmem>>
    %dma_start3A_152 = tpu.memref_squeeze %dma_start3A_151 : memref<1x1x1x128xi32, #tpu.memory_space<vmem>> -> memref<128xi32, #tpu.memory_space<vmem>>
    %dma_start3A_153 = arith.constant 0 : i32
    %dma_start3A_154 = arith.constant 0 : i32
    %dma_start3A_155 = tpu.memref_slice %arg7[%dma_start3A_153, %dma_start3A_154] : memref<10240x128xf32, #tpu.memory_space<vmem_shared>> -> memref<10240x128xf32, #tpu.memory_space<vmem_shared>>
    tpu.enqueue_indirect_dma source(%dma_start3A_149 : memref<128x128xf32, #tpu.memory_space<vmem>>) target(%dma_start3A_155 : memref<10240x128xf32, #tpu.memory_space<vmem_shared>>) offsets(%dma_start3A_152 : memref<128xi32, #tpu.memory_space<vmem>>) semaphore(%arg11 : memref<!tpu.dma_semaphore, #tpu.memory_space<semaphore_mem>>) {add = true}
    %dma_wait3A_156 = arith.constant 1 : i32
    %dma_wait3A_157 = arith.constant 0 : i32
    %dma_wait3A_158 = arith.constant 1 : i32
    %dma_wait3A_159 = arith.constant 1 : i32
    %dma_wait3A_160 = arith.constant 0 : i32
    %dma_wait3A_161 = arith.constant 0 : i32
    %dma_wait3A_162 = tpu.memref_slice %arg6[%dma_wait3A_156, %dma_wait3A_160, %dma_wait3A_161] : memref<2x128x128xf32, #tpu.memory_space<vmem>> -> memref<1x128x128xf32, #tpu.memory_space<vmem>>
    %dma_wait3A_163 = tpu.memref_squeeze %dma_wait3A_162 : memref<1x128x128xf32, #tpu.memory_space<vmem>> -> memref<128x128xf32, #tpu.memory_space<vmem>>
    %dma_wait3A_164 = arith.constant 0 : i32
    %dma_wait3A_165 = tpu.memref_slice %arg5[%dma_wait3A_157, %dma_wait3A_158, %dma_wait3A_159, %dma_wait3A_164] : memref<2x8x2x128xi32, #tpu.memory_space<vmem>> -> memref<1x1x1x128xi32, #tpu.memory_space<vmem>>
    %dma_wait3A_166 = tpu.memref_squeeze %dma_wait3A_165 : memref<1x1x1x128xi32, #tpu.memory_space<vmem>> -> memref<128xi32, #tpu.memory_space<vmem>>
    %dma_wait3A_167 = arith.constant 0 : i32
    %dma_wait3A_168 = arith.constant 0 : i32
    %dma_wait3A_169 = tpu.memref_slice %arg7[%dma_wait3A_167, %dma_wait3A_168] : memref<10240x128xf32, #tpu.memory_space<vmem_shared>> -> memref<10240x128xf32, #tpu.memory_space<vmem_shared>>
    tpu.wait_indirect_dma semaphore(%arg11 : memref<!tpu.dma_semaphore, #tpu.memory_space<semaphore_mem>>) src(%dma_wait3A_163 : memref<128x128xf32, #tpu.memory_space<vmem>>) dst(%dma_wait3A_169 : memref<10240x128xf32, #tpu.memory_space<vmem_shared>>)
    %dma_start3A_170 = arith.constant 0 : i32
    %dma_start3A_171 = arith.constant 3 : i32
    %dma_start3A_172 = arith.constant 0 : i32
    %dma_start3A_173 = arith.constant 1 : i32
    %dma_start3A_174 = arith.constant 0 : i32
    %dma_start3A_175 = arith.constant 0 : i32
    %dma_start3A_176 = tpu.memref_slice %arg6[%dma_start3A_173, %dma_start3A_174, %dma_start3A_175] : memref<2x128x128xf32, #tpu.memory_space<vmem>> -> memref<1x128x128xf32, #tpu.memory_space<vmem>>
    %dma_start3A_177 = tpu.memref_squeeze %dma_start3A_176 : memref<1x128x128xf32, #tpu.memory_space<vmem>> -> memref<128x128xf32, #tpu.memory_space<vmem>>
    %dma_start3A_178 = arith.constant 0 : i32
    %dma_start3A_179 = tpu.memref_slice %arg5[%dma_start3A_170, %dma_start3A_171, %dma_start3A_172, %dma_start3A_178] : memref<2x8x2x128xi32, #tpu.memory_space<vmem>> -> memref<1x1x1x128xi32, #tpu.memory_space<vmem>>
    %dma_start3A_180 = tpu.memref_squeeze %dma_start3A_179 : memref<1x1x1x128xi32, #tpu.memory_space<vmem>> -> memref<128xi32, #tpu.memory_space<vmem>>
    %dma_start3A_181 = arith.constant 0 : i32
    %dma_start3A_182 = arith.constant 0 : i32
    %dma_start3A_183 = tpu.memref_slice %arg2[%arg0, %dma_start3A_181, %dma_start3A_182] : memref<2x10240x128xf32, #tpu.memory_space<hbm>> -> memref<1x10240x128xf32, #tpu.memory_space<hbm>>
    %dma_start3A_184 = tpu.memref_squeeze %dma_start3A_183 : memref<1x10240x128xf32, #tpu.memory_space<hbm>> -> memref<10240x128xf32, #tpu.memory_space<hbm>>
    %dma_start3A_185 = arith.constant 0 : i32
    %dma_start3A_186 = arith.constant 0 : i32
    %dma_start3A_187 = tpu.memref_slice %dma_start3A_184[%dma_start3A_185, %dma_start3A_186] : memref<10240x128xf32, #tpu.memory_space<hbm>> -> memref<10240x128xf32, #tpu.memory_space<hbm>>
    tpu.enqueue_indirect_dma source(%dma_start3A_187 : memref<10240x128xf32, #tpu.memory_space<hbm>>) target(%dma_start3A_177 : memref<128x128xf32, #tpu.memory_space<vmem>>) offsets(%dma_start3A_180 : memref<128xi32, #tpu.memory_space<vmem>>) semaphore(%arg9 : memref<!tpu.dma_semaphore, #tpu.memory_space<semaphore_mem>>)
    %dma_wait3A_188 = arith.constant 0 : i32
    %dma_wait3A_189 = arith.constant 2 : i32
    %dma_wait3A_190 = arith.constant 0 : i32
    %dma_wait3A_191 = arith.constant 0 : i32
    %dma_wait3A_192 = arith.constant 0 : i32
    %dma_wait3A_193 = arith.constant 0 : i32
    %dma_wait3A_194 = tpu.memref_slice %arg6[%dma_wait3A_191, %dma_wait3A_192, %dma_wait3A_193] : memref<2x128x128xf32, #tpu.memory_space<vmem>> -> memref<1x128x128xf32, #tpu.memory_space<vmem>>
    %dma_wait3A_195 = tpu.memref_squeeze %dma_wait3A_194 : memref<1x128x128xf32, #tpu.memory_space<vmem>> -> memref<128x128xf32, #tpu.memory_space<vmem>>
    %dma_wait3A_196 = arith.constant 0 : i32
    %dma_wait3A_197 = tpu.memref_slice %arg5[%dma_wait3A_188, %dma_wait3A_189, %dma_wait3A_190, %dma_wait3A_196] : memref<2x8x2x128xi32, #tpu.memory_space<vmem>> -> memref<1x1x1x128xi32, #tpu.memory_space<vmem>>
    %dma_wait3A_198 = tpu.memref_squeeze %dma_wait3A_197 : memref<1x1x1x128xi32, #tpu.memory_space<vmem>> -> memref<128xi32, #tpu.memory_space<vmem>>
    %dma_wait3A_199 = arith.constant 0 : i32
    %dma_wait3A_200 = arith.constant 0 : i32
    %dma_wait3A_201 = tpu.memref_slice %arg2[%arg0, %dma_wait3A_199, %dma_wait3A_200] : memref<2x10240x128xf32, #tpu.memory_space<hbm>> -> memref<1x10240x128xf32, #tpu.memory_space<hbm>>
    %dma_wait3A_202 = tpu.memref_squeeze %dma_wait3A_201 : memref<1x10240x128xf32, #tpu.memory_space<hbm>> -> memref<10240x128xf32, #tpu.memory_space<hbm>>
    %dma_wait3A_203 = arith.constant 0 : i32
    %dma_wait3A_204 = arith.constant 0 : i32
    %dma_wait3A_205 = tpu.memref_slice %dma_wait3A_202[%dma_wait3A_203, %dma_wait3A_204] : memref<10240x128xf32, #tpu.memory_space<hbm>> -> memref<10240x128xf32, #tpu.memory_space<hbm>>
    tpu.wait_indirect_dma semaphore(%arg8 : memref<!tpu.dma_semaphore, #tpu.memory_space<semaphore_mem>>) src(%dma_wait3A_205 : memref<10240x128xf32, #tpu.memory_space<hbm>>) dst(%dma_wait3A_195 : memref<128x128xf32, #tpu.memory_space<vmem>>)
    %dma_start3A_206 = arith.constant 0 : i32
    %dma_start3A_207 = arith.constant 0 : i32
    %dma_start3A_208 = arith.constant 2 : i32
    %dma_start3A_209 = arith.constant 1 : i32
    %dma_start3A_210 = arith.constant 0 : i32
    %dma_start3A_211 = arith.constant 0 : i32
    %dma_start3A_212 = tpu.memref_slice %arg6[%dma_start3A_206, %dma_start3A_210, %dma_start3A_211] : memref<2x128x128xf32, #tpu.memory_space<vmem>> -> memref<1x128x128xf32, #tpu.memory_space<vmem>>
    %dma_start3A_213 = tpu.memref_squeeze %dma_start3A_212 : memref<1x128x128xf32, #tpu.memory_space<vmem>> -> memref<128x128xf32, #tpu.memory_space<vmem>>
    %dma_start3A_214 = arith.constant 0 : i32
    %dma_start3A_215 = tpu.memref_slice %arg5[%dma_start3A_207, %dma_start3A_208, %dma_start3A_209, %dma_start3A_214] : memref<2x8x2x128xi32, #tpu.memory_space<vmem>> -> memref<1x1x1x128xi32, #tpu.memory_space<vmem>>
    %dma_start3A_216 = tpu.memref_squeeze %dma_start3A_215 : memref<1x1x1x128xi32, #tpu.memory_space<vmem>> -> memref<128xi32, #tpu.memory_space<vmem>>
    %dma_start3A_217 = arith.constant 0 : i32
    %dma_start3A_218 = arith.constant 0 : i32
    %dma_start3A_219 = tpu.memref_slice %arg7[%dma_start3A_217, %dma_start3A_218] : memref<10240x128xf32, #tpu.memory_space<vmem_shared>> -> memref<10240x128xf32, #tpu.memory_space<vmem_shared>>
    tpu.enqueue_indirect_dma source(%dma_start3A_213 : memref<128x128xf32, #tpu.memory_space<vmem>>) target(%dma_start3A_219 : memref<10240x128xf32, #tpu.memory_space<vmem_shared>>) offsets(%dma_start3A_216 : memref<128xi32, #tpu.memory_space<vmem>>) semaphore(%arg10 : memref<!tpu.dma_semaphore, #tpu.memory_space<semaphore_mem>>) {add = true}
    %dma_wait3A_220 = arith.constant 0 : i32
    %dma_wait3A_221 = arith.constant 0 : i32
    %dma_wait3A_222 = arith.constant 2 : i32
    %dma_wait3A_223 = arith.constant 1 : i32
    %dma_wait3A_224 = arith.constant 0 : i32
    %dma_wait3A_225 = arith.constant 0 : i32
    %dma_wait3A_226 = tpu.memref_slice %arg6[%dma_wait3A_220, %dma_wait3A_224, %dma_wait3A_225] : memref<2x128x128xf32, #tpu.memory_space<vmem>> -> memref<1x128x128xf32, #tpu.memory_space<vmem>>
    %dma_wait3A_227 = tpu.memref_squeeze %dma_wait3A_226 : memref<1x128x128xf32, #tpu.memory_space<vmem>> -> memref<128x128xf32, #tpu.memory_space<vmem>>
    %dma_wait3A_228 = arith.constant 0 : i32
    %dma_wait3A_229 = tpu.memref_slice %arg5[%dma_wait3A_221, %dma_wait3A_222, %dma_wait3A_223, %dma_wait3A_228] : memref<2x8x2x128xi32, #tpu.memory_space<vmem>> -> memref<1x1x1x128xi32, #tpu.memory_space<vmem>>
    %dma_wait3A_230 = tpu.memref_squeeze %dma_wait3A_229 : memref<1x1x1x128xi32, #tpu.memory_space<vmem>> -> memref<128xi32, #tpu.memory_space<vmem>>
    %dma_wait3A_231 = arith.constant 0 : i32
    %dma_wait3A_232 = arith.constant 0 : i32
    %dma_wait3A_233 = tpu.memref_slice %arg7[%dma_wait3A_231, %dma_wait3A_232] : memref<10240x128xf32, #tpu.memory_space<vmem_shared>> -> memref<10240x128xf32, #tpu.memory_space<vmem_shared>>
    tpu.wait_indirect_dma semaphore(%arg10 : memref<!tpu.dma_semaphore, #tpu.memory_space<semaphore_mem>>) src(%dma_wait3A_227 : memref<128x128xf32, #tpu.memory_space<vmem>>) dst(%dma_wait3A_233 : memref<10240x128xf32, #tpu.memory_space<vmem_shared>>)
    %dma_start3A_234 = arith.constant 0 : i32
    %dma_start3A_235 = arith.constant 4 : i32
    %dma_start3A_236 = arith.constant 0 : i32
    %dma_start3A_237 = arith.constant 0 : i32
    %dma_start3A_238 = arith.constant 0 : i32
    %dma_start3A_239 = arith.constant 0 : i32
    %dma_start3A_240 = tpu.memref_slice %arg6[%dma_start3A_237, %dma_start3A_238, %dma_start3A_239] : memref<2x128x128xf32, #tpu.memory_space<vmem>> -> memref<1x128x128xf32, #tpu.memory_space<vmem>>
    %dma_start3A_241 = tpu.memref_squeeze %dma_start3A_240 : memref<1x128x128xf32, #tpu.memory_space<vmem>> -> memref<128x128xf32, #tpu.memory_space<vmem>>
    %dma_start3A_242 = arith.constant 0 : i32
    %dma_start3A_243 = tpu.memref_slice %arg5[%dma_start3A_234, %dma_start3A_235, %dma_start3A_236, %dma_start3A_242] : memref<2x8x2x128xi32, #tpu.memory_space<vmem>> -> memref<1x1x1x128xi32, #tpu.memory_space<vmem>>
    %dma_start3A_244 = tpu.memref_squeeze %dma_start3A_243 : memref<1x1x1x128xi32, #tpu.memory_space<vmem>> -> memref<128xi32, #tpu.memory_space<vmem>>
    %dma_start3A_245 = arith.constant 0 : i32
    %dma_start3A_246 = arith.constant 0 : i32
    %dma_start3A_247 = tpu.memref_slice %arg2[%arg0, %dma_start3A_245, %dma_start3A_246] : memref<2x10240x128xf32, #tpu.memory_space<hbm>> -> memref<1x10240x128xf32, #tpu.memory_space<hbm>>
    %dma_start3A_248 = tpu.memref_squeeze %dma_start3A_247 : memref<1x10240x128xf32, #tpu.memory_space<hbm>> -> memref<10240x128xf32, #tpu.memory_space<hbm>>
    %dma_start3A_249 = arith.constant 0 : i32
    %dma_start3A_250 = arith.constant 0 : i32
    %dma_start3A_251 = tpu.memref_slice %dma_start3A_248[%dma_start3A_249, %dma_start3A_250] : memref<10240x128xf32, #tpu.memory_space<hbm>> -> memref<10240x128xf32, #tpu.memory_space<hbm>>
    tpu.enqueue_indirect_dma source(%dma_start3A_251 : memref<10240x128xf32, #tpu.memory_space<hbm>>) target(%dma_start3A_241 : memref<128x128xf32, #tpu.memory_space<vmem>>) offsets(%dma_start3A_244 : memref<128xi32, #tpu.memory_space<vmem>>) semaphore(%arg8 : memref<!tpu.dma_semaphore, #tpu.memory_space<semaphore_mem>>)
    %dma_wait3A_252 = arith.constant 0 : i32
    %dma_wait3A_253 = arith.constant 3 : i32
    %dma_wait3A_254 = arith.constant 0 : i32
    %dma_wait3A_255 = arith.constant 1 : i32
    %dma_wait3A_256 = arith.constant 0 : i32
    %dma_wait3A_257 = arith.constant 0 : i32
    %dma_wait3A_258 = tpu.memref_slice %arg6[%dma_wait3A_255, %dma_wait3A_256, %dma_wait3A_257] : memref<2x128x128xf32, #tpu.memory_space<vmem>> -> memref<1x128x128xf32, #tpu.memory_space<vmem>>
    %dma_wait3A_259 = tpu.memref_squeeze %dma_wait3A_258 : memref<1x128x128xf32, #tpu.memory_space<vmem>> -> memref<128x128xf32, #tpu.memory_space<vmem>>
    %dma_wait3A_260 = arith.constant 0 : i32
    %dma_wait3A_261 = tpu.memref_slice %arg5[%dma_wait3A_252, %dma_wait3A_253, %dma_wait3A_254, %dma_wait3A_260] : memref<2x8x2x128xi32, #tpu.memory_space<vmem>> -> memref<1x1x1x128xi32, #tpu.memory_space<vmem>>
    %dma_wait3A_262 = tpu.memref_squeeze %dma_wait3A_261 : memref<1x1x1x128xi32, #tpu.memory_space<vmem>> -> memref<128xi32, #tpu.memory_space<vmem>>
    %dma_wait3A_263 = arith.constant 0 : i32
    %dma_wait3A_264 = arith.constant 0 : i32
    %dma_wait3A_265 = tpu.memref_slice %arg2[%arg0, %dma_wait3A_263, %dma_wait3A_264] : memref<2x10240x128xf32, #tpu.memory_space<hbm>> -> memref<1x10240x128xf32, #tpu.memory_space<hbm>>
    %dma_wait3A_266 = tpu.memref_squeeze %dma_wait3A_265 : memref<1x10240x128xf32, #tpu.memory_space<hbm>> -> memref<10240x128xf32, #tpu.memory_space<hbm>>
    %dma_wait3A_267 = arith.constant 0 : i32
    %dma_wait3A_268 = arith.constant 0 : i32
    %dma_wait3A_269 = tpu.memref_slice %dma_wait3A_266[%dma_wait3A_267, %dma_wait3A_268] : memref<10240x128xf32, #tpu.memory_space<hbm>> -> memref<10240x128xf32, #tpu.memory_space<hbm>>
    tpu.wait_indirect_dma semaphore(%arg9 : memref<!tpu.dma_semaphore, #tpu.memory_space<semaphore_mem>>) src(%dma_wait3A_269 : memref<10240x128xf32, #tpu.memory_space<hbm>>) dst(%dma_wait3A_259 : memref<128x128xf32, #tpu.memory_space<vmem>>)
    %dma_start3A_270 = arith.constant 1 : i32
    %dma_start3A_271 = arith.constant 0 : i32
    %dma_start3A_272 = arith.constant 3 : i32
    %dma_start3A_273 = arith.constant 1 : i32
    %dma_start3A_274 = arith.constant 0 : i32
    %dma_start3A_275 = arith.constant 0 : i32
    %dma_start3A_276 = tpu.memref_slice %arg6[%dma_start3A_270, %dma_start3A_274, %dma_start3A_275] : memref<2x128x128xf32, #tpu.memory_space<vmem>> -> memref<1x128x128xf32, #tpu.memory_space<vmem>>
    %dma_start3A_277 = tpu.memref_squeeze %dma_start3A_276 : memref<1x128x128xf32, #tpu.memory_space<vmem>> -> memref<128x128xf32, #tpu.memory_space<vmem>>
    %dma_start3A_278 = arith.constant 0 : i32
    %dma_start3A_279 = tpu.memref_slice %arg5[%dma_start3A_271, %dma_start3A_272, %dma_start3A_273, %dma_start3A_278] : memref<2x8x2x128xi32, #tpu.memory_space<vmem>> -> memref<1x1x1x128xi32, #tpu.memory_space<vmem>>
    %dma_start3A_280 = tpu.memref_squeeze %dma_start3A_279 : memref<1x1x1x128xi32, #tpu.memory_space<vmem>> -> memref<128xi32, #tpu.memory_space<vmem>>
    %dma_start3A_281 = arith.constant 0 : i32
    %dma_start3A_282 = arith.constant 0 : i32
    %dma_start3A_283 = tpu.memref_slice %arg7[%dma_start3A_281, %dma_start3A_282] : memref<10240x128xf32, #tpu.memory_space<vmem_shared>> -> memref<10240x128xf32, #tpu.memory_space<vmem_shared>>
    tpu.enqueue_indirect_dma source(%dma_start3A_277 : memref<128x128xf32, #tpu.memory_space<vmem>>) target(%dma_start3A_283 : memref<10240x128xf32, #tpu.memory_space<vmem_shared>>) offsets(%dma_start3A_280 : memref<128xi32, #tpu.memory_space<vmem>>) semaphore(%arg11 : memref<!tpu.dma_semaphore, #tpu.memory_space<semaphore_mem>>) {add = true}
    %dma_wait3A_284 = arith.constant 1 : i32
    %dma_wait3A_285 = arith.constant 0 : i32
    %dma_wait3A_286 = arith.constant 3 : i32
    %dma_wait3A_287 = arith.constant 1 : i32
    %dma_wait3A_288 = arith.constant 0 : i32
    %dma_wait3A_289 = arith.constant 0 : i32
    %dma_wait3A_290 = tpu.memref_slice %arg6[%dma_wait3A_284, %dma_wait3A_288, %dma_wait3A_289] : memref<2x128x128xf32, #tpu.memory_space<vmem>> -> memref<1x128x128xf32, #tpu.memory_space<vmem>>
    %dma_wait3A_291 = tpu.memref_squeeze %dma_wait3A_290 : memref<1x128x128xf32, #tpu.memory_space<vmem>> -> memref<128x128xf32, #tpu.memory_space<vmem>>
    %dma_wait3A_292 = arith.constant 0 : i32
    %dma_wait3A_293 = tpu.memref_slice %arg5[%dma_wait3A_285, %dma_wait3A_286, %dma_wait3A_287, %dma_wait3A_292] : memref<2x8x2x128xi32, #tpu.memory_space<vmem>> -> memref<1x1x1x128xi32, #tpu.memory_space<vmem>>
    %dma_wait3A_294 = tpu.memref_squeeze %dma_wait3A_293 : memref<1x1x1x128xi32, #tpu.memory_space<vmem>> -> memref<128xi32, #tpu.memory_space<vmem>>
    %dma_wait3A_295 = arith.constant 0 : i32
    %dma_wait3A_296 = arith.constant 0 : i32
    %dma_wait3A_297 = tpu.memref_slice %arg7[%dma_wait3A_295, %dma_wait3A_296] : memref<10240x128xf32, #tpu.memory_space<vmem_shared>> -> memref<10240x128xf32, #tpu.memory_space<vmem_shared>>
    tpu.wait_indirect_dma semaphore(%arg11 : memref<!tpu.dma_semaphore, #tpu.memory_space<semaphore_mem>>) src(%dma_wait3A_291 : memref<128x128xf32, #tpu.memory_space<vmem>>) dst(%dma_wait3A_297 : memref<10240x128xf32, #tpu.memory_space<vmem_shared>>)
    %dma_start3A_298 = arith.constant 0 : i32
    %dma_start3A_299 = arith.constant 5 : i32
    %dma_start3A_300 = arith.constant 0 : i32
    %dma_start3A_301 = arith.constant 1 : i32
    %dma_start3A_302 = arith.constant 0 : i32
    %dma_start3A_303 = arith.constant 0 : i32
    %dma_start3A_304 = tpu.memref_slice %arg6[%dma_start3A_301, %dma_start3A_302, %dma_start3A_303] : memref<2x128x128xf32, #tpu.memory_space<vmem>> -> memref<1x128x128xf32, #tpu.memory_space<vmem>>
    %dma_start3A_305 = tpu.memref_squeeze %dma_start3A_304 : memref<1x128x128xf32, #tpu.memory_space<vmem>> -> memref<128x128xf32, #tpu.memory_space<vmem>>
    %dma_start3A_306 = arith.constant 0 : i32
    %dma_start3A_307 = tpu.memref_slice %arg5[%dma_start3A_298, %dma_start3A_299, %dma_start3A_300, %dma_start3A_306] : memref<2x8x2x128xi32, #tpu.memory_space<vmem>> -> memref<1x1x1x128xi32, #tpu.memory_space<vmem>>
    %dma_start3A_308 = tpu.memref_squeeze %dma_start3A_307 : memref<1x1x1x128xi32, #tpu.memory_space<vmem>> -> memref<128xi32, #tpu.memory_space<vmem>>
    %dma_start3A_309 = arith.constant 0 : i32
    %dma_start3A_310 = arith.constant 0 : i32
    %dma_start3A_311 = tpu.memref_slice %arg2[%arg0, %dma_start3A_309, %dma_start3A_310] : memref<2x10240x128xf32, #tpu.memory_space<hbm>> -> memref<1x10240x128xf32, #tpu.memory_space<hbm>>
    %dma_start3A_312 = tpu.memref_squeeze %dma_start3A_311 : memref<1x10240x128xf32, #tpu.memory_space<hbm>> -> memref<10240x128xf32, #tpu.memory_space<hbm>>
    %dma_start3A_313 = arith.constant 0 : i32
    %dma_start3A_314 = arith.constant 0 : i32
    %dma_start3A_315 = tpu.memref_slice %dma_start3A_312[%dma_start3A_313, %dma_start3A_314] : memref<10240x128xf32, #tpu.memory_space<hbm>> -> memref<10240x128xf32, #tpu.memory_space<hbm>>
    tpu.enqueue_indirect_dma source(%dma_start3A_315 : memref<10240x128xf32, #tpu.memory_space<hbm>>) target(%dma_start3A_305 : memref<128x128xf32, #tpu.memory_space<vmem>>) offsets(%dma_start3A_308 : memref<128xi32, #tpu.memory_space<vmem>>) semaphore(%arg9 : memref<!tpu.dma_semaphore, #tpu.memory_space<semaphore_mem>>)
    %dma_wait3A_316 = arith.constant 0 : i32
    %dma_wait3A_317 = arith.constant 4 : i32
    %dma_wait3A_318 = arith.constant 0 : i32
    %dma_wait3A_319 = arith.constant 0 : i32
    %dma_wait3A_320 = arith.constant 0 : i32
    %dma_wait3A_321 = arith.constant 0 : i32
    %dma_wait3A_322 = tpu.memref_slice %arg6[%dma_wait3A_319, %dma_wait3A_320, %dma_wait3A_321] : memref<2x128x128xf32, #tpu.memory_space<vmem>> -> memref<1x128x128xf32, #tpu.memory_space<vmem>>
    %dma_wait3A_323 = tpu.memref_squeeze %dma_wait3A_322 : memref<1x128x128xf32, #tpu.memory_space<vmem>> -> memref<128x128xf32, #tpu.memory_space<vmem>>
    %dma_wait3A_324 = arith.constant 0 : i32
    %dma_wait3A_325 = tpu.memref_slice %arg5[%dma_wait3A_316, %dma_wait3A_317, %dma_wait3A_318, %dma_wait3A_324] : memref<2x8x2x128xi32, #tpu.memory_space<vmem>> -> memref<1x1x1x128xi32, #tpu.memory_space<vmem>>
    %dma_wait3A_326 = tpu.memref_squeeze %dma_wait3A_325 : memref<1x1x1x128xi32, #tpu.memory_space<vmem>> -> memref<128xi32, #tpu.memory_space<vmem>>
    %dma_wait3A_327 = arith.constant 0 : i32
    %dma_wait3A_328 = arith.constant 0 : i32
    %dma_wait3A_329 = tpu.memref_slice %arg2[%arg0, %dma_wait3A_327, %dma_wait3A_328] : memref<2x10240x128xf32, #tpu.memory_space<hbm>> -> memref<1x10240x128xf32, #tpu.memory_space<hbm>>
    %dma_wait3A_330 = tpu.memref_squeeze %dma_wait3A_329 : memref<1x10240x128xf32, #tpu.memory_space<hbm>> -> memref<10240x128xf32, #tpu.memory_space<hbm>>
    %dma_wait3A_331 = arith.constant 0 : i32
    %dma_wait3A_332 = arith.constant 0 : i32
    %dma_wait3A_333 = tpu.memref_slice %dma_wait3A_330[%dma_wait3A_331, %dma_wait3A_332] : memref<10240x128xf32, #tpu.memory_space<hbm>> -> memref<10240x128xf32, #tpu.memory_space<hbm>>
    tpu.wait_indirect_dma semaphore(%arg8 : memref<!tpu.dma_semaphore, #tpu.memory_space<semaphore_mem>>) src(%dma_wait3A_333 : memref<10240x128xf32, #tpu.memory_space<hbm>>) dst(%dma_wait3A_323 : memref<128x128xf32, #tpu.memory_space<vmem>>)
    %dma_start3A_334 = arith.constant 0 : i32
    %dma_start3A_335 = arith.constant 0 : i32
    %dma_start3A_336 = arith.constant 4 : i32
    %dma_start3A_337 = arith.constant 1 : i32
    %dma_start3A_338 = arith.constant 0 : i32
    %dma_start3A_339 = arith.constant 0 : i32
    %dma_start3A_340 = tpu.memref_slice %arg6[%dma_start3A_334, %dma_start3A_338, %dma_start3A_339] : memref<2x128x128xf32, #tpu.memory_space<vmem>> -> memref<1x128x128xf32, #tpu.memory_space<vmem>>
    %dma_start3A_341 = tpu.memref_squeeze %dma_start3A_340 : memref<1x128x128xf32, #tpu.memory_space<vmem>> -> memref<128x128xf32, #tpu.memory_space<vmem>>
    %dma_start3A_342 = arith.constant 0 : i32
    %dma_start3A_343 = tpu.memref_slice %arg5[%dma_start3A_335, %dma_start3A_336, %dma_start3A_337, %dma_start3A_342] : memref<2x8x2x128xi32, #tpu.memory_space<vmem>> -> memref<1x1x1x128xi32, #tpu.memory_space<vmem>>
    %dma_start3A_344 = tpu.memref_squeeze %dma_start3A_343 : memref<1x1x1x128xi32, #tpu.memory_space<vmem>> -> memref<128xi32, #tpu.memory_space<vmem>>
    %dma_start3A_345 = arith.constant 0 : i32
    %dma_start3A_346 = arith.constant 0 : i32
    %dma_start3A_347 = tpu.memref_slice %arg7[%dma_start3A_345, %dma_start3A_346] : memref<10240x128xf32, #tpu.memory_space<vmem_shared>> -> memref<10240x128xf32, #tpu.memory_space<vmem_shared>>
    tpu.enqueue_indirect_dma source(%dma_start3A_341 : memref<128x128xf32, #tpu.memory_space<vmem>>) target(%dma_start3A_347 : memref<10240x128xf32, #tpu.memory_space<vmem_shared>>) offsets(%dma_start3A_344 : memref<128xi32, #tpu.memory_space<vmem>>) semaphore(%arg10 : memref<!tpu.dma_semaphore, #tpu.memory_space<semaphore_mem>>) {add = true}
    %dma_wait3A_348 = arith.constant 0 : i32
    %dma_wait3A_349 = arith.constant 0 : i32
    %dma_wait3A_350 = arith.constant 4 : i32
    %dma_wait3A_351 = arith.constant 1 : i32
    %dma_wait3A_352 = arith.constant 0 : i32
    %dma_wait3A_353 = arith.constant 0 : i32
    %dma_wait3A_354 = tpu.memref_slice %arg6[%dma_wait3A_348, %dma_wait3A_352, %dma_wait3A_353] : memref<2x128x128xf32, #tpu.memory_space<vmem>> -> memref<1x128x128xf32, #tpu.memory_space<vmem>>
    %dma_wait3A_355 = tpu.memref_squeeze %dma_wait3A_354 : memref<1x128x128xf32, #tpu.memory_space<vmem>> -> memref<128x128xf32, #tpu.memory_space<vmem>>
    %dma_wait3A_356 = arith.constant 0 : i32
    %dma_wait3A_357 = tpu.memref_slice %arg5[%dma_wait3A_349, %dma_wait3A_350, %dma_wait3A_351, %dma_wait3A_356] : memref<2x8x2x128xi32, #tpu.memory_space<vmem>> -> memref<1x1x1x128xi32, #tpu.memory_space<vmem>>
    %dma_wait3A_358 = tpu.memref_squeeze %dma_wait3A_357 : memref<1x1x1x128xi32, #tpu.memory_space<vmem>> -> memref<128xi32, #tpu.memory_space<vmem>>
    %dma_wait3A_359 = arith.constant 0 : i32
    %dma_wait3A_360 = arith.constant 0 : i32
    %dma_wait3A_361 = tpu.memref_slice %arg7[%dma_wait3A_359, %dma_wait3A_360] : memref<10240x128xf32, #tpu.memory_space<vmem_shared>> -> memref<10240x128xf32, #tpu.memory_space<vmem_shared>>
    tpu.wait_indirect_dma semaphore(%arg10 : memref<!tpu.dma_semaphore, #tpu.memory_space<semaphore_mem>>) src(%dma_wait3A_355 : memref<128x128xf32, #tpu.memory_space<vmem>>) dst(%dma_wait3A_361 : memref<10240x128xf32, #tpu.memory_space<vmem_shared>>)
    %dma_start3A_362 = arith.constant 0 : i32
    %dma_start3A_363 = arith.constant 6 : i32
    %dma_start3A_364 = arith.constant 0 : i32
    %dma_start3A_365 = arith.constant 0 : i32
    %dma_start3A_366 = arith.constant 0 : i32
    %dma_start3A_367 = arith.constant 0 : i32
    %dma_start3A_368 = tpu.memref_slice %arg6[%dma_start3A_365, %dma_start3A_366, %dma_start3A_367] : memref<2x128x128xf32, #tpu.memory_space<vmem>> -> memref<1x128x128xf32, #tpu.memory_space<vmem>>
    %dma_start3A_369 = tpu.memref_squeeze %dma_start3A_368 : memref<1x128x128xf32, #tpu.memory_space<vmem>> -> memref<128x128xf32, #tpu.memory_space<vmem>>
    %dma_start3A_370 = arith.constant 0 : i32
    %dma_start3A_371 = tpu.memref_slice %arg5[%dma_start3A_362, %dma_start3A_363, %dma_start3A_364, %dma_start3A_370] : memref<2x8x2x128xi32, #tpu.memory_space<vmem>> -> memref<1x1x1x128xi32, #tpu.memory_space<vmem>>
    %dma_start3A_372 = tpu.memref_squeeze %dma_start3A_371 : memref<1x1x1x128xi32, #tpu.memory_space<vmem>> -> memref<128xi32, #tpu.memory_space<vmem>>
    %dma_start3A_373 = arith.constant 0 : i32
    %dma_start3A_374 = arith.constant 0 : i32
    %dma_start3A_375 = tpu.memref_slice %arg2[%arg0, %dma_start3A_373, %dma_start3A_374] : memref<2x10240x128xf32, #tpu.memory_space<hbm>> -> memref<1x10240x128xf32, #tpu.memory_space<hbm>>
    %dma_start3A_376 = tpu.memref_squeeze %dma_start3A_375 : memref<1x10240x128xf32, #tpu.memory_space<hbm>> -> memref<10240x128xf32, #tpu.memory_space<hbm>>
    %dma_start3A_377 = arith.constant 0 : i32
    %dma_start3A_378 = arith.constant 0 : i32
    %dma_start3A_379 = tpu.memref_slice %dma_start3A_376[%dma_start3A_377, %dma_start3A_378] : memref<10240x128xf32, #tpu.memory_space<hbm>> -> memref<10240x128xf32, #tpu.memory_space<hbm>>
    tpu.enqueue_indirect_dma source(%dma_start3A_379 : memref<10240x128xf32, #tpu.memory_space<hbm>>) target(%dma_start3A_369 : memref<128x128xf32, #tpu.memory_space<vmem>>) offsets(%dma_start3A_372 : memref<128xi32, #tpu.memory_space<vmem>>) semaphore(%arg8 : memref<!tpu.dma_semaphore, #tpu.memory_space<semaphore_mem>>)
    %dma_wait3A_380 = arith.constant 0 : i32
    %dma_wait3A_381 = arith.constant 5 : i32
    %dma_wait3A_382 = arith.constant 0 : i32
    %dma_wait3A_383 = arith.constant 1 : i32
    %dma_wait3A_384 = arith.constant 0 : i32
    %dma_wait3A_385 = arith.constant 0 : i32
    %dma_wait3A_386 = tpu.memref_slice %arg6[%dma_wait3A_383, %dma_wait3A_384, %dma_wait3A_385] : memref<2x128x128xf32, #tpu.memory_space<vmem>> -> memref<1x128x128xf32, #tpu.memory_space<vmem>>
    %dma_wait3A_387 = tpu.memref_squeeze %dma_wait3A_386 : memref<1x128x128xf32, #tpu.memory_space<vmem>> -> memref<128x128xf32, #tpu.memory_space<vmem>>
    %dma_wait3A_388 = arith.constant 0 : i32
    %dma_wait3A_389 = tpu.memref_slice %arg5[%dma_wait3A_380, %dma_wait3A_381, %dma_wait3A_382, %dma_wait3A_388] : memref<2x8x2x128xi32, #tpu.memory_space<vmem>> -> memref<1x1x1x128xi32, #tpu.memory_space<vmem>>
    %dma_wait3A_390 = tpu.memref_squeeze %dma_wait3A_389 : memref<1x1x1x128xi32, #tpu.memory_space<vmem>> -> memref<128xi32, #tpu.memory_space<vmem>>
    %dma_wait3A_391 = arith.constant 0 : i32
    %dma_wait3A_392 = arith.constant 0 : i32
    %dma_wait3A_393 = tpu.memref_slice %arg2[%arg0, %dma_wait3A_391, %dma_wait3A_392] : memref<2x10240x128xf32, #tpu.memory_space<hbm>> -> memref<1x10240x128xf32, #tpu.memory_space<hbm>>
    %dma_wait3A_394 = tpu.memref_squeeze %dma_wait3A_393 : memref<1x10240x128xf32, #tpu.memory_space<hbm>> -> memref<10240x128xf32, #tpu.memory_space<hbm>>
    %dma_wait3A_395 = arith.constant 0 : i32
    %dma_wait3A_396 = arith.constant 0 : i32
    %dma_wait3A_397 = tpu.memref_slice %dma_wait3A_394[%dma_wait3A_395, %dma_wait3A_396] : memref<10240x128xf32, #tpu.memory_space<hbm>> -> memref<10240x128xf32, #tpu.memory_space<hbm>>
    tpu.wait_indirect_dma semaphore(%arg9 : memref<!tpu.dma_semaphore, #tpu.memory_space<semaphore_mem>>) src(%dma_wait3A_397 : memref<10240x128xf32, #tpu.memory_space<hbm>>) dst(%dma_wait3A_387 : memref<128x128xf32, #tpu.memory_space<vmem>>)
    %dma_start3A_398 = arith.constant 1 : i32
    %dma_start3A_399 = arith.constant 0 : i32
    %dma_start3A_400 = arith.constant 5 : i32
    %dma_start3A_401 = arith.constant 1 : i32
    %dma_start3A_402 = arith.constant 0 : i32
    %dma_start3A_403 = arith.constant 0 : i32
    %dma_start3A_404 = tpu.memref_slice %arg6[%dma_start3A_398, %dma_start3A_402, %dma_start3A_403] : memref<2x128x128xf32, #tpu.memory_space<vmem>> -> memref<1x128x128xf32, #tpu.memory_space<vmem>>
    %dma_start3A_405 = tpu.memref_squeeze %dma_start3A_404 : memref<1x128x128xf32, #tpu.memory_space<vmem>> -> memref<128x128xf32, #tpu.memory_space<vmem>>
    %dma_start3A_406 = arith.constant 0 : i32
    %dma_start3A_407 = tpu.memref_slice %arg5[%dma_start3A_399, %dma_start3A_400, %dma_start3A_401, %dma_start3A_406] : memref<2x8x2x128xi32, #tpu.memory_space<vmem>> -> memref<1x1x1x128xi32, #tpu.memory_space<vmem>>
    %dma_start3A_408 = tpu.memref_squeeze %dma_start3A_407 : memref<1x1x1x128xi32, #tpu.memory_space<vmem>> -> memref<128xi32, #tpu.memory_space<vmem>>
    %dma_start3A_409 = arith.constant 0 : i32
    %dma_start3A_410 = arith.constant 0 : i32
    %dma_start3A_411 = tpu.memref_slice %arg7[%dma_start3A_409, %dma_start3A_410] : memref<10240x128xf32, #tpu.memory_space<vmem_shared>> -> memref<10240x128xf32, #tpu.memory_space<vmem_shared>>
    tpu.enqueue_indirect_dma source(%dma_start3A_405 : memref<128x128xf32, #tpu.memory_space<vmem>>) target(%dma_start3A_411 : memref<10240x128xf32, #tpu.memory_space<vmem_shared>>) offsets(%dma_start3A_408 : memref<128xi32, #tpu.memory_space<vmem>>) semaphore(%arg11 : memref<!tpu.dma_semaphore, #tpu.memory_space<semaphore_mem>>) {add = true}
    %dma_wait3A_412 = arith.constant 1 : i32
    %dma_wait3A_413 = arith.constant 0 : i32
    %dma_wait3A_414 = arith.constant 5 : i32
    %dma_wait3A_415 = arith.constant 1 : i32
    %dma_wait3A_416 = arith.constant 0 : i32
    %dma_wait3A_417 = arith.constant 0 : i32
    %dma_wait3A_418 = tpu.memref_slice %arg6[%dma_wait3A_412, %dma_wait3A_416, %dma_wait3A_417] : memref<2x128x128xf32, #tpu.memory_space<vmem>> -> memref<1x128x128xf32, #tpu.memory_space<vmem>>
    %dma_wait3A_419 = tpu.memref_squeeze %dma_wait3A_418 : memref<1x128x128xf32, #tpu.memory_space<vmem>> -> memref<128x128xf32, #tpu.memory_space<vmem>>
    %dma_wait3A_420 = arith.constant 0 : i32
    %dma_wait3A_421 = tpu.memref_slice %arg5[%dma_wait3A_413, %dma_wait3A_414, %dma_wait3A_415, %dma_wait3A_420] : memref<2x8x2x128xi32, #tpu.memory_space<vmem>> -> memref<1x1x1x128xi32, #tpu.memory_space<vmem>>
    %dma_wait3A_422 = tpu.memref_squeeze %dma_wait3A_421 : memref<1x1x1x128xi32, #tpu.memory_space<vmem>> -> memref<128xi32, #tpu.memory_space<vmem>>
    %dma_wait3A_423 = arith.constant 0 : i32
    %dma_wait3A_424 = arith.constant 0 : i32
    %dma_wait3A_425 = tpu.memref_slice %arg7[%dma_wait3A_423, %dma_wait3A_424] : memref<10240x128xf32, #tpu.memory_space<vmem_shared>> -> memref<10240x128xf32, #tpu.memory_space<vmem_shared>>
    tpu.wait_indirect_dma semaphore(%arg11 : memref<!tpu.dma_semaphore, #tpu.memory_space<semaphore_mem>>) src(%dma_wait3A_419 : memref<128x128xf32, #tpu.memory_space<vmem>>) dst(%dma_wait3A_425 : memref<10240x128xf32, #tpu.memory_space<vmem_shared>>)
    %dma_start3A_426 = arith.constant 0 : i32
    %dma_start3A_427 = arith.constant 7 : i32
    %dma_start3A_428 = arith.constant 0 : i32
    %dma_start3A_429 = arith.constant 1 : i32
    %dma_start3A_430 = arith.constant 0 : i32
    %dma_start3A_431 = arith.constant 0 : i32
    %dma_start3A_432 = tpu.memref_slice %arg6[%dma_start3A_429, %dma_start3A_430, %dma_start3A_431] : memref<2x128x128xf32, #tpu.memory_space<vmem>> -> memref<1x128x128xf32, #tpu.memory_space<vmem>>
    %dma_start3A_433 = tpu.memref_squeeze %dma_start3A_432 : memref<1x128x128xf32, #tpu.memory_space<vmem>> -> memref<128x128xf32, #tpu.memory_space<vmem>>
    %dma_start3A_434 = arith.constant 0 : i32
    %dma_start3A_435 = tpu.memref_slice %arg5[%dma_start3A_426, %dma_start3A_427, %dma_start3A_428, %dma_start3A_434] : memref<2x8x2x128xi32, #tpu.memory_space<vmem>> -> memref<1x1x1x128xi32, #tpu.memory_space<vmem>>
    %dma_start3A_436 = tpu.memref_squeeze %dma_start3A_435 : memref<1x1x1x128xi32, #tpu.memory_space<vmem>> -> memref<128xi32, #tpu.memory_space<vmem>>
    %dma_start3A_437 = arith.constant 0 : i32
    %dma_start3A_438 = arith.constant 0 : i32
    %dma_start3A_439 = tpu.memref_slice %arg2[%arg0, %dma_start3A_437, %dma_start3A_438] : memref<2x10240x128xf32, #tpu.memory_space<hbm>> -> memref<1x10240x128xf32, #tpu.memory_space<hbm>>
    %dma_start3A_440 = tpu.memref_squeeze %dma_start3A_439 : memref<1x10240x128xf32, #tpu.memory_space<hbm>> -> memref<10240x128xf32, #tpu.memory_space<hbm>>
    %dma_start3A_441 = arith.constant 0 : i32
    %dma_start3A_442 = arith.constant 0 : i32
    %dma_start3A_443 = tpu.memref_slice %dma_start3A_440[%dma_start3A_441, %dma_start3A_442] : memref<10240x128xf32, #tpu.memory_space<hbm>> -> memref<10240x128xf32, #tpu.memory_space<hbm>>
    tpu.enqueue_indirect_dma source(%dma_start3A_443 : memref<10240x128xf32, #tpu.memory_space<hbm>>) target(%dma_start3A_433 : memref<128x128xf32, #tpu.memory_space<vmem>>) offsets(%dma_start3A_436 : memref<128xi32, #tpu.memory_space<vmem>>) semaphore(%arg9 : memref<!tpu.dma_semaphore, #tpu.memory_space<semaphore_mem>>)
    %dma_wait3A_444 = arith.constant 0 : i32
    %dma_wait3A_445 = arith.constant 6 : i32
    %dma_wait3A_446 = arith.constant 0 : i32
    %dma_wait3A_447 = arith.constant 0 : i32
    %dma_wait3A_448 = arith.constant 0 : i32
    %dma_wait3A_449 = arith.constant 0 : i32
    %dma_wait3A_450 = tpu.memref_slice %arg6[%dma_wait3A_447, %dma_wait3A_448, %dma_wait3A_449] : memref<2x128x128xf32, #tpu.memory_space<vmem>> -> memref<1x128x128xf32, #tpu.memory_space<vmem>>
    %dma_wait3A_451 = tpu.memref_squeeze %dma_wait3A_450 : memref<1x128x128xf32, #tpu.memory_space<vmem>> -> memref<128x128xf32, #tpu.memory_space<vmem>>
    %dma_wait3A_452 = arith.constant 0 : i32
    %dma_wait3A_453 = tpu.memref_slice %arg5[%dma_wait3A_444, %dma_wait3A_445, %dma_wait3A_446, %dma_wait3A_452] : memref<2x8x2x128xi32, #tpu.memory_space<vmem>> -> memref<1x1x1x128xi32, #tpu.memory_space<vmem>>
    %dma_wait3A_454 = tpu.memref_squeeze %dma_wait3A_453 : memref<1x1x1x128xi32, #tpu.memory_space<vmem>> -> memref<128xi32, #tpu.memory_space<vmem>>
    %dma_wait3A_455 = arith.constant 0 : i32
    %dma_wait3A_456 = arith.constant 0 : i32
    %dma_wait3A_457 = tpu.memref_slice %arg2[%arg0, %dma_wait3A_455, %dma_wait3A_456] : memref<2x10240x128xf32, #tpu.memory_space<hbm>> -> memref<1x10240x128xf32, #tpu.memory_space<hbm>>
    %dma_wait3A_458 = tpu.memref_squeeze %dma_wait3A_457 : memref<1x10240x128xf32, #tpu.memory_space<hbm>> -> memref<10240x128xf32, #tpu.memory_space<hbm>>
    %dma_wait3A_459 = arith.constant 0 : i32
    %dma_wait3A_460 = arith.constant 0 : i32
    %dma_wait3A_461 = tpu.memref_slice %dma_wait3A_458[%dma_wait3A_459, %dma_wait3A_460] : memref<10240x128xf32, #tpu.memory_space<hbm>> -> memref<10240x128xf32, #tpu.memory_space<hbm>>
    tpu.wait_indirect_dma semaphore(%arg8 : memref<!tpu.dma_semaphore, #tpu.memory_space<semaphore_mem>>) src(%dma_wait3A_461 : memref<10240x128xf32, #tpu.memory_space<hbm>>) dst(%dma_wait3A_451 : memref<128x128xf32, #tpu.memory_space<vmem>>)
    %dma_start3A_462 = arith.constant 0 : i32
    %dma_start3A_463 = arith.constant 0 : i32
    %dma_start3A_464 = arith.constant 6 : i32
    %dma_start3A_465 = arith.constant 1 : i32
    %dma_start3A_466 = arith.constant 0 : i32
    %dma_start3A_467 = arith.constant 0 : i32
    %dma_start3A_468 = tpu.memref_slice %arg6[%dma_start3A_462, %dma_start3A_466, %dma_start3A_467] : memref<2x128x128xf32, #tpu.memory_space<vmem>> -> memref<1x128x128xf32, #tpu.memory_space<vmem>>
    %dma_start3A_469 = tpu.memref_squeeze %dma_start3A_468 : memref<1x128x128xf32, #tpu.memory_space<vmem>> -> memref<128x128xf32, #tpu.memory_space<vmem>>
    %dma_start3A_470 = arith.constant 0 : i32
    %dma_start3A_471 = tpu.memref_slice %arg5[%dma_start3A_463, %dma_start3A_464, %dma_start3A_465, %dma_start3A_470] : memref<2x8x2x128xi32, #tpu.memory_space<vmem>> -> memref<1x1x1x128xi32, #tpu.memory_space<vmem>>
    %dma_start3A_472 = tpu.memref_squeeze %dma_start3A_471 : memref<1x1x1x128xi32, #tpu.memory_space<vmem>> -> memref<128xi32, #tpu.memory_space<vmem>>
    %dma_start3A_473 = arith.constant 0 : i32
    %dma_start3A_474 = arith.constant 0 : i32
    %dma_start3A_475 = tpu.memref_slice %arg7[%dma_start3A_473, %dma_start3A_474] : memref<10240x128xf32, #tpu.memory_space<vmem_shared>> -> memref<10240x128xf32, #tpu.memory_space<vmem_shared>>
    tpu.enqueue_indirect_dma source(%dma_start3A_469 : memref<128x128xf32, #tpu.memory_space<vmem>>) target(%dma_start3A_475 : memref<10240x128xf32, #tpu.memory_space<vmem_shared>>) offsets(%dma_start3A_472 : memref<128xi32, #tpu.memory_space<vmem>>) semaphore(%arg10 : memref<!tpu.dma_semaphore, #tpu.memory_space<semaphore_mem>>) {add = true}
    %dma_wait3A_476 = arith.constant 0 : i32
    %dma_wait3A_477 = arith.constant 0 : i32
    %dma_wait3A_478 = arith.constant 6 : i32
    %dma_wait3A_479 = arith.constant 1 : i32
    %dma_wait3A_480 = arith.constant 0 : i32
    %dma_wait3A_481 = arith.constant 0 : i32
    %dma_wait3A_482 = tpu.memref_slice %arg6[%dma_wait3A_476, %dma_wait3A_480, %dma_wait3A_481] : memref<2x128x128xf32, #tpu.memory_space<vmem>> -> memref<1x128x128xf32, #tpu.memory_space<vmem>>
    %dma_wait3A_483 = tpu.memref_squeeze %dma_wait3A_482 : memref<1x128x128xf32, #tpu.memory_space<vmem>> -> memref<128x128xf32, #tpu.memory_space<vmem>>
    %dma_wait3A_484 = arith.constant 0 : i32
    %dma_wait3A_485 = tpu.memref_slice %arg5[%dma_wait3A_477, %dma_wait3A_478, %dma_wait3A_479, %dma_wait3A_484] : memref<2x8x2x128xi32, #tpu.memory_space<vmem>> -> memref<1x1x1x128xi32, #tpu.memory_space<vmem>>
    %dma_wait3A_486 = tpu.memref_squeeze %dma_wait3A_485 : memref<1x1x1x128xi32, #tpu.memory_space<vmem>> -> memref<128xi32, #tpu.memory_space<vmem>>
    %dma_wait3A_487 = arith.constant 0 : i32
    %dma_wait3A_488 = arith.constant 0 : i32
    %dma_wait3A_489 = tpu.memref_slice %arg7[%dma_wait3A_487, %dma_wait3A_488] : memref<10240x128xf32, #tpu.memory_space<vmem_shared>> -> memref<10240x128xf32, #tpu.memory_space<vmem_shared>>
    tpu.wait_indirect_dma semaphore(%arg10 : memref<!tpu.dma_semaphore, #tpu.memory_space<semaphore_mem>>) src(%dma_wait3A_483 : memref<128x128xf32, #tpu.memory_space<vmem>>) dst(%dma_wait3A_489 : memref<10240x128xf32, #tpu.memory_space<vmem_shared>>)
    %dma_wait3A_490 = arith.constant 1 : i32
    %dma_wait3A_491 = arith.constant 1 : i32
    %dma_wait3A_492 = arith.constant 0 : i32
    %dma_wait3A_493 = arith.constant 0 : i32
    %dma_wait3A_494 = arith.constant 0 : i32
    %dma_wait3A_495 = tpu.memref_slice %arg5[%dma_wait3A_491, %dma_wait3A_492, %dma_wait3A_493, %dma_wait3A_494] : memref<2x8x2x128xi32, #tpu.memory_space<vmem>> -> memref<1x8x2x128xi32, #tpu.memory_space<vmem>>
    %dma_wait3A_496 = tpu.memref_squeeze %dma_wait3A_495 : memref<1x8x2x128xi32, #tpu.memory_space<vmem>> -> memref<8x2x128xi32, #tpu.memory_space<vmem>>
    %dma_wait3A_497 = arith.constant 0 : i32
    %dma_wait3A_498 = arith.constant 0 : i32
    %dma_wait3A_499 = arith.constant 0 : i32
    %dma_wait3A_500 = tpu.memref_slice %arg3[%arg1, %dma_wait3A_490, %dma_wait3A_497, %dma_wait3A_498, %dma_wait3A_499] : memref<16x20x8x2x128xi32, #tpu.memory_space<hbm>> -> memref<1x1x8x2x128xi32, #tpu.memory_space<hbm>>
    %dma_wait3A_501 = tpu.memref_squeeze %dma_wait3A_500 : memref<1x1x8x2x128xi32, #tpu.memory_space<hbm>> -> memref<8x2x128xi32, #tpu.memory_space<hbm>>
    %dma_wait3A_502 = arith.constant 0 : i32
    %dma_wait3A_503 = arith.constant 0 : i32
    %dma_wait3A_504 = arith.constant 0 : i32
    %dma_wait3A_505 = tpu.memref_slice %arg5[%dma_wait3A_491, %dma_wait3A_502, %dma_wait3A_503, %dma_wait3A_504] : memref<2x8x2x128xi32, #tpu.memory_space<vmem>> -> memref<1x8x2x128xi32, #tpu.memory_space<vmem>>
    %dma_wait3A_506 = tpu.memref_squeeze %dma_wait3A_505 : memref<1x8x2x128xi32, #tpu.memory_space<vmem>> -> memref<8x2x128xi32, #tpu.memory_space<vmem>>
    %dma_wait3A_507 = arith.constant 0 : i32
    %dma_wait3A_508 = arith.constant 0 : i32
    %dma_wait3A_509 = arith.constant 0 : i32
    %dma_wait3A_510 = tpu.memref_slice %arg3[%arg1, %dma_wait3A_490, %dma_wait3A_507, %dma_wait3A_508, %dma_wait3A_509] : memref<16x20x8x2x128xi32, #tpu.memory_space<hbm>> -> memref<1x1x8x2x128xi32, #tpu.memory_space<hbm>>
    %dma_wait3A_511 = tpu.memref_squeeze %dma_wait3A_510 : memref<1x1x8x2x128xi32, #tpu.memory_space<hbm>> -> memref<8x2x128xi32, #tpu.memory_space<hbm>>
    tpu.wait_dma2 semaphore(%arg12 : memref<!tpu.dma_semaphore, #tpu.memory_space<semaphore_mem>>) src(%dma_wait3A_511 : memref<8x2x128xi32, #tpu.memory_space<hbm>>) dst(%dma_wait3A_506 : memref<8x2x128xi32, #tpu.memory_space<vmem>>)
    %dma_start3A_512 = arith.constant 1 : i32
    %dma_start3A_513 = arith.constant 0 : i32
    %dma_start3A_514 = arith.constant 0 : i32
    %dma_start3A_515 = arith.constant 0 : i32
    %dma_start3A_516 = arith.constant 0 : i32
    %dma_start3A_517 = arith.constant 0 : i32
    %dma_start3A_518 = tpu.memref_slice %arg6[%dma_start3A_515, %dma_start3A_516, %dma_start3A_517] : memref<2x128x128xf32, #tpu.memory_space<vmem>> -> memref<1x128x128xf32, #tpu.memory_space<vmem>>
    %dma_start3A_519 = tpu.memref_squeeze %dma_start3A_518 : memref<1x128x128xf32, #tpu.memory_space<vmem>> -> memref<128x128xf32, #tpu.memory_space<vmem>>
    %dma_start3A_520 = arith.constant 0 : i32
    %dma_start3A_521 = tpu.memref_slice %arg5[%dma_start3A_512, %dma_start3A_513, %dma_start3A_514, %dma_start3A_520] : memref<2x8x2x128xi32, #tpu.memory_space<vmem>> -> memref<1x1x1x128xi32, #tpu.memory_space<vmem>>
    %dma_start3A_522 = tpu.memref_squeeze %dma_start3A_521 : memref<1x1x1x128xi32, #tpu.memory_space<vmem>> -> memref<128xi32, #tpu.memory_space<vmem>>
    %dma_start3A_523 = arith.constant 0 : i32
    %dma_start3A_524 = arith.constant 0 : i32
    %dma_start3A_525 = tpu.memref_slice %arg2[%arg0, %dma_start3A_523, %dma_start3A_524] : memref<2x10240x128xf32, #tpu.memory_space<hbm>> -> memref<1x10240x128xf32, #tpu.memory_space<hbm>>
    %dma_start3A_526 = tpu.memref_squeeze %dma_start3A_525 : memref<1x10240x128xf32, #tpu.memory_space<hbm>> -> memref<10240x128xf32, #tpu.memory_space<hbm>>
    %dma_start3A_527 = arith.constant 0 : i32
    %dma_start3A_528 = arith.constant 0 : i32
    %dma_start3A_529 = tpu.memref_slice %dma_start3A_526[%dma_start3A_527, %dma_start3A_528] : memref<10240x128xf32, #tpu.memory_space<hbm>> -> memref<10240x128xf32, #tpu.memory_space<hbm>>
    tpu.enqueue_indirect_dma source(%dma_start3A_529 : memref<10240x128xf32, #tpu.memory_space<hbm>>) target(%dma_start3A_519 : memref<128x128xf32, #tpu.memory_space<vmem>>) offsets(%dma_start3A_522 : memref<128xi32, #tpu.memory_space<vmem>>) semaphore(%arg8 : memref<!tpu.dma_semaphore, #tpu.memory_space<semaphore_mem>>)
    %dma_wait3A_530 = arith.constant 0 : i32
    %dma_wait3A_531 = arith.constant 7 : i32
    %dma_wait3A_532 = arith.constant 0 : i32
    %dma_wait3A_533 = arith.constant 1 : i32
    %dma_wait3A_534 = arith.constant 0 : i32
    %dma_wait3A_535 = arith.constant 0 : i32
    %dma_wait3A_536 = tpu.memref_slice %arg6[%dma_wait3A_533, %dma_wait3A_534, %dma_wait3A_535] : memref<2x128x128xf32, #tpu.memory_space<vmem>> -> memref<1x128x128xf32, #tpu.memory_space<vmem>>
    %dma_wait3A_537 = tpu.memref_squeeze %dma_wait3A_536 : memref<1x128x128xf32, #tpu.memory_space<vmem>> -> memref<128x128xf32, #tpu.memory_space<vmem>>
    %dma_wait3A_538 = arith.constant 0 : i32
    %dma_wait3A_539 = tpu.memref_slice %arg5[%dma_wait3A_530, %dma_wait3A_531, %dma_wait3A_532, %dma_wait3A_538] : memref<2x8x2x128xi32, #tpu.memory_space<vmem>> -> memref<1x1x1x128xi32, #tpu.memory_space<vmem>>
    %dma_wait3A_540 = tpu.memref_squeeze %dma_wait3A_539 : memref<1x1x1x128xi32, #tpu.memory_space<vmem>> -> memref<128xi32, #tpu.memory_space<vmem>>
    %dma_wait3A_541 = arith.constant 0 : i32
    %dma_wait3A_542 = arith.constant 0 : i32
    %dma_wait3A_543 = tpu.memref_slice %arg2[%arg0, %dma_wait3A_541, %dma_wait3A_542] : memref<2x10240x128xf32, #tpu.memory_space<hbm>> -> memref<1x10240x128xf32, #tpu.memory_space<hbm>>
    %dma_wait3A_544 = tpu.memref_squeeze %dma_wait3A_543 : memref<1x10240x128xf32, #tpu.memory_space<hbm>> -> memref<10240x128xf32, #tpu.memory_space<hbm>>
    %dma_wait3A_545 = arith.constant 0 : i32
    %dma_wait3A_546 = arith.constant 0 : i32
    %dma_wait3A_547 = tpu.memref_slice %dma_wait3A_544[%dma_wait3A_545, %dma_wait3A_546] : memref<10240x128xf32, #tpu.memory_space<hbm>> -> memref<10240x128xf32, #tpu.memory_space<hbm>>
    tpu.wait_indirect_dma semaphore(%arg9 : memref<!tpu.dma_semaphore, #tpu.memory_space<semaphore_mem>>) src(%dma_wait3A_547 : memref<10240x128xf32, #tpu.memory_space<hbm>>) dst(%dma_wait3A_537 : memref<128x128xf32, #tpu.memory_space<vmem>>)
    %dma_start3A_548 = arith.constant 1 : i32
    %dma_start3A_549 = arith.constant 0 : i32
    %dma_start3A_550 = arith.constant 7 : i32
    %dma_start3A_551 = arith.constant 1 : i32
    %dma_start3A_552 = arith.constant 0 : i32
    %dma_start3A_553 = arith.constant 0 : i32
    %dma_start3A_554 = tpu.memref_slice %arg6[%dma_start3A_548, %dma_start3A_552, %dma_start3A_553] : memref<2x128x128xf32, #tpu.memory_space<vmem>> -> memref<1x128x128xf32, #tpu.memory_space<vmem>>
    %dma_start3A_555 = tpu.memref_squeeze %dma_start3A_554 : memref<1x128x128xf32, #tpu.memory_space<vmem>> -> memref<128x128xf32, #tpu.memory_space<vmem>>
    %dma_start3A_556 = arith.constant 0 : i32
    %dma_start3A_557 = tpu.memref_slice %arg5[%dma_start3A_549, %dma_start3A_550, %dma_start3A_551, %dma_start3A_556] : memref<2x8x2x128xi32, #tpu.memory_space<vmem>> -> memref<1x1x1x128xi32, #tpu.memory_space<vmem>>
    %dma_start3A_558 = tpu.memref_squeeze %dma_start3A_557 : memref<1x1x1x128xi32, #tpu.memory_space<vmem>> -> memref<128xi32, #tpu.memory_space<vmem>>
    %dma_start3A_559 = arith.constant 0 : i32
    %dma_start3A_560 = arith.constant 0 : i32
    %dma_start3A_561 = tpu.memref_slice %arg7[%dma_start3A_559, %dma_start3A_560] : memref<10240x128xf32, #tpu.memory_space<vmem_shared>> -> memref<10240x128xf32, #tpu.memory_space<vmem_shared>>
    tpu.enqueue_indirect_dma source(%dma_start3A_555 : memref<128x128xf32, #tpu.memory_space<vmem>>) target(%dma_start3A_561 : memref<10240x128xf32, #tpu.memory_space<vmem_shared>>) offsets(%dma_start3A_558 : memref<128xi32, #tpu.memory_space<vmem>>) semaphore(%arg11 : memref<!tpu.dma_semaphore, #tpu.memory_space<semaphore_mem>>) {add = true}
    %scan3A = arith.constant 0 : i32
    %scan3A_562 = arith.constant 1 : i32
    %scan3A_563 = arith.constant 19 : i32
    %scan3A_564 = arith.addi %scan3A_562, %scan3A_563 : i32
    %scan3A_565 = arith.constant 1 : i32
    scf.for %scan3A_586 = %scan3A_562 to %scan3A_564 step %scan3A_565  : i32 {
      %rem3A = arith.constant 2 : i32
      %rem3A_587 = arith.remsi %scan3A_586, %rem3A : i32
      %sub3A = arith.constant 1 : i32
      %sub3A_588 = arith.subi %sub3A, %rem3A_587 : i32
      %dma_wait3A_589 = arith.constant 1 : i32
      %dma_wait3A_590 = arith.constant 7 : i32
      %dma_wait3A_591 = arith.constant 1 : i32
      %dma_wait3A_592 = arith.constant 0 : i32
      %dma_wait3A_593 = arith.constant 0 : i32
      %dma_wait3A_594 = tpu.memref_slice %arg6[%dma_wait3A_589, %dma_wait3A_592, %dma_wait3A_593] : memref<2x128x128xf32, #tpu.memory_space<vmem>> -> memref<1x128x128xf32, #tpu.memory_space<vmem>>
      %dma_wait3A_595 = tpu.memref_squeeze %dma_wait3A_594 : memref<1x128x128xf32, #tpu.memory_space<vmem>> -> memref<128x128xf32, #tpu.memory_space<vmem>>
      %dma_wait3A_596 = arith.constant 0 : i32
      %dma_wait3A_597 = tpu.memref_slice %arg5[%sub3A_588, %dma_wait3A_590, %dma_wait3A_591, %dma_wait3A_596] : memref<2x8x2x128xi32, #tpu.memory_space<vmem>> -> memref<1x1x1x128xi32, #tpu.memory_space<vmem>>
      %dma_wait3A_598 = tpu.memref_squeeze %dma_wait3A_597 : memref<1x1x1x128xi32, #tpu.memory_space<vmem>> -> memref<128xi32, #tpu.memory_space<vmem>>
      %dma_wait3A_599 = arith.constant 0 : i32
      %dma_wait3A_600 = arith.constant 0 : i32
      %dma_wait3A_601 = tpu.memref_slice %arg7[%dma_wait3A_599, %dma_wait3A_600] : memref<10240x128xf32, #tpu.memory_space<vmem_shared>> -> memref<10240x128xf32, #tpu.memory_space<vmem_shared>>
      tpu.wait_indirect_dma semaphore(%arg11 : memref<!tpu.dma_semaphore, #tpu.memory_space<semaphore_mem>>) src(%dma_wait3A_595 : memref<128x128xf32, #tpu.memory_space<vmem>>) dst(%dma_wait3A_601 : memref<10240x128xf32, #tpu.memory_space<vmem_shared>>)
      %add3A = arith.constant 1 : i32
      %add3A_602 = arith.addi %scan3A_586, %add3A : i32
      %lt3A = arith.constant 20 : i32
      %lt3A_603 = arith.cmpi slt, %add3A_602, %lt3A : i32
      %convert_element_type3A = arith.extui %lt3A_603 : i1 to i32
      %cond3A = arith.constant 0 : i32
      %cond3A_604 = arith.cmpi ne, %convert_element_type3A, %cond3A : i32
      scf.if %cond3A_604 {
        %add3A_1062 = arith.constant 1 : i32
        %add3A_1063 = arith.addi %scan3A_586, %add3A_1062 : i32
        %dma_start3A_1064 = arith.constant 0 : i32
        %dma_start3A_1065 = arith.constant 0 : i32
        %dma_start3A_1066 = arith.constant 0 : i32
        %dma_start3A_1067 = tpu.memref_slice %arg5[%sub3A_588, %dma_start3A_1064, %dma_start3A_1065, %dma_start3A_1066] : memref<2x8x2x128xi32, #tpu.memory_space<vmem>> -> memref<1x8x2x128xi32, #tpu.memory_space<vmem>>
        %dma_start3A_1068 = tpu.memref_squeeze %dma_start3A_1067 : memref<1x8x2x128xi32, #tpu.memory_space<vmem>> -> memref<8x2x128xi32, #tpu.memory_space<vmem>>
        %dma_start3A_1069 = arith.constant 0 : i32
        %dma_start3A_1070 = arith.constant 0 : i32
        %dma_start3A_1071 = arith.constant 0 : i32
        %dma_start3A_1072 = tpu.memref_slice %arg3[%arg1, %add3A_1063, %dma_start3A_1069, %dma_start3A_1070, %dma_start3A_1071] : memref<16x20x8x2x128xi32, #tpu.memory_space<hbm>> -> memref<1x1x8x2x128xi32, #tpu.memory_space<hbm>>
        %dma_start3A_1073 = tpu.memref_squeeze %dma_start3A_1072 : memref<1x1x8x2x128xi32, #tpu.memory_space<hbm>> -> memref<8x2x128xi32, #tpu.memory_space<hbm>>
        %dma_start3A_1074 = arith.constant 0 : i32
        %dma_start3A_1075 = arith.constant 0 : i32
        %dma_start3A_1076 = arith.constant 0 : i32
        %dma_start3A_1077 = tpu.memref_slice %arg5[%sub3A_588, %dma_start3A_1074, %dma_start3A_1075, %dma_start3A_1076] : memref<2x8x2x128xi32, #tpu.memory_space<vmem>> -> memref<1x8x2x128xi32, #tpu.memory_space<vmem>>
        %dma_start3A_1078 = tpu.memref_squeeze %dma_start3A_1077 : memref<1x8x2x128xi32, #tpu.memory_space<vmem>> -> memref<8x2x128xi32, #tpu.memory_space<vmem>>
        %dma_start3A_1079 = arith.constant 0 : i32
        %dma_start3A_1080 = arith.constant 0 : i32
        %dma_start3A_1081 = arith.constant 0 : i32
        %dma_start3A_1082 = tpu.memref_slice %arg3[%arg1, %add3A_1063, %dma_start3A_1079, %dma_start3A_1080, %dma_start3A_1081] : memref<16x20x8x2x128xi32, #tpu.memory_space<hbm>> -> memref<1x1x8x2x128xi32, #tpu.memory_space<hbm>>
        %dma_start3A_1083 = tpu.memref_squeeze %dma_start3A_1082 : memref<1x1x8x2x128xi32, #tpu.memory_space<hbm>> -> memref<8x2x128xi32, #tpu.memory_space<hbm>>
        tpu.enqueue_dma source(%dma_start3A_1083 : memref<8x2x128xi32, #tpu.memory_space<hbm>>) target(%dma_start3A_1078 : memref<8x2x128xi32, #tpu.memory_space<vmem>>) target_semaphore(%arg12 : memref<!tpu.dma_semaphore, #tpu.memory_space<semaphore_mem>>)
      } else {
      }
      %dma_start3A_605 = arith.constant 1 : i32
      %dma_start3A_606 = arith.constant 0 : i32
      %dma_start3A_607 = arith.constant 1 : i32
      %dma_start3A_608 = arith.constant 0 : i32
      %dma_start3A_609 = arith.constant 0 : i32
      %dma_start3A_610 = tpu.memref_slice %arg6[%dma_start3A_607, %dma_start3A_608, %dma_start3A_609] : memref<2x128x128xf32, #tpu.memory_space<vmem>> -> memref<1x128x128xf32, #tpu.memory_space<vmem>>
      %dma_start3A_611 = tpu.memref_squeeze %dma_start3A_610 : memref<1x128x128xf32, #tpu.memory_space<vmem>> -> memref<128x128xf32, #tpu.memory_space<vmem>>
      %dma_start3A_612 = arith.constant 0 : i32
      %dma_start3A_613 = tpu.memref_slice %arg5[%rem3A_587, %dma_start3A_605, %dma_start3A_606, %dma_start3A_612] : memref<2x8x2x128xi32, #tpu.memory_space<vmem>> -> memref<1x1x1x128xi32, #tpu.memory_space<vmem>>
      %dma_start3A_614 = tpu.memref_squeeze %dma_start3A_613 : memref<1x1x1x128xi32, #tpu.memory_space<vmem>> -> memref<128xi32, #tpu.memory_space<vmem>>
      %dma_start3A_615 = arith.constant 0 : i32
      %dma_start3A_616 = arith.constant 0 : i32
      %dma_start3A_617 = tpu.memref_slice %arg2[%arg0, %dma_start3A_615, %dma_start3A_616] : memref<2x10240x128xf32, #tpu.memory_space<hbm>> -> memref<1x10240x128xf32, #tpu.memory_space<hbm>>
      %dma_start3A_618 = tpu.memref_squeeze %dma_start3A_617 : memref<1x10240x128xf32, #tpu.memory_space<hbm>> -> memref<10240x128xf32, #tpu.memory_space<hbm>>
      %dma_start3A_619 = arith.constant 0 : i32
      %dma_start3A_620 = arith.constant 0 : i32
      %dma_start3A_621 = tpu.memref_slice %dma_start3A_618[%dma_start3A_619, %dma_start3A_620] : memref<10240x128xf32, #tpu.memory_space<hbm>> -> memref<10240x128xf32, #tpu.memory_space<hbm>>
      tpu.enqueue_indirect_dma source(%dma_start3A_621 : memref<10240x128xf32, #tpu.memory_space<hbm>>) target(%dma_start3A_611 : memref<128x128xf32, #tpu.memory_space<vmem>>) offsets(%dma_start3A_614 : memref<128xi32, #tpu.memory_space<vmem>>) semaphore(%arg9 : memref<!tpu.dma_semaphore, #tpu.memory_space<semaphore_mem>>)
      %dma_wait3A_622 = arith.constant 0 : i32
      %dma_wait3A_623 = arith.constant 0 : i32
      %dma_wait3A_624 = arith.constant 0 : i32
      %dma_wait3A_625 = arith.constant 0 : i32
      %dma_wait3A_626 = arith.constant 0 : i32
      %dma_wait3A_627 = tpu.memref_slice %arg6[%dma_wait3A_624, %dma_wait3A_625, %dma_wait3A_626] : memref<2x128x128xf32, #tpu.memory_space<vmem>> -> memref<1x128x128xf32, #tpu.memory_space<vmem>>
      %dma_wait3A_628 = tpu.memref_squeeze %dma_wait3A_627 : memref<1x128x128xf32, #tpu.memory_space<vmem>> -> memref<128x128xf32, #tpu.memory_space<vmem>>
      %dma_wait3A_629 = arith.constant 0 : i32
      %dma_wait3A_630 = tpu.memref_slice %arg5[%rem3A_587, %dma_wait3A_622, %dma_wait3A_623, %dma_wait3A_629] : memref<2x8x2x128xi32, #tpu.memory_space<vmem>> -> memref<1x1x1x128xi32, #tpu.memory_space<vmem>>
      %dma_wait3A_631 = tpu.memref_squeeze %dma_wait3A_630 : memref<1x1x1x128xi32, #tpu.memory_space<vmem>> -> memref<128xi32, #tpu.memory_space<vmem>>
      %dma_wait3A_632 = arith.constant 0 : i32
      %dma_wait3A_633 = arith.constant 0 : i32
      %dma_wait3A_634 = tpu.memref_slice %arg2[%arg0, %dma_wait3A_632, %dma_wait3A_633] : memref<2x10240x128xf32, #tpu.memory_space<hbm>> -> memref<1x10240x128xf32, #tpu.memory_space<hbm>>
      %dma_wait3A_635 = tpu.memref_squeeze %dma_wait3A_634 : memref<1x10240x128xf32, #tpu.memory_space<hbm>> -> memref<10240x128xf32, #tpu.memory_space<hbm>>
      %dma_wait3A_636 = arith.constant 0 : i32
      %dma_wait3A_637 = arith.constant 0 : i32
      %dma_wait3A_638 = tpu.memref_slice %dma_wait3A_635[%dma_wait3A_636, %dma_wait3A_637] : memref<10240x128xf32, #tpu.memory_space<hbm>> -> memref<10240x128xf32, #tpu.memory_space<hbm>>
      tpu.wait_indirect_dma semaphore(%arg8 : memref<!tpu.dma_semaphore, #tpu.memory_space<semaphore_mem>>) src(%dma_wait3A_638 : memref<10240x128xf32, #tpu.memory_space<hbm>>) dst(%dma_wait3A_628 : memref<128x128xf32, #tpu.memory_space<vmem>>)
      %dma_start3A_639 = arith.constant 0 : i32
      %dma_start3A_640 = arith.constant 0 : i32
      %dma_start3A_641 = arith.constant 1 : i32
      %dma_start3A_642 = arith.constant 0 : i32
      %dma_start3A_643 = arith.constant 0 : i32
      %dma_start3A_644 = tpu.memref_slice %arg6[%dma_start3A_639, %dma_start3A_642, %dma_start3A_643] : memref<2x128x128xf32, #tpu.memory_space<vmem>> -> memref<1x128x128xf32, #tpu.memory_space<vmem>>
      %dma_start3A_645 = tpu.memref_squeeze %dma_start3A_644 : memref<1x128x128xf32, #tpu.memory_space<vmem>> -> memref<128x128xf32, #tpu.memory_space<vmem>>
      %dma_start3A_646 = arith.constant 0 : i32
      %dma_start3A_647 = tpu.memref_slice %arg5[%rem3A_587, %dma_start3A_640, %dma_start3A_641, %dma_start3A_646] : memref<2x8x2x128xi32, #tpu.memory_space<vmem>> -> memref<1x1x1x128xi32, #tpu.memory_space<vmem>>
      %dma_start3A_648 = tpu.memref_squeeze %dma_start3A_647 : memref<1x1x1x128xi32, #tpu.memory_space<vmem>> -> memref<128xi32, #tpu.memory_space<vmem>>
      %dma_start3A_649 = arith.constant 0 : i32
      %dma_start3A_650 = arith.constant 0 : i32
      %dma_start3A_651 = tpu.memref_slice %arg7[%dma_start3A_649, %dma_start3A_650] : memref<10240x128xf32, #tpu.memory_space<vmem_shared>> -> memref<10240x128xf32, #tpu.memory_space<vmem_shared>>
      tpu.enqueue_indirect_dma source(%dma_start3A_645 : memref<128x128xf32, #tpu.memory_space<vmem>>) target(%dma_start3A_651 : memref<10240x128xf32, #tpu.memory_space<vmem_shared>>) offsets(%dma_start3A_648 : memref<128xi32, #tpu.memory_space<vmem>>) semaphore(%arg10 : memref<!tpu.dma_semaphore, #tpu.memory_space<semaphore_mem>>) {add = true}
      %dma_wait3A_652 = arith.constant 0 : i32
      %dma_wait3A_653 = arith.constant 0 : i32
      %dma_wait3A_654 = arith.constant 1 : i32
      %dma_wait3A_655 = arith.constant 0 : i32
      %dma_wait3A_656 = arith.constant 0 : i32
      %dma_wait3A_657 = tpu.memref_slice %arg6[%dma_wait3A_652, %dma_wait3A_655, %dma_wait3A_656] : memref<2x128x128xf32, #tpu.memory_space<vmem>> -> memref<1x128x128xf32, #tpu.memory_space<vmem>>
      %dma_wait3A_658 = tpu.memref_squeeze %dma_wait3A_657 : memref<1x128x128xf32, #tpu.memory_space<vmem>> -> memref<128x128xf32, #tpu.memory_space<vmem>>
      %dma_wait3A_659 = arith.constant 0 : i32
      %dma_wait3A_660 = tpu.memref_slice %arg5[%rem3A_587, %dma_wait3A_653, %dma_wait3A_654, %dma_wait3A_659] : memref<2x8x2x128xi32, #tpu.memory_space<vmem>> -> memref<1x1x1x128xi32, #tpu.memory_space<vmem>>
      %dma_wait3A_661 = tpu.memref_squeeze %dma_wait3A_660 : memref<1x1x1x128xi32, #tpu.memory_space<vmem>> -> memref<128xi32, #tpu.memory_space<vmem>>
      %dma_wait3A_662 = arith.constant 0 : i32
      %dma_wait3A_663 = arith.constant 0 : i32
      %dma_wait3A_664 = tpu.memref_slice %arg7[%dma_wait3A_662, %dma_wait3A_663] : memref<10240x128xf32, #tpu.memory_space<vmem_shared>> -> memref<10240x128xf32, #tpu.memory_space<vmem_shared>>
      tpu.wait_indirect_dma semaphore(%arg10 : memref<!tpu.dma_semaphore, #tpu.memory_space<semaphore_mem>>) src(%dma_wait3A_658 : memref<128x128xf32, #tpu.memory_space<vmem>>) dst(%dma_wait3A_664 : memref<10240x128xf32, #tpu.memory_space<vmem_shared>>)
      %dma_start3A_665 = arith.constant 2 : i32
      %dma_start3A_666 = arith.constant 0 : i32
      %dma_start3A_667 = arith.constant 0 : i32
      %dma_start3A_668 = arith.constant 0 : i32
      %dma_start3A_669 = arith.constant 0 : i32
      %dma_start3A_670 = tpu.memref_slice %arg6[%dma_start3A_667, %dma_start3A_668, %dma_start3A_669] : memref<2x128x128xf32, #tpu.memory_space<vmem>> -> memref<1x128x128xf32, #tpu.memory_space<vmem>>
      %dma_start3A_671 = tpu.memref_squeeze %dma_start3A_670 : memref<1x128x128xf32, #tpu.memory_space<vmem>> -> memref<128x128xf32, #tpu.memory_space<vmem>>
      %dma_start3A_672 = arith.constant 0 : i32
      %dma_start3A_673 = tpu.memref_slice %arg5[%rem3A_587, %dma_start3A_665, %dma_start3A_666, %dma_start3A_672] : memref<2x8x2x128xi32, #tpu.memory_space<vmem>> -> memref<1x1x1x128xi32, #tpu.memory_space<vmem>>
      %dma_start3A_674 = tpu.memref_squeeze %dma_start3A_673 : memref<1x1x1x128xi32, #tpu.memory_space<vmem>> -> memref<128xi32, #tpu.memory_space<vmem>>
      %dma_start3A_675 = arith.constant 0 : i32
      %dma_start3A_676 = arith.constant 0 : i32
      %dma_start3A_677 = tpu.memref_slice %arg2[%arg0, %dma_start3A_675, %dma_start3A_676] : memref<2x10240x128xf32, #tpu.memory_space<hbm>> -> memref<1x10240x128xf32, #tpu.memory_space<hbm>>
      %dma_start3A_678 = tpu.memref_squeeze %dma_start3A_677 : memref<1x10240x128xf32, #tpu.memory_space<hbm>> -> memref<10240x128xf32, #tpu.memory_space<hbm>>
      %dma_start3A_679 = arith.constant 0 : i32
      %dma_start3A_680 = arith.constant 0 : i32
      %dma_start3A_681 = tpu.memref_slice %dma_start3A_678[%dma_start3A_679, %dma_start3A_680] : memref<10240x128xf32, #tpu.memory_space<hbm>> -> memref<10240x128xf32, #tpu.memory_space<hbm>>
      tpu.enqueue_indirect_dma source(%dma_start3A_681 : memref<10240x128xf32, #tpu.memory_space<hbm>>) target(%dma_start3A_671 : memref<128x128xf32, #tpu.memory_space<vmem>>) offsets(%dma_start3A_674 : memref<128xi32, #tpu.memory_space<vmem>>) semaphore(%arg8 : memref<!tpu.dma_semaphore, #tpu.memory_space<semaphore_mem>>)
      %dma_wait3A_682 = arith.constant 1 : i32
      %dma_wait3A_683 = arith.constant 0 : i32
      %dma_wait3A_684 = arith.constant 1 : i32
      %dma_wait3A_685 = arith.constant 0 : i32
      %dma_wait3A_686 = arith.constant 0 : i32
      %dma_wait3A_687 = tpu.memref_slice %arg6[%dma_wait3A_684, %dma_wait3A_685, %dma_wait3A_686] : memref<2x128x128xf32, #tpu.memory_space<vmem>> -> memref<1x128x128xf32, #tpu.memory_space<vmem>>
      %dma_wait3A_688 = tpu.memref_squeeze %dma_wait3A_687 : memref<1x128x128xf32, #tpu.memory_space<vmem>> -> memref<128x128xf32, #tpu.memory_space<vmem>>
      %dma_wait3A_689 = arith.constant 0 : i32
      %dma_wait3A_690 = tpu.memref_slice %arg5[%rem3A_587, %dma_wait3A_682, %dma_wait3A_683, %dma_wait3A_689] : memref<2x8x2x128xi32, #tpu.memory_space<vmem>> -> memref<1x1x1x128xi32, #tpu.memory_space<vmem>>
      %dma_wait3A_691 = tpu.memref_squeeze %dma_wait3A_690 : memref<1x1x1x128xi32, #tpu.memory_space<vmem>> -> memref<128xi32, #tpu.memory_space<vmem>>
      %dma_wait3A_692 = arith.constant 0 : i32
      %dma_wait3A_693 = arith.constant 0 : i32
      %dma_wait3A_694 = tpu.memref_slice %arg2[%arg0, %dma_wait3A_692, %dma_wait3A_693] : memref<2x10240x128xf32, #tpu.memory_space<hbm>> -> memref<1x10240x128xf32, #tpu.memory_space<hbm>>
      %dma_wait3A_695 = tpu.memref_squeeze %dma_wait3A_694 : memref<1x10240x128xf32, #tpu.memory_space<hbm>> -> memref<10240x128xf32, #tpu.memory_space<hbm>>
      %dma_wait3A_696 = arith.constant 0 : i32
      %dma_wait3A_697 = arith.constant 0 : i32
      %dma_wait3A_698 = tpu.memref_slice %dma_wait3A_695[%dma_wait3A_696, %dma_wait3A_697] : memref<10240x128xf32, #tpu.memory_space<hbm>> -> memref<10240x128xf32, #tpu.memory_space<hbm>>
      tpu.wait_indirect_dma semaphore(%arg9 : memref<!tpu.dma_semaphore, #tpu.memory_space<semaphore_mem>>) src(%dma_wait3A_698 : memref<10240x128xf32, #tpu.memory_space<hbm>>) dst(%dma_wait3A_688 : memref<128x128xf32, #tpu.memory_space<vmem>>)
      %dma_start3A_699 = arith.constant 1 : i32
      %dma_start3A_700 = arith.constant 1 : i32
      %dma_start3A_701 = arith.constant 1 : i32
      %dma_start3A_702 = arith.constant 0 : i32
      %dma_start3A_703 = arith.constant 0 : i32
      %dma_start3A_704 = tpu.memref_slice %arg6[%dma_start3A_699, %dma_start3A_702, %dma_start3A_703] : memref<2x128x128xf32, #tpu.memory_space<vmem>> -> memref<1x128x128xf32, #tpu.memory_space<vmem>>
      %dma_start3A_705 = tpu.memref_squeeze %dma_start3A_704 : memref<1x128x128xf32, #tpu.memory_space<vmem>> -> memref<128x128xf32, #tpu.memory_space<vmem>>
      %dma_start3A_706 = arith.constant 0 : i32
      %dma_start3A_707 = tpu.memref_slice %arg5[%rem3A_587, %dma_start3A_700, %dma_start3A_701, %dma_start3A_706] : memref<2x8x2x128xi32, #tpu.memory_space<vmem>> -> memref<1x1x1x128xi32, #tpu.memory_space<vmem>>
      %dma_start3A_708 = tpu.memref_squeeze %dma_start3A_707 : memref<1x1x1x128xi32, #tpu.memory_space<vmem>> -> memref<128xi32, #tpu.memory_space<vmem>>
      %dma_start3A_709 = arith.constant 0 : i32
      %dma_start3A_710 = arith.constant 0 : i32
      %dma_start3A_711 = tpu.memref_slice %arg7[%dma_start3A_709, %dma_start3A_710] : memref<10240x128xf32, #tpu.memory_space<vmem_shared>> -> memref<10240x128xf32, #tpu.memory_space<vmem_shared>>
      tpu.enqueue_indirect_dma source(%dma_start3A_705 : memref<128x128xf32, #tpu.memory_space<vmem>>) target(%dma_start3A_711 : memref<10240x128xf32, #tpu.memory_space<vmem_shared>>) offsets(%dma_start3A_708 : memref<128xi32, #tpu.memory_space<vmem>>) semaphore(%arg11 : memref<!tpu.dma_semaphore, #tpu.memory_space<semaphore_mem>>) {add = true}
      %dma_wait3A_712 = arith.constant 1 : i32
      %dma_wait3A_713 = arith.constant 1 : i32
      %dma_wait3A_714 = arith.constant 1 : i32
      %dma_wait3A_715 = arith.constant 0 : i32
      %dma_wait3A_716 = arith.constant 0 : i32
      %dma_wait3A_717 = tpu.memref_slice %arg6[%dma_wait3A_712, %dma_wait3A_715, %dma_wait3A_716] : memref<2x128x128xf32, #tpu.memory_space<vmem>> -> memref<1x128x128xf32, #tpu.memory_space<vmem>>
      %dma_wait3A_718 = tpu.memref_squeeze %dma_wait3A_717 : memref<1x128x128xf32, #tpu.memory_space<vmem>> -> memref<128x128xf32, #tpu.memory_space<vmem>>
      %dma_wait3A_719 = arith.constant 0 : i32
      %dma_wait3A_720 = tpu.memref_slice %arg5[%rem3A_587, %dma_wait3A_713, %dma_wait3A_714, %dma_wait3A_719] : memref<2x8x2x128xi32, #tpu.memory_space<vmem>> -> memref<1x1x1x128xi32, #tpu.memory_space<vmem>>
      %dma_wait3A_721 = tpu.memref_squeeze %dma_wait3A_720 : memref<1x1x1x128xi32, #tpu.memory_space<vmem>> -> memref<128xi32, #tpu.memory_space<vmem>>
      %dma_wait3A_722 = arith.constant 0 : i32
      %dma_wait3A_723 = arith.constant 0 : i32
      %dma_wait3A_724 = tpu.memref_slice %arg7[%dma_wait3A_722, %dma_wait3A_723] : memref<10240x128xf32, #tpu.memory_space<vmem_shared>> -> memref<10240x128xf32, #tpu.memory_space<vmem_shared>>
      tpu.wait_indirect_dma semaphore(%arg11 : memref<!tpu.dma_semaphore, #tpu.memory_space<semaphore_mem>>) src(%dma_wait3A_718 : memref<128x128xf32, #tpu.memory_space<vmem>>) dst(%dma_wait3A_724 : memref<10240x128xf32, #tpu.memory_space<vmem_shared>>)
      %dma_start3A_725 = arith.constant 3 : i32
      %dma_start3A_726 = arith.constant 0 : i32
      %dma_start3A_727 = arith.constant 1 : i32
      %dma_start3A_728 = arith.constant 0 : i32
      %dma_start3A_729 = arith.constant 0 : i32
      %dma_start3A_730 = tpu.memref_slice %arg6[%dma_start3A_727, %dma_start3A_728, %dma_start3A_729] : memref<2x128x128xf32, #tpu.memory_space<vmem>> -> memref<1x128x128xf32, #tpu.memory_space<vmem>>
      %dma_start3A_731 = tpu.memref_squeeze %dma_start3A_730 : memref<1x128x128xf32, #tpu.memory_space<vmem>> -> memref<128x128xf32, #tpu.memory_space<vmem>>
      %dma_start3A_732 = arith.constant 0 : i32
      %dma_start3A_733 = tpu.memref_slice %arg5[%rem3A_587, %dma_start3A_725, %dma_start3A_726, %dma_start3A_732] : memref<2x8x2x128xi32, #tpu.memory_space<vmem>> -> memref<1x1x1x128xi32, #tpu.memory_space<vmem>>
      %dma_start3A_734 = tpu.memref_squeeze %dma_start3A_733 : memref<1x1x1x128xi32, #tpu.memory_space<vmem>> -> memref<128xi32, #tpu.memory_space<vmem>>
      %dma_start3A_735 = arith.constant 0 : i32
      %dma_start3A_736 = arith.constant 0 : i32
      %dma_start3A_737 = tpu.memref_slice %arg2[%arg0, %dma_start3A_735, %dma_start3A_736] : memref<2x10240x128xf32, #tpu.memory_space<hbm>> -> memref<1x10240x128xf32, #tpu.memory_space<hbm>>
      %dma_start3A_738 = tpu.memref_squeeze %dma_start3A_737 : memref<1x10240x128xf32, #tpu.memory_space<hbm>> -> memref<10240x128xf32, #tpu.memory_space<hbm>>
      %dma_start3A_739 = arith.constant 0 : i32
      %dma_start3A_740 = arith.constant 0 : i32
      %dma_start3A_741 = tpu.memref_slice %dma_start3A_738[%dma_start3A_739, %dma_start3A_740] : memref<10240x128xf32, #tpu.memory_space<hbm>> -> memref<10240x128xf32, #tpu.memory_space<hbm>>
      tpu.enqueue_indirect_dma source(%dma_start3A_741 : memref<10240x128xf32, #tpu.memory_space<hbm>>) target(%dma_start3A_731 : memref<128x128xf32, #tpu.memory_space<vmem>>) offsets(%dma_start3A_734 : memref<128xi32, #tpu.memory_space<vmem>>) semaphore(%arg9 : memref<!tpu.dma_semaphore, #tpu.memory_space<semaphore_mem>>)
      %dma_wait3A_742 = arith.constant 2 : i32
      %dma_wait3A_743 = arith.constant 0 : i32
      %dma_wait3A_744 = arith.constant 0 : i32
      %dma_wait3A_745 = arith.constant 0 : i32
      %dma_wait3A_746 = arith.constant 0 : i32
      %dma_wait3A_747 = tpu.memref_slice %arg6[%dma_wait3A_744, %dma_wait3A_745, %dma_wait3A_746] : memref<2x128x128xf32, #tpu.memory_space<vmem>> -> memref<1x128x128xf32, #tpu.memory_space<vmem>>
      %dma_wait3A_748 = tpu.memref_squeeze %dma_wait3A_747 : memref<1x128x128xf32, #tpu.memory_space<vmem>> -> memref<128x128xf32, #tpu.memory_space<vmem>>
      %dma_wait3A_749 = arith.constant 0 : i32
      %dma_wait3A_750 = tpu.memref_slice %arg5[%rem3A_587, %dma_wait3A_742, %dma_wait3A_743, %dma_wait3A_749] : memref<2x8x2x128xi32, #tpu.memory_space<vmem>> -> memref<1x1x1x128xi32, #tpu.memory_space<vmem>>
      %dma_wait3A_751 = tpu.memref_squeeze %dma_wait3A_750 : memref<1x1x1x128xi32, #tpu.memory_space<vmem>> -> memref<128xi32, #tpu.memory_space<vmem>>
      %dma_wait3A_752 = arith.constant 0 : i32
      %dma_wait3A_753 = arith.constant 0 : i32
      %dma_wait3A_754 = tpu.memref_slice %arg2[%arg0, %dma_wait3A_752, %dma_wait3A_753] : memref<2x10240x128xf32, #tpu.memory_space<hbm>> -> memref<1x10240x128xf32, #tpu.memory_space<hbm>>
      %dma_wait3A_755 = tpu.memref_squeeze %dma_wait3A_754 : memref<1x10240x128xf32, #tpu.memory_space<hbm>> -> memref<10240x128xf32, #tpu.memory_space<hbm>>
      %dma_wait3A_756 = arith.constant 0 : i32
      %dma_wait3A_757 = arith.constant 0 : i32
      %dma_wait3A_758 = tpu.memref_slice %dma_wait3A_755[%dma_wait3A_756, %dma_wait3A_757] : memref<10240x128xf32, #tpu.memory_space<hbm>> -> memref<10240x128xf32, #tpu.memory_space<hbm>>
      tpu.wait_indirect_dma semaphore(%arg8 : memref<!tpu.dma_semaphore, #tpu.memory_space<semaphore_mem>>) src(%dma_wait3A_758 : memref<10240x128xf32, #tpu.memory_space<hbm>>) dst(%dma_wait3A_748 : memref<128x128xf32, #tpu.memory_space<vmem>>)
      %dma_start3A_759 = arith.constant 0 : i32
      %dma_start3A_760 = arith.constant 2 : i32
      %dma_start3A_761 = arith.constant 1 : i32
      %dma_start3A_762 = arith.constant 0 : i32
      %dma_start3A_763 = arith.constant 0 : i32
      %dma_start3A_764 = tpu.memref_slice %arg6[%dma_start3A_759, %dma_start3A_762, %dma_start3A_763] : memref<2x128x128xf32, #tpu.memory_space<vmem>> -> memref<1x128x128xf32, #tpu.memory_space<vmem>>
      %dma_start3A_765 = tpu.memref_squeeze %dma_start3A_764 : memref<1x128x128xf32, #tpu.memory_space<vmem>> -> memref<128x128xf32, #tpu.memory_space<vmem>>
      %dma_start3A_766 = arith.constant 0 : i32
      %dma_start3A_767 = tpu.memref_slice %arg5[%rem3A_587, %dma_start3A_760, %dma_start3A_761, %dma_start3A_766] : memref<2x8x2x128xi32, #tpu.memory_space<vmem>> -> memref<1x1x1x128xi32, #tpu.memory_space<vmem>>
      %dma_start3A_768 = tpu.memref_squeeze %dma_start3A_767 : memref<1x1x1x128xi32, #tpu.memory_space<vmem>> -> memref<128xi32, #tpu.memory_space<vmem>>
      %dma_start3A_769 = arith.constant 0 : i32
      %dma_start3A_770 = arith.constant 0 : i32
      %dma_start3A_771 = tpu.memref_slice %arg7[%dma_start3A_769, %dma_start3A_770] : memref<10240x128xf32, #tpu.memory_space<vmem_shared>> -> memref<10240x128xf32, #tpu.memory_space<vmem_shared>>
      tpu.enqueue_indirect_dma source(%dma_start3A_765 : memref<128x128xf32, #tpu.memory_space<vmem>>) target(%dma_start3A_771 : memref<10240x128xf32, #tpu.memory_space<vmem_shared>>) offsets(%dma_start3A_768 : memref<128xi32, #tpu.memory_space<vmem>>) semaphore(%arg10 : memref<!tpu.dma_semaphore, #tpu.memory_space<semaphore_mem>>) {add = true}
      %dma_wait3A_772 = arith.constant 0 : i32
      %dma_wait3A_773 = arith.constant 2 : i32
      %dma_wait3A_774 = arith.constant 1 : i32
      %dma_wait3A_775 = arith.constant 0 : i32
      %dma_wait3A_776 = arith.constant 0 : i32
      %dma_wait3A_777 = tpu.memref_slice %arg6[%dma_wait3A_772, %dma_wait3A_775, %dma_wait3A_776] : memref<2x128x128xf32, #tpu.memory_space<vmem>> -> memref<1x128x128xf32, #tpu.memory_space<vmem>>
      %dma_wait3A_778 = tpu.memref_squeeze %dma_wait3A_777 : memref<1x128x128xf32, #tpu.memory_space<vmem>> -> memref<128x128xf32, #tpu.memory_space<vmem>>
      %dma_wait3A_779 = arith.constant 0 : i32
      %dma_wait3A_780 = tpu.memref_slice %arg5[%rem3A_587, %dma_wait3A_773, %dma_wait3A_774, %dma_wait3A_779] : memref<2x8x2x128xi32, #tpu.memory_space<vmem>> -> memref<1x1x1x128xi32, #tpu.memory_space<vmem>>
      %dma_wait3A_781 = tpu.memref_squeeze %dma_wait3A_780 : memref<1x1x1x128xi32, #tpu.memory_space<vmem>> -> memref<128xi32, #tpu.memory_space<vmem>>
      %dma_wait3A_782 = arith.constant 0 : i32
      %dma_wait3A_783 = arith.constant 0 : i32
      %dma_wait3A_784 = tpu.memref_slice %arg7[%dma_wait3A_782, %dma_wait3A_783] : memref<10240x128xf32, #tpu.memory_space<vmem_shared>> -> memref<10240x128xf32, #tpu.memory_space<vmem_shared>>
      tpu.wait_indirect_dma semaphore(%arg10 : memref<!tpu.dma_semaphore, #tpu.memory_space<semaphore_mem>>) src(%dma_wait3A_778 : memref<128x128xf32, #tpu.memory_space<vmem>>) dst(%dma_wait3A_784 : memref<10240x128xf32, #tpu.memory_space<vmem_shared>>)
      %dma_start3A_785 = arith.constant 4 : i32
      %dma_start3A_786 = arith.constant 0 : i32
      %dma_start3A_787 = arith.constant 0 : i32
      %dma_start3A_788 = arith.constant 0 : i32
      %dma_start3A_789 = arith.constant 0 : i32
      %dma_start3A_790 = tpu.memref_slice %arg6[%dma_start3A_787, %dma_start3A_788, %dma_start3A_789] : memref<2x128x128xf32, #tpu.memory_space<vmem>> -> memref<1x128x128xf32, #tpu.memory_space<vmem>>
      %dma_start3A_791 = tpu.memref_squeeze %dma_start3A_790 : memref<1x128x128xf32, #tpu.memory_space<vmem>> -> memref<128x128xf32, #tpu.memory_space<vmem>>
      %dma_start3A_792 = arith.constant 0 : i32
      %dma_start3A_793 = tpu.memref_slice %arg5[%rem3A_587, %dma_start3A_785, %dma_start3A_786, %dma_start3A_792] : memref<2x8x2x128xi32, #tpu.memory_space<vmem>> -> memref<1x1x1x128xi32, #tpu.memory_space<vmem>>
      %dma_start3A_794 = tpu.memref_squeeze %dma_start3A_793 : memref<1x1x1x128xi32, #tpu.memory_space<vmem>> -> memref<128xi32, #tpu.memory_space<vmem>>
      %dma_start3A_795 = arith.constant 0 : i32
      %dma_start3A_796 = arith.constant 0 : i32
      %dma_start3A_797 = tpu.memref_slice %arg2[%arg0, %dma_start3A_795, %dma_start3A_796] : memref<2x10240x128xf32, #tpu.memory_space<hbm>> -> memref<1x10240x128xf32, #tpu.memory_space<hbm>>
      %dma_start3A_798 = tpu.memref_squeeze %dma_start3A_797 : memref<1x10240x128xf32, #tpu.memory_space<hbm>> -> memref<10240x128xf32, #tpu.memory_space<hbm>>
      %dma_start3A_799 = arith.constant 0 : i32
      %dma_start3A_800 = arith.constant 0 : i32
      %dma_start3A_801 = tpu.memref_slice %dma_start3A_798[%dma_start3A_799, %dma_start3A_800] : memref<10240x128xf32, #tpu.memory_space<hbm>> -> memref<10240x128xf32, #tpu.memory_space<hbm>>
      tpu.enqueue_indirect_dma source(%dma_start3A_801 : memref<10240x128xf32, #tpu.memory_space<hbm>>) target(%dma_start3A_791 : memref<128x128xf32, #tpu.memory_space<vmem>>) offsets(%dma_start3A_794 : memref<128xi32, #tpu.memory_space<vmem>>) semaphore(%arg8 : memref<!tpu.dma_semaphore, #tpu.memory_space<semaphore_mem>>)
      %dma_wait3A_802 = arith.constant 3 : i32
      %dma_wait3A_803 = arith.constant 0 : i32
      %dma_wait3A_804 = arith.constant 1 : i32
      %dma_wait3A_805 = arith.constant 0 : i32
      %dma_wait3A_806 = arith.constant 0 : i32
      %dma_wait3A_807 = tpu.memref_slice %arg6[%dma_wait3A_804, %dma_wait3A_805, %dma_wait3A_806] : memref<2x128x128xf32, #tpu.memory_space<vmem>> -> memref<1x128x128xf32, #tpu.memory_space<vmem>>
      %dma_wait3A_808 = tpu.memref_squeeze %dma_wait3A_807 : memref<1x128x128xf32, #tpu.memory_space<vmem>> -> memref<128x128xf32, #tpu.memory_space<vmem>>
      %dma_wait3A_809 = arith.constant 0 : i32
      %dma_wait3A_810 = tpu.memref_slice %arg5[%rem3A_587, %dma_wait3A_802, %dma_wait3A_803, %dma_wait3A_809] : memref<2x8x2x128xi32, #tpu.memory_space<vmem>> -> memref<1x1x1x128xi32, #tpu.memory_space<vmem>>
      %dma_wait3A_811 = tpu.memref_squeeze %dma_wait3A_810 : memref<1x1x1x128xi32, #tpu.memory_space<vmem>> -> memref<128xi32, #tpu.memory_space<vmem>>
      %dma_wait3A_812 = arith.constant 0 : i32
      %dma_wait3A_813 = arith.constant 0 : i32
      %dma_wait3A_814 = tpu.memref_slice %arg2[%arg0, %dma_wait3A_812, %dma_wait3A_813] : memref<2x10240x128xf32, #tpu.memory_space<hbm>> -> memref<1x10240x128xf32, #tpu.memory_space<hbm>>
      %dma_wait3A_815 = tpu.memref_squeeze %dma_wait3A_814 : memref<1x10240x128xf32, #tpu.memory_space<hbm>> -> memref<10240x128xf32, #tpu.memory_space<hbm>>
      %dma_wait3A_816 = arith.constant 0 : i32
      %dma_wait3A_817 = arith.constant 0 : i32
      %dma_wait3A_818 = tpu.memref_slice %dma_wait3A_815[%dma_wait3A_816, %dma_wait3A_817] : memref<10240x128xf32, #tpu.memory_space<hbm>> -> memref<10240x128xf32, #tpu.memory_space<hbm>>
      tpu.wait_indirect_dma semaphore(%arg9 : memref<!tpu.dma_semaphore, #tpu.memory_space<semaphore_mem>>) src(%dma_wait3A_818 : memref<10240x128xf32, #tpu.memory_space<hbm>>) dst(%dma_wait3A_808 : memref<128x128xf32, #tpu.memory_space<vmem>>)
      %dma_start3A_819 = arith.constant 1 : i32
      %dma_start3A_820 = arith.constant 3 : i32
      %dma_start3A_821 = arith.constant 1 : i32
      %dma_start3A_822 = arith.constant 0 : i32
      %dma_start3A_823 = arith.constant 0 : i32
      %dma_start3A_824 = tpu.memref_slice %arg6[%dma_start3A_819, %dma_start3A_822, %dma_start3A_823] : memref<2x128x128xf32, #tpu.memory_space<vmem>> -> memref<1x128x128xf32, #tpu.memory_space<vmem>>
      %dma_start3A_825 = tpu.memref_squeeze %dma_start3A_824 : memref<1x128x128xf32, #tpu.memory_space<vmem>> -> memref<128x128xf32, #tpu.memory_space<vmem>>
      %dma_start3A_826 = arith.constant 0 : i32
      %dma_start3A_827 = tpu.memref_slice %arg5[%rem3A_587, %dma_start3A_820, %dma_start3A_821, %dma_start3A_826] : memref<2x8x2x128xi32, #tpu.memory_space<vmem>> -> memref<1x1x1x128xi32, #tpu.memory_space<vmem>>
      %dma_start3A_828 = tpu.memref_squeeze %dma_start3A_827 : memref<1x1x1x128xi32, #tpu.memory_space<vmem>> -> memref<128xi32, #tpu.memory_space<vmem>>
      %dma_start3A_829 = arith.constant 0 : i32
      %dma_start3A_830 = arith.constant 0 : i32
      %dma_start3A_831 = tpu.memref_slice %arg7[%dma_start3A_829, %dma_start3A_830] : memref<10240x128xf32, #tpu.memory_space<vmem_shared>> -> memref<10240x128xf32, #tpu.memory_space<vmem_shared>>
      tpu.enqueue_indirect_dma source(%dma_start3A_825 : memref<128x128xf32, #tpu.memory_space<vmem>>) target(%dma_start3A_831 : memref<10240x128xf32, #tpu.memory_space<vmem_shared>>) offsets(%dma_start3A_828 : memref<128xi32, #tpu.memory_space<vmem>>) semaphore(%arg11 : memref<!tpu.dma_semaphore, #tpu.memory_space<semaphore_mem>>) {add = true}
      %dma_wait3A_832 = arith.constant 1 : i32
      %dma_wait3A_833 = arith.constant 3 : i32
      %dma_wait3A_834 = arith.constant 1 : i32
      %dma_wait3A_835 = arith.constant 0 : i32
      %dma_wait3A_836 = arith.constant 0 : i32
      %dma_wait3A_837 = tpu.memref_slice %arg6[%dma_wait3A_832, %dma_wait3A_835, %dma_wait3A_836] : memref<2x128x128xf32, #tpu.memory_space<vmem>> -> memref<1x128x128xf32, #tpu.memory_space<vmem>>
      %dma_wait3A_838 = tpu.memref_squeeze %dma_wait3A_837 : memref<1x128x128xf32, #tpu.memory_space<vmem>> -> memref<128x128xf32, #tpu.memory_space<vmem>>
      %dma_wait3A_839 = arith.constant 0 : i32
      %dma_wait3A_840 = tpu.memref_slice %arg5[%rem3A_587, %dma_wait3A_833, %dma_wait3A_834, %dma_wait3A_839] : memref<2x8x2x128xi32, #tpu.memory_space<vmem>> -> memref<1x1x1x128xi32, #tpu.memory_space<vmem>>
      %dma_wait3A_841 = tpu.memref_squeeze %dma_wait3A_840 : memref<1x1x1x128xi32, #tpu.memory_space<vmem>> -> memref<128xi32, #tpu.memory_space<vmem>>
      %dma_wait3A_842 = arith.constant 0 : i32
      %dma_wait3A_843 = arith.constant 0 : i32
      %dma_wait3A_844 = tpu.memref_slice %arg7[%dma_wait3A_842, %dma_wait3A_843] : memref<10240x128xf32, #tpu.memory_space<vmem_shared>> -> memref<10240x128xf32, #tpu.memory_space<vmem_shared>>
      tpu.wait_indirect_dma semaphore(%arg11 : memref<!tpu.dma_semaphore, #tpu.memory_space<semaphore_mem>>) src(%dma_wait3A_838 : memref<128x128xf32, #tpu.memory_space<vmem>>) dst(%dma_wait3A_844 : memref<10240x128xf32, #tpu.memory_space<vmem_shared>>)
      %dma_start3A_845 = arith.constant 5 : i32
      %dma_start3A_846 = arith.constant 0 : i32
      %dma_start3A_847 = arith.constant 1 : i32
      %dma_start3A_848 = arith.constant 0 : i32
      %dma_start3A_849 = arith.constant 0 : i32
      %dma_start3A_850 = tpu.memref_slice %arg6[%dma_start3A_847, %dma_start3A_848, %dma_start3A_849] : memref<2x128x128xf32, #tpu.memory_space<vmem>> -> memref<1x128x128xf32, #tpu.memory_space<vmem>>
      %dma_start3A_851 = tpu.memref_squeeze %dma_start3A_850 : memref<1x128x128xf32, #tpu.memory_space<vmem>> -> memref<128x128xf32, #tpu.memory_space<vmem>>
      %dma_start3A_852 = arith.constant 0 : i32
      %dma_start3A_853 = tpu.memref_slice %arg5[%rem3A_587, %dma_start3A_845, %dma_start3A_846, %dma_start3A_852] : memref<2x8x2x128xi32, #tpu.memory_space<vmem>> -> memref<1x1x1x128xi32, #tpu.memory_space<vmem>>
      %dma_start3A_854 = tpu.memref_squeeze %dma_start3A_853 : memref<1x1x1x128xi32, #tpu.memory_space<vmem>> -> memref<128xi32, #tpu.memory_space<vmem>>
      %dma_start3A_855 = arith.constant 0 : i32
      %dma_start3A_856 = arith.constant 0 : i32
      %dma_start3A_857 = tpu.memref_slice %arg2[%arg0, %dma_start3A_855, %dma_start3A_856] : memref<2x10240x128xf32, #tpu.memory_space<hbm>> -> memref<1x10240x128xf32, #tpu.memory_space<hbm>>
      %dma_start3A_858 = tpu.memref_squeeze %dma_start3A_857 : memref<1x10240x128xf32, #tpu.memory_space<hbm>> -> memref<10240x128xf32, #tpu.memory_space<hbm>>
      %dma_start3A_859 = arith.constant 0 : i32
      %dma_start3A_860 = arith.constant 0 : i32
      %dma_start3A_861 = tpu.memref_slice %dma_start3A_858[%dma_start3A_859, %dma_start3A_860] : memref<10240x128xf32, #tpu.memory_space<hbm>> -> memref<10240x128xf32, #tpu.memory_space<hbm>>
      tpu.enqueue_indirect_dma source(%dma_start3A_861 : memref<10240x128xf32, #tpu.memory_space<hbm>>) target(%dma_start3A_851 : memref<128x128xf32, #tpu.memory_space<vmem>>) offsets(%dma_start3A_854 : memref<128xi32, #tpu.memory_space<vmem>>) semaphore(%arg9 : memref<!tpu.dma_semaphore, #tpu.memory_space<semaphore_mem>>)
      %dma_wait3A_862 = arith.constant 4 : i32
      %dma_wait3A_863 = arith.constant 0 : i32
      %dma_wait3A_864 = arith.constant 0 : i32
      %dma_wait3A_865 = arith.constant 0 : i32
      %dma_wait3A_866 = arith.constant 0 : i32
      %dma_wait3A_867 = tpu.memref_slice %arg6[%dma_wait3A_864, %dma_wait3A_865, %dma_wait3A_866] : memref<2x128x128xf32, #tpu.memory_space<vmem>> -> memref<1x128x128xf32, #tpu.memory_space<vmem>>
      %dma_wait3A_868 = tpu.memref_squeeze %dma_wait3A_867 : memref<1x128x128xf32, #tpu.memory_space<vmem>> -> memref<128x128xf32, #tpu.memory_space<vmem>>
      %dma_wait3A_869 = arith.constant 0 : i32
      %dma_wait3A_870 = tpu.memref_slice %arg5[%rem3A_587, %dma_wait3A_862, %dma_wait3A_863, %dma_wait3A_869] : memref<2x8x2x128xi32, #tpu.memory_space<vmem>> -> memref<1x1x1x128xi32, #tpu.memory_space<vmem>>
      %dma_wait3A_871 = tpu.memref_squeeze %dma_wait3A_870 : memref<1x1x1x128xi32, #tpu.memory_space<vmem>> -> memref<128xi32, #tpu.memory_space<vmem>>
      %dma_wait3A_872 = arith.constant 0 : i32
      %dma_wait3A_873 = arith.constant 0 : i32
      %dma_wait3A_874 = tpu.memref_slice %arg2[%arg0, %dma_wait3A_872, %dma_wait3A_873] : memref<2x10240x128xf32, #tpu.memory_space<hbm>> -> memref<1x10240x128xf32, #tpu.memory_space<hbm>>
      %dma_wait3A_875 = tpu.memref_squeeze %dma_wait3A_874 : memref<1x10240x128xf32, #tpu.memory_space<hbm>> -> memref<10240x128xf32, #tpu.memory_space<hbm>>
      %dma_wait3A_876 = arith.constant 0 : i32
      %dma_wait3A_877 = arith.constant 0 : i32
      %dma_wait3A_878 = tpu.memref_slice %dma_wait3A_875[%dma_wait3A_876, %dma_wait3A_877] : memref<10240x128xf32, #tpu.memory_space<hbm>> -> memref<10240x128xf32, #tpu.memory_space<hbm>>
      tpu.wait_indirect_dma semaphore(%arg8 : memref<!tpu.dma_semaphore, #tpu.memory_space<semaphore_mem>>) src(%dma_wait3A_878 : memref<10240x128xf32, #tpu.memory_space<hbm>>) dst(%dma_wait3A_868 : memref<128x128xf32, #tpu.memory_space<vmem>>)
      %dma_start3A_879 = arith.constant 0 : i32
      %dma_start3A_880 = arith.constant 4 : i32
      %dma_start3A_881 = arith.constant 1 : i32
      %dma_start3A_882 = arith.constant 0 : i32
      %dma_start3A_883 = arith.constant 0 : i32
      %dma_start3A_884 = tpu.memref_slice %arg6[%dma_start3A_879, %dma_start3A_882, %dma_start3A_883] : memref<2x128x128xf32, #tpu.memory_space<vmem>> -> memref<1x128x128xf32, #tpu.memory_space<vmem>>
      %dma_start3A_885 = tpu.memref_squeeze %dma_start3A_884 : memref<1x128x128xf32, #tpu.memory_space<vmem>> -> memref<128x128xf32, #tpu.memory_space<vmem>>
      %dma_start3A_886 = arith.constant 0 : i32
      %dma_start3A_887 = tpu.memref_slice %arg5[%rem3A_587, %dma_start3A_880, %dma_start3A_881, %dma_start3A_886] : memref<2x8x2x128xi32, #tpu.memory_space<vmem>> -> memref<1x1x1x128xi32, #tpu.memory_space<vmem>>
      %dma_start3A_888 = tpu.memref_squeeze %dma_start3A_887 : memref<1x1x1x128xi32, #tpu.memory_space<vmem>> -> memref<128xi32, #tpu.memory_space<vmem>>
      %dma_start3A_889 = arith.constant 0 : i32
      %dma_start3A_890 = arith.constant 0 : i32
      %dma_start3A_891 = tpu.memref_slice %arg7[%dma_start3A_889, %dma_start3A_890] : memref<10240x128xf32, #tpu.memory_space<vmem_shared>> -> memref<10240x128xf32, #tpu.memory_space<vmem_shared>>
      tpu.enqueue_indirect_dma source(%dma_start3A_885 : memref<128x128xf32, #tpu.memory_space<vmem>>) target(%dma_start3A_891 : memref<10240x128xf32, #tpu.memory_space<vmem_shared>>) offsets(%dma_start3A_888 : memref<128xi32, #tpu.memory_space<vmem>>) semaphore(%arg10 : memref<!tpu.dma_semaphore, #tpu.memory_space<semaphore_mem>>) {add = true}
      %dma_wait3A_892 = arith.constant 0 : i32
      %dma_wait3A_893 = arith.constant 4 : i32
      %dma_wait3A_894 = arith.constant 1 : i32
      %dma_wait3A_895 = arith.constant 0 : i32
      %dma_wait3A_896 = arith.constant 0 : i32
      %dma_wait3A_897 = tpu.memref_slice %arg6[%dma_wait3A_892, %dma_wait3A_895, %dma_wait3A_896] : memref<2x128x128xf32, #tpu.memory_space<vmem>> -> memref<1x128x128xf32, #tpu.memory_space<vmem>>
      %dma_wait3A_898 = tpu.memref_squeeze %dma_wait3A_897 : memref<1x128x128xf32, #tpu.memory_space<vmem>> -> memref<128x128xf32, #tpu.memory_space<vmem>>
      %dma_wait3A_899 = arith.constant 0 : i32
      %dma_wait3A_900 = tpu.memref_slice %arg5[%rem3A_587, %dma_wait3A_893, %dma_wait3A_894, %dma_wait3A_899] : memref<2x8x2x128xi32, #tpu.memory_space<vmem>> -> memref<1x1x1x128xi32, #tpu.memory_space<vmem>>
      %dma_wait3A_901 = tpu.memref_squeeze %dma_wait3A_900 : memref<1x1x1x128xi32, #tpu.memory_space<vmem>> -> memref<128xi32, #tpu.memory_space<vmem>>
      %dma_wait3A_902 = arith.constant 0 : i32
      %dma_wait3A_903 = arith.constant 0 : i32
      %dma_wait3A_904 = tpu.memref_slice %arg7[%dma_wait3A_902, %dma_wait3A_903] : memref<10240x128xf32, #tpu.memory_space<vmem_shared>> -> memref<10240x128xf32, #tpu.memory_space<vmem_shared>>
      tpu.wait_indirect_dma semaphore(%arg10 : memref<!tpu.dma_semaphore, #tpu.memory_space<semaphore_mem>>) src(%dma_wait3A_898 : memref<128x128xf32, #tpu.memory_space<vmem>>) dst(%dma_wait3A_904 : memref<10240x128xf32, #tpu.memory_space<vmem_shared>>)
      %dma_start3A_905 = arith.constant 6 : i32
      %dma_start3A_906 = arith.constant 0 : i32
      %dma_start3A_907 = arith.constant 0 : i32
      %dma_start3A_908 = arith.constant 0 : i32
      %dma_start3A_909 = arith.constant 0 : i32
      %dma_start3A_910 = tpu.memref_slice %arg6[%dma_start3A_907, %dma_start3A_908, %dma_start3A_909] : memref<2x128x128xf32, #tpu.memory_space<vmem>> -> memref<1x128x128xf32, #tpu.memory_space<vmem>>
      %dma_start3A_911 = tpu.memref_squeeze %dma_start3A_910 : memref<1x128x128xf32, #tpu.memory_space<vmem>> -> memref<128x128xf32, #tpu.memory_space<vmem>>
      %dma_start3A_912 = arith.constant 0 : i32
      %dma_start3A_913 = tpu.memref_slice %arg5[%rem3A_587, %dma_start3A_905, %dma_start3A_906, %dma_start3A_912] : memref<2x8x2x128xi32, #tpu.memory_space<vmem>> -> memref<1x1x1x128xi32, #tpu.memory_space<vmem>>
      %dma_start3A_914 = tpu.memref_squeeze %dma_start3A_913 : memref<1x1x1x128xi32, #tpu.memory_space<vmem>> -> memref<128xi32, #tpu.memory_space<vmem>>
      %dma_start3A_915 = arith.constant 0 : i32
      %dma_start3A_916 = arith.constant 0 : i32
      %dma_start3A_917 = tpu.memref_slice %arg2[%arg0, %dma_start3A_915, %dma_start3A_916] : memref<2x10240x128xf32, #tpu.memory_space<hbm>> -> memref<1x10240x128xf32, #tpu.memory_space<hbm>>
      %dma_start3A_918 = tpu.memref_squeeze %dma_start3A_917 : memref<1x10240x128xf32, #tpu.memory_space<hbm>> -> memref<10240x128xf32, #tpu.memory_space<hbm>>
      %dma_start3A_919 = arith.constant 0 : i32
      %dma_start3A_920 = arith.constant 0 : i32
      %dma_start3A_921 = tpu.memref_slice %dma_start3A_918[%dma_start3A_919, %dma_start3A_920] : memref<10240x128xf32, #tpu.memory_space<hbm>> -> memref<10240x128xf32, #tpu.memory_space<hbm>>
      tpu.enqueue_indirect_dma source(%dma_start3A_921 : memref<10240x128xf32, #tpu.memory_space<hbm>>) target(%dma_start3A_911 : memref<128x128xf32, #tpu.memory_space<vmem>>) offsets(%dma_start3A_914 : memref<128xi32, #tpu.memory_space<vmem>>) semaphore(%arg8 : memref<!tpu.dma_semaphore, #tpu.memory_space<semaphore_mem>>)
      %dma_wait3A_922 = arith.constant 5 : i32
      %dma_wait3A_923 = arith.constant 0 : i32
      %dma_wait3A_924 = arith.constant 1 : i32
      %dma_wait3A_925 = arith.constant 0 : i32
      %dma_wait3A_926 = arith.constant 0 : i32
      %dma_wait3A_927 = tpu.memref_slice %arg6[%dma_wait3A_924, %dma_wait3A_925, %dma_wait3A_926] : memref<2x128x128xf32, #tpu.memory_space<vmem>> -> memref<1x128x128xf32, #tpu.memory_space<vmem>>
      %dma_wait3A_928 = tpu.memref_squeeze %dma_wait3A_927 : memref<1x128x128xf32, #tpu.memory_space<vmem>> -> memref<128x128xf32, #tpu.memory_space<vmem>>
      %dma_wait3A_929 = arith.constant 0 : i32
      %dma_wait3A_930 = tpu.memref_slice %arg5[%rem3A_587, %dma_wait3A_922, %dma_wait3A_923, %dma_wait3A_929] : memref<2x8x2x128xi32, #tpu.memory_space<vmem>> -> memref<1x1x1x128xi32, #tpu.memory_space<vmem>>
      %dma_wait3A_931 = tpu.memref_squeeze %dma_wait3A_930 : memref<1x1x1x128xi32, #tpu.memory_space<vmem>> -> memref<128xi32, #tpu.memory_space<vmem>>
      %dma_wait3A_932 = arith.constant 0 : i32
      %dma_wait3A_933 = arith.constant 0 : i32
      %dma_wait3A_934 = tpu.memref_slice %arg2[%arg0, %dma_wait3A_932, %dma_wait3A_933] : memref<2x10240x128xf32, #tpu.memory_space<hbm>> -> memref<1x10240x128xf32, #tpu.memory_space<hbm>>
      %dma_wait3A_935 = tpu.memref_squeeze %dma_wait3A_934 : memref<1x10240x128xf32, #tpu.memory_space<hbm>> -> memref<10240x128xf32, #tpu.memory_space<hbm>>
      %dma_wait3A_936 = arith.constant 0 : i32
      %dma_wait3A_937 = arith.constant 0 : i32
      %dma_wait3A_938 = tpu.memref_slice %dma_wait3A_935[%dma_wait3A_936, %dma_wait3A_937] : memref<10240x128xf32, #tpu.memory_space<hbm>> -> memref<10240x128xf32, #tpu.memory_space<hbm>>
      tpu.wait_indirect_dma semaphore(%arg9 : memref<!tpu.dma_semaphore, #tpu.memory_space<semaphore_mem>>) src(%dma_wait3A_938 : memref<10240x128xf32, #tpu.memory_space<hbm>>) dst(%dma_wait3A_928 : memref<128x128xf32, #tpu.memory_space<vmem>>)
      %dma_start3A_939 = arith.constant 1 : i32
      %dma_start3A_940 = arith.constant 5 : i32
      %dma_start3A_941 = arith.constant 1 : i32
      %dma_start3A_942 = arith.constant 0 : i32
      %dma_start3A_943 = arith.constant 0 : i32
      %dma_start3A_944 = tpu.memref_slice %arg6[%dma_start3A_939, %dma_start3A_942, %dma_start3A_943] : memref<2x128x128xf32, #tpu.memory_space<vmem>> -> memref<1x128x128xf32, #tpu.memory_space<vmem>>
      %dma_start3A_945 = tpu.memref_squeeze %dma_start3A_944 : memref<1x128x128xf32, #tpu.memory_space<vmem>> -> memref<128x128xf32, #tpu.memory_space<vmem>>
      %dma_start3A_946 = arith.constant 0 : i32
      %dma_start3A_947 = tpu.memref_slice %arg5[%rem3A_587, %dma_start3A_940, %dma_start3A_941, %dma_start3A_946] : memref<2x8x2x128xi32, #tpu.memory_space<vmem>> -> memref<1x1x1x128xi32, #tpu.memory_space<vmem>>
      %dma_start3A_948 = tpu.memref_squeeze %dma_start3A_947 : memref<1x1x1x128xi32, #tpu.memory_space<vmem>> -> memref<128xi32, #tpu.memory_space<vmem>>
      %dma_start3A_949 = arith.constant 0 : i32
      %dma_start3A_950 = arith.constant 0 : i32
      %dma_start3A_951 = tpu.memref_slice %arg7[%dma_start3A_949, %dma_start3A_950] : memref<10240x128xf32, #tpu.memory_space<vmem_shared>> -> memref<10240x128xf32, #tpu.memory_space<vmem_shared>>
      tpu.enqueue_indirect_dma source(%dma_start3A_945 : memref<128x128xf32, #tpu.memory_space<vmem>>) target(%dma_start3A_951 : memref<10240x128xf32, #tpu.memory_space<vmem_shared>>) offsets(%dma_start3A_948 : memref<128xi32, #tpu.memory_space<vmem>>) semaphore(%arg11 : memref<!tpu.dma_semaphore, #tpu.memory_space<semaphore_mem>>) {add = true}
      %dma_wait3A_952 = arith.constant 1 : i32
      %dma_wait3A_953 = arith.constant 5 : i32
      %dma_wait3A_954 = arith.constant 1 : i32
      %dma_wait3A_955 = arith.constant 0 : i32
      %dma_wait3A_956 = arith.constant 0 : i32
      %dma_wait3A_957 = tpu.memref_slice %arg6[%dma_wait3A_952, %dma_wait3A_955, %dma_wait3A_956] : memref<2x128x128xf32, #tpu.memory_space<vmem>> -> memref<1x128x128xf32, #tpu.memory_space<vmem>>
      %dma_wait3A_958 = tpu.memref_squeeze %dma_wait3A_957 : memref<1x128x128xf32, #tpu.memory_space<vmem>> -> memref<128x128xf32, #tpu.memory_space<vmem>>
      %dma_wait3A_959 = arith.constant 0 : i32
      %dma_wait3A_960 = tpu.memref_slice %arg5[%rem3A_587, %dma_wait3A_953, %dma_wait3A_954, %dma_wait3A_959] : memref<2x8x2x128xi32, #tpu.memory_space<vmem>> -> memref<1x1x1x128xi32, #tpu.memory_space<vmem>>
      %dma_wait3A_961 = tpu.memref_squeeze %dma_wait3A_960 : memref<1x1x1x128xi32, #tpu.memory_space<vmem>> -> memref<128xi32, #tpu.memory_space<vmem>>
      %dma_wait3A_962 = arith.constant 0 : i32
      %dma_wait3A_963 = arith.constant 0 : i32
      %dma_wait3A_964 = tpu.memref_slice %arg7[%dma_wait3A_962, %dma_wait3A_963] : memref<10240x128xf32, #tpu.memory_space<vmem_shared>> -> memref<10240x128xf32, #tpu.memory_space<vmem_shared>>
      tpu.wait_indirect_dma semaphore(%arg11 : memref<!tpu.dma_semaphore, #tpu.memory_space<semaphore_mem>>) src(%dma_wait3A_958 : memref<128x128xf32, #tpu.memory_space<vmem>>) dst(%dma_wait3A_964 : memref<10240x128xf32, #tpu.memory_space<vmem_shared>>)
      %dma_start3A_965 = arith.constant 7 : i32
      %dma_start3A_966 = arith.constant 0 : i32
      %dma_start3A_967 = arith.constant 1 : i32
      %dma_start3A_968 = arith.constant 0 : i32
      %dma_start3A_969 = arith.constant 0 : i32
      %dma_start3A_970 = tpu.memref_slice %arg6[%dma_start3A_967, %dma_start3A_968, %dma_start3A_969] : memref<2x128x128xf32, #tpu.memory_space<vmem>> -> memref<1x128x128xf32, #tpu.memory_space<vmem>>
      %dma_start3A_971 = tpu.memref_squeeze %dma_start3A_970 : memref<1x128x128xf32, #tpu.memory_space<vmem>> -> memref<128x128xf32, #tpu.memory_space<vmem>>
      %dma_start3A_972 = arith.constant 0 : i32
      %dma_start3A_973 = tpu.memref_slice %arg5[%rem3A_587, %dma_start3A_965, %dma_start3A_966, %dma_start3A_972] : memref<2x8x2x128xi32, #tpu.memory_space<vmem>> -> memref<1x1x1x128xi32, #tpu.memory_space<vmem>>
      %dma_start3A_974 = tpu.memref_squeeze %dma_start3A_973 : memref<1x1x1x128xi32, #tpu.memory_space<vmem>> -> memref<128xi32, #tpu.memory_space<vmem>>
      %dma_start3A_975 = arith.constant 0 : i32
      %dma_start3A_976 = arith.constant 0 : i32
      %dma_start3A_977 = tpu.memref_slice %arg2[%arg0, %dma_start3A_975, %dma_start3A_976] : memref<2x10240x128xf32, #tpu.memory_space<hbm>> -> memref<1x10240x128xf32, #tpu.memory_space<hbm>>
      %dma_start3A_978 = tpu.memref_squeeze %dma_start3A_977 : memref<1x10240x128xf32, #tpu.memory_space<hbm>> -> memref<10240x128xf32, #tpu.memory_space<hbm>>
      %dma_start3A_979 = arith.constant 0 : i32
      %dma_start3A_980 = arith.constant 0 : i32
      %dma_start3A_981 = tpu.memref_slice %dma_start3A_978[%dma_start3A_979, %dma_start3A_980] : memref<10240x128xf32, #tpu.memory_space<hbm>> -> memref<10240x128xf32, #tpu.memory_space<hbm>>
      tpu.enqueue_indirect_dma source(%dma_start3A_981 : memref<10240x128xf32, #tpu.memory_space<hbm>>) target(%dma_start3A_971 : memref<128x128xf32, #tpu.memory_space<vmem>>) offsets(%dma_start3A_974 : memref<128xi32, #tpu.memory_space<vmem>>) semaphore(%arg9 : memref<!tpu.dma_semaphore, #tpu.memory_space<semaphore_mem>>)
      %dma_wait3A_982 = arith.constant 6 : i32
      %dma_wait3A_983 = arith.constant 0 : i32
      %dma_wait3A_984 = arith.constant 0 : i32
      %dma_wait3A_985 = arith.constant 0 : i32
      %dma_wait3A_986 = arith.constant 0 : i32
      %dma_wait3A_987 = tpu.memref_slice %arg6[%dma_wait3A_984, %dma_wait3A_985, %dma_wait3A_986] : memref<2x128x128xf32, #tpu.memory_space<vmem>> -> memref<1x128x128xf32, #tpu.memory_space<vmem>>
      %dma_wait3A_988 = tpu.memref_squeeze %dma_wait3A_987 : memref<1x128x128xf32, #tpu.memory_space<vmem>> -> memref<128x128xf32, #tpu.memory_space<vmem>>
      %dma_wait3A_989 = arith.constant 0 : i32
      %dma_wait3A_990 = tpu.memref_slice %arg5[%rem3A_587, %dma_wait3A_982, %dma_wait3A_983, %dma_wait3A_989] : memref<2x8x2x128xi32, #tpu.memory_space<vmem>> -> memref<1x1x1x128xi32, #tpu.memory_space<vmem>>
      %dma_wait3A_991 = tpu.memref_squeeze %dma_wait3A_990 : memref<1x1x1x128xi32, #tpu.memory_space<vmem>> -> memref<128xi32, #tpu.memory_space<vmem>>
      %dma_wait3A_992 = arith.constant 0 : i32
      %dma_wait3A_993 = arith.constant 0 : i32
      %dma_wait3A_994 = tpu.memref_slice %arg2[%arg0, %dma_wait3A_992, %dma_wait3A_993] : memref<2x10240x128xf32, #tpu.memory_space<hbm>> -> memref<1x10240x128xf32, #tpu.memory_space<hbm>>
      %dma_wait3A_995 = tpu.memref_squeeze %dma_wait3A_994 : memref<1x10240x128xf32, #tpu.memory_space<hbm>> -> memref<10240x128xf32, #tpu.memory_space<hbm>>
      %dma_wait3A_996 = arith.constant 0 : i32
      %dma_wait3A_997 = arith.constant 0 : i32
      %dma_wait3A_998 = tpu.memref_slice %dma_wait3A_995[%dma_wait3A_996, %dma_wait3A_997] : memref<10240x128xf32, #tpu.memory_space<hbm>> -> memref<10240x128xf32, #tpu.memory_space<hbm>>
      tpu.wait_indirect_dma semaphore(%arg8 : memref<!tpu.dma_semaphore, #tpu.memory_space<semaphore_mem>>) src(%dma_wait3A_998 : memref<10240x128xf32, #tpu.memory_space<hbm>>) dst(%dma_wait3A_988 : memref<128x128xf32, #tpu.memory_space<vmem>>)
      %dma_start3A_999 = arith.constant 0 : i32
      %dma_start3A_1000 = arith.constant 6 : i32
      %dma_start3A_1001 = arith.constant 1 : i32
      %dma_start3A_1002 = arith.constant 0 : i32
      %dma_start3A_1003 = arith.constant 0 : i32
      %dma_start3A_1004 = tpu.memref_slice %arg6[%dma_start3A_999, %dma_start3A_1002, %dma_start3A_1003] : memref<2x128x128xf32, #tpu.memory_space<vmem>> -> memref<1x128x128xf32, #tpu.memory_space<vmem>>
      %dma_start3A_1005 = tpu.memref_squeeze %dma_start3A_1004 : memref<1x128x128xf32, #tpu.memory_space<vmem>> -> memref<128x128xf32, #tpu.memory_space<vmem>>
      %dma_start3A_1006 = arith.constant 0 : i32
      %dma_start3A_1007 = tpu.memref_slice %arg5[%rem3A_587, %dma_start3A_1000, %dma_start3A_1001, %dma_start3A_1006] : memref<2x8x2x128xi32, #tpu.memory_space<vmem>> -> memref<1x1x1x128xi32, #tpu.memory_space<vmem>>
      %dma_start3A_1008 = tpu.memref_squeeze %dma_start3A_1007 : memref<1x1x1x128xi32, #tpu.memory_space<vmem>> -> memref<128xi32, #tpu.memory_space<vmem>>
      %dma_start3A_1009 = arith.constant 0 : i32
      %dma_start3A_1010 = arith.constant 0 : i32
      %dma_start3A_1011 = tpu.memref_slice %arg7[%dma_start3A_1009, %dma_start3A_1010] : memref<10240x128xf32, #tpu.memory_space<vmem_shared>> -> memref<10240x128xf32, #tpu.memory_space<vmem_shared>>
      tpu.enqueue_indirect_dma source(%dma_start3A_1005 : memref<128x128xf32, #tpu.memory_space<vmem>>) target(%dma_start3A_1011 : memref<10240x128xf32, #tpu.memory_space<vmem_shared>>) offsets(%dma_start3A_1008 : memref<128xi32, #tpu.memory_space<vmem>>) semaphore(%arg10 : memref<!tpu.dma_semaphore, #tpu.memory_space<semaphore_mem>>) {add = true}
      %dma_wait3A_1012 = arith.constant 0 : i32
      %dma_wait3A_1013 = arith.constant 6 : i32
      %dma_wait3A_1014 = arith.constant 1 : i32
      %dma_wait3A_1015 = arith.constant 0 : i32
      %dma_wait3A_1016 = arith.constant 0 : i32
      %dma_wait3A_1017 = tpu.memref_slice %arg6[%dma_wait3A_1012, %dma_wait3A_1015, %dma_wait3A_1016] : memref<2x128x128xf32, #tpu.memory_space<vmem>> -> memref<1x128x128xf32, #tpu.memory_space<vmem>>
      %dma_wait3A_1018 = tpu.memref_squeeze %dma_wait3A_1017 : memref<1x128x128xf32, #tpu.memory_space<vmem>> -> memref<128x128xf32, #tpu.memory_space<vmem>>
      %dma_wait3A_1019 = arith.constant 0 : i32
      %dma_wait3A_1020 = tpu.memref_slice %arg5[%rem3A_587, %dma_wait3A_1013, %dma_wait3A_1014, %dma_wait3A_1019] : memref<2x8x2x128xi32, #tpu.memory_space<vmem>> -> memref<1x1x1x128xi32, #tpu.memory_space<vmem>>
      %dma_wait3A_1021 = tpu.memref_squeeze %dma_wait3A_1020 : memref<1x1x1x128xi32, #tpu.memory_space<vmem>> -> memref<128xi32, #tpu.memory_space<vmem>>
      %dma_wait3A_1022 = arith.constant 0 : i32
      %dma_wait3A_1023 = arith.constant 0 : i32
      %dma_wait3A_1024 = tpu.memref_slice %arg7[%dma_wait3A_1022, %dma_wait3A_1023] : memref<10240x128xf32, #tpu.memory_space<vmem_shared>> -> memref<10240x128xf32, #tpu.memory_space<vmem_shared>>
      tpu.wait_indirect_dma semaphore(%arg10 : memref<!tpu.dma_semaphore, #tpu.memory_space<semaphore_mem>>) src(%dma_wait3A_1018 : memref<128x128xf32, #tpu.memory_space<vmem>>) dst(%dma_wait3A_1024 : memref<10240x128xf32, #tpu.memory_space<vmem_shared>>)
      %add3A_1025 = arith.constant 1 : i32
      %add3A_1026 = arith.addi %scan3A_586, %add3A_1025 : i32
      %lt3A_1027 = arith.constant 20 : i32
      %lt3A_1028 = arith.cmpi slt, %add3A_1026, %lt3A_1027 : i32
      %convert_element_type3A_1029 = arith.extui %lt3A_1028 : i1 to i32
      %cond3A_1030 = arith.constant 0 : i32
      %cond3A_1031 = arith.cmpi ne, %convert_element_type3A_1029, %cond3A_1030 : i32
      scf.if %cond3A_1031 {
        %add3A_1062 = arith.constant 1 : i32
        %add3A_1063 = arith.addi %scan3A_586, %add3A_1062 : i32
        %dma_wait3A_1064 = arith.constant 0 : i32
        %dma_wait3A_1065 = arith.constant 0 : i32
        %dma_wait3A_1066 = arith.constant 0 : i32
        %dma_wait3A_1067 = tpu.memref_slice %arg5[%sub3A_588, %dma_wait3A_1064, %dma_wait3A_1065, %dma_wait3A_1066] : memref<2x8x2x128xi32, #tpu.memory_space<vmem>> -> memref<1x8x2x128xi32, #tpu.memory_space<vmem>>
        %dma_wait3A_1068 = tpu.memref_squeeze %dma_wait3A_1067 : memref<1x8x2x128xi32, #tpu.memory_space<vmem>> -> memref<8x2x128xi32, #tpu.memory_space<vmem>>
        %dma_wait3A_1069 = arith.constant 0 : i32
        %dma_wait3A_1070 = arith.constant 0 : i32
        %dma_wait3A_1071 = arith.constant 0 : i32
        %dma_wait3A_1072 = tpu.memref_slice %arg3[%arg1, %add3A_1063, %dma_wait3A_1069, %dma_wait3A_1070, %dma_wait3A_1071] : memref<16x20x8x2x128xi32, #tpu.memory_space<hbm>> -> memref<1x1x8x2x128xi32, #tpu.memory_space<hbm>>
        %dma_wait3A_1073 = tpu.memref_squeeze %dma_wait3A_1072 : memref<1x1x8x2x128xi32, #tpu.memory_space<hbm>> -> memref<8x2x128xi32, #tpu.memory_space<hbm>>
        %dma_wait3A_1074 = arith.constant 0 : i32
        %dma_wait3A_1075 = arith.constant 0 : i32
        %dma_wait3A_1076 = arith.constant 0 : i32
        %dma_wait3A_1077 = tpu.memref_slice %arg5[%sub3A_588, %dma_wait3A_1074, %dma_wait3A_1075, %dma_wait3A_1076] : memref<2x8x2x128xi32, #tpu.memory_space<vmem>> -> memref<1x8x2x128xi32, #tpu.memory_space<vmem>>
        %dma_wait3A_1078 = tpu.memref_squeeze %dma_wait3A_1077 : memref<1x8x2x128xi32, #tpu.memory_space<vmem>> -> memref<8x2x128xi32, #tpu.memory_space<vmem>>
        %dma_wait3A_1079 = arith.constant 0 : i32
        %dma_wait3A_1080 = arith.constant 0 : i32
        %dma_wait3A_1081 = arith.constant 0 : i32
        %dma_wait3A_1082 = tpu.memref_slice %arg3[%arg1, %add3A_1063, %dma_wait3A_1079, %dma_wait3A_1080, %dma_wait3A_1081] : memref<16x20x8x2x128xi32, #tpu.memory_space<hbm>> -> memref<1x1x8x2x128xi32, #tpu.memory_space<hbm>>
        %dma_wait3A_1083 = tpu.memref_squeeze %dma_wait3A_1082 : memref<1x1x8x2x128xi32, #tpu.memory_space<hbm>> -> memref<8x2x128xi32, #tpu.memory_space<hbm>>
        tpu.wait_dma2 semaphore(%arg12 : memref<!tpu.dma_semaphore, #tpu.memory_space<semaphore_mem>>) src(%dma_wait3A_1083 : memref<8x2x128xi32, #tpu.memory_space<hbm>>) dst(%dma_wait3A_1078 : memref<8x2x128xi32, #tpu.memory_space<vmem>>)
        %dma_start3A_1084 = arith.constant 0 : i32
        %dma_start3A_1085 = arith.constant 0 : i32
        %dma_start3A_1086 = arith.constant 0 : i32
        %dma_start3A_1087 = arith.constant 0 : i32
        %dma_start3A_1088 = arith.constant 0 : i32
        %dma_start3A_1089 = tpu.memref_slice %arg6[%dma_start3A_1086, %dma_start3A_1087, %dma_start3A_1088] : memref<2x128x128xf32, #tpu.memory_space<vmem>> -> memref<1x128x128xf32, #tpu.memory_space<vmem>>
        %dma_start3A_1090 = tpu.memref_squeeze %dma_start3A_1089 : memref<1x128x128xf32, #tpu.memory_space<vmem>> -> memref<128x128xf32, #tpu.memory_space<vmem>>
        %dma_start3A_1091 = arith.constant 0 : i32
        %dma_start3A_1092 = tpu.memref_slice %arg5[%sub3A_588, %dma_start3A_1084, %dma_start3A_1085, %dma_start3A_1091] : memref<2x8x2x128xi32, #tpu.memory_space<vmem>> -> memref<1x1x1x128xi32, #tpu.memory_space<vmem>>
        %dma_start3A_1093 = tpu.memref_squeeze %dma_start3A_1092 : memref<1x1x1x128xi32, #tpu.memory_space<vmem>> -> memref<128xi32, #tpu.memory_space<vmem>>
        %dma_start3A_1094 = arith.constant 0 : i32
        %dma_start3A_1095 = arith.constant 0 : i32
        %dma_start3A_1096 = tpu.memref_slice %arg2[%arg0, %dma_start3A_1094, %dma_start3A_1095] : memref<2x10240x128xf32, #tpu.memory_space<hbm>> -> memref<1x10240x128xf32, #tpu.memory_space<hbm>>
        %dma_start3A_1097 = tpu.memref_squeeze %dma_start3A_1096 : memref<1x10240x128xf32, #tpu.memory_space<hbm>> -> memref<10240x128xf32, #tpu.memory_space<hbm>>
        %dma_start3A_1098 = arith.constant 0 : i32
        %dma_start3A_1099 = arith.constant 0 : i32
        %dma_start3A_1100 = tpu.memref_slice %dma_start3A_1097[%dma_start3A_1098, %dma_start3A_1099] : memref<10240x128xf32, #tpu.memory_space<hbm>> -> memref<10240x128xf32, #tpu.memory_space<hbm>>
        tpu.enqueue_indirect_dma source(%dma_start3A_1100 : memref<10240x128xf32, #tpu.memory_space<hbm>>) target(%dma_start3A_1090 : memref<128x128xf32, #tpu.memory_space<vmem>>) offsets(%dma_start3A_1093 : memref<128xi32, #tpu.memory_space<vmem>>) semaphore(%arg8 : memref<!tpu.dma_semaphore, #tpu.memory_space<semaphore_mem>>)
      } else {
      }
      %dma_wait3A_1032 = arith.constant 7 : i32
      %dma_wait3A_1033 = arith.constant 0 : i32
      %dma_wait3A_1034 = arith.constant 1 : i32
      %dma_wait3A_1035 = arith.constant 0 : i32
      %dma_wait3A_1036 = arith.constant 0 : i32
      %dma_wait3A_1037 = tpu.memref_slice %arg6[%dma_wait3A_1034, %dma_wait3A_1035, %dma_wait3A_1036] : memref<2x128x128xf32, #tpu.memory_space<vmem>> -> memref<1x128x128xf32, #tpu.memory_space<vmem>>
      %dma_wait3A_1038 = tpu.memref_squeeze %dma_wait3A_1037 : memref<1x128x128xf32, #tpu.memory_space<vmem>> -> memref<128x128xf32, #tpu.memory_space<vmem>>
      %dma_wait3A_1039 = arith.constant 0 : i32
      %dma_wait3A_1040 = tpu.memref_slice %arg5[%rem3A_587, %dma_wait3A_1032, %dma_wait3A_1033, %dma_wait3A_1039] : memref<2x8x2x128xi32, #tpu.memory_space<vmem>> -> memref<1x1x1x128xi32, #tpu.memory_space<vmem>>
      %dma_wait3A_1041 = tpu.memref_squeeze %dma_wait3A_1040 : memref<1x1x1x128xi32, #tpu.memory_space<vmem>> -> memref<128xi32, #tpu.memory_space<vmem>>
      %dma_wait3A_1042 = arith.constant 0 : i32
      %dma_wait3A_1043 = arith.constant 0 : i32
      %dma_wait3A_1044 = tpu.memref_slice %arg2[%arg0, %dma_wait3A_1042, %dma_wait3A_1043] : memref<2x10240x128xf32, #tpu.memory_space<hbm>> -> memref<1x10240x128xf32, #tpu.memory_space<hbm>>
      %dma_wait3A_1045 = tpu.memref_squeeze %dma_wait3A_1044 : memref<1x10240x128xf32, #tpu.memory_space<hbm>> -> memref<10240x128xf32, #tpu.memory_space<hbm>>
      %dma_wait3A_1046 = arith.constant 0 : i32
      %dma_wait3A_1047 = arith.constant 0 : i32
      %dma_wait3A_1048 = tpu.memref_slice %dma_wait3A_1045[%dma_wait3A_1046, %dma_wait3A_1047] : memref<10240x128xf32, #tpu.memory_space<hbm>> -> memref<10240x128xf32, #tpu.memory_space<hbm>>
      tpu.wait_indirect_dma semaphore(%arg9 : memref<!tpu.dma_semaphore, #tpu.memory_space<semaphore_mem>>) src(%dma_wait3A_1048 : memref<10240x128xf32, #tpu.memory_space<hbm>>) dst(%dma_wait3A_1038 : memref<128x128xf32, #tpu.memory_space<vmem>>)
      %dma_start3A_1049 = arith.constant 1 : i32
      %dma_start3A_1050 = arith.constant 7 : i32
      %dma_start3A_1051 = arith.constant 1 : i32
      %dma_start3A_1052 = arith.constant 0 : i32
      %dma_start3A_1053 = arith.constant 0 : i32
      %dma_start3A_1054 = tpu.memref_slice %arg6[%dma_start3A_1049, %dma_start3A_1052, %dma_start3A_1053] : memref<2x128x128xf32, #tpu.memory_space<vmem>> -> memref<1x128x128xf32, #tpu.memory_space<vmem>>
      %dma_start3A_1055 = tpu.memref_squeeze %dma_start3A_1054 : memref<1x128x128xf32, #tpu.memory_space<vmem>> -> memref<128x128xf32, #tpu.memory_space<vmem>>
      %dma_start3A_1056 = arith.constant 0 : i32
      %dma_start3A_1057 = tpu.memref_slice %arg5[%rem3A_587, %dma_start3A_1050, %dma_start3A_1051, %dma_start3A_1056] : memref<2x8x2x128xi32, #tpu.memory_space<vmem>> -> memref<1x1x1x128xi32, #tpu.memory_space<vmem>>
      %dma_start3A_1058 = tpu.memref_squeeze %dma_start3A_1057 : memref<1x1x1x128xi32, #tpu.memory_space<vmem>> -> memref<128xi32, #tpu.memory_space<vmem>>
      %dma_start3A_1059 = arith.constant 0 : i32
      %dma_start3A_1060 = arith.constant 0 : i32
      %dma_start3A_1061 = tpu.memref_slice %arg7[%dma_start3A_1059, %dma_start3A_1060] : memref<10240x128xf32, #tpu.memory_space<vmem_shared>> -> memref<10240x128xf32, #tpu.memory_space<vmem_shared>>
      tpu.enqueue_indirect_dma source(%dma_start3A_1055 : memref<128x128xf32, #tpu.memory_space<vmem>>) target(%dma_start3A_1061 : memref<10240x128xf32, #tpu.memory_space<vmem_shared>>) offsets(%dma_start3A_1058 : memref<128xi32, #tpu.memory_space<vmem>>) semaphore(%arg11 : memref<!tpu.dma_semaphore, #tpu.memory_space<semaphore_mem>>) {add = true}
    }
    %scan3A_566 = arith.constant 19 : i32
    %dma_wait3A_567 = arith.constant 1 : i32
    %dma_wait3A_568 = arith.constant 1 : i32
    %dma_wait3A_569 = arith.constant 7 : i32
    %dma_wait3A_570 = arith.constant 1 : i32
    %dma_wait3A_571 = arith.constant 0 : i32
    %dma_wait3A_572 = arith.constant 0 : i32
    %dma_wait3A_573 = tpu.memref_slice %arg6[%dma_wait3A_567, %dma_wait3A_571, %dma_wait3A_572] : memref<2x128x128xf32, #tpu.memory_space<vmem>> -> memref<1x128x128xf32, #tpu.memory_space<vmem>>
    %dma_wait3A_574 = tpu.memref_squeeze %dma_wait3A_573 : memref<1x128x128xf32, #tpu.memory_space<vmem>> -> memref<128x128xf32, #tpu.memory_space<vmem>>
    %dma_wait3A_575 = arith.constant 0 : i32
    %dma_wait3A_576 = tpu.memref_slice %arg5[%dma_wait3A_568, %dma_wait3A_569, %dma_wait3A_570, %dma_wait3A_575] : memref<2x8x2x128xi32, #tpu.memory_space<vmem>> -> memref<1x1x1x128xi32, #tpu.memory_space<vmem>>
    %dma_wait3A_577 = tpu.memref_squeeze %dma_wait3A_576 : memref<1x1x1x128xi32, #tpu.memory_space<vmem>> -> memref<128xi32, #tpu.memory_space<vmem>>
    %dma_wait3A_578 = arith.constant 0 : i32
    %dma_wait3A_579 = arith.constant 0 : i32
    %dma_wait3A_580 = tpu.memref_slice %arg7[%dma_wait3A_578, %dma_wait3A_579] : memref<10240x128xf32, #tpu.memory_space<vmem_shared>> -> memref<10240x128xf32, #tpu.memory_space<vmem_shared>>
    tpu.wait_indirect_dma semaphore(%arg11 : memref<!tpu.dma_semaphore, #tpu.memory_space<semaphore_mem>>) src(%dma_wait3A_574 : memref<128x128xf32, #tpu.memory_space<vmem>>) dst(%dma_wait3A_580 : memref<10240x128xf32, #tpu.memory_space<vmem_shared>>)
    %barrier3A_581 = arith.constant 0 : index
    tpu.barrier barrier_id(%barrier3A_581)
    %mul3A_582 = arith.constant 640 : i32
    %mul3A_583 = arith.muli %arg1, %mul3A_582 : i32
    %mul3A_584 = arith.constant 640 : i32
    %mul3A_585 = arith.muli %arg1, %mul3A_584 : i32
    "tpu.region"() ({
      %run_scoped3A_586 = tpu.sem_alloc : memref<!tpu.dma_semaphore, #tpu.memory_space<semaphore_mem>>
      %dma_start3A_587 = arith.constant 0 : i32
      %dma_start3A_588 = tpu.memref_slice %arg4[%arg0, %mul3A_585, %dma_start3A_587] : memref<2x10240x128xf32, #tpu.memory_space<hbm>> -> memref<1x640x128xf32, #tpu.memory_space<hbm>>
      %dma_start3A_589 = tpu.memref_squeeze %dma_start3A_588 : memref<1x640x128xf32, #tpu.memory_space<hbm>> -> memref<640x128xf32, #tpu.memory_space<hbm>>
      %dma_start3A_590 = arith.constant 0 : i32
      %dma_start3A_591 = tpu.memref_slice %arg7[%mul3A_583, %dma_start3A_590] : memref<10240x128xf32, #tpu.memory_space<vmem_shared>> -> memref<640x128xf32, #tpu.memory_space<vmem_shared>>
      tpu.enqueue_dma source(%dma_start3A_591 : memref<640x128xf32, #tpu.memory_space<vmem_shared>>) target(%dma_start3A_589 : memref<640x128xf32, #tpu.memory_space<hbm>>) target_semaphore(%run_scoped3A_586 : memref<!tpu.dma_semaphore, #tpu.memory_space<semaphore_mem>>)
      %dma_wait3A_592 = arith.constant 0 : i32
      %dma_wait3A_593 = tpu.memref_slice %arg4[%arg0, %mul3A_585, %dma_wait3A_592] : memref<2x10240x128xf32, #tpu.memory_space<hbm>> -> memref<1x640x128xf32, #tpu.memory_space<hbm>>
      %dma_wait3A_594 = tpu.memref_squeeze %dma_wait3A_593 : memref<1x640x128xf32, #tpu.memory_space<hbm>> -> memref<640x128xf32, #tpu.memory_space<hbm>>
      %dma_wait3A_595 = arith.constant 0 : i32
      %dma_wait3A_596 = tpu.memref_slice %arg7[%mul3A_583, %dma_wait3A_595] : memref<10240x128xf32, #tpu.memory_space<vmem_shared>> -> memref<640x128xf32, #tpu.memory_space<vmem_shared>>
      tpu.wait_dma2 semaphore(%run_scoped3A_586 : memref<!tpu.dma_semaphore, #tpu.memory_space<semaphore_mem>>) src(%dma_wait3A_596 : memref<640x128xf32, #tpu.memory_space<vmem_shared>>) dst(%dma_wait3A_594 : memref<640x128xf32, #tpu.memory_space<hbm>>)
      tpu.yield
    }) : () -> ()
    return
  }
}

module attributes {stable_mosaic.version = 14 : i64} {
  func.func @_tc_a_body(%arg0: i32, %arg1: memref<1280x128xbf16, #tpu.memory_space<vmem>>, %arg2: memref<128x256xbf16, #tpu.memory_space<vmem>>, %arg3: memref<2x1280x1xf32, #tpu.memory_space<vmem>>, %arg4: memref<2x1280x128xf32, #tpu.memory_space<vmem>>) attributes {dimension_semantics = [#tpu.dimension_semantics<arbitrary>], iteration_bounds = array<i64: 8>, scalar_prefetch = 0 : i64, scratch_operands = 0 : i64, tpu.core_type = #tpu.core_type<tc>, window_params = [{transform_indices = @transform_0, window_bounds = array<i64: 1280, 128>}, {pipeline_mode = #tpu.pipeline_mode<synchronous>, transform_indices = @transform_1, window_bounds = array<i64: 128, 256>}, {transform_indices = @transform_2, window_bounds = array<i64: 2, 1280, 1>}, {transform_indices = @transform_3, window_bounds = array<i64: 2, 1280, 128>}]} {
    %get3A = arith.constant 0 : index
    %get3A_0 = arith.constant 0 : index
    %get3A_1 = arith.constant 0 : index
    %get3A_2 = vector.load %arg3[%get3A, %get3A_0, %get3A_1] : memref<2x1280x1xf32, #tpu.memory_space<vmem>>, vector<2x1280x1xf32>
    %slice3A = vector.extract_strided_slice %get3A_2 {offsets = [0, 0, 0], sizes = [1, 1280, 1], strides = [1, 1, 1]} : vector<2x1280x1xf32> to vector<1x1280x1xf32>
    %squeeze3A = vector.shape_cast %slice3A : vector<1x1280x1xf32> to vector<1280x1xf32>
    %slice3A_3 = vector.extract_strided_slice %get3A_2 {offsets = [1, 0, 0], sizes = [1, 1280, 1], strides = [1, 1, 1]} : vector<2x1280x1xf32> to vector<1x1280x1xf32>
    %squeeze3A_4 = vector.shape_cast %slice3A_3 : vector<1x1280x1xf32> to vector<1280x1xf32>
    %add3A = arith.addf %squeeze3A, %squeeze3A_4 : vector<1280x1xf32>
    %add3A_5 = arith.constant 1.000000e+00 : f32
    %add3A_6 = vector.broadcast %add3A_5 : f32 to vector<1280x1xf32>
    %add3A_7 = arith.addf %add3A, %add3A_6 : vector<1280x1xf32>
    %max3A = arith.constant 1.000000e+00 : f32
    %max3A_8 = vector.broadcast %max3A : f32 to vector<1280x1xf32>
    %max3A_9 = arith.maximumf %add3A_7, %max3A_8 : vector<1280x1xf32>
    %rsqrt3A = math.rsqrt %max3A_9 : vector<1280x1xf32>
    %get3A_10 = arith.constant 0 : index
    %get3A_11 = arith.constant 0 : index
    %get3A_12 = vector.load %arg1[%get3A_10, %get3A_11] : memref<1280x128xbf16, #tpu.memory_space<vmem>>, vector<1280x128xbf16>
    %get3A_13 = arith.constant 0 : index
    %get3A_14 = arith.constant 0 : index
    %get3A_15 = vector.load %arg2[%get3A_13, %get3A_14] : memref<128x256xbf16, #tpu.memory_space<vmem>>, vector<128x256xbf16>
    %dot_general3A = arith.constant dense<0.000000e+00> : vector<1280x256xf32>
    %dot_general3A_16 = tpu.matmul %get3A_12, %get3A_15, %dot_general3A {dimension_numbers = #tpu.dot_dimension_numbers<[1], [0], [0], [1], [0, 0, 1, 1], [], []>, transpose_lhs_hint = false} : vector<1280x128xbf16>, vector<128x256xbf16>, vector<1280x256xf32> -> vector<1280x256xf32>
    %mul3A = vector.broadcast %rsqrt3A : vector<1280x1xf32> to vector<1280x256xf32>
    %mul3A_17 = arith.mulf %dot_general3A_16, %mul3A : vector<1280x256xf32>
    %slice3A_18 = vector.extract_strided_slice %mul3A_17 {offsets = [0, 0], sizes = [1280, 128], strides = [1, 1]} : vector<1280x256xf32> to vector<1280x128xf32>
    %swap3A = arith.constant 0 : index
    %swap3A_19 = arith.constant 0 : index
    %swap3A_20 = arith.constant 0 : index
    %swap3A_21 = vector.load %arg4[%swap3A, %swap3A_19, %swap3A_20] : memref<2x1280x128xf32, #tpu.memory_space<vmem>>, vector<1x1280x128xf32>
    %swap3A_22 = vector.shape_cast %swap3A_21 : vector<1x1280x128xf32> to vector<1280x128xf32>
    %swap3A_23 = vector.shape_cast %slice3A_18 : vector<1280x128xf32> to vector<1x1280x128xf32>
    tpu.vector_store %arg4[%swap3A, %swap3A_19, %swap3A_20], %swap3A_23 {strides = array<i32>} : memref<2x1280x128xf32, #tpu.memory_space<vmem>>, vector<1x1280x128xf32>,
    %slice3A_24 = vector.extract_strided_slice %mul3A_17 {offsets = [0, 128], sizes = [1280, 128], strides = [1, 1]} : vector<1280x256xf32> to vector<1280x128xf32>
    %swap3A_25 = arith.constant 1 : index
    %swap3A_26 = arith.constant 0 : index
    %swap3A_27 = arith.constant 0 : index
    %swap3A_28 = vector.load %arg4[%swap3A_25, %swap3A_26, %swap3A_27] : memref<2x1280x128xf32, #tpu.memory_space<vmem>>, vector<1x1280x128xf32>
    %swap3A_29 = vector.shape_cast %swap3A_28 : vector<1x1280x128xf32> to vector<1280x128xf32>
    %swap3A_30 = vector.shape_cast %slice3A_24 : vector<1280x128xf32> to vector<1x1280x128xf32>
    tpu.vector_store %arg4[%swap3A_25, %swap3A_26, %swap3A_27], %swap3A_30 {strides = array<i32>} : memref<2x1280x128xf32, #tpu.memory_space<vmem>>, vector<1x1280x128xf32>,
    return
  }
  func.func @transform_0(%arg0: i32) -> (i32, i32) {
    %c0_i32 = arith.constant 0 : i32
    %c0_i32_0 = arith.constant 0 : i32
    return %arg0, %c0_i32 : i32, i32
  }
  func.func @transform_1(%arg0: i32) -> (i32, i32) {
    %c0_i32 = arith.constant 0 : i32
    %c0_i32_0 = arith.constant 0 : i32
    %c0_i32_1 = arith.constant 0 : i32
    return %c0_i32, %c0_i32_0 : i32, i32
  }
  func.func @transform_2(%arg0: i32) -> (i32, i32, i32) {
    %c0_i32 = arith.constant 0 : i32
    %c0_i32_0 = arith.constant 0 : i32
    %c0_i32_1 = arith.constant 0 : i32
    return %c0_i32, %arg0, %c0_i32_0 : i32, i32, i32
  }
  func.func @transform_3(%arg0: i32) -> (i32, i32, i32) {
    %c0_i32 = arith.constant 0 : i32
    %c0_i32_0 = arith.constant 0 : i32
    %c0_i32_1 = arith.constant 0 : i32
    return %c0_i32, %arg0, %c0_i32_0 : i32, i32, i32
  }
}

module attributes {stable_mosaic.version = 14 : i64} {
  func.func @_tc_b_body(%arg0: i32, %arg1: memref<2x1280x128xf32, #tpu.memory_space<vmem>>, %arg2: memref<2x1280x1xf32, #tpu.memory_space<vmem>>, %arg3: memref<1x256xf32, #tpu.memory_space<vmem>>, %arg4: memref<256x128xbf16, #tpu.memory_space<vmem>>, %arg5: memref<1280x128xf32, #tpu.memory_space<vmem>>) attributes {dimension_semantics = [#tpu.dimension_semantics<arbitrary>], iteration_bounds = array<i64: 8>, scalar_prefetch = 0 : i64, scratch_operands = 0 : i64, tpu.core_type = #tpu.core_type<tc>, window_params = [{transform_indices = @transform_0, window_bounds = array<i64: 2, 1280, 128>}, {transform_indices = @transform_1, window_bounds = array<i64: 2, 1280, 1>}, {pipeline_mode = #tpu.pipeline_mode<synchronous>, transform_indices = @transform_2, window_bounds = array<i64: 1, 256>}, {pipeline_mode = #tpu.pipeline_mode<synchronous>, transform_indices = @transform_3, window_bounds = array<i64: 256, 128>}, {transform_indices = @transform_4, window_bounds = array<i64: 1280, 128>}]} {
    %get3A = arith.constant 0 : index
    %get3A_0 = arith.constant 0 : index
    %get3A_1 = arith.constant 0 : index
    %get3A_2 = vector.load %arg2[%get3A, %get3A_0, %get3A_1] : memref<2x1280x1xf32, #tpu.memory_space<vmem>>, vector<2x1280x1xf32>
    %slice3A = vector.extract_strided_slice %get3A_2 {offsets = [0, 0, 0], sizes = [1, 1280, 1], strides = [1, 1, 1]} : vector<2x1280x1xf32> to vector<1x1280x1xf32>
    %squeeze3A = vector.shape_cast %slice3A : vector<1x1280x1xf32> to vector<1280x1xf32>
    %slice3A_3 = vector.extract_strided_slice %get3A_2 {offsets = [1, 0, 0], sizes = [1, 1280, 1], strides = [1, 1, 1]} : vector<2x1280x1xf32> to vector<1x1280x1xf32>
    %squeeze3A_4 = vector.shape_cast %slice3A_3 : vector<1x1280x1xf32> to vector<1280x1xf32>
    %add3A = arith.addf %squeeze3A, %squeeze3A_4 : vector<1280x1xf32>
    %add3A_5 = arith.constant 1.000000e+00 : f32
    %add3A_6 = vector.broadcast %add3A_5 : f32 to vector<1280x1xf32>
    %add3A_7 = arith.addf %add3A, %add3A_6 : vector<1280x1xf32>
    %max3A = arith.constant 1.000000e+00 : f32
    %max3A_8 = vector.broadcast %max3A : f32 to vector<1280x1xf32>
    %max3A_9 = arith.maximumf %add3A_7, %max3A_8 : vector<1280x1xf32>
    %rsqrt3A = math.rsqrt %max3A_9 : vector<1280x1xf32>
    %get3A_10 = arith.constant 0 : index
    %get3A_11 = arith.constant 0 : index
    %get3A_12 = arith.constant 0 : index
    %get3A_13 = vector.load %arg1[%get3A_10, %get3A_11, %get3A_12] : memref<2x1280x128xf32, #tpu.memory_space<vmem>>, vector<1x1280x128xf32>
    %get3A_14 = vector.shape_cast %get3A_13 : vector<1x1280x128xf32> to vector<1280x128xf32>
    %get3A_15 = arith.constant 1 : index
    %get3A_16 = arith.constant 0 : index
    %get3A_17 = arith.constant 0 : index
    %get3A_18 = vector.load %arg1[%get3A_15, %get3A_16, %get3A_17] : memref<2x1280x128xf32, #tpu.memory_space<vmem>>, vector<1x1280x128xf32>
    %get3A_19 = vector.shape_cast %get3A_18 : vector<1x1280x128xf32> to vector<1280x128xf32>
    %concatenate3A = tpu.concatenate %get3A_14, %get3A_19 in 1 : vector<1280x128xf32>, vector<1280x128xf32> -> vector<1280x256xf32>
    %mul3A = vector.broadcast %rsqrt3A : vector<1280x1xf32> to vector<1280x256xf32>
    %mul3A_20 = arith.mulf %concatenate3A, %mul3A : vector<1280x256xf32>
    %get3A_21 = arith.constant 0 : index
    %get3A_22 = arith.constant 0 : index
    %get3A_23 = vector.load %arg3[%get3A_21, %get3A_22] : memref<1x256xf32, #tpu.memory_space<vmem>>, vector<1x256xf32>
    %add3A_24 = vector.broadcast %get3A_23 : vector<1x256xf32> to vector<1280x256xf32>
    %add3A_25 = arith.addf %mul3A_20, %add3A_24 : vector<1280x256xf32>
    %max3A_26 = arith.constant 0.000000e+00 : f32
    %max3A_27 = vector.broadcast %max3A_26 : f32 to vector<1280x256xf32>
    %max3A_28 = arith.maximumf %add3A_25, %max3A_27 : vector<1280x256xf32>
    %convert_element_type3A = arith.truncf %max3A_28 : vector<1280x256xf32> to vector<1280x256xbf16>
    %get3A_29 = arith.constant 0 : index
    %get3A_30 = arith.constant 0 : index
    %get3A_31 = vector.load %arg4[%get3A_29, %get3A_30] : memref<256x128xbf16, #tpu.memory_space<vmem>>, vector<256x128xbf16>
    %dot_general3A = arith.constant dense<0.000000e+00> : vector<1280x128xf32>
    %dot_general3A_32 = tpu.matmul %convert_element_type3A, %get3A_31, %dot_general3A {dimension_numbers = #tpu.dot_dimension_numbers<[1], [0], [0], [1], [0, 0, 1, 1], [], []>, transpose_lhs_hint = false} : vector<1280x256xbf16>, vector<256x128xbf16>, vector<1280x128xf32> -> vector<1280x128xf32>
    %mul3A_33 = vector.broadcast %rsqrt3A : vector<1280x1xf32> to vector<1280x128xf32>
    %mul3A_34 = arith.mulf %dot_general3A_32, %mul3A_33 : vector<1280x128xf32>
    %swap3A = arith.constant 0 : index
    %swap3A_35 = arith.constant 0 : index
    %swap3A_36 = vector.load %arg5[%swap3A, %swap3A_35] : memref<1280x128xf32, #tpu.memory_space<vmem>>, vector<1280x128xf32>
    tpu.vector_store %arg5[%swap3A, %swap3A_35], %mul3A_34 {strides = array<i32>} : memref<1280x128xf32, #tpu.memory_space<vmem>>, vector<1280x128xf32>,
    return
  }
  func.func @transform_0(%arg0: i32) -> (i32, i32, i32) {
    %c0_i32 = arith.constant 0 : i32
    %c0_i32_0 = arith.constant 0 : i32
    %c0_i32_1 = arith.constant 0 : i32
    return %c0_i32, %arg0, %c0_i32_0 : i32, i32, i32
  }
  func.func @transform_1(%arg0: i32) -> (i32, i32, i32) {
    %c0_i32 = arith.constant 0 : i32
    %c0_i32_0 = arith.constant 0 : i32
    %c0_i32_1 = arith.constant 0 : i32
    return %c0_i32, %arg0, %c0_i32_0 : i32, i32, i32
  }
  func.func @transform_2(%arg0: i32) -> (i32, i32) {
    %c0_i32 = arith.constant 0 : i32
    %c0_i32_0 = arith.constant 0 : i32
    %c0_i32_1 = arith.constant 0 : i32
    return %c0_i32, %c0_i32_0 : i32, i32
  }
  func.func @transform_3(%arg0: i32) -> (i32, i32) {
    %c0_i32 = arith.constant 0 : i32
    %c0_i32_0 = arith.constant 0 : i32
    %c0_i32_1 = arith.constant 0 : i32
    return %c0_i32, %c0_i32_0 : i32, i32
  }
  func.func @transform_4(%arg0: i32) -> (i32, i32) {
    %c0_i32 = arith.constant 0 : i32
    %c0_i32_0 = arith.constant 0 : i32
    return %arg0, %c0_i32 : i32, i32
  }
}

module attributes {stable_mosaic.version = 14 : i64} {
  func.func @_tc_c_body(%arg0: i32, %arg1: memref<2x2000x128xf32, #tpu.memory_space<vmem>>, %arg2: memref<2000x128xf32, #tpu.memory_space<vmem>>, %arg3: memref<2x2000x1xf32, #tpu.memory_space<vmem>>, %arg4: memref<1x128xf32, #tpu.memory_space<vmem>>, %arg5: memref<2000x128xf32, #tpu.memory_space<vmem>>) attributes {dimension_semantics = [#tpu.dimension_semantics<arbitrary>], iteration_bounds = array<i64: 5>, scalar_prefetch = 0 : i64, scratch_operands = 0 : i64, tpu.core_type = #tpu.core_type<tc>, window_params = [{transform_indices = @transform_0, window_bounds = array<i64: 2, 2000, 128>}, {transform_indices = @transform_1, window_bounds = array<i64: 2000, 128>}, {transform_indices = @transform_2, window_bounds = array<i64: 2, 2000, 1>}, {pipeline_mode = #tpu.pipeline_mode<synchronous>, transform_indices = @transform_3, window_bounds = array<i64: 1, 128>}, {transform_indices = @transform_4, window_bounds = array<i64: 2000, 128>}]} {
    %get3A = arith.constant 0 : index
    %get3A_0 = arith.constant 0 : index
    %get3A_1 = arith.constant 0 : index
    %get3A_2 = vector.load %arg3[%get3A, %get3A_0, %get3A_1] : memref<2x2000x1xf32, #tpu.memory_space<vmem>>, vector<2x2000x1xf32>
    %slice3A = vector.extract_strided_slice %get3A_2 {offsets = [0, 0, 0], sizes = [1, 2000, 1], strides = [1, 1, 1]} : vector<2x2000x1xf32> to vector<1x2000x1xf32>
    %squeeze3A = vector.shape_cast %slice3A : vector<1x2000x1xf32> to vector<2000x1xf32>
    %slice3A_3 = vector.extract_strided_slice %get3A_2 {offsets = [1, 0, 0], sizes = [1, 2000, 1], strides = [1, 1, 1]} : vector<2x2000x1xf32> to vector<1x2000x1xf32>
    %squeeze3A_4 = vector.shape_cast %slice3A_3 : vector<1x2000x1xf32> to vector<2000x1xf32>
    %add3A = arith.addf %squeeze3A, %squeeze3A_4 : vector<2000x1xf32>
    %add3A_5 = arith.constant 1.000000e+00 : f32
    %add3A_6 = vector.broadcast %add3A_5 : f32 to vector<2000x1xf32>
    %add3A_7 = arith.addf %add3A, %add3A_6 : vector<2000x1xf32>
    %max3A = arith.constant 1.000000e+00 : f32
    %max3A_8 = vector.broadcast %max3A : f32 to vector<2000x1xf32>
    %max3A_9 = arith.maximumf %add3A_7, %max3A_8 : vector<2000x1xf32>
    %rsqrt3A = math.rsqrt %max3A_9 : vector<2000x1xf32>
    %get3A_10 = arith.constant 0 : index
    %get3A_11 = arith.constant 0 : index
    %get3A_12 = arith.constant 0 : index
    %get3A_13 = vector.load %arg1[%get3A_10, %get3A_11, %get3A_12] : memref<2x2000x128xf32, #tpu.memory_space<vmem>>, vector<1x2000x128xf32>
    %get3A_14 = vector.shape_cast %get3A_13 : vector<1x2000x128xf32> to vector<2000x128xf32>
    %get3A_15 = arith.constant 1 : index
    %get3A_16 = arith.constant 0 : index
    %get3A_17 = arith.constant 0 : index
    %get3A_18 = vector.load %arg1[%get3A_15, %get3A_16, %get3A_17] : memref<2x2000x128xf32, #tpu.memory_space<vmem>>, vector<1x2000x128xf32>
    %get3A_19 = vector.shape_cast %get3A_18 : vector<1x2000x128xf32> to vector<2000x128xf32>
    %add3A_20 = arith.addf %get3A_14, %get3A_19 : vector<2000x128xf32>
    %get3A_21 = arith.constant 0 : index
    %get3A_22 = arith.constant 0 : index
    %get3A_23 = vector.load %arg2[%get3A_21, %get3A_22] : memref<2000x128xf32, #tpu.memory_space<vmem>>, vector<2000x128xf32>
    %sub3A = arith.subf %add3A_20, %get3A_23 : vector<2000x128xf32>
    %mul3A = vector.broadcast %rsqrt3A : vector<2000x1xf32> to vector<2000x128xf32>
    %mul3A_24 = arith.mulf %sub3A, %mul3A : vector<2000x128xf32>
    %get3A_25 = arith.constant 0 : index
    %get3A_26 = arith.constant 0 : index
    %get3A_27 = vector.load %arg4[%get3A_25, %get3A_26] : memref<1x128xf32, #tpu.memory_space<vmem>>, vector<1x128xf32>
    %add3A_28 = vector.broadcast %get3A_27 : vector<1x128xf32> to vector<2000x128xf32>
    %add3A_29 = arith.addf %mul3A_24, %add3A_28 : vector<2000x128xf32>
    %max3A_30 = arith.constant 0.000000e+00 : f32
    %max3A_31 = vector.broadcast %max3A_30 : f32 to vector<2000x128xf32>
    %max3A_32 = arith.maximumf %add3A_29, %max3A_31 : vector<2000x128xf32>
    %swap3A = arith.constant 0 : index
    %swap3A_33 = arith.constant 0 : index
    %swap3A_34 = vector.load %arg5[%swap3A, %swap3A_33] : memref<2000x128xf32, #tpu.memory_space<vmem>>, vector<2000x128xf32>
    tpu.vector_store %arg5[%swap3A, %swap3A_33], %max3A_32 {strides = array<i32>} : memref<2000x128xf32, #tpu.memory_space<vmem>>, vector<2000x128xf32>,
    return
  }
  func.func @transform_0(%arg0: i32) -> (i32, i32, i32) {
    %c0_i32 = arith.constant 0 : i32
    %c0_i32_0 = arith.constant 0 : i32
    %c0_i32_1 = arith.constant 0 : i32
    return %c0_i32, %arg0, %c0_i32_0 : i32, i32, i32
  }
  func.func @transform_1(%arg0: i32) -> (i32, i32) {
    %c0_i32 = arith.constant 0 : i32
    %c0_i32_0 = arith.constant 0 : i32
    return %arg0, %c0_i32 : i32, i32
  }
  func.func @transform_2(%arg0: i32) -> (i32, i32, i32) {
    %c0_i32 = arith.constant 0 : i32
    %c0_i32_0 = arith.constant 0 : i32
    %c0_i32_1 = arith.constant 0 : i32
    return %c0_i32, %arg0, %c0_i32_0 : i32, i32, i32
  }
  func.func @transform_3(%arg0: i32) -> (i32, i32) {
    %c0_i32 = arith.constant 0 : i32
    %c0_i32_0 = arith.constant 0 : i32
    %c0_i32_1 = arith.constant 0 : i32
    return %c0_i32, %c0_i32_0 : i32, i32
  }
  func.func @transform_4(%arg0: i32) -> (i32, i32) {
    %c0_i32 = arith.constant 0 : i32
    %c0_i32_0 = arith.constant 0 : i32
    return %arg0, %c0_i32 : i32, i32
  }
}

</mosaic_0001>

<sc_bundles>
// kernel: kernel.11.cloned.1.call-start
scs
__scs_entry_jumppad:
0x0: {  	(pc) =	sbr.rel $0x88, $3  }
0x1: {  	(tag) =	ssettag $0x0;
	lr =	simm.s32 $0x1  }
0x2: {  	[smem:$0x3F9B] =	sst lr;
	_ =	strace $0xD0000000  }
0x3: {  	_ = 	snop  }
0x4: {  	_ = 	snop  }
0x5: {  	_ = 	snop  }
0x6: {  	_ = 	snop  }
0x7: {  	_ = 	snop  }
__scs_overlays_trampoline_lowered:
0x8: {  	[smem:$0x3FAA] =	sst s0  }
0x9: {  	[smem:$0x3FAB] =	sst s1  }
0xa: {  	[smem:$0x3FAC] =	sst s2  }
0xb: {  	[smem:$0x3FAD] =	sst s3  }
0xc: {  	[smem:$0x3FAE] =	sst s4  }
0xd: {  	[smem:$0x3FAF] =	sst s5  }
0xe: {  	[smem:$0x3FB0] =	sst s6  }
0xf: {  	[smem:$0x3FB1] =	sst s7  }
0x10: {  	[smem:$0x3FB2] =	sst s8  }
0x11: {  	[smem:$0x3FB3] =	sst s9;
	s0 =	simm.s32 @!p0 $0x0  }
0x12: {  	s1 =	sld [smem:$0x3F99];
	s0 =	simm.s32 @p0 $0x1  }
0x13: {  	[smem:$0x3FB4] =	sst s0;
	s0 =	simm.s32 @!p1 $0x0  }
0x14: {  	s2 =	sld [smem:$0x3F98];
	s0 =	simm.s32 @p1 $0x1  }
0x15: {  	[smem:$0x3FB5] =	sst s0;
	s0 =	simm.s32 @!p2 $0x0  }
0x16: {  	s3 =	sld [smem:$0x3FDB];
	s0 =	simm.s32 @p2 $0x1  }
0x17: {  	s4 =	simm.s32 $0x1BF5;
	[smem:$0x3FB7] =	sst s0  }
0x18: {  	s0 =	sld [smem:$0x3F9A];
	_ =	swait.ge [sflag:s4], $0x0  }
0x19: {  	s7 =	sld [smem:$0x3F9B]  }
0x1a: {  	s8 =	sadd.s32 $0xFFFFE003, lr  }
0x1b: {  	s9 =	sadd.s32 $0xFFFFFEF7, lr;
	s5 =	simm.s32 $0xFFFFFFFF;
	p2 =	slt.u32 s8, $0xFFFFF086  }
0x1c: {  	p1 =	slt.u32 s9, $0xF7A;
	s5 =	simm.s32 @!p2 $0x0  }
0x1d: {  	s5 =	simm.s32 @p1 $0x1;
	p0 =	seq.s32 s7, s2  }
0x1e: {  	s7 =	smul.u32 @!p0 $0xF7A, s2;
	p2 =	seq.s32 @!p0 s5, $0x0  }
0x1f: {  	s9 =	smul.u32 $0xF7A, s1;
	s8 =	simm.s32 @!p0 $0x1BF5;
	p2 =	por !p2, p0  }
0x20: {  	[sflag:s8] =	ssyncset.s32 @!p0 $0xFFFFF086;
	s6 =	sadd.s32 @!p0 s3, s7;
	s7 =	simm.s32 @!p0 $0x108  }
0x21: {  	s3 =	sadd.s32 s3, s9;
	s6 =	sadd.s32 @!p0 $0x88, s6;
	s7 =	simm.s32 @p2 $0x1082  }
0x22: {  	[simem:s7], [sflag:s8] =	dma.local @!p0 [hbm:s6], $0xF7A  }
0x23: {  	s9 =	sor.u32 $0xD0000000, s2;
	s6 =	simm.s32 $0x108;
	_ =	swait.ge @!p0 [sflag:s8], $0x0  }
0x24: {  	s3 =	sadd.s32 $0x88, s3;
	s6 =	simm.s32 @!p1 $0x1082;
	[sflag:s4] =	ssyncset.s32 $0xFFFFF086  }
0x25: {  	[simem:s6], [sflag:s4] =	dma.local [hbm:s3], $0xF7A  }
0x26: {  	[smem:$0x3F9B] =	sst s1;
	(tag) =	ssettag s2;
	_ =	strace s9  }
0x27: {  	s1 =	sld [smem:$0x3FAB]  }
0x28: {  	s2 =	sld [smem:$0x3FAC]  }
0x29: {  	s4 =	sld [smem:$0x3FAE]  }
0x2a: {  	p0 =	seq.s32 s5, $0x0;
	s5 =	sld [smem:$0x3FAF]  }
0x2b: {  	s6 =	sld [smem:$0x3FB0]  }
0x2c: {  	s7 =	sld [smem:$0x3FB1]  }
0x2d: {  	s3 =	simm.s32 $0x108;
	s8 =	sld [smem:$0x3FB2]  }
0x2e: {  	s3 =	simm.s32 @!p0 $0x1082;
	s9 =	sld [smem:$0x3FB3]  }
0x2f: {  	lr =	sadd.s32 s0, s3;
	s0 =	sld [smem:$0x3FAA]  }
0x30: {  	s3 =	sld [smem:$0x3FAD]  }
0x31: {  	[smem:$0x3FB6] =	sst s10  }
0x32: {  	s10 =	sld [smem:$0x3FB4];
	_ =	sdelay $0x3  }
0x33: {  	p0 =	seq.s32 s10, $0x1;
	s10 =	sld [smem:$0x3FB6];
	_ =	sdelay $0x3  }
0x34: {  	[smem:$0x3FB6] =	sst s10  }
0x35: {  	s10 =	sld [smem:$0x3FB5];
	_ =	sdelay $0x3  }
0x36: {  	p1 =	seq.s32 s10, $0x1;
	s10 =	sld [smem:$0x3FB6];
	_ =	sdelay $0x3  }
0x37: {  	[smem:$0x3FB6] =	sst s10  }
0x38: {  	s10 =	sld [smem:$0x3FB7]  }
0x39: {  	_ = 	snop;
	(pc) =	sbr.ind lr, $3  }
0x3a: {  	_ = 	snop  }
0x3b: {  	_ = 	snop  }
0x3c: {  	p2 =	seq.s32 s10, $0x1;
	s10 =	sld [smem:$0x3FB6]  }
0x3d: {  	_ =	shalt  }
0x3e: {  	_ =	shalt  }
0x3f: {  	_ =	shalt  }
0x40: {  	_ =	shalt  }
0x41: {  	_ =	shalt  }
0x42: {  	_ =	shalt  }
0x43: {  	_ =	shalt  }
0x44: {  	_ =	shalt  }
0x45: {  	_ =	shalt  }
0x46: {  	_ =	shalt  }
0x47: {  	_ =	shalt  }
0x48: {  	_ =	shalt  }
0x49: {  	_ =	shalt  }
0x4a: {  	_ =	shalt  }
0x4b: {  	_ =	shalt  }
0x4c: {  	_ =	shalt  }
0x4d: {  	_ =	shalt  }
0x4e: {  	_ =	shalt  }
0x4f: {  	_ =	shalt  }
0x50: {  	_ =	shalt  }
0x51: {  	_ =	shalt  }
0x52: {  	_ =	shalt  }
0x53: {  	_ =	shalt  }
0x54: {  	_ =	shalt  }
0x55: {  	_ =	shalt  }
0x56: {  	_ =	shalt  }
0x57: {  	_ =	shalt  }
0x58: {  	_ =	shalt  }
0x59: {  	_ =	shalt  }
0x5a: {  	_ =	shalt  }
0x5b: {  	_ =	shalt  }
0x5c: {  	_ =	shalt  }
0x5d: {  	_ =	shalt  }
0x5e: {  	_ =	shalt  }
0x5f: {  	_ =	shalt  }
0x60: {  	_ =	shalt  }
0x61: {  	_ =	shalt  }
0x62: {  	_ =	shalt  }
0x63: {  	_ =	shalt  }
0x64: {  	_ =	shalt  }
0x65: {  	_ =	shalt  }
0x66: {  	_ =	shalt  }
0x67: {  	_ =	shalt  }
0x68: {  	_ =	shalt  }
0x69: {  	_ =	shalt  }
0x6a: {  	_ =	shalt  }
0x6b: {  	_ =	shalt  }
0x6c: {  	_ =	shalt  }
0x6d: {  	_ =	shalt  }
0x6e: {  	_ =	shalt  }
0x6f: {  	_ =	shalt  }
0x70: {  	_ =	shalt  }
0x71: {  	_ =	shalt  }
0x72: {  	_ =	shalt  }
0x73: {  	_ =	shalt  }
0x74: {  	_ =	shalt  }
0x75: {  	_ =	shalt  }
0x76: {  	_ =	shalt  }
0x77: {  	_ =	shalt  }
0x78: {  	_ =	shalt  }
0x79: {  	_ =	shalt  }
0x7a: {  	_ =	shalt  }
0x7b: {  	_ =	shalt  }
0x7c: {  	_ =	shalt  }
0x7d: {  	_ =	shalt  }
0x7e: {  	_ =	shalt  }
0x7f: {  	_ =	shalt  }
0x80: {  	_ =	shalt  }
0x81: {  	_ =	shalt  }
0x82: {  	_ =	shalt  }
0x83: {  	_ =	shalt  }
0x84: {  	_ =	shalt  }
0x85: {  	_ =	shalt  }
0x86: {  	_ =	shalt  }
0x87: {  	_ =	shalt  }
.Lfunc_end0:
.L_simem_size_0:
called_computation.1_lowered:
.L_overlay_start_0:
0x88: {  	s2 =	sld [smem:$0x3FD9]  }
0x89: {  	s3 =	sld [smem:$0x3FFE];
	_ =	sdelay $0x1  }
0x8a: {  	s1 =	srdreg.scid  }
0x8b: {  	s0 =	sand.u32 $0x1, s1  }
0x8c: {  	s17 =	sshll.u32 s0, $0xA;
	s2 =	sadd.s32 s3, s2  }
0x8d: {  	s2 =	sadd.s32 s2, s17  }
0x8e: {  	[smem:$0x3FC2] =	sst s2  }
0x8f: {  	_ = 	snop  }
0x90: {  	s2 =	sld [smem:$0x3FD0];
	(tm) =	ssettm $0x1  }
0x91: {  	s18 =	sld [smem:$0x3FFB];
	_ =	sdelay $0x3  }
0x92: {  	_ =	strace s18  }
0x93: {  	s3 =	sld [smem:$0x3FFC];
	_ =	sdelay $0x3  }
0x94: {  	_ =	strace s3  }
0x95: {  	s3 =	sld [smem:$0x3FFD];
	_ =	sdelay $0x3  }
0x96: {  	_ =	strace s3  }
0x97: {  	_ =	strace $0x8FFFFFFF  }
0x98: {  	s19 =	sld [smem:$0x3FDB];
	_ =	sdelay $0x1  }
0x99: {  	s4 =	simm.s32 $_scs_section_size  }
0x9a: {  	s5 =	simm.s32 $_size__tile_overlayer_lowered;
	s6 =	simm.s32 $_tile_overlayer_lowered  }
0x9b: {  	s22 =	simm.s32 $0x1BFF;
	s21 =	sshll.u32 s6, $0x1;
	s3 =	sadd.s32 s4, s19  }
0x9c: {  	s7 =	simm.s32 $0x0;
	s20 =	sshll.u32 s5, $0x1;
	s5 =	sadd.s32 s21, s3  }
0x9d: {  	[timem:s7], [sflag:s22] =	dma.local [hbm:s5], s20  }
0x9e: {  	_ =	swait.ge [sflag:s22], s20  }
0x9f: {  	s4 =	ssub.s32 $0x0, s20;
	[sflag:s22] =	ssyncset.done $0x0  }
0xa0: {  	[sflag:s22] =	ssyncadd.s32 s4;
	_ =	sdelay $0x1  }
0xa1: {  	s23 =	simm.s32 $0x1B8B  }
0xa2: {  	_ =	swait.ge [sflag:s23], $0x1  }
0xa3: {  	[sflag:s23] =	ssyncset.done $0x0  }
0xa4: {  	s25 =	simm.s32 $0x1B8E;
	s24 =	sld [smem:$0x3FFE];
	[sflag:s23] =	ssyncadd.s32 $0xFFFFFFFF  }
0xa5: {  	s26 =	simm.s32 $execute0_lowered;
	[smem:$0x3FD2] =	sst s25  }
0xa6: {  	s5 =	sshll.u32 s26, $0x1;
	_ =	strace $0x80000049;
	[dreg:$0x1] =	wrdreg $0xFFFFFFFF  }
0xa7: {  	s28 =	simm.s32 $_size_execute0_lowered;
	s3 =	sadd.s32 s3, s5;
	[dreg:$0x0] =	wrdreg $0x0  }
0xa8: {  	s5 =	sshll.u32 s28, $0x1;
	[dreg:$0x2] =	wrdreg s3  }
0xa9: {  	[dreg:$0x3] =	wrdreg s5  }
0xaa: {  	[dreg:$0x4] =	wrdreg $0xC0  }
0xab: {  	_ =	task [dreg:s7], $0x5FFFF  }
0xac: {  	[dreg:$0x1] =	wrdreg $0xFFFFFFFF  }
0xad: {  	[dreg:$0x0] =	wrdreg $0x60  }
0xae: {  	[dreg:$0x2] =	wrdreg s24  }
0xaf: {  	[dreg:$0x3] =	wrdreg s2  }
0xb0: {  	[dreg:$0x4] =	wrdreg $0x90000  }
0xb1: {  	[dreg:$0x5] =	wrdreg $0x9  }
0xb2: {  	_ =	task.clear_ibuf [dreg:s7], $0x6FFFF;
	_ =	strace $0x90000049  }
0xb3: {  	s29 =	simm.s32 $0x9;
	_ =	strace $0x8000004B  }
0xb4: {  	_ =	swait.ge [sflag:s29], $0x1  }
0xb5: {  	[sflag:s29] =	ssyncadd.s32 $0xFFFFFFFF  }
0xb6: {  	_ =	strace $0x9000004B  }
0xb7: {  	_ =	sfence  }
0xb8: {  	s30 =	sld [smem:$0x0];
	_ =	sdelay $0x2  }
0xb9: {  	s31 =	sshll.u32 s1, $0xD;
	s1 =	sshrl.u32 s1, $0x2  }
0xba: {  	s3 =	sand.u32 $0x4000, s31;
	s1 =	sadd.s32 s1, s30  }
0xbb: {  	s0 =	sor.u32 s3, s0;
	s1 =	sshll.u32 s1, $0x11  }
0xbc: {  	s0 =	sor.u32 s1, s0  }
0xbd: {  	s0 =	sadd.s32 $0x8F2B, s0  }
0xbe: {  	[sflag:s0] =	ssyncadd.remote.s32 $0x1  }
0xbf: {  	_ =	sfence.sel $0xFFFF  }
0xc0: {  	[dreg:$0x0] =	wrdreg $0xFFFFFFFF;
	(pc) =	sbr.abs _section_cstart, $3  }
0xc1: {  	[dreg:$0x1] =	wrdreg $0xFFFFFFFF  }
0xc2: {  	_ =	task.clear_ibuf [dreg:s7], $0x2FFFF;
	_ =	strace $0x9FFFFFFF  }
0xc3: {  	(tm) =	ssettm $0x7FFFFFFF  }
tec
execute0_lowered:
.L_overlay_start_1:
0x0: {  	(tag) =	ssettag $0x1  }
0x1: {  	s0 =	rddreg [dreg:$0x0]  }
0x2: {  	s2 =	rddreg [dreg:$0x1]  }
0x3: {  	s1 =	rddreg [dreg:$0x2];
	s3 =	srdreg.scid  }
0x4: {  	s13 =	stileid.u32;
	s14 =	simm.s32 $0x80;
	s15 =	simm.s32 $0x1000  }
0x5: {  	s16 =	simm.s32 $0x800;
	s18 =	simm.s32 $0x5000;
	s19 =	simm.s32 $0x1  }
0x6: {  	s20 =	simm.s32 $0x3;
	s22 =	simm.s32 $0x2;
	s6 =	smul.u32 $0x14000, s13  }
0x7: {  	s24 =	simm.s32 $0x4;
	s23 =	simm.s32 $0x5;
	s8 =	smul.u32 $0x50000, s13  }
0x8: {  	s25 =	simm.s32 $0x780;
	s4 =	sand.u32 $0x1, s3;
	s10 =	smul.u32 $0xA000, s13  }
0x9: {  	s3 =	simm.s32 $0x0;
	s30 =	sshll.u32 s13, $0x6;
	s13 =	smul.u32 $0x1400, s13  }
0xa: {  	s5 =	smul.u32 $0x140000, s4;
	[smem:$0x7FF] =	sst s3;
	s4 =	ssub.s32 $0x2, s4  }
0xb: {  	s26 =	simm.s32 $0x0;
	_ =	strace $0x8000004A;
	s9 =	sshrl.u32 s4, $0x1  }
0xc: {  	s8 =	sshrl.u32 s8, $0x2;
	s29 =	sshrl.u32 s10, $0x3;
	s31 =	sadd.s32 s13, s2  }
0xd: {  	s13 =	simm.s32 $0x6;
	s7 =	sshrl.u32 s5, $0x3;
	s5 =	sadd.s32 s6, s5  }
0xe: {  	s11 =	ssub.s32 s4, s9;
	s12 =	sadd.s32 s8, s1;
	s6 =	sshrl.u32 s6, $0x3  }
0xf: {  	s28 =	sadd.s32 $0x200, s31;
	s7 =	sadd.s32 s7, s0;
	s5 =	sshrl.u32 s5, $0x3  }
0x10: {  	s10 =	smax.u32 s11, $0x1;
	s12 =	sshrl.u32 s12, $0x3;
	s0 =	sadd.s32 s5, s0  }
0x11: {  	s4 =	sadd.s32 $0x51C00, s7;
	s5 =	sadd.s32 s2, s29;
	s7 =	sor.u32 $0x1C06, s30  }
0x12: {  	s6 =	sadd.s32 s6, s4;
	s8 =	sadd.s32 $0x100, s5;
	s9 =	sadd.s32 $0xA1C00, s0  }
.LBB2_1:
0x13: {  	[spmem:s12], [sflag:s7] =	dma.local [hbm:s6], $0x2800  }
0x14: {  	_ =	swait.ge [sflag:s13], $0x2800  }
0x15: {  	[sflag:s13] =	ssyncset.done $0x0  }
0x16: {  	[sflag:s13] =	ssyncadd.s32 $0xFFFFD800  }
0x17: {  	[tilespmem:s3], [sflag:$0x6] =	stream.linear.gather [hbm4b:s5+s3], $0x800, $0x38;
	[tilespmem:$0x1D000] =	vst v63  }
0x18: {  	_ =	swait.ge [sflag:s13], $0x800  }
0x19: {  	[sflag:s13] =	ssyncset.done $0x0  }
0x1a: {  	[sflag:s13] =	ssyncadd.s32 $0xFFFFF800  }
0x1b: {  	[bflag:$0x0] =	sbarrier.arrive $0xFFFF  }
0x1c: {  	[tilespmem:s15], [sflag:$0x1] =	stream.indirect.gather [hbm4b:s4+s14], $0x80, s3, s14, $0xb8;
	[tilespmem:$0x1D000] =	vst v63  }
0x1d: {  	_ = 	snop  }
0x1e: {  	[tilespmem:s16], [sflag:$0x5] =	stream.linear.gather [hbm4b:s8+s3], $0x800, $0x38;
	[tilespmem:$0x1D000] =	vst v63  }
0x1f: {  	s0 =	simm.s32 $0x100  }
0x20: {  	[tilespmem:s18], [sflag:$0x2] =	stream.indirect.gather [hbm4b:s4+s14], $0x80, s0, s14, $0xb8;
	[tilespmem:$0x1D000] =	vst v63  }
0x21: {  	_ =	swait.ge [sflag:s19], $0x4000  }
0x22: {  	[sflag:s19] =	ssyncset.done $0x0  }
0x23: {  	[sflag:s19] =	ssyncadd.s32 $0xFFFFC000  }
0x24: {  	[spmem:s1] =	stream.indirect.scatter.add.f32 [tilespmem:s15], [sflag:$0x3], $0x80, s14, s14, $0xb8;
	[tilespmem:$0x1D000] =	vst v63  }
0x25: {  	_ =	swait.ge [sflag:s20], $0x4000  }
0x26: {  	[sflag:s20] =	ssyncset.done $0x0  }
0x27: {  	s2 =	simm.s32 $0x200;
	[sflag:s20] =	ssyncadd.s32 $0xFFFFC000  }
0x28: {  	[tilespmem:s15], [sflag:$0x1] =	stream.indirect.gather [hbm4b:s4+s14], $0x80, s2, s14, $0xb8;
	[tilespmem:$0x1D000] =	vst v63  }
0x29: {  	_ =	swait.ge [sflag:s22], $0x4000  }
0x2a: {  	[sflag:s22] =	ssyncset.done $0x0  }
0x2b: {  	s11 =	simm.s32 $0x180;
	[sflag:s22] =	ssyncadd.s32 $0xFFFFC000  }
0x2c: {  	[spmem:s1] =	stream.indirect.scatter.add.f32 [tilespmem:s18], [sflag:$0x4], $0x80, s11, s14, $0xb8;
	[tilespmem:$0x1D000] =	vst v63  }
0x2d: {  	_ =	swait.ge [sflag:s24], $0x4000  }
0x2e: {  	[sflag:s24] =	ssyncset.done $0x0  }
0x2f: {  	s17 =	simm.s32 $0x300;
	[sflag:s24] =	ssyncadd.s32 $0xFFFFC000  }
0x30: {  	[tilespmem:s18], [sflag:$0x2] =	stream.indirect.gather [hbm4b:s4+s14], $0x80, s17, s14, $0xb8;
	[tilespmem:$0x1D000] =	vst v63  }
0x31: {  	_ =	swait.ge [sflag:s19], $0x4000  }
0x32: {  	[sflag:s19] =	ssyncset.done $0x0  }
0x33: {  	s21 =	simm.s32 $0x280;
	[sflag:s19] =	ssyncadd.s32 $0xFFFFC000  }
0x34: {  	[spmem:s1] =	stream.indirect.scatter.add.f32 [tilespmem:s15], [sflag:$0x3], $0x80, s21, s14, $0xb8;
	[tilespmem:$0x1D000] =	vst v63  }
0x35: {  	_ =	swait.ge [sflag:s20], $0x4000  }
0x36: {  	[sflag:s20] =	ssyncset.done $0x0  }
0x37: {  	s30 =	simm.s32 $0x400;
	[sflag:s20] =	ssyncadd.s32 $0xFFFFC000  }
0x38: {  	[tilespmem:s15], [sflag:$0x1] =	stream.indirect.gather [hbm4b:s4+s14], $0x80, s30, s14, $0xb8;
	[tilespmem:$0x1D000] =	vst v63  }
0x39: {  	_ =	swait.ge [sflag:s22], $0x4000  }
0x3a: {  	[sflag:s22] =	ssyncset.done $0x0  }
0x3b: {  	s31 =	simm.s32 $0x380;
	[sflag:s22] =	ssyncadd.s32 $0xFFFFC000  }
0x3c: {  	[spmem:s1] =	stream.indirect.scatter.add.f32 [tilespmem:s18], [sflag:$0x4], $0x80, s31, s14, $0xb8;
	[tilespmem:$0x1D000] =	vst v63  }
0x3d: {  	_ =	swait.ge [sflag:s24], $0x4000  }
0x3e: {  	[sflag:s24] =	ssyncset.done $0x0  }
0x3f: {  	s2 =	simm.s32 $0x500;
	[sflag:s24] =	ssyncadd.s32 $0xFFFFC000  }
0x40: {  	[tilespmem:s18], [sflag:$0x2] =	stream.indirect.gather [hbm4b:s4+s14], $0x80, s2, s14, $0xb8;
	[tilespmem:$0x1D000] =	vst v63  }
0x41: {  	_ =	swait.ge [sflag:s19], $0x4000  }
0x42: {  	[sflag:s19] =	ssyncset.done $0x0  }
0x43: {  	s11 =	simm.s32 $0x480;
	[sflag:s19] =	ssyncadd.s32 $0xFFFFC000  }
0x44: {  	[spmem:s1] =	stream.indirect.scatter.add.f32 [tilespmem:s15], [sflag:$0x3], $0x80, s11, s14, $0xb8;
	[tilespmem:$0x1D000] =	vst v63  }
0x45: {  	_ =	swait.ge [sflag:s20], $0x4000  }
0x46: {  	[sflag:s20] =	ssyncset.done $0x0  }
0x47: {  	s17 =	simm.s32 $0x600;
	[sflag:s20] =	ssyncadd.s32 $0xFFFFC000  }
0x48: {  	[tilespmem:s15], [sflag:$0x1] =	stream.indirect.gather [hbm4b:s4+s14], $0x80, s17, s14, $0xb8;
	[tilespmem:$0x1D000] =	vst v63  }
0x49: {  	_ =	swait.ge [sflag:s22], $0x4000  }
0x4a: {  	[sflag:s22] =	ssyncset.done $0x0  }
0x4b: {  	s21 =	simm.s32 $0x580;
	[sflag:s22] =	ssyncadd.s32 $0xFFFFC000  }
0x4c: {  	[spmem:s1] =	stream.indirect.scatter.add.f32 [tilespmem:s18], [sflag:$0x4], $0x80, s21, s14, $0xb8;
	[tilespmem:$0x1D000] =	vst v63  }
0x4d: {  	_ =	swait.ge [sflag:s24], $0x4000  }
0x4e: {  	[sflag:s24] =	ssyncset.done $0x0  }
0x4f: {  	s30 =	simm.s32 $0x700;
	[sflag:s24] =	ssyncadd.s32 $0xFFFFC000  }
0x50: {  	[tilespmem:s18], [sflag:$0x2] =	stream.indirect.gather [hbm4b:s4+s14], $0x80, s30, s14, $0xb8;
	[tilespmem:$0x1D000] =	vst v63  }
0x51: {  	_ =	swait.ge [sflag:s19], $0x4000  }
0x52: {  	[sflag:s19] =	ssyncset.done $0x0  }
0x53: {  	s31 =	simm.s32 $0x680;
	[sflag:s19] =	ssyncadd.s32 $0xFFFFC000  }
0x54: {  	[spmem:s1] =	stream.indirect.scatter.add.f32 [tilespmem:s15], [sflag:$0x3], $0x80, s31, s14, $0xb8;
	[tilespmem:$0x1D000] =	vst v63  }
0x55: {  	_ =	swait.ge [sflag:s20], $0x4000  }
0x56: {  	[sflag:s20] =	ssyncset.done $0x0  }
0x57: {  	[sflag:s20] =	ssyncadd.s32 $0xFFFFC000  }
0x58: {  	_ =	swait.ge [sflag:s23], $0x800  }
0x59: {  	[sflag:s23] =	ssyncset.done $0x0  }
0x5a: {  	p2 =	por $0x0, $0x0;
	[sflag:s23] =	ssyncadd.s32 $0xFFFFF800  }
0x5b: {  	[tilespmem:s15], [sflag:$0x1] =	stream.indirect.gather [hbm4b:s4+s14], $0x80, s16, s14, $0xb8;
	[tilespmem:$0x1D000] =	vst v63  }
.Ltmp0:
0x5c: {  	_ = 	snop;
	(pc) =	sbr.rel @p2 .LBB2_2-.Ltmp0, $4  }
0x5d: {  	_ =	swait.ge [sflag:s22], $0x4000  }
0x5e: {  	s29 =	simm.s32 $0x1;
	[sflag:s22] =	ssyncset.done $0x0  }
0x5f: {  	p0 =	por $0x0, $0x0;
	p1 =	por $0x0, $0x0;
	[sflag:s22] =	ssyncadd.s32 $0xFFFFC000  }
0x60: {  	[spmem:s1] =	stream.indirect.scatter.add.f32 [tilespmem:s18], [sflag:$0x4], $0x80, s25, s14, $0xb8;
	[tilespmem:$0x1D000] =	vst v63  }
0x61: {  	s0 =	sand.u32 $0x1, s29;
	_ =	swait.ge [sflag:s24], $0x4000  }
0x62: {  	s11 =	simm.s32 @!p0 $0x0;
	s2 =	sxor.u32 $0x1, s0;
	[sflag:s24] =	ssyncset.done $0x0  }
0x63: {  	s0 =	sshll.u32 s0, $0xB;
	[sflag:s24] =	ssyncadd.s32 $0xFFFFC000;
	s2 =	sshll.u32 @!p0 s2, $0xB  }
0x64: {  	[tilespmem:s2], [sflag:$0x5] =	stream.linear.gather @!p0 [hbm4b:s28+s11], $0x800, $0x38;
	[tilespmem:$0x1D000] =	vst v63  }
0x65: {  	s21 =	sor.u32 $0x100, s0  }
0x66: {  	[tilespmem:s18], [sflag:$0x2] =	stream.indirect.gather [hbm4b:s4+s14], $0x80, s21, s14, $0xb8;
	[tilespmem:$0x1D000] =	vst v63  }
0x67: {  	_ =	swait.ge [sflag:s19], $0x4000  }
0x68: {  	[sflag:s19] =	ssyncset.done $0x0  }
0x69: {  	s31 =	sor.u32 $0x80, s0;
	[sflag:s19] =	ssyncadd.s32 $0xFFFFC000  }
0x6a: {  	[spmem:s1] =	stream.indirect.scatter.add.f32 [tilespmem:s15], [sflag:$0x3], $0x80, s31, s14, $0xb8;
	[tilespmem:$0x1D000] =	vst v63  }
0x6b: {  	_ =	swait.ge [sflag:s20], $0x4000  }
0x6c: {  	[sflag:s20] =	ssyncset.done $0x0  }
0x6d: {  	s17 =	sor.u32 $0x200, s0;
	[sflag:s20] =	ssyncadd.s32 $0xFFFFC000  }
0x6e: {  	[tilespmem:s15], [sflag:$0x1] =	stream.indirect.gather [hbm4b:s4+s14], $0x80, s17, s14, $0xb8;
	[tilespmem:$0x1D000] =	vst v63  }
0x6f: {  	_ =	swait.ge [sflag:s22], $0x4000  }
0x70: {  	[sflag:s22] =	ssyncset.done $0x0  }
0x71: {  	s21 =	sor.u32 $0x180, s0;
	[sflag:s22] =	ssyncadd.s32 $0xFFFFC000  }
0x72: {  	[spmem:s1] =	stream.indirect.scatter.add.f32 [tilespmem:s18], [sflag:$0x4], $0x80, s21, s14, $0xb8;
	[tilespmem:$0x1D000] =	vst v63  }
0x73: {  	_ =	swait.ge [sflag:s24], $0x4000  }
0x74: {  	[sflag:s24] =	ssyncset.done $0x0  }
0x75: {  	s31 =	sor.u32 $0x300, s0;
	[sflag:s24] =	ssyncadd.s32 $0xFFFFC000  }
0x76: {  	[tilespmem:s18], [sflag:$0x2] =	stream.indirect.gather [hbm4b:s4+s14], $0x80, s31, s14, $0xb8;
	[tilespmem:$0x1D000] =	vst v63  }
0x77: {  	_ =	swait.ge [sflag:s19], $0x4000  }
0x78: {  	[sflag:s19] =	ssyncset.done $0x0  }
0x79: {  	s17 =	sor.u32 $0x280, s0;
	[sflag:s19] =	ssyncadd.s32 $0xFFFFC000  }
0x7a: {  	[spmem:s1] =	stream.indirect.scatter.add.f32 [tilespmem:s15], [sflag:$0x3], $0x80, s17, s14, $0xb8;
	[tilespmem:$0x1D000] =	vst v63  }
0x7b: {  	_ =	swait.ge [sflag:s20], $0x4000  }
0x7c: {  	[sflag:s20] =	ssyncset.done $0x0  }
0x7d: {  	s21 =	sor.u32 $0x400, s0;
	[sflag:s20] =	ssyncadd.s32 $0xFFFFC000  }
0x7e: {  	[tilespmem:s15], [sflag:$0x1] =	stream.indirect.gather [hbm4b:s4+s14], $0x80, s21, s14, $0xb8;
	[tilespmem:$0x1D000] =	vst v63  }
0x7f: {  	_ =	swait.ge [sflag:s22], $0x4000  }
0x80: {  	[sflag:s22] =	ssyncset.done $0x0  }
0x81: {  	s31 =	sor.u32 $0x380, s0;
	[sflag:s22] =	ssyncadd.s32 $0xFFFFC000  }
0x82: {  	[spmem:s1] =	stream.indirect.scatter.add.f32 [tilespmem:s18], [sflag:$0x4], $0x80, s31, s14, $0xb8;
	[tilespmem:$0x1D000] =	vst v63  }
0x83: {  	_ =	swait.ge [sflag:s24], $0x4000  }
0x84: {  	[sflag:s24] =	ssyncset.done $0x0  }
0x85: {  	s17 =	sor.u32 $0x500, s0;
	[sflag:s24] =	ssyncadd.s32 $0xFFFFC000  }
0x86: {  	[tilespmem:s18], [sflag:$0x2] =	stream.indirect.gather [hbm4b:s4+s14], $0x80, s17, s14, $0xb8;
	[tilespmem:$0x1D000] =	vst v63  }
0x87: {  	_ =	swait.ge [sflag:s19], $0x4000  }
0x88: {  	[sflag:s19] =	ssyncset.done $0x0  }
0x89: {  	s21 =	sor.u32 $0x480, s0;
	[sflag:s19] =	ssyncadd.s32 $0xFFFFC000  }
0x8a: {  	[spmem:s1] =	stream.indirect.scatter.add.f32 [tilespmem:s15], [sflag:$0x3], $0x80, s21, s14, $0xb8;
	[tilespmem:$0x1D000] =	vst v63  }
0x8b: {  	_ =	swait.ge [sflag:s20], $0x4000  }
0x8c: {  	[sflag:s20] =	ssyncset.done $0x0  }
0x8d: {  	s31 =	sor.u32 $0x600, s0;
	[sflag:s20] =	ssyncadd.s32 $0xFFFFC000  }
0x8e: {  	[tilespmem:s15], [sflag:$0x1] =	stream.indirect.gather [hbm4b:s4+s14], $0x80, s31, s14, $0xb8;
	[tilespmem:$0x1D000] =	vst v63  }
0x8f: {  	_ =	swait.ge [sflag:s22], $0x4000  }
0x90: {  	[sflag:s22] =	ssyncset.done $0x0  }
0x91: {  	s17 =	sor.u32 $0x580, s0;
	[sflag:s22] =	ssyncadd.s32 $0xFFFFC000  }
0x92: {  	[spmem:s1] =	stream.indirect.scatter.add.f32 [tilespmem:s18], [sflag:$0x4], $0x80, s17, s14, $0xb8;
	[tilespmem:$0x1D000] =	vst v63  }
0x93: {  	_ =	swait.ge [sflag:s24], $0x4000  }
0x94: {  	[sflag:s24] =	ssyncset.done $0x0  }
0x95: {  	s21 =	sor.u32 $0x700, s0;
	[sflag:s24] =	ssyncadd.s32 $0xFFFFC000  }
0x96: {  	[tilespmem:s18], [sflag:$0x2] =	stream.indirect.gather [hbm4b:s4+s14], $0x80, s21, s14, $0xb8;
	[tilespmem:$0x1D000] =	vst v63  }
0x97: {  	_ =	swait.ge [sflag:s19], $0x4000  }
0x98: {  	[sflag:s19] =	ssyncset.done $0x0  }
0x99: {  	s31 =	sor.u32 $0x680, s0;
	[sflag:s19] =	ssyncadd.s32 $0xFFFFC000  }
0x9a: {  	[spmem:s1] =	stream.indirect.scatter.add.f32 [tilespmem:s15], [sflag:$0x3], $0x80, s31, s14, $0xb8;
	[tilespmem:$0x1D000] =	vst v63  }
0x9b: {  	_ =	swait.ge [sflag:s20], $0x4000  }
0x9c: {  	[sflag:s20] =	ssyncset.done $0x0  }
0x9d: {  	s11 =	simm.s32 @!p0 $0x5;
	[sflag:s20] =	ssyncadd.s32 $0xFFFFC000  }
0x9e: {  	_ =	swait.ge @!p0 [sflag:s11], $0x800  }
0x9f: {  	s30 =	simm.s32 @!p0 $0x1000;
	p2 =	por $0x0, $0x0;
	[sflag:s11] =	ssyncset.done @!p0 $0x0  }
.Ltmp1:
0xa0: {  	[sflag:s11] =	ssyncadd.s32 @!p0 $0xFFFFF800;
	s11 =	simm.s32 @!p0 $0x80;
	(pc) =	sbr.rel @p2 .LBB2_4-.Ltmp1, $4  }
0xa1: {  	[tilespmem:s30], [sflag:$0x1] =	stream.indirect.gather @!p0 [hbm4b:s4+s11], $0x80, s2, s11, $0xb8;
	[tilespmem:$0x1D000] =	vst v63  }
0xa2: {  	s29 =	simm.s32 $0x2;
	p1 =	por $0x1, $0x1;
	_ =	swait.ge [sflag:s22], $0x4000  }
0xa3: {  	s0 =	sadd.s32 $0x780, s0;
	s30 =	simm.s32 $0xFFFFFFEF;
	[sflag:s22] =	ssyncset.done $0x0  }
0xa4: {  	s11 =	sadd.s32 $0x100, s28;
	p0 =	por $0x0, $0x0;
	[sflag:s22] =	ssyncadd.s32 $0xFFFFC000  }
.LBB2_5:
0xa5: {  	[spmem:s1] =	stream.indirect.scatter.add.f32 [tilespmem:s18], [sflag:$0x4], $0x80, s0, s14, $0xb8;
	[tilespmem:$0x1D000] =	vst v63  }
0xa6: {  	s0 =	sand.u32 $0x1, s29;
	s29 =	sadd.s32 $0x14, s30;
	_ =	swait.ge [sflag:s24], $0x4000  }
0xa7: {  	s2 =	sxor.u32 $0x1, s0;
	s31 =	sshll.u32 s0, $0xB;
	[sflag:s24] =	ssyncset.done $0x0  }
0xa8: {  	s0 =	simm.s32 @!p0 $0x0;
	s2 =	sshll.u32 @!p0 s2, $0xB;
	[sflag:s24] =	ssyncadd.s32 $0xFFFFC000  }
0xa9: {  	[tilespmem:s2], [sflag:$0x5] =	stream.linear.gather @!p0 [hbm4b:s11+s0], $0x800, $0x38;
	[tilespmem:$0x1D000] =	vst v63  }
0xaa: {  	s17 =	sor.u32 $0x100, s31;
	s0 =	smov.u32 s30;
	s30 =	sadd.s32 $0x1, s30  }
0xab: {  	[tilespmem:s18], [sflag:$0x2] =	stream.indirect.gather [hbm4b:s4+s14], $0x80, s17, s14, $0xb8;
	[tilespmem:$0x1D000] =	vst v63  }
0xac: {  	p2 =	seq.s32 s30, $0x0;
	_ =	swait.ge [sflag:s19], $0x4000  }
0xad: {  	[sflag:s19] =	ssyncset.done $0x0  }
0xae: {  	s17 =	sor.u32 $0x80, s31;
	[sflag:s19] =	ssyncadd.s32 $0xFFFFC000  }
0xaf: {  	[spmem:s1] =	stream.indirect.scatter.add.f32 [tilespmem:s15], [sflag:$0x3], $0x80, s17, s14, $0xb8;
	[tilespmem:$0x1D000] =	vst v63  }
0xb0: {  	_ =	swait.ge [sflag:s20], $0x4000  }
0xb1: {  	[sflag:s20] =	ssyncset.done $0x0  }
0xb2: {  	s17 =	sor.u32 $0x200, s31;
	[sflag:s20] =	ssyncadd.s32 $0xFFFFC000  }
0xb3: {  	[tilespmem:s15], [sflag:$0x1] =	stream.indirect.gather [hbm4b:s4+s14], $0x80, s17, s14, $0xb8;
	[tilespmem:$0x1D000] =	vst v63  }
0xb4: {  	_ =	swait.ge [sflag:s22], $0x4000  }
0xb5: {  	[sflag:s22] =	ssyncset.done $0x0  }
0xb6: {  	s17 =	sor.u32 $0x180, s31;
	[sflag:s22] =	ssyncadd.s32 $0xFFFFC000  }
0xb7: {  	[spmem:s1] =	stream.indirect.scatter.add.f32 [tilespmem:s18], [sflag:$0x4], $0x80, s17, s14, $0xb8;
	[tilespmem:$0x1D000] =	vst v63  }
0xb8: {  	_ =	swait.ge [sflag:s24], $0x4000  }
0xb9: {  	[sflag:s24] =	ssyncset.done $0x0  }
0xba: {  	s17 =	sor.u32 $0x300, s31;
	[sflag:s24] =	ssyncadd.s32 $0xFFFFC000  }
0xbb: {  	[tilespmem:s18], [sflag:$0x2] =	stream.indirect.gather [hbm4b:s4+s14], $0x80, s17, s14, $0xb8;
	[tilespmem:$0x1D000] =	vst v63  }
0xbc: {  	_ =	swait.ge [sflag:s19], $0x4000  }
0xbd: {  	[sflag:s19] =	ssyncset.done $0x0  }
0xbe: {  	s17 =	sor.u32 $0x280, s31;
	[sflag:s19] =	ssyncadd.s32 $0xFFFFC000  }
0xbf: {  	[spmem:s1] =	stream.indirect.scatter.add.f32 [tilespmem:s15], [sflag:$0x3], $0x80, s17, s14, $0xb8;
	[tilespmem:$0x1D000] =	vst v63  }
0xc0: {  	_ =	swait.ge [sflag:s20], $0x4000  }
0xc1: {  	[sflag:s20] =	ssyncset.done $0x0  }
0xc2: {  	s17 =	sor.u32 $0x400, s31;
	[sflag:s20] =	ssyncadd.s32 $0xFFFFC000  }
0xc3: {  	[tilespmem:s15], [sflag:$0x1] =	stream.indirect.gather [hbm4b:s4+s14], $0x80, s17, s14, $0xb8;
	[tilespmem:$0x1D000] =	vst v63  }
0xc4: {  	_ =	swait.ge [sflag:s22], $0x4000  }
0xc5: {  	[sflag:s22] =	ssyncset.done $0x0  }
0xc6: {  	s17 =	sor.u32 $0x380, s31;
	[sflag:s22] =	ssyncadd.s32 $0xFFFFC000  }
0xc7: {  	[spmem:s1] =	stream.indirect.scatter.add.f32 [tilespmem:s18], [sflag:$0x4], $0x80, s17, s14, $0xb8;
	[tilespmem:$0x1D000] =	vst v63  }
0xc8: {  	_ =	swait.ge [sflag:s24], $0x4000  }
0xc9: {  	[sflag:s24] =	ssyncset.done $0x0  }
0xca: {  	s17 =	sor.u32 $0x500, s31;
	[sflag:s24] =	ssyncadd.s32 $0xFFFFC000  }
0xcb: {  	[tilespmem:s18], [sflag:$0x2] =	stream.indirect.gather [hbm4b:s4+s14], $0x80, s17, s14, $0xb8;
	[tilespmem:$0x1D000] =	vst v63  }
0xcc: {  	_ =	swait.ge [sflag:s19], $0x4000  }
0xcd: {  	[sflag:s19] =	ssyncset.done $0x0  }
0xce: {  	s17 =	sor.u32 $0x480, s31;
	[sflag:s19] =	ssyncadd.s32 $0xFFFFC000  }
0xcf: {  	[spmem:s1] =	stream.indirect.scatter.add.f32 [tilespmem:s15], [sflag:$0x3], $0x80, s17, s14, $0xb8;
	[tilespmem:$0x1D000] =	vst v63  }
0xd0: {  	_ =	swait.ge [sflag:s20], $0x4000  }
0xd1: {  	[sflag:s20] =	ssyncset.done $0x0  }
0xd2: {  	s17 =	sor.u32 $0x600, s31;
	[sflag:s20] =	ssyncadd.s32 $0xFFFFC000  }
0xd3: {  	[tilespmem:s15], [sflag:$0x1] =	stream.indirect.gather [hbm4b:s4+s14], $0x80, s17, s14, $0xb8;
	[tilespmem:$0x1D000] =	vst v63  }
0xd4: {  	_ =	swait.ge [sflag:s22], $0x4000  }
0xd5: {  	[sflag:s22] =	ssyncset.done $0x0  }
0xd6: {  	s17 =	sor.u32 $0x580, s31;
	[sflag:s22] =	ssyncadd.s32 $0xFFFFC000  }
0xd7: {  	[spmem:s1] =	stream.indirect.scatter.add.f32 [tilespmem:s18], [sflag:$0x4], $0x80, s17, s14, $0xb8;
	[tilespmem:$0x1D000] =	vst v63  }
0xd8: {  	_ =	swait.ge [sflag:s24], $0x4000  }
0xd9: {  	[sflag:s24] =	ssyncset.done $0x0  }
0xda: {  	s17 =	sor.u32 $0x700, s31;
	[sflag:s24] =	ssyncadd.s32 $0xFFFFC000  }
0xdb: {  	[tilespmem:s18], [sflag:$0x2] =	stream.indirect.gather [hbm4b:s4+s14], $0x80, s17, s14, $0xb8;
	[tilespmem:$0x1D000] =	vst v63  }
0xdc: {  	_ =	swait.ge [sflag:s19], $0x4000  }
0xdd: {  	[sflag:s19] =	ssyncset.done $0x0  }
0xde: {  	s17 =	sor.u32 $0x680, s31;
	[sflag:s19] =	ssyncadd.s32 $0xFFFFC000  }
0xdf: {  	[spmem:s1] =	stream.indirect.scatter.add.f32 [tilespmem:s15], [sflag:$0x3], $0x80, s17, s14, $0xb8;
	[tilespmem:$0x1D000] =	vst v63  }
0xe0: {  	_ =	swait.ge [sflag:s20], $0x4000  }
0xe1: {  	[sflag:s20] =	ssyncset.done $0x0  }
0xe2: {  	s17 =	simm.s32 @!p0 $0x5;
	[sflag:s20] =	ssyncadd.s32 $0xFFFFC000  }
0xe3: {  	_ =	swait.ge @!p0 [sflag:s17], $0x800  }
0xe4: {  	s21 =	simm.s32 @!p0 $0x1000;
	[sflag:s17] =	ssyncset.done @!p0 $0x0  }
.Ltmp2:
0xe5: {  	[sflag:s17] =	ssyncadd.s32 @!p0 $0xFFFFF800;
	s17 =	simm.s32 @!p0 $0x80;
	(pc) =	sbr.rel @!p2 .LBB2_5-.Ltmp2, $4  }
0xe6: {  	[tilespmem:s21], [sflag:$0x1] =	stream.indirect.gather @!p0 [hbm4b:s4+s17], $0x80, s2, s17, $0xb8;
	[tilespmem:$0x1D000] =	vst v63  }
0xe7: {  	_ =	swait.ge [sflag:s22], $0x4000  }
0xe8: {  	s11 =	sadd.s32 $0x100, s11;
	[sflag:s22] =	ssyncset.done $0x0  }
0xe9: {  	p0 =	seq.s32 s0, $0xFFFFFFFF;
	s0 =	sadd.s32 $0x780, s31;
	[sflag:s22] =	ssyncadd.s32 $0xFFFFC000  }
.LBB2_6:
0xea: {  	[spmem:s1] =	stream.indirect.scatter.add.f32 @p1 [tilespmem:s18], [sflag:$0x4], $0x80, s0, s14, $0xb8;
	[tilespmem:$0x1D000] =	vst v63  }
0xeb: {  	s17 =	sand.u32 $0x1, s29;
	_ =	swait.ge [sflag:s24], $0x4000  }
0xec: {  	s2 =	sxor.u32 $0x1, s17;
	s0 =	sshll.u32 s17, $0xB;
	[sflag:s24] =	ssyncset.done $0x0  }
0xed: {  	s17 =	simm.s32 @!p0 $0x0;
	s2 =	sshll.u32 @!p0 s2, $0xB;
	[sflag:s24] =	ssyncadd.s32 $0xFFFFC000  }
0xee: {  	[tilespmem:s2], [sflag:$0x5] =	stream.linear.gather @!p0 [hbm4b:s11+s17], $0x800, $0x38;
	[tilespmem:$0x1D000] =	vst v63  }
0xef: {  	s21 =	sor.u32 $0x100, s0  }
0xf0: {  	[tilespmem:s18], [sflag:$0x2] =	stream.indirect.gather [hbm4b:s4+s14], $0x80, s21, s14, $0xb8;
	[tilespmem:$0x1D000] =	vst v63  }
0xf1: {  	_ =	swait.ge [sflag:s19], $0x4000  }
0xf2: {  	[sflag:s19] =	ssyncset.done $0x0  }
0xf3: {  	s29 =	sor.u32 $0x80, s0;
	[sflag:s19] =	ssyncadd.s32 $0xFFFFC000  }
0xf4: {  	[spmem:s1] =	stream.indirect.scatter.add.f32 [tilespmem:s15], [sflag:$0x3], $0x80, s29, s14, $0xb8;
	[tilespmem:$0x1D000] =	vst v63  }
0xf5: {  	_ =	swait.ge [sflag:s20], $0x4000  }
0xf6: {  	[sflag:s20] =	ssyncset.done $0x0  }
0xf7: {  	s30 =	sor.u32 $0x200, s0;
	[sflag:s20] =	ssyncadd.s32 $0xFFFFC000  }
0xf8: {  	[tilespmem:s15], [sflag:$0x1] =	stream.indirect.gather [hbm4b:s4+s14], $0x80, s30, s14, $0xb8;
	[tilespmem:$0x1D000] =	vst v63  }
0xf9: {  	_ =	swait.ge [sflag:s22], $0x4000  }
0xfa: {  	[sflag:s22] =	ssyncset.done $0x0  }
0xfb: {  	s31 =	sor.u32 $0x180, s0;
	[sflag:s22] =	ssyncadd.s32 $0xFFFFC000  }
0xfc: {  	[spmem:s1] =	stream.indirect.scatter.add.f32 [tilespmem:s18], [sflag:$0x4], $0x80, s31, s14, $0xb8;
	[tilespmem:$0x1D000] =	vst v63  }
0xfd: {  	_ =	swait.ge [sflag:s24], $0x4000  }
0xfe: {  	[sflag:s24] =	ssyncset.done $0x0  }
0xff: {  	s17 =	sor.u32 $0x300, s0;
	[sflag:s24] =	ssyncadd.s32 $0xFFFFC000  }
0x100: {  	[tilespmem:s18], [sflag:$0x2] =	stream.indirect.gather [hbm4b:s4+s14], $0x80, s17, s14, $0xb8;
	[tilespmem:$0x1D000] =	vst v63  }
0x101: {  	_ =	swait.ge [sflag:s19], $0x4000  }
0x102: {  	[sflag:s19] =	ssyncset.done $0x0  }
0x103: {  	s21 =	sor.u32 $0x280, s0;
	[sflag:s19] =	ssyncadd.s32 $0xFFFFC000  }
0x104: {  	[spmem:s1] =	stream.indirect.scatter.add.f32 [tilespmem:s15], [sflag:$0x3], $0x80, s21, s14, $0xb8;
	[tilespmem:$0x1D000] =	vst v63  }
0x105: {  	_ =	swait.ge [sflag:s20], $0x4000  }
0x106: {  	[sflag:s20] =	ssyncset.done $0x0  }
0x107: {  	s29 =	sor.u32 $0x400, s0;
	[sflag:s20] =	ssyncadd.s32 $0xFFFFC000  }
0x108: {  	[tilespmem:s15], [sflag:$0x1] =	stream.indirect.gather [hbm4b:s4+s14], $0x80, s29, s14, $0xb8;
	[tilespmem:$0x1D000] =	vst v63  }
0x109: {  	_ =	swait.ge [sflag:s22], $0x4000  }
0x10a: {  	[sflag:s22] =	ssyncset.done $0x0  }
0x10b: {  	s30 =	sor.u32 $0x380, s0;
	[sflag:s22] =	ssyncadd.s32 $0xFFFFC000  }
0x10c: {  	[spmem:s1] =	stream.indirect.scatter.add.f32 [tilespmem:s18], [sflag:$0x4], $0x80, s30, s14, $0xb8;
	[tilespmem:$0x1D000] =	vst v63  }
0x10d: {  	_ =	swait.ge [sflag:s24], $0x4000  }
0x10e: {  	[sflag:s24] =	ssyncset.done $0x0  }
0x10f: {  	s31 =	sor.u32 $0x500, s0;
	[sflag:s24] =	ssyncadd.s32 $0xFFFFC000  }
0x110: {  	[tilespmem:s18], [sflag:$0x2] =	stream.indirect.gather [hbm4b:s4+s14], $0x80, s31, s14, $0xb8;
	[tilespmem:$0x1D000] =	vst v63  }
0x111: {  	_ =	swait.ge [sflag:s19], $0x4000  }
0x112: {  	[sflag:s19] =	ssyncset.done $0x0  }
0x113: {  	s17 =	sor.u32 $0x480, s0;
	[sflag:s19] =	ssyncadd.s32 $0xFFFFC000  }
0x114: {  	[spmem:s1] =	stream.indirect.scatter.add.f32 [tilespmem:s15], [sflag:$0x3], $0x80, s17, s14, $0xb8;
	[tilespmem:$0x1D000] =	vst v63  }
0x115: {  	_ =	swait.ge [sflag:s20], $0x4000  }
0x116: {  	[sflag:s20] =	ssyncset.done $0x0  }
0x117: {  	s21 =	sor.u32 $0x600, s0;
	[sflag:s20] =	ssyncadd.s32 $0xFFFFC000  }
0x118: {  	[tilespmem:s15], [sflag:$0x1] =	stream.indirect.gather [hbm4b:s4+s14], $0x80, s21, s14, $0xb8;
	[tilespmem:$0x1D000] =	vst v63  }
0x119: {  	_ =	swait.ge [sflag:s22], $0x4000  }
0x11a: {  	[sflag:s22] =	ssyncset.done $0x0  }
0x11b: {  	s29 =	sor.u32 $0x580, s0;
	[sflag:s22] =	ssyncadd.s32 $0xFFFFC000  }
0x11c: {  	[spmem:s1] =	stream.indirect.scatter.add.f32 [tilespmem:s18], [sflag:$0x4], $0x80, s29, s14, $0xb8;
	[tilespmem:$0x1D000] =	vst v63  }
0x11d: {  	_ =	swait.ge [sflag:s24], $0x4000  }
0x11e: {  	[sflag:s24] =	ssyncset.done $0x0  }
0x11f: {  	s30 =	sor.u32 $0x700, s0;
	[sflag:s24] =	ssyncadd.s32 $0xFFFFC000  }
0x120: {  	[tilespmem:s18], [sflag:$0x2] =	stream.indirect.gather [hbm4b:s4+s14], $0x80, s30, s14, $0xb8;
	[tilespmem:$0x1D000] =	vst v63  }
0x121: {  	_ =	swait.ge [sflag:s19], $0x4000  }
0x122: {  	[sflag:s19] =	ssyncset.done $0x0  }
0x123: {  	s31 =	sor.u32 $0x680, s0;
	[sflag:s19] =	ssyncadd.s32 $0xFFFFC000  }
0x124: {  	[spmem:s1] =	stream.indirect.scatter.add.f32 [tilespmem:s15], [sflag:$0x3], $0x80, s31, s14, $0xb8;
	[tilespmem:$0x1D000] =	vst v63  }
0x125: {  	_ =	swait.ge [sflag:s20], $0x4000  }
0x126: {  	[sflag:s20] =	ssyncset.done $0x0  }
0x127: {  	s11 =	simm.s32 @!p0 $0x5;
	[sflag:s20] =	ssyncadd.s32 $0xFFFFC000  }
0x128: {  	_ =	swait.ge @!p0 [sflag:s11], $0x800  }
0x129: {  	[sflag:s11] =	ssyncset.done @!p0 $0x0  }
0x12a: {  	s17 =	simm.s32 @!p0 $0x1000;
	[sflag:s11] =	ssyncadd.s32 @!p0 $0xFFFFF800;
	s11 =	simm.s32 @!p0 $0x80  }
0x12b: {  	[tilespmem:s17], [sflag:$0x1] =	stream.indirect.gather @!p0 [hbm4b:s4+s11], $0x80, s2, s11, $0xb8;
	[tilespmem:$0x1D000] =	vst v63  }
0x12c: {  	_ =	swait.ge [sflag:s22], $0x4000  }
0x12d: {  	[sflag:s22] =	ssyncset.done $0x0  }
0x12e: {  	s0 =	sadd.s32 $0x780, s0;
	[sflag:s22] =	ssyncadd.s32 $0xFFFFC000  }
0x12f: {  	[spmem:s1] =	stream.indirect.scatter.add.f32 [tilespmem:s18], [sflag:$0x4], $0x80, s0, s14, $0xb8;
	[tilespmem:$0x1D000] =	vst v63  }
0x130: {  	_ =	swait.ge [sflag:s24], $0x4000  }
0x131: {  	[sflag:s24] =	ssyncset.done $0x0  }
0x132: {  	s26 =	sadd.s32 $0x1, s26;
	[sflag:s24] =	ssyncadd.s32 $0xFFFFC000  }
0x133: {  	p0 =	sne.s32 s26, s10;
	[bflag:$0x0] =	sbarrier.arrive $0xFFFF  }
0x134: {  	[hbm:s9], [sflag:s7] =	dma.local [spmem:s12], $0x2800  }
.Ltmp3:
0x135: {  	_ = 	snop;
	(pc) =	sbr.rel @p0 .LBB2_1-.Ltmp3, $4  }
.Ltmp4:
0x136: {  	_ = 	snop;
	(pc) =	sbr.rel @!p0 .LBB2_7-.Ltmp4, $4  }
0x137: {  	_ =	swait.ge [sflag:s13], $0x2800  }
0x138: {  	[sflag:s13] =	ssyncset.done $0x0  }
0x139: {  	[sflag:s13] =	ssyncadd.s32 $0xFFFFD800  }
0x13a: {  	_ = 	snop  }
.LBB2_2:
.Ltmp5:
0x13b: {  	(pc) =	sbr.rel .LBB2_6-.Ltmp5, $2  }
0x13c: {  	_ =	sdelay $0x2  }
0x13d: {  	s11 =	smov.u32 s28  }
.LBB2_4:
.Ltmp6:
0x13e: {  	(pc) =	sbr.rel .LBB2_6-.Ltmp6, $2  }
0x13f: {  	_ =	sdelay $0x2  }
0x140: {  	s29 =	simm.s32 $0x2  }
.LBB2_7:
0x141: {  	_ =	sfence.sel $0x180000  }
0x142: {  	[bflag:$0x0] =	sbarrier.arrive $0xFFFF  }
0x143: {  	_ =	strace $0x9000004A  }
0x144: {  	s0 =	stileid.u32;
	[bflag:$0x2] =	sbarrier.arrive $0xFFFF  }
0x145: {  	p0 =	sne.s32 s0, $0x0;
	s0 =	rddreg [dreg:$0x3]  }
0x146: {  	s0 =	sadd.s32 @!p0 $0x100000, s0  }
0x147: {  	[sflag:s0] =	ssyncadd.tile.s32 @!p0 $0x1;
	_ =	shalt  }
.Lfunc_end2:
_tile_overlayer_lowered:
.L_overlay_start_2:
0x148: {  	(tag) =	ssettag $0x2  }
0x149: {  	s0 =	rddreg [dreg:$0x0];
	s2 =	stileid.u32  }
0x14a: {  	s1 =	rddreg [dreg:$0x1];
	p0 =	sne.s32 s2, $0x0  }
0x14b: {  	s3 =	rddreg [dreg:$0x2];
	[bflag:$0x3] =	sbarrier.arrive $0xFFFF;
	s2 =	simm.s32 @!p0 $0x1C06  }
0x14c: {  	[timem:s3], [sflag:s2] =	dma.local @!p0 [hbm:s0], s1  }
0x14d: {  	s0 =	simm.s32 @!p0 $0x6  }
0x14e: {  	_ =	swait.ge @!p0 [sflag:s0], s1  }
0x14f: {  	s1 =	ssub.s32 @!p0 $0x0, s1;
	[sflag:s0] =	ssyncset.done @!p0 $0x0  }
0x150: {  	[sflag:s0] =	ssyncadd.s32 @!p0 s1  }
0x151: {  	[bflag:$0x3] =	sbarrier.arrive $0xFFFF  }
0x152: {  	_ =	shalt  }

// kernel: kernel.14.cloned.1.call-start
scs
__scs_entry_jumppad:
0x0: {  	(pc) =	sbr.rel $0x88, $3  }
0x1: {  	(tag) =	ssettag $0x0;
	lr =	simm.s32 $0x1  }
0x2: {  	[smem:$0x3F9B] =	sst lr;
	_ =	strace $0xD0000000  }
0x3: {  	_ = 	snop  }
0x4: {  	_ = 	snop  }
0x5: {  	_ = 	snop  }
0x6: {  	_ = 	snop  }
0x7: {  	_ = 	snop  }
__scs_overlays_trampoline_lowered:
0x8: {  	[smem:$0x3FAA] =	sst s0  }
0x9: {  	[smem:$0x3FAB] =	sst s1  }
0xa: {  	[smem:$0x3FAC] =	sst s2  }
0xb: {  	[smem:$0x3FAD] =	sst s3  }
0xc: {  	[smem:$0x3FAE] =	sst s4  }
0xd: {  	[smem:$0x3FAF] =	sst s5  }
0xe: {  	[smem:$0x3FB0] =	sst s6  }
0xf: {  	[smem:$0x3FB1] =	sst s7  }
0x10: {  	[smem:$0x3FB2] =	sst s8  }
0x11: {  	[smem:$0x3FB3] =	sst s9;
	s0 =	simm.s32 @!p0 $0x0  }
0x12: {  	s1 =	sld [smem:$0x3F99];
	s0 =	simm.s32 @p0 $0x1  }
0x13: {  	[smem:$0x3FB4] =	sst s0;
	s0 =	simm.s32 @!p1 $0x0  }
0x14: {  	s2 =	sld [smem:$0x3F98];
	s0 =	simm.s32 @p1 $0x1  }
0x15: {  	[smem:$0x3FB5] =	sst s0;
	s0 =	simm.s32 @!p2 $0x0  }
0x16: {  	s3 =	sld [smem:$0x3FDB];
	s0 =	simm.s32 @p2 $0x1  }
0x17: {  	s4 =	simm.s32 $0x1BF5;
	[smem:$0x3FB7] =	sst s0  }
0x18: {  	s0 =	sld [smem:$0x3F9A];
	_ =	swait.ge [sflag:s4], $0x0  }
0x19: {  	s7 =	sld [smem:$0x3F9B]  }
0x1a: {  	s8 =	sadd.s32 $0xFFFFE003, lr  }
0x1b: {  	s9 =	sadd.s32 $0xFFFFFEF7, lr;
	s5 =	simm.s32 $0xFFFFFFFF;
	p2 =	slt.u32 s8, $0xFFFFF086  }
0x1c: {  	p1 =	slt.u32 s9, $0xF7A;
	s5 =	simm.s32 @!p2 $0x0  }
0x1d: {  	s5 =	simm.s32 @p1 $0x1;
	p0 =	seq.s32 s7, s2  }
0x1e: {  	s7 =	smul.u32 @!p0 $0xF7A, s2;
	p2 =	seq.s32 @!p0 s5, $0x0  }
0x1f: {  	s9 =	smul.u32 $0xF7A, s1;
	s8 =	simm.s32 @!p0 $0x1BF5;
	p2 =	por !p2, p0  }
0x20: {  	[sflag:s8] =	ssyncset.s32 @!p0 $0xFFFFF086;
	s6 =	sadd.s32 @!p0 s3, s7;
	s7 =	simm.s32 @!p0 $0x108  }
0x21: {  	s3 =	sadd.s32 s3, s9;
	s6 =	sadd.s32 @!p0 $0x88, s6;
	s7 =	simm.s32 @p2 $0x1082  }
0x22: {  	[simem:s7], [sflag:s8] =	dma.local @!p0 [hbm:s6], $0xF7A  }
0x23: {  	s9 =	sor.u32 $0xD0000000, s2;
	s6 =	simm.s32 $0x108;
	_ =	swait.ge @!p0 [sflag:s8], $0x0  }
0x24: {  	s3 =	sadd.s32 $0x88, s3;
	s6 =	simm.s32 @!p1 $0x1082;
	[sflag:s4] =	ssyncset.s32 $0xFFFFF086  }
0x25: {  	[simem:s6], [sflag:s4] =	dma.local [hbm:s3], $0xF7A  }
0x26: {  	[smem:$0x3F9B] =	sst s1;
	(tag) =	ssettag s2;
	_ =	strace s9  }
0x27: {  	s1 =	sld [smem:$0x3FAB]  }
0x28: {  	s2 =	sld [smem:$0x3FAC]  }
0x29: {  	s4 =	sld [smem:$0x3FAE]  }
0x2a: {  	p0 =	seq.s32 s5, $0x0;
	s5 =	sld [smem:$0x3FAF]  }
0x2b: {  	s6 =	sld [smem:$0x3FB0]  }
0x2c: {  	s7 =	sld [smem:$0x3FB1]  }
0x2d: {  	s3 =	simm.s32 $0x108;
	s8 =	sld [smem:$0x3FB2]  }
0x2e: {  	s3 =	simm.s32 @!p0 $0x1082;
	s9 =	sld [smem:$0x3FB3]  }
0x2f: {  	lr =	sadd.s32 s0, s3;
	s0 =	sld [smem:$0x3FAA]  }
0x30: {  	s3 =	sld [smem:$0x3FAD]  }
0x31: {  	[smem:$0x3FB6] =	sst s10  }
0x32: {  	s10 =	sld [smem:$0x3FB4];
	_ =	sdelay $0x3  }
0x33: {  	p0 =	seq.s32 s10, $0x1;
	s10 =	sld [smem:$0x3FB6];
	_ =	sdelay $0x3  }
0x34: {  	[smem:$0x3FB6] =	sst s10  }
0x35: {  	s10 =	sld [smem:$0x3FB5];
	_ =	sdelay $0x3  }
0x36: {  	p1 =	seq.s32 s10, $0x1;
	s10 =	sld [smem:$0x3FB6];
	_ =	sdelay $0x3  }
0x37: {  	[smem:$0x3FB6] =	sst s10  }
0x38: {  	s10 =	sld [smem:$0x3FB7]  }
0x39: {  	_ = 	snop;
	(pc) =	sbr.ind lr, $3  }
0x3a: {  	_ = 	snop  }
0x3b: {  	_ = 	snop  }
0x3c: {  	p2 =	seq.s32 s10, $0x1;
	s10 =	sld [smem:$0x3FB6]  }
0x3d: {  	_ =	shalt  }
0x3e: {  	_ =	shalt  }
0x3f: {  	_ =	shalt  }
0x40: {  	_ =	shalt  }
0x41: {  	_ =	shalt  }
0x42: {  	_ =	shalt  }
0x43: {  	_ =	shalt  }
0x44: {  	_ =	shalt  }
0x45: {  	_ =	shalt  }
0x46: {  	_ =	shalt  }
0x47: {  	_ =	shalt  }
0x48: {  	_ =	shalt  }
0x49: {  	_ =	shalt  }
0x4a: {  	_ =	shalt  }
0x4b: {  	_ =	shalt  }
0x4c: {  	_ =	shalt  }
0x4d: {  	_ =	shalt  }
0x4e: {  	_ =	shalt  }
0x4f: {  	_ =	shalt  }
0x50: {  	_ =	shalt  }
0x51: {  	_ =	shalt  }
0x52: {  	_ =	shalt  }
0x53: {  	_ =	shalt  }
0x54: {  	_ =	shalt  }
0x55: {  	_ =	shalt  }
0x56: {  	_ =	shalt  }
0x57: {  	_ =	shalt  }
0x58: {  	_ =	shalt  }
0x59: {  	_ =	shalt  }
0x5a: {  	_ =	shalt  }
0x5b: {  	_ =	shalt  }
0x5c: {  	_ =	shalt  }
0x5d: {  	_ =	shalt  }
0x5e: {  	_ =	shalt  }
0x5f: {  	_ =	shalt  }
0x60: {  	_ =	shalt  }
0x61: {  	_ =	shalt  }
0x62: {  	_ =	shalt  }
0x63: {  	_ =	shalt  }
0x64: {  	_ =	shalt  }
0x65: {  	_ =	shalt  }
0x66: {  	_ =	shalt  }
0x67: {  	_ =	shalt  }
0x68: {  	_ =	shalt  }
0x69: {  	_ =	shalt  }
0x6a: {  	_ =	shalt  }
0x6b: {  	_ =	shalt  }
0x6c: {  	_ =	shalt  }
0x6d: {  	_ =	shalt  }
0x6e: {  	_ =	shalt  }
0x6f: {  	_ =	shalt  }
0x70: {  	_ =	shalt  }
0x71: {  	_ =	shalt  }
0x72: {  	_ =	shalt  }
0x73: {  	_ =	shalt  }
0x74: {  	_ =	shalt  }
0x75: {  	_ =	shalt  }
0x76: {  	_ =	shalt  }
0x77: {  	_ =	shalt  }
0x78: {  	_ =	shalt  }
0x79: {  	_ =	shalt  }
0x7a: {  	_ =	shalt  }
0x7b: {  	_ =	shalt  }
0x7c: {  	_ =	shalt  }
0x7d: {  	_ =	shalt  }
0x7e: {  	_ =	shalt  }
0x7f: {  	_ =	shalt  }
0x80: {  	_ =	shalt  }
0x81: {  	_ =	shalt  }
0x82: {  	_ =	shalt  }
0x83: {  	_ =	shalt  }
0x84: {  	_ =	shalt  }
0x85: {  	_ =	shalt  }
0x86: {  	_ =	shalt  }
0x87: {  	_ =	shalt  }
.Lfunc_end0:
.L_simem_size_0:
called_computation.2_lowered:
.L_overlay_start_0:
0x88: {  	s2 =	sld [smem:$0x3FD9]  }
0x89: {  	s3 =	sld [smem:$0x3FFE];
	_ =	sdelay $0x1  }
0x8a: {  	s1 =	srdreg.scid  }
0x8b: {  	s0 =	sand.u32 $0x1, s1  }
0x8c: {  	s16 =	sshll.u32 s0, $0xA;
	s2 =	sadd.s32 s3, s2  }
0x8d: {  	s2 =	sadd.s32 s2, s16  }
0x8e: {  	[smem:$0x3FC2] =	sst s2  }
0x8f: {  	_ = 	snop  }
0x90: {  	(tm) =	ssettm $0x1  }
0x91: {  	s17 =	sld [smem:$0x3FFB];
	_ =	sdelay $0x3  }
0x92: {  	_ =	strace s17  }
0x93: {  	s2 =	sld [smem:$0x3FFC];
	_ =	sdelay $0x3  }
0x94: {  	_ =	strace s2  }
0x95: {  	s2 =	sld [smem:$0x3FFD];
	_ =	sdelay $0x3  }
0x96: {  	_ =	strace s2  }
0x97: {  	_ =	strace $0x8FFFFFFF  }
0x98: {  	s18 =	sld [smem:$0x3FDB];
	_ =	sdelay $0x1  }
0x99: {  	s19 =	simm.s32 $_scs_section_size  }
0x9a: {  	s4 =	simm.s32 $_size__tile_overlayer_lowered;
	s5 =	simm.s32 $_tile_overlayer_lowered  }
0x9b: {  	s22 =	simm.s32 $0x1BFF;
	s21 =	sshll.u32 s5, $0x1;
	s2 =	sadd.s32 s19, s18  }
0x9c: {  	s6 =	simm.s32 $0x0;
	s20 =	sshll.u32 s4, $0x1;
	s4 =	sadd.s32 s21, s2  }
0x9d: {  	[timem:s6], [sflag:s22] =	dma.local [hbm:s4], s20  }
0x9e: {  	_ =	swait.ge [sflag:s22], s20  }
0x9f: {  	s3 =	ssub.s32 $0x0, s20;
	[sflag:s22] =	ssyncset.done $0x0  }
0xa0: {  	[sflag:s22] =	ssyncadd.s32 s3;
	_ =	sdelay $0x1  }
0xa1: {  	s23 =	simm.s32 $0x1B8B  }
0xa2: {  	_ =	swait.ge [sflag:s23], $0x1  }
0xa3: {  	[sflag:s23] =	ssyncset.done $0x0  }
0xa4: {  	s25 =	simm.s32 $0x1B8E;
	s24 =	sld [smem:$0x3FFE];
	[sflag:s23] =	ssyncadd.s32 $0xFFFFFFFF  }
0xa5: {  	s26 =	simm.s32 $execute0_lowered;
	[smem:$0x3FD2] =	sst s25  }
0xa6: {  	s4 =	sshll.u32 s26, $0x1;
	_ =	strace $0x8000004C;
	[dreg:$0x1] =	wrdreg $0xFFFFFFFF  }
0xa7: {  	s28 =	simm.s32 $_size_execute0_lowered;
	s2 =	sadd.s32 s2, s4;
	[dreg:$0x0] =	wrdreg $0x0  }
0xa8: {  	s4 =	sshll.u32 s28, $0x1;
	[dreg:$0x2] =	wrdreg s2  }
0xa9: {  	[dreg:$0x3] =	wrdreg s4  }
0xaa: {  	[dreg:$0x4] =	wrdreg $0xC0  }
0xab: {  	_ =	task [dreg:s6], $0x5FFFF  }
0xac: {  	[dreg:$0x1] =	wrdreg $0xFFFFFFFF  }
0xad: {  	[dreg:$0x0] =	wrdreg $0x60  }
0xae: {  	[dreg:$0x2] =	wrdreg s24  }
0xaf: {  	[dreg:$0x3] =	wrdreg $0x90000  }
0xb0: {  	[dreg:$0x4] =	wrdreg $0x9  }
0xb1: {  	_ =	task.clear_ibuf [dreg:s6], $0x5FFFF;
	_ =	strace $0x9000004C  }
0xb2: {  	s29 =	simm.s32 $0x9;
	_ =	strace $0x8000004E  }
0xb3: {  	_ =	swait.ge [sflag:s29], $0x1  }
0xb4: {  	[sflag:s29] =	ssyncadd.s32 $0xFFFFFFFF  }
0xb5: {  	_ =	strace $0x9000004E  }
0xb6: {  	_ =	sfence  }
0xb7: {  	s30 =	sld [smem:$0x0];
	_ =	sdelay $0x2  }
0xb8: {  	s31 =	sshll.u32 s1, $0xD;
	s1 =	sshrl.u32 s1, $0x2  }
0xb9: {  	s3 =	sand.u32 $0x4000, s31;
	s1 =	sadd.s32 s1, s30  }
0xba: {  	s0 =	sor.u32 s3, s0;
	s1 =	sshll.u32 s1, $0x11  }
0xbb: {  	s0 =	sor.u32 s1, s0  }
0xbc: {  	s0 =	sadd.s32 $0x8F2B, s0  }
0xbd: {  	[sflag:s0] =	ssyncadd.remote.s32 $0x1  }
0xbe: {  	_ =	sfence.sel $0xFFFF  }
0xbf: {  	[dreg:$0x0] =	wrdreg $0xFFFFFFFF;
	(pc) =	sbr.abs _section_cstart, $3  }
0xc0: {  	[dreg:$0x1] =	wrdreg $0xFFFFFFFF  }
0xc1: {  	_ =	task.clear_ibuf [dreg:s6], $0x2FFFF;
	_ =	strace $0x9FFFFFFF  }
0xc2: {  	(tm) =	ssettm $0x7FFFFFFF  }
0xc3: {  	_ =	shalt  }
tec
execute0_lowered:
.L_overlay_start_1:
0x0: {  	(tag) =	ssettag $0x1  }
0x1: {  	s0 =	rddreg [dreg:$0x0]  }
0x2: {  	s2 =	rddreg [dreg:$0x1]  }
0x3: {  	s1 =	srdreg.scid;
	s13 =	stileid.u32  }
0x4: {  	s3 =	simm.s32 $0x0;
	s14 =	simm.s32 $0x80;
	s15 =	simm.s32 $0x1000  }
0x5: {  	s16 =	simm.s32 $0x800;
	s18 =	simm.s32 $0x5000;
	s19 =	simm.s32 $0x1  }
0x6: {  	s20 =	simm.s32 $0x3;
	s22 =	simm.s32 $0x2;
	s24 =	simm.s32 $0x4  }
0x7: {  	s23 =	simm.s32 $0x5;
	s1 =	sand.u32 $0x1, s1;
	s5 =	smul.u32 $0x14000, s13  }
0x8: {  	[smem:$0x7FF] =	sst s3;
	s4 =	sadd.s32 $0x51C00, s0;
	s9 =	smul.u32 $0x50000, s13  }
0x9: {  	s11 =	sadd.s32 $0xF1C00, s0;
	s26 =	smul.u32 $0x5000, s13;
	s30 =	sshll.u32 s13, $0x6  }
0xa: {  	s6 =	smul.u32 $0x140000, s1;
	_ =	strace $0x8000004D;
	s7 =	sshll.u32 s1, $0x4  }
0xb: {  	s8 =	ssub.s32 $0x2, s1;
	s1 =	smul.u32 $0x50000, s1;
	s7 =	sor.u32 s13, s7  }
0xc: {  	s10 =	sshrl.u32 s8, $0x1;
	s25 =	sshrl.u32 s9, $0x2;
	s13 =	simm.s32 $0x6  }
0xd: {  	s6 =	sadd.s32 s5, s6;
	s7 =	smul.u32 $0x5000, s7;
	s10 =	ssub.s32 s8, s10  }
0xe: {  	s5 =	sshrl.u32 s5, $0x3;
	s12 =	sadd.s32 s25, s2;
	s1 =	sadd.s32 s26, s1  }
0xf: {  	s25 =	simm.s32 $0x780;
	s26 =	simm.s32 $0x0;
	s6 =	sshrl.u32 s6, $0x3  }
0x10: {  	s5 =	sadd.s32 s4, s5;
	s1 =	sadd.s32 $0x1000, s1;
	s10 =	smax.u32 s10, $0x1  }
0x11: {  	s12 =	sshrl.u32 s12, $0x3;
	s0 =	sadd.s32 s6, s0;
	s29 =	sshrl.u32 s7, $0x3  }
0x12: {  	s7 =	sor.u32 $0x1C06, s30;
	s31 =	sshrl.u32 s1, $0x3;
	s6 =	sadd.s32 s11, s29  }
0x13: {  	s9 =	sadd.s32 $0x79C00, s0;
	s28 =	sadd.s32 s31, s11;
	s8 =	sadd.s32 $0x100, s6  }
.LBB2_1:
0x14: {  	[spmem:s12], [sflag:s7] =	dma.local [hbm:s5], $0x2800  }
0x15: {  	_ =	swait.ge [sflag:s13], $0x2800  }
0x16: {  	[sflag:s13] =	ssyncset.done $0x0  }
0x17: {  	[sflag:s13] =	ssyncadd.s32 $0xFFFFD800  }
0x18: {  	[tilespmem:s3], [sflag:$0x6] =	stream.linear.gather [hbm4b:s6+s3], $0x800, $0x38;
	[tilespmem:$0x1D000] =	vst v63  }
0x19: {  	_ =	swait.ge [sflag:s13], $0x800  }
0x1a: {  	[sflag:s13] =	ssyncset.done $0x0  }
0x1b: {  	[sflag:s13] =	ssyncadd.s32 $0xFFFFF800  }
0x1c: {  	[bflag:$0x0] =	sbarrier.arrive $0xFFFF  }
0x1d: {  	[tilespmem:s15], [sflag:$0x1] =	stream.indirect.gather [hbm4b:s4+s14], $0x80, s3, s14, $0xb8;
	[tilespmem:$0x1D000] =	vst v63  }
0x1e: {  	_ = 	snop  }
0x1f: {  	[tilespmem:s16], [sflag:$0x5] =	stream.linear.gather [hbm4b:s8+s3], $0x800, $0x38;
	[tilespmem:$0x1D000] =	vst v63  }
0x20: {  	s0 =	simm.s32 $0x100  }
0x21: {  	[tilespmem:s18], [sflag:$0x2] =	stream.indirect.gather [hbm4b:s4+s14], $0x80, s0, s14, $0xb8;
	[tilespmem:$0x1D000] =	vst v63  }
0x22: {  	_ =	swait.ge [sflag:s19], $0x4000  }
0x23: {  	[sflag:s19] =	ssyncset.done $0x0  }
0x24: {  	[sflag:s19] =	ssyncadd.s32 $0xFFFFC000  }
0x25: {  	[spmem:s2] =	stream.indirect.scatter.add.f32 [tilespmem:s15], [sflag:$0x3], $0x80, s14, s14, $0xb8;
	[tilespmem:$0x1D000] =	vst v63  }
0x26: {  	_ =	swait.ge [sflag:s20], $0x4000  }
0x27: {  	[sflag:s20] =	ssyncset.done $0x0  }
0x28: {  	s1 =	simm.s32 $0x200;
	[sflag:s20] =	ssyncadd.s32 $0xFFFFC000  }
0x29: {  	[tilespmem:s15], [sflag:$0x1] =	stream.indirect.gather [hbm4b:s4+s14], $0x80, s1, s14, $0xb8;
	[tilespmem:$0x1D000] =	vst v63  }
0x2a: {  	_ =	swait.ge [sflag:s22], $0x4000  }
0x2b: {  	[sflag:s22] =	ssyncset.done $0x0  }
0x2c: {  	s11 =	simm.s32 $0x180;
	[sflag:s22] =	ssyncadd.s32 $0xFFFFC000  }
0x2d: {  	[spmem:s2] =	stream.indirect.scatter.add.f32 [tilespmem:s18], [sflag:$0x4], $0x80, s11, s14, $0xb8;
	[tilespmem:$0x1D000] =	vst v63  }
0x2e: {  	_ =	swait.ge [sflag:s24], $0x4000  }
0x2f: {  	[sflag:s24] =	ssyncset.done $0x0  }
0x30: {  	s17 =	simm.s32 $0x300;
	[sflag:s24] =	ssyncadd.s32 $0xFFFFC000  }
0x31: {  	[tilespmem:s18], [sflag:$0x2] =	stream.indirect.gather [hbm4b:s4+s14], $0x80, s17, s14, $0xb8;
	[tilespmem:$0x1D000] =	vst v63  }
0x32: {  	_ =	swait.ge [sflag:s19], $0x4000  }
0x33: {  	[sflag:s19] =	ssyncset.done $0x0  }
0x34: {  	s21 =	simm.s32 $0x280;
	[sflag:s19] =	ssyncadd.s32 $0xFFFFC000  }
0x35: {  	[spmem:s2] =	stream.indirect.scatter.add.f32 [tilespmem:s15], [sflag:$0x3], $0x80, s21, s14, $0xb8;
	[tilespmem:$0x1D000] =	vst v63  }
0x36: {  	_ =	swait.ge [sflag:s20], $0x4000  }
0x37: {  	[sflag:s20] =	ssyncset.done $0x0  }
0x38: {  	s30 =	simm.s32 $0x400;
	[sflag:s20] =	ssyncadd.s32 $0xFFFFC000  }
0x39: {  	[tilespmem:s15], [sflag:$0x1] =	stream.indirect.gather [hbm4b:s4+s14], $0x80, s30, s14, $0xb8;
	[tilespmem:$0x1D000] =	vst v63  }
0x3a: {  	_ =	swait.ge [sflag:s22], $0x4000  }
0x3b: {  	[sflag:s22] =	ssyncset.done $0x0  }
0x3c: {  	s31 =	simm.s32 $0x380;
	[sflag:s22] =	ssyncadd.s32 $0xFFFFC000  }
0x3d: {  	[spmem:s2] =	stream.indirect.scatter.add.f32 [tilespmem:s18], [sflag:$0x4], $0x80, s31, s14, $0xb8;
	[tilespmem:$0x1D000] =	vst v63  }
0x3e: {  	_ =	swait.ge [sflag:s24], $0x4000  }
0x3f: {  	[sflag:s24] =	ssyncset.done $0x0  }
0x40: {  	s1 =	simm.s32 $0x500;
	[sflag:s24] =	ssyncadd.s32 $0xFFFFC000  }
0x41: {  	[tilespmem:s18], [sflag:$0x2] =	stream.indirect.gather [hbm4b:s4+s14], $0x80, s1, s14, $0xb8;
	[tilespmem:$0x1D000] =	vst v63  }
0x42: {  	_ =	swait.ge [sflag:s19], $0x4000  }
0x43: {  	[sflag:s19] =	ssyncset.done $0x0  }
0x44: {  	s11 =	simm.s32 $0x480;
	[sflag:s19] =	ssyncadd.s32 $0xFFFFC000  }
0x45: {  	[spmem:s2] =	stream.indirect.scatter.add.f32 [tilespmem:s15], [sflag:$0x3], $0x80, s11, s14, $0xb8;
	[tilespmem:$0x1D000] =	vst v63  }
0x46: {  	_ =	swait.ge [sflag:s20], $0x4000  }
0x47: {  	[sflag:s20] =	ssyncset.done $0x0  }
0x48: {  	s17 =	simm.s32 $0x600;
	[sflag:s20] =	ssyncadd.s32 $0xFFFFC000  }
0x49: {  	[tilespmem:s15], [sflag:$0x1] =	stream.indirect.gather [hbm4b:s4+s14], $0x80, s17, s14, $0xb8;
	[tilespmem:$0x1D000] =	vst v63  }
0x4a: {  	_ =	swait.ge [sflag:s22], $0x4000  }
0x4b: {  	[sflag:s22] =	ssyncset.done $0x0  }
0x4c: {  	s21 =	simm.s32 $0x580;
	[sflag:s22] =	ssyncadd.s32 $0xFFFFC000  }
0x4d: {  	[spmem:s2] =	stream.indirect.scatter.add.f32 [tilespmem:s18], [sflag:$0x4], $0x80, s21, s14, $0xb8;
	[tilespmem:$0x1D000] =	vst v63  }
0x4e: {  	_ =	swait.ge [sflag:s24], $0x4000  }
0x4f: {  	[sflag:s24] =	ssyncset.done $0x0  }
0x50: {  	s30 =	simm.s32 $0x700;
	[sflag:s24] =	ssyncadd.s32 $0xFFFFC000  }
0x51: {  	[tilespmem:s18], [sflag:$0x2] =	stream.indirect.gather [hbm4b:s4+s14], $0x80, s30, s14, $0xb8;
	[tilespmem:$0x1D000] =	vst v63  }
0x52: {  	_ =	swait.ge [sflag:s19], $0x4000  }
0x53: {  	[sflag:s19] =	ssyncset.done $0x0  }
0x54: {  	s31 =	simm.s32 $0x680;
	[sflag:s19] =	ssyncadd.s32 $0xFFFFC000  }
0x55: {  	[spmem:s2] =	stream.indirect.scatter.add.f32 [tilespmem:s15], [sflag:$0x3], $0x80, s31, s14, $0xb8;
	[tilespmem:$0x1D000] =	vst v63  }
0x56: {  	_ =	swait.ge [sflag:s20], $0x4000  }
0x57: {  	[sflag:s20] =	ssyncset.done $0x0  }
0x58: {  	[sflag:s20] =	ssyncadd.s32 $0xFFFFC000  }
0x59: {  	_ =	swait.ge [sflag:s23], $0x800  }
0x5a: {  	[sflag:s23] =	ssyncset.done $0x0  }
0x5b: {  	p2 =	por $0x0, $0x0;
	[sflag:s23] =	ssyncadd.s32 $0xFFFFF800  }
0x5c: {  	[tilespmem:s15], [sflag:$0x1] =	stream.indirect.gather [hbm4b:s4+s14], $0x80, s16, s14, $0xb8;
	[tilespmem:$0x1D000] =	vst v63  }
.Ltmp0:
0x5d: {  	_ = 	snop;
	(pc) =	sbr.rel @p2 .LBB2_2-.Ltmp0, $4  }
0x5e: {  	_ =	swait.ge [sflag:s22], $0x4000  }
0x5f: {  	s29 =	simm.s32 $0x1;
	[sflag:s22] =	ssyncset.done $0x0  }
0x60: {  	p0 =	por $0x0, $0x0;
	p1 =	por $0x0, $0x0;
	[sflag:s22] =	ssyncadd.s32 $0xFFFFC000  }
0x61: {  	[spmem:s2] =	stream.indirect.scatter.add.f32 [tilespmem:s18], [sflag:$0x4], $0x80, s25, s14, $0xb8;
	[tilespmem:$0x1D000] =	vst v63  }
0x62: {  	s0 =	sand.u32 $0x1, s29;
	_ =	swait.ge [sflag:s24], $0x4000  }
0x63: {  	s11 =	simm.s32 @!p0 $0x0;
	s1 =	sxor.u32 $0x1, s0;
	[sflag:s24] =	ssyncset.done $0x0  }
0x64: {  	s0 =	sshll.u32 s0, $0xB;
	[sflag:s24] =	ssyncadd.s32 $0xFFFFC000;
	s1 =	sshll.u32 @!p0 s1, $0xB  }
0x65: {  	[tilespmem:s1], [sflag:$0x5] =	stream.linear.gather @!p0 [hbm4b:s28+s11], $0x800, $0x38;
	[tilespmem:$0x1D000] =	vst v63  }
0x66: {  	s21 =	sor.u32 $0x100, s0  }
0x67: {  	[tilespmem:s18], [sflag:$0x2] =	stream.indirect.gather [hbm4b:s4+s14], $0x80, s21, s14, $0xb8;
	[tilespmem:$0x1D000] =	vst v63  }
0x68: {  	_ =	swait.ge [sflag:s19], $0x4000  }
0x69: {  	[sflag:s19] =	ssyncset.done $0x0  }
0x6a: {  	s31 =	sor.u32 $0x80, s0;
	[sflag:s19] =	ssyncadd.s32 $0xFFFFC000  }
0x6b: {  	[spmem:s2] =	stream.indirect.scatter.add.f32 [tilespmem:s15], [sflag:$0x3], $0x80, s31, s14, $0xb8;
	[tilespmem:$0x1D000] =	vst v63  }
0x6c: {  	_ =	swait.ge [sflag:s20], $0x4000  }
0x6d: {  	[sflag:s20] =	ssyncset.done $0x0  }
0x6e: {  	s17 =	sor.u32 $0x200, s0;
	[sflag:s20] =	ssyncadd.s32 $0xFFFFC000  }
0x6f: {  	[tilespmem:s15], [sflag:$0x1] =	stream.indirect.gather [hbm4b:s4+s14], $0x80, s17, s14, $0xb8;
	[tilespmem:$0x1D000] =	vst v63  }
0x70: {  	_ =	swait.ge [sflag:s22], $0x4000  }
0x71: {  	[sflag:s22] =	ssyncset.done $0x0  }
0x72: {  	s21 =	sor.u32 $0x180, s0;
	[sflag:s22] =	ssyncadd.s32 $0xFFFFC000  }
0x73: {  	[spmem:s2] =	stream.indirect.scatter.add.f32 [tilespmem:s18], [sflag:$0x4], $0x80, s21, s14, $0xb8;
	[tilespmem:$0x1D000] =	vst v63  }
0x74: {  	_ =	swait.ge [sflag:s24], $0x4000  }
0x75: {  	[sflag:s24] =	ssyncset.done $0x0  }
0x76: {  	s31 =	sor.u32 $0x300, s0;
	[sflag:s24] =	ssyncadd.s32 $0xFFFFC000  }
0x77: {  	[tilespmem:s18], [sflag:$0x2] =	stream.indirect.gather [hbm4b:s4+s14], $0x80, s31, s14, $0xb8;
	[tilespmem:$0x1D000] =	vst v63  }
0x78: {  	_ =	swait.ge [sflag:s19], $0x4000  }
0x79: {  	[sflag:s19] =	ssyncset.done $0x0  }
0x7a: {  	s17 =	sor.u32 $0x280, s0;
	[sflag:s19] =	ssyncadd.s32 $0xFFFFC000  }
0x7b: {  	[spmem:s2] =	stream.indirect.scatter.add.f32 [tilespmem:s15], [sflag:$0x3], $0x80, s17, s14, $0xb8;
	[tilespmem:$0x1D000] =	vst v63  }
0x7c: {  	_ =	swait.ge [sflag:s20], $0x4000  }
0x7d: {  	[sflag:s20] =	ssyncset.done $0x0  }
0x7e: {  	s21 =	sor.u32 $0x400, s0;
	[sflag:s20] =	ssyncadd.s32 $0xFFFFC000  }
0x7f: {  	[tilespmem:s15], [sflag:$0x1] =	stream.indirect.gather [hbm4b:s4+s14], $0x80, s21, s14, $0xb8;
	[tilespmem:$0x1D000] =	vst v63  }
0x80: {  	_ =	swait.ge [sflag:s22], $0x4000  }
0x81: {  	[sflag:s22] =	ssyncset.done $0x0  }
0x82: {  	s31 =	sor.u32 $0x380, s0;
	[sflag:s22] =	ssyncadd.s32 $0xFFFFC000  }
0x83: {  	[spmem:s2] =	stream.indirect.scatter.add.f32 [tilespmem:s18], [sflag:$0x4], $0x80, s31, s14, $0xb8;
	[tilespmem:$0x1D000] =	vst v63  }
0x84: {  	_ =	swait.ge [sflag:s24], $0x4000  }
0x85: {  	[sflag:s24] =	ssyncset.done $0x0  }
0x86: {  	s17 =	sor.u32 $0x500, s0;
	[sflag:s24] =	ssyncadd.s32 $0xFFFFC000  }
0x87: {  	[tilespmem:s18], [sflag:$0x2] =	stream.indirect.gather [hbm4b:s4+s14], $0x80, s17, s14, $0xb8;
	[tilespmem:$0x1D000] =	vst v63  }
0x88: {  	_ =	swait.ge [sflag:s19], $0x4000  }
0x89: {  	[sflag:s19] =	ssyncset.done $0x0  }
0x8a: {  	s21 =	sor.u32 $0x480, s0;
	[sflag:s19] =	ssyncadd.s32 $0xFFFFC000  }
0x8b: {  	[spmem:s2] =	stream.indirect.scatter.add.f32 [tilespmem:s15], [sflag:$0x3], $0x80, s21, s14, $0xb8;
	[tilespmem:$0x1D000] =	vst v63  }
0x8c: {  	_ =	swait.ge [sflag:s20], $0x4000  }
0x8d: {  	[sflag:s20] =	ssyncset.done $0x0  }
0x8e: {  	s31 =	sor.u32 $0x600, s0;
	[sflag:s20] =	ssyncadd.s32 $0xFFFFC000  }
0x8f: {  	[tilespmem:s15], [sflag:$0x1] =	stream.indirect.gather [hbm4b:s4+s14], $0x80, s31, s14, $0xb8;
	[tilespmem:$0x1D000] =	vst v63  }
0x90: {  	_ =	swait.ge [sflag:s22], $0x4000  }
0x91: {  	[sflag:s22] =	ssyncset.done $0x0  }
0x92: {  	s17 =	sor.u32 $0x580, s0;
	[sflag:s22] =	ssyncadd.s32 $0xFFFFC000  }
0x93: {  	[spmem:s2] =	stream.indirect.scatter.add.f32 [tilespmem:s18], [sflag:$0x4], $0x80, s17, s14, $0xb8;
	[tilespmem:$0x1D000] =	vst v63  }
0x94: {  	_ =	swait.ge [sflag:s24], $0x4000  }
0x95: {  	[sflag:s24] =	ssyncset.done $0x0  }
0x96: {  	s21 =	sor.u32 $0x700, s0;
	[sflag:s24] =	ssyncadd.s32 $0xFFFFC000  }
0x97: {  	[tilespmem:s18], [sflag:$0x2] =	stream.indirect.gather [hbm4b:s4+s14], $0x80, s21, s14, $0xb8;
	[tilespmem:$0x1D000] =	vst v63  }
0x98: {  	_ =	swait.ge [sflag:s19], $0x4000  }
0x99: {  	[sflag:s19] =	ssyncset.done $0x0  }
0x9a: {  	s31 =	sor.u32 $0x680, s0;
	[sflag:s19] =	ssyncadd.s32 $0xFFFFC000  }
0x9b: {  	[spmem:s2] =	stream.indirect.scatter.add.f32 [tilespmem:s15], [sflag:$0x3], $0x80, s31, s14, $0xb8;
	[tilespmem:$0x1D000] =	vst v63  }
0x9c: {  	_ =	swait.ge [sflag:s20], $0x4000  }
0x9d: {  	[sflag:s20] =	ssyncset.done $0x0  }
0x9e: {  	s11 =	simm.s32 @!p0 $0x5;
	[sflag:s20] =	ssyncadd.s32 $0xFFFFC000  }
0x9f: {  	_ =	swait.ge @!p0 [sflag:s11], $0x800  }
0xa0: {  	s30 =	simm.s32 @!p0 $0x1000;
	p2 =	por $0x0, $0x0;
	[sflag:s11] =	ssyncset.done @!p0 $0x0  }
.Ltmp1:
0xa1: {  	[sflag:s11] =	ssyncadd.s32 @!p0 $0xFFFFF800;
	s11 =	simm.s32 @!p0 $0x80;
	(pc) =	sbr.rel @p2 .LBB2_4-.Ltmp1, $4  }
0xa2: {  	[tilespmem:s30], [sflag:$0x1] =	stream.indirect.gather @!p0 [hbm4b:s4+s11], $0x80, s1, s11, $0xb8;
	[tilespmem:$0x1D000] =	vst v63  }
0xa3: {  	s29 =	simm.s32 $0x2;
	p1 =	por $0x1, $0x1;
	_ =	swait.ge [sflag:s22], $0x4000  }
0xa4: {  	s0 =	sadd.s32 $0x780, s0;
	s30 =	simm.s32 $0xFFFFFFF9;
	[sflag:s22] =	ssyncset.done $0x0  }
0xa5: {  	s11 =	sadd.s32 $0x100, s28;
	p0 =	por $0x0, $0x0;
	[sflag:s22] =	ssyncadd.s32 $0xFFFFC000  }
.LBB2_5:
0xa6: {  	[spmem:s2] =	stream.indirect.scatter.add.f32 [tilespmem:s18], [sflag:$0x4], $0x80, s0, s14, $0xb8;
	[tilespmem:$0x1D000] =	vst v63  }
0xa7: {  	s0 =	sand.u32 $0x1, s29;
	s29 =	sadd.s32 $0xA, s30;
	_ =	swait.ge [sflag:s24], $0x4000  }
0xa8: {  	s1 =	sxor.u32 $0x1, s0;
	s31 =	sshll.u32 s0, $0xB;
	[sflag:s24] =	ssyncset.done $0x0  }
0xa9: {  	s0 =	simm.s32 @!p0 $0x0;
	s1 =	sshll.u32 @!p0 s1, $0xB;
	[sflag:s24] =	ssyncadd.s32 $0xFFFFC000  }
0xaa: {  	[tilespmem:s1], [sflag:$0x5] =	stream.linear.gather @!p0 [hbm4b:s11+s0], $0x800, $0x38;
	[tilespmem:$0x1D000] =	vst v63  }
0xab: {  	s17 =	sor.u32 $0x100, s31;
	s0 =	smov.u32 s30;
	s30 =	sadd.s32 $0x1, s30  }
0xac: {  	[tilespmem:s18], [sflag:$0x2] =	stream.indirect.gather [hbm4b:s4+s14], $0x80, s17, s14, $0xb8;
	[tilespmem:$0x1D000] =	vst v63  }
0xad: {  	p2 =	seq.s32 s30, $0x0;
	_ =	swait.ge [sflag:s19], $0x4000  }
0xae: {  	[sflag:s19] =	ssyncset.done $0x0  }
0xaf: {  	s17 =	sor.u32 $0x80, s31;
	[sflag:s19] =	ssyncadd.s32 $0xFFFFC000  }
0xb0: {  	[spmem:s2] =	stream.indirect.scatter.add.f32 [tilespmem:s15], [sflag:$0x3], $0x80, s17, s14, $0xb8;
	[tilespmem:$0x1D000] =	vst v63  }
0xb1: {  	_ =	swait.ge [sflag:s20], $0x4000  }
0xb2: {  	[sflag:s20] =	ssyncset.done $0x0  }
0xb3: {  	s17 =	sor.u32 $0x200, s31;
	[sflag:s20] =	ssyncadd.s32 $0xFFFFC000  }
0xb4: {  	[tilespmem:s15], [sflag:$0x1] =	stream.indirect.gather [hbm4b:s4+s14], $0x80, s17, s14, $0xb8;
	[tilespmem:$0x1D000] =	vst v63  }
0xb5: {  	_ =	swait.ge [sflag:s22], $0x4000  }
0xb6: {  	[sflag:s22] =	ssyncset.done $0x0  }
0xb7: {  	s17 =	sor.u32 $0x180, s31;
	[sflag:s22] =	ssyncadd.s32 $0xFFFFC000  }
0xb8: {  	[spmem:s2] =	stream.indirect.scatter.add.f32 [tilespmem:s18], [sflag:$0x4], $0x80, s17, s14, $0xb8;
	[tilespmem:$0x1D000] =	vst v63  }
0xb9: {  	_ =	swait.ge [sflag:s24], $0x4000  }
0xba: {  	[sflag:s24] =	ssyncset.done $0x0  }
0xbb: {  	s17 =	sor.u32 $0x300, s31;
	[sflag:s24] =	ssyncadd.s32 $0xFFFFC000  }
0xbc: {  	[tilespmem:s18], [sflag:$0x2] =	stream.indirect.gather [hbm4b:s4+s14], $0x80, s17, s14, $0xb8;
	[tilespmem:$0x1D000] =	vst v63  }
0xbd: {  	_ =	swait.ge [sflag:s19], $0x4000  }
0xbe: {  	[sflag:s19] =	ssyncset.done $0x0  }
0xbf: {  	s17 =	sor.u32 $0x280, s31;
	[sflag:s19] =	ssyncadd.s32 $0xFFFFC000  }
0xc0: {  	[spmem:s2] =	stream.indirect.scatter.add.f32 [tilespmem:s15], [sflag:$0x3], $0x80, s17, s14, $0xb8;
	[tilespmem:$0x1D000] =	vst v63  }
0xc1: {  	_ =	swait.ge [sflag:s20], $0x4000  }
0xc2: {  	[sflag:s20] =	ssyncset.done $0x0  }
0xc3: {  	s17 =	sor.u32 $0x400, s31;
	[sflag:s20] =	ssyncadd.s32 $0xFFFFC000  }
0xc4: {  	[tilespmem:s15], [sflag:$0x1] =	stream.indirect.gather [hbm4b:s4+s14], $0x80, s17, s14, $0xb8;
	[tilespmem:$0x1D000] =	vst v63  }
0xc5: {  	_ =	swait.ge [sflag:s22], $0x4000  }
0xc6: {  	[sflag:s22] =	ssyncset.done $0x0  }
0xc7: {  	s17 =	sor.u32 $0x380, s31;
	[sflag:s22] =	ssyncadd.s32 $0xFFFFC000  }
0xc8: {  	[spmem:s2] =	stream.indirect.scatter.add.f32 [tilespmem:s18], [sflag:$0x4], $0x80, s17, s14, $0xb8;
	[tilespmem:$0x1D000] =	vst v63  }
0xc9: {  	_ =	swait.ge [sflag:s24], $0x4000  }
0xca: {  	[sflag:s24] =	ssyncset.done $0x0  }
0xcb: {  	s17 =	sor.u32 $0x500, s31;
	[sflag:s24] =	ssyncadd.s32 $0xFFFFC000  }
0xcc: {  	[tilespmem:s18], [sflag:$0x2] =	stream.indirect.gather [hbm4b:s4+s14], $0x80, s17, s14, $0xb8;
	[tilespmem:$0x1D000] =	vst v63  }
0xcd: {  	_ =	swait.ge [sflag:s19], $0x4000  }
0xce: {  	[sflag:s19] =	ssyncset.done $0x0  }
0xcf: {  	s17 =	sor.u32 $0x480, s31;
	[sflag:s19] =	ssyncadd.s32 $0xFFFFC000  }
0xd0: {  	[spmem:s2] =	stream.indirect.scatter.add.f32 [tilespmem:s15], [sflag:$0x3], $0x80, s17, s14, $0xb8;
	[tilespmem:$0x1D000] =	vst v63  }
0xd1: {  	_ =	swait.ge [sflag:s20], $0x4000  }
0xd2: {  	[sflag:s20] =	ssyncset.done $0x0  }
0xd3: {  	s17 =	sor.u32 $0x600, s31;
	[sflag:s20] =	ssyncadd.s32 $0xFFFFC000  }
0xd4: {  	[tilespmem:s15], [sflag:$0x1] =	stream.indirect.gather [hbm4b:s4+s14], $0x80, s17, s14, $0xb8;
	[tilespmem:$0x1D000] =	vst v63  }
0xd5: {  	_ =	swait.ge [sflag:s22], $0x4000  }
0xd6: {  	[sflag:s22] =	ssyncset.done $0x0  }
0xd7: {  	s17 =	sor.u32 $0x580, s31;
	[sflag:s22] =	ssyncadd.s32 $0xFFFFC000  }
0xd8: {  	[spmem:s2] =	stream.indirect.scatter.add.f32 [tilespmem:s18], [sflag:$0x4], $0x80, s17, s14, $0xb8;
	[tilespmem:$0x1D000] =	vst v63  }
0xd9: {  	_ =	swait.ge [sflag:s24], $0x4000  }
0xda: {  	[sflag:s24] =	ssyncset.done $0x0  }
0xdb: {  	s17 =	sor.u32 $0x700, s31;
	[sflag:s24] =	ssyncadd.s32 $0xFFFFC000  }
0xdc: {  	[tilespmem:s18], [sflag:$0x2] =	stream.indirect.gather [hbm4b:s4+s14], $0x80, s17, s14, $0xb8;
	[tilespmem:$0x1D000] =	vst v63  }
0xdd: {  	_ =	swait.ge [sflag:s19], $0x4000  }
0xde: {  	[sflag:s19] =	ssyncset.done $0x0  }
0xdf: {  	s17 =	sor.u32 $0x680, s31;
	[sflag:s19] =	ssyncadd.s32 $0xFFFFC000  }
0xe0: {  	[spmem:s2] =	stream.indirect.scatter.add.f32 [tilespmem:s15], [sflag:$0x3], $0x80, s17, s14, $0xb8;
	[tilespmem:$0x1D000] =	vst v63  }
0xe1: {  	_ =	swait.ge [sflag:s20], $0x4000  }
0xe2: {  	[sflag:s20] =	ssyncset.done $0x0  }
0xe3: {  	s17 =	simm.s32 @!p0 $0x5;
	[sflag:s20] =	ssyncadd.s32 $0xFFFFC000  }
0xe4: {  	_ =	swait.ge @!p0 [sflag:s17], $0x800  }
0xe5: {  	s21 =	simm.s32 @!p0 $0x1000;
	[sflag:s17] =	ssyncset.done @!p0 $0x0  }
.Ltmp2:
0xe6: {  	[sflag:s17] =	ssyncadd.s32 @!p0 $0xFFFFF800;
	s17 =	simm.s32 @!p0 $0x80;
	(pc) =	sbr.rel @!p2 .LBB2_5-.Ltmp2, $4  }
0xe7: {  	[tilespmem:s21], [sflag:$0x1] =	stream.indirect.gather @!p0 [hbm4b:s4+s17], $0x80, s1, s17, $0xb8;
	[tilespmem:$0x1D000] =	vst v63  }
0xe8: {  	_ =	swait.ge [sflag:s22], $0x4000  }
0xe9: {  	s11 =	sadd.s32 $0x100, s11;
	[sflag:s22] =	ssyncset.done $0x0  }
0xea: {  	p0 =	seq.s32 s0, $0xFFFFFFFF;
	s0 =	sadd.s32 $0x780, s31;
	[sflag:s22] =	ssyncadd.s32 $0xFFFFC000  }
.LBB2_6:
0xeb: {  	[spmem:s2] =	stream.indirect.scatter.add.f32 @p1 [tilespmem:s18], [sflag:$0x4], $0x80, s0, s14, $0xb8;
	[tilespmem:$0x1D000] =	vst v63  }
0xec: {  	s17 =	sand.u32 $0x1, s29;
	_ =	swait.ge [sflag:s24], $0x4000  }
0xed: {  	s1 =	sxor.u32 $0x1, s17;
	s0 =	sshll.u32 s17, $0xB;
	[sflag:s24] =	ssyncset.done $0x0  }
0xee: {  	s17 =	simm.s32 @!p0 $0x0;
	s1 =	sshll.u32 @!p0 s1, $0xB;
	[sflag:s24] =	ssyncadd.s32 $0xFFFFC000  }
0xef: {  	[tilespmem:s1], [sflag:$0x5] =	stream.linear.gather @!p0 [hbm4b:s11+s17], $0x800, $0x38;
	[tilespmem:$0x1D000] =	vst v63  }
0xf0: {  	s21 =	sor.u32 $0x100, s0  }
0xf1: {  	[tilespmem:s18], [sflag:$0x2] =	stream.indirect.gather [hbm4b:s4+s14], $0x80, s21, s14, $0xb8;
	[tilespmem:$0x1D000] =	vst v63  }
0xf2: {  	_ =	swait.ge [sflag:s19], $0x4000  }
0xf3: {  	[sflag:s19] =	ssyncset.done $0x0  }
0xf4: {  	s29 =	sor.u32 $0x80, s0;
	[sflag:s19] =	ssyncadd.s32 $0xFFFFC000  }
0xf5: {  	[spmem:s2] =	stream.indirect.scatter.add.f32 [tilespmem:s15], [sflag:$0x3], $0x80, s29, s14, $0xb8;
	[tilespmem:$0x1D000] =	vst v63  }
0xf6: {  	_ =	swait.ge [sflag:s20], $0x4000  }
0xf7: {  	[sflag:s20] =	ssyncset.done $0x0  }
0xf8: {  	s30 =	sor.u32 $0x200, s0;
	[sflag:s20] =	ssyncadd.s32 $0xFFFFC000  }
0xf9: {  	[tilespmem:s15], [sflag:$0x1] =	stream.indirect.gather [hbm4b:s4+s14], $0x80, s30, s14, $0xb8;
	[tilespmem:$0x1D000] =	vst v63  }
0xfa: {  	_ =	swait.ge [sflag:s22], $0x4000  }
0xfb: {  	[sflag:s22] =	ssyncset.done $0x0  }
0xfc: {  	s31 =	sor.u32 $0x180, s0;
	[sflag:s22] =	ssyncadd.s32 $0xFFFFC000  }
0xfd: {  	[spmem:s2] =	stream.indirect.scatter.add.f32 [tilespmem:s18], [sflag:$0x4], $0x80, s31, s14, $0xb8;
	[tilespmem:$0x1D000] =	vst v63  }
0xfe: {  	_ =	swait.ge [sflag:s24], $0x4000  }
0xff: {  	[sflag:s24] =	ssyncset.done $0x0  }
0x100: {  	s17 =	sor.u32 $0x300, s0;
	[sflag:s24] =	ssyncadd.s32 $0xFFFFC000  }
0x101: {  	[tilespmem:s18], [sflag:$0x2] =	stream.indirect.gather [hbm4b:s4+s14], $0x80, s17, s14, $0xb8;
	[tilespmem:$0x1D000] =	vst v63  }
0x102: {  	_ =	swait.ge [sflag:s19], $0x4000  }
0x103: {  	[sflag:s19] =	ssyncset.done $0x0  }
0x104: {  	s21 =	sor.u32 $0x280, s0;
	[sflag:s19] =	ssyncadd.s32 $0xFFFFC000  }
0x105: {  	[spmem:s2] =	stream.indirect.scatter.add.f32 [tilespmem:s15], [sflag:$0x3], $0x80, s21, s14, $0xb8;
	[tilespmem:$0x1D000] =	vst v63  }
0x106: {  	_ =	swait.ge [sflag:s20], $0x4000  }
0x107: {  	[sflag:s20] =	ssyncset.done $0x0  }
0x108: {  	s29 =	sor.u32 $0x400, s0;
	[sflag:s20] =	ssyncadd.s32 $0xFFFFC000  }
0x109: {  	[tilespmem:s15], [sflag:$0x1] =	stream.indirect.gather [hbm4b:s4+s14], $0x80, s29, s14, $0xb8;
	[tilespmem:$0x1D000] =	vst v63  }
0x10a: {  	_ =	swait.ge [sflag:s22], $0x4000  }
0x10b: {  	[sflag:s22] =	ssyncset.done $0x0  }
0x10c: {  	s30 =	sor.u32 $0x380, s0;
	[sflag:s22] =	ssyncadd.s32 $0xFFFFC000  }
0x10d: {  	[spmem:s2] =	stream.indirect.scatter.add.f32 [tilespmem:s18], [sflag:$0x4], $0x80, s30, s14, $0xb8;
	[tilespmem:$0x1D000] =	vst v63  }
0x10e: {  	_ =	swait.ge [sflag:s24], $0x4000  }
0x10f: {  	[sflag:s24] =	ssyncset.done $0x0  }
0x110: {  	s31 =	sor.u32 $0x500, s0;
	[sflag:s24] =	ssyncadd.s32 $0xFFFFC000  }
0x111: {  	[tilespmem:s18], [sflag:$0x2] =	stream.indirect.gather [hbm4b:s4+s14], $0x80, s31, s14, $0xb8;
	[tilespmem:$0x1D000] =	vst v63  }
0x112: {  	_ =	swait.ge [sflag:s19], $0x4000  }
0x113: {  	[sflag:s19] =	ssyncset.done $0x0  }
0x114: {  	s17 =	sor.u32 $0x480, s0;
	[sflag:s19] =	ssyncadd.s32 $0xFFFFC000  }
0x115: {  	[spmem:s2] =	stream.indirect.scatter.add.f32 [tilespmem:s15], [sflag:$0x3], $0x80, s17, s14, $0xb8;
	[tilespmem:$0x1D000] =	vst v63  }
0x116: {  	_ =	swait.ge [sflag:s20], $0x4000  }
0x117: {  	[sflag:s20] =	ssyncset.done $0x0  }
0x118: {  	s21 =	sor.u32 $0x600, s0;
	[sflag:s20] =	ssyncadd.s32 $0xFFFFC000  }
0x119: {  	[tilespmem:s15], [sflag:$0x1] =	stream.indirect.gather [hbm4b:s4+s14], $0x80, s21, s14, $0xb8;
	[tilespmem:$0x1D000] =	vst v63  }
0x11a: {  	_ =	swait.ge [sflag:s22], $0x4000  }
0x11b: {  	[sflag:s22] =	ssyncset.done $0x0  }
0x11c: {  	s29 =	sor.u32 $0x580, s0;
	[sflag:s22] =	ssyncadd.s32 $0xFFFFC000  }
0x11d: {  	[spmem:s2] =	stream.indirect.scatter.add.f32 [tilespmem:s18], [sflag:$0x4], $0x80, s29, s14, $0xb8;
	[tilespmem:$0x1D000] =	vst v63  }
0x11e: {  	_ =	swait.ge [sflag:s24], $0x4000  }
0x11f: {  	[sflag:s24] =	ssyncset.done $0x0  }
0x120: {  	s30 =	sor.u32 $0x700, s0;
	[sflag:s24] =	ssyncadd.s32 $0xFFFFC000  }
0x121: {  	[tilespmem:s18], [sflag:$0x2] =	stream.indirect.gather [hbm4b:s4+s14], $0x80, s30, s14, $0xb8;
	[tilespmem:$0x1D000] =	vst v63  }
0x122: {  	_ =	swait.ge [sflag:s19], $0x4000  }
0x123: {  	[sflag:s19] =	ssyncset.done $0x0  }
0x124: {  	s31 =	sor.u32 $0x680, s0;
	[sflag:s19] =	ssyncadd.s32 $0xFFFFC000  }
0x125: {  	[spmem:s2] =	stream.indirect.scatter.add.f32 [tilespmem:s15], [sflag:$0x3], $0x80, s31, s14, $0xb8;
	[tilespmem:$0x1D000] =	vst v63  }
0x126: {  	_ =	swait.ge [sflag:s20], $0x4000  }
0x127: {  	[sflag:s20] =	ssyncset.done $0x0  }
0x128: {  	s11 =	simm.s32 @!p0 $0x5;
	[sflag:s20] =	ssyncadd.s32 $0xFFFFC000  }
0x129: {  	_ =	swait.ge @!p0 [sflag:s11], $0x800  }
0x12a: {  	[sflag:s11] =	ssyncset.done @!p0 $0x0  }
0x12b: {  	s17 =	simm.s32 @!p0 $0x1000;
	[sflag:s11] =	ssyncadd.s32 @!p0 $0xFFFFF800;
	s11 =	simm.s32 @!p0 $0x80  }
0x12c: {  	[tilespmem:s17], [sflag:$0x1] =	stream.indirect.gather @!p0 [hbm4b:s4+s11], $0x80, s1, s11, $0xb8;
	[tilespmem:$0x1D000] =	vst v63  }
0x12d: {  	_ =	swait.ge [sflag:s22], $0x4000  }
0x12e: {  	[sflag:s22] =	ssyncset.done $0x0  }
0x12f: {  	s0 =	sadd.s32 $0x780, s0;
	[sflag:s22] =	ssyncadd.s32 $0xFFFFC000  }
0x130: {  	[spmem:s2] =	stream.indirect.scatter.add.f32 [tilespmem:s18], [sflag:$0x4], $0x80, s0, s14, $0xb8;
	[tilespmem:$0x1D000] =	vst v63  }
0x131: {  	_ =	swait.ge [sflag:s24], $0x4000  }
0x132: {  	[sflag:s24] =	ssyncset.done $0x0  }
0x133: {  	s26 =	sadd.s32 $0x1, s26;
	[sflag:s24] =	ssyncadd.s32 $0xFFFFC000  }
0x134: {  	p0 =	sne.s32 s26, s10;
	[bflag:$0x0] =	sbarrier.arrive $0xFFFF  }
0x135: {  	[hbm:s9], [sflag:s7] =	dma.local [spmem:s12], $0x2800  }
.Ltmp3:
0x136: {  	_ = 	snop;
	(pc) =	sbr.rel @p0 .LBB2_1-.Ltmp3, $4  }
.Ltmp4:
0x137: {  	_ = 	snop;
	(pc) =	sbr.rel @!p0 .LBB2_7-.Ltmp4, $4  }
0x138: {  	_ =	swait.ge [sflag:s13], $0x2800  }
0x139: {  	[sflag:s13] =	ssyncset.done $0x0  }
0x13a: {  	[sflag:s13] =	ssyncadd.s32 $0xFFFFD800  }
0x13b: {  	_ = 	snop  }
.LBB2_2:
.Ltmp5:
0x13c: {  	(pc) =	sbr.rel .LBB2_6-.Ltmp5, $2  }
0x13d: {  	_ =	sdelay $0x2  }
0x13e: {  	s11 =	smov.u32 s28  }
.LBB2_4:
.Ltmp6:
0x13f: {  	(pc) =	sbr.rel .LBB2_6-.Ltmp6, $2  }
0x140: {  	_ =	sdelay $0x2  }
0x141: {  	s29 =	simm.s32 $0x2  }
.LBB2_7:
0x142: {  	_ =	sfence.sel $0x180000  }
0x143: {  	[bflag:$0x0] =	sbarrier.arrive $0xFFFF  }
0x144: {  	_ =	strace $0x9000004D  }
0x145: {  	s0 =	stileid.u32;
	[bflag:$0x2] =	sbarrier.arrive $0xFFFF  }
0x146: {  	p0 =	sne.s32 s0, $0x0;
	s0 =	rddreg [dreg:$0x2]  }
0x147: {  	s0 =	sadd.s32 @!p0 $0x100000, s0  }
0x148: {  	[sflag:s0] =	ssyncadd.tile.s32 @!p0 $0x1;
	_ =	shalt  }
.Lfunc_end2:
_tile_overlayer_lowered:
.L_overlay_start_2:
0x149: {  	(tag) =	ssettag $0x2  }
0x14a: {  	s0 =	rddreg [dreg:$0x0];
	s2 =	stileid.u32  }
0x14b: {  	s1 =	rddreg [dreg:$0x1];
	p0 =	sne.s32 s2, $0x0  }
0x14c: {  	s3 =	rddreg [dreg:$0x2];
	[bflag:$0x3] =	sbarrier.arrive $0xFFFF;
	s2 =	simm.s32 @!p0 $0x1C06  }
0x14d: {  	[timem:s3], [sflag:s2] =	dma.local @!p0 [hbm:s0], s1  }
0x14e: {  	s0 =	simm.s32 @!p0 $0x6  }
0x14f: {  	_ =	swait.ge @!p0 [sflag:s0], s1  }
0x150: {  	s1 =	ssub.s32 @!p0 $0x0, s1;
	[sflag:s0] =	ssyncset.done @!p0 $0x0  }
0x151: {  	[sflag:s0] =	ssyncadd.s32 @!p0 s1  }
0x152: {  	[bflag:$0x3] =	sbarrier.arrive $0xFFFF  }
0x153: {  	_ =	shalt  }

// kernel: kernel.8.cloned.1.call-start
scs
__scs_entry_jumppad:
0x0: {  	(pc) =	sbr.rel $0x88, $3  }
0x1: {  	(tag) =	ssettag $0x0;
	lr =	simm.s32 $0x1  }
0x2: {  	[smem:$0x3F9B] =	sst lr;
	_ =	strace $0xD0000000  }
0x3: {  	_ = 	snop  }
0x4: {  	_ = 	snop  }
0x5: {  	_ = 	snop  }
0x6: {  	_ = 	snop  }
0x7: {  	_ = 	snop  }
__scs_overlays_trampoline_lowered:
0x8: {  	[smem:$0x3FAA] =	sst s0  }
0x9: {  	[smem:$0x3FAB] =	sst s1  }
0xa: {  	[smem:$0x3FAC] =	sst s2  }
0xb: {  	[smem:$0x3FAD] =	sst s3  }
0xc: {  	[smem:$0x3FAE] =	sst s4  }
0xd: {  	[smem:$0x3FAF] =	sst s5  }
0xe: {  	[smem:$0x3FB0] =	sst s6  }
0xf: {  	[smem:$0x3FB1] =	sst s7  }
0x10: {  	[smem:$0x3FB2] =	sst s8  }
0x11: {  	[smem:$0x3FB3] =	sst s9;
	s0 =	simm.s32 @!p0 $0x0  }
0x12: {  	s1 =	sld [smem:$0x3F99];
	s0 =	simm.s32 @p0 $0x1  }
0x13: {  	[smem:$0x3FB4] =	sst s0;
	s0 =	simm.s32 @!p1 $0x0  }
0x14: {  	s2 =	sld [smem:$0x3F98];
	s0 =	simm.s32 @p1 $0x1  }
0x15: {  	[smem:$0x3FB5] =	sst s0;
	s0 =	simm.s32 @!p2 $0x0  }
0x16: {  	s3 =	sld [smem:$0x3FDB];
	s0 =	simm.s32 @p2 $0x1  }
0x17: {  	s4 =	simm.s32 $0x1BF5;
	[smem:$0x3FB7] =	sst s0  }
0x18: {  	s0 =	sld [smem:$0x3F9A];
	_ =	swait.ge [sflag:s4], $0x0  }
0x19: {  	s7 =	sld [smem:$0x3F9B]  }
0x1a: {  	s8 =	sadd.s32 $0xFFFFE003, lr  }
0x1b: {  	s9 =	sadd.s32 $0xFFFFFEF7, lr;
	s5 =	simm.s32 $0xFFFFFFFF;
	p2 =	slt.u32 s8, $0xFFFFF086  }
0x1c: {  	p1 =	slt.u32 s9, $0xF7A;
	s5 =	simm.s32 @!p2 $0x0  }
0x1d: {  	s5 =	simm.s32 @p1 $0x1;
	p0 =	seq.s32 s7, s2  }
0x1e: {  	s7 =	smul.u32 @!p0 $0xF7A, s2;
	p2 =	seq.s32 @!p0 s5, $0x0  }
0x1f: {  	s9 =	smul.u32 $0xF7A, s1;
	s8 =	simm.s32 @!p0 $0x1BF5;
	p2 =	por !p2, p0  }
0x20: {  	[sflag:s8] =	ssyncset.s32 @!p0 $0xFFFFF086;
	s6 =	sadd.s32 @!p0 s3, s7;
	s7 =	simm.s32 @!p0 $0x108  }
0x21: {  	s3 =	sadd.s32 s3, s9;
	s6 =	sadd.s32 @!p0 $0x88, s6;
	s7 =	simm.s32 @p2 $0x1082  }
0x22: {  	[simem:s7], [sflag:s8] =	dma.local @!p0 [hbm:s6], $0xF7A  }
0x23: {  	s9 =	sor.u32 $0xD0000000, s2;
	s6 =	simm.s32 $0x108;
	_ =	swait.ge @!p0 [sflag:s8], $0x0  }
0x24: {  	s3 =	sadd.s32 $0x88, s3;
	s6 =	simm.s32 @!p1 $0x1082;
	[sflag:s4] =	ssyncset.s32 $0xFFFFF086  }
0x25: {  	[simem:s6], [sflag:s4] =	dma.local [hbm:s3], $0xF7A  }
0x26: {  	[smem:$0x3F9B] =	sst s1;
	(tag) =	ssettag s2;
	_ =	strace s9  }
0x27: {  	s1 =	sld [smem:$0x3FAB]  }
0x28: {  	s2 =	sld [smem:$0x3FAC]  }
0x29: {  	s4 =	sld [smem:$0x3FAE]  }
0x2a: {  	p0 =	seq.s32 s5, $0x0;
	s5 =	sld [smem:$0x3FAF]  }
0x2b: {  	s6 =	sld [smem:$0x3FB0]  }
0x2c: {  	s7 =	sld [smem:$0x3FB1]  }
0x2d: {  	s3 =	simm.s32 $0x108;
	s8 =	sld [smem:$0x3FB2]  }
0x2e: {  	s3 =	simm.s32 @!p0 $0x1082;
	s9 =	sld [smem:$0x3FB3]  }
0x2f: {  	lr =	sadd.s32 s0, s3;
	s0 =	sld [smem:$0x3FAA]  }
0x30: {  	s3 =	sld [smem:$0x3FAD]  }
0x31: {  	[smem:$0x3FB6] =	sst s10  }
0x32: {  	s10 =	sld [smem:$0x3FB4];
	_ =	sdelay $0x3  }
0x33: {  	p0 =	seq.s32 s10, $0x1;
	s10 =	sld [smem:$0x3FB6];
	_ =	sdelay $0x3  }
0x34: {  	[smem:$0x3FB6] =	sst s10  }
0x35: {  	s10 =	sld [smem:$0x3FB5];
	_ =	sdelay $0x3  }
0x36: {  	p1 =	seq.s32 s10, $0x1;
	s10 =	sld [smem:$0x3FB6];
	_ =	sdelay $0x3  }
0x37: {  	[smem:$0x3FB6] =	sst s10  }
0x38: {  	s10 =	sld [smem:$0x3FB7]  }
0x39: {  	_ = 	snop;
	(pc) =	sbr.ind lr, $3  }
0x3a: {  	_ = 	snop  }
0x3b: {  	_ = 	snop  }
0x3c: {  	p2 =	seq.s32 s10, $0x1;
	s10 =	sld [smem:$0x3FB6]  }
0x3d: {  	_ =	shalt  }
0x3e: {  	_ =	shalt  }
0x3f: {  	_ =	shalt  }
0x40: {  	_ =	shalt  }
0x41: {  	_ =	shalt  }
0x42: {  	_ =	shalt  }
0x43: {  	_ =	shalt  }
0x44: {  	_ =	shalt  }
0x45: {  	_ =	shalt  }
0x46: {  	_ =	shalt  }
0x47: {  	_ =	shalt  }
0x48: {  	_ =	shalt  }
0x49: {  	_ =	shalt  }
0x4a: {  	_ =	shalt  }
0x4b: {  	_ =	shalt  }
0x4c: {  	_ =	shalt  }
0x4d: {  	_ =	shalt  }
0x4e: {  	_ =	shalt  }
0x4f: {  	_ =	shalt  }
0x50: {  	_ =	shalt  }
0x51: {  	_ =	shalt  }
0x52: {  	_ =	shalt  }
0x53: {  	_ =	shalt  }
0x54: {  	_ =	shalt  }
0x55: {  	_ =	shalt  }
0x56: {  	_ =	shalt  }
0x57: {  	_ =	shalt  }
0x58: {  	_ =	shalt  }
0x59: {  	_ =	shalt  }
0x5a: {  	_ =	shalt  }
0x5b: {  	_ =	shalt  }
0x5c: {  	_ =	shalt  }
0x5d: {  	_ =	shalt  }
0x5e: {  	_ =	shalt  }
0x5f: {  	_ =	shalt  }
0x60: {  	_ =	shalt  }
0x61: {  	_ =	shalt  }
0x62: {  	_ =	shalt  }
0x63: {  	_ =	shalt  }
0x64: {  	_ =	shalt  }
0x65: {  	_ =	shalt  }
0x66: {  	_ =	shalt  }
0x67: {  	_ =	shalt  }
0x68: {  	_ =	shalt  }
0x69: {  	_ =	shalt  }
0x6a: {  	_ =	shalt  }
0x6b: {  	_ =	shalt  }
0x6c: {  	_ =	shalt  }
0x6d: {  	_ =	shalt  }
0x6e: {  	_ =	shalt  }
0x6f: {  	_ =	shalt  }
0x70: {  	_ =	shalt  }
0x71: {  	_ =	shalt  }
0x72: {  	_ =	shalt  }
0x73: {  	_ =	shalt  }
0x74: {  	_ =	shalt  }
0x75: {  	_ =	shalt  }
0x76: {  	_ =	shalt  }
0x77: {  	_ =	shalt  }
0x78: {  	_ =	shalt  }
0x79: {  	_ =	shalt  }
0x7a: {  	_ =	shalt  }
0x7b: {  	_ =	shalt  }
0x7c: {  	_ =	shalt  }
0x7d: {  	_ =	shalt  }
0x7e: {  	_ =	shalt  }
0x7f: {  	_ =	shalt  }
0x80: {  	_ =	shalt  }
0x81: {  	_ =	shalt  }
0x82: {  	_ =	shalt  }
0x83: {  	_ =	shalt  }
0x84: {  	_ =	shalt  }
0x85: {  	_ =	shalt  }
0x86: {  	_ =	shalt  }
0x87: {  	_ =	shalt  }
.Lfunc_end0:
.L_simem_size_0:
called_computation_lowered:
.L_overlay_start_0:
0x88: {  	s2 =	sld [smem:$0x3FD9]  }
0x89: {  	s3 =	sld [smem:$0x3FFE];
	_ =	sdelay $0x1  }
0x8a: {  	s1 =	srdreg.scid  }
0x8b: {  	s0 =	sand.u32 $0x1, s1  }
0x8c: {  	s16 =	sshll.u32 s0, $0xA;
	s2 =	sadd.s32 s3, s2  }
0x8d: {  	s2 =	sadd.s32 s2, s16  }
0x8e: {  	[smem:$0x3FC2] =	sst s2  }
0x8f: {  	_ = 	snop  }
0x90: {  	(tm) =	ssettm $0x1  }
0x91: {  	s17 =	sld [smem:$0x3FFB];
	_ =	sdelay $0x3  }
0x92: {  	_ =	strace s17  }
0x93: {  	s2 =	sld [smem:$0x3FFC];
	_ =	sdelay $0x3  }
0x94: {  	_ =	strace s2  }
0x95: {  	s2 =	sld [smem:$0x3FFD];
	_ =	sdelay $0x3  }
0x96: {  	_ =	strace s2  }
0x97: {  	_ =	strace $0x8FFFFFFF  }
0x98: {  	s18 =	sld [smem:$0x3FDB];
	_ =	sdelay $0x1  }
0x99: {  	s19 =	simm.s32 $_scs_section_size  }
0x9a: {  	s4 =	simm.s32 $_size__tile_overlayer_lowered;
	s5 =	simm.s32 $_tile_overlayer_lowered  }
0x9b: {  	s22 =	simm.s32 $0x1BFF;
	s21 =	sshll.u32 s5, $0x1;
	s2 =	sadd.s32 s19, s18  }
0x9c: {  	s6 =	simm.s32 $0x0;
	s20 =	sshll.u32 s4, $0x1;
	s4 =	sadd.s32 s21, s2  }
0x9d: {  	[timem:s6], [sflag:s22] =	dma.local [hbm:s4], s20  }
0x9e: {  	_ =	swait.ge [sflag:s22], s20  }
0x9f: {  	s3 =	ssub.s32 $0x0, s20;
	[sflag:s22] =	ssyncset.done $0x0  }
0xa0: {  	[sflag:s22] =	ssyncadd.s32 s3;
	_ =	sdelay $0x1  }
0xa1: {  	s23 =	simm.s32 $0x1B8B  }
0xa2: {  	_ =	swait.ge [sflag:s23], $0x1  }
0xa3: {  	[sflag:s23] =	ssyncset.done $0x0  }
0xa4: {  	s25 =	simm.s32 $0x1B8E;
	s24 =	sld [smem:$0x3FFE];
	[sflag:s23] =	ssyncadd.s32 $0xFFFFFFFF  }
0xa5: {  	s26 =	simm.s32 $execute0_lowered;
	[smem:$0x3FD2] =	sst s25  }
0xa6: {  	s4 =	sshll.u32 s26, $0x1;
	_ =	strace $0x80000046;
	[dreg:$0x1] =	wrdreg $0xFFFFFFFF  }
0xa7: {  	s28 =	simm.s32 $_size_execute0_lowered;
	s2 =	sadd.s32 s2, s4;
	[dreg:$0x0] =	wrdreg $0x0  }
0xa8: {  	s4 =	sshll.u32 s28, $0x1;
	[dreg:$0x2] =	wrdreg s2  }
0xa9: {  	[dreg:$0x3] =	wrdreg s4  }
0xaa: {  	[dreg:$0x4] =	wrdreg $0xC0  }
0xab: {  	_ =	task [dreg:s6], $0x5FFFF  }
0xac: {  	[dreg:$0x1] =	wrdreg $0xFFFFFFFF  }
0xad: {  	[dreg:$0x0] =	wrdreg $0x60  }
0xae: {  	[dreg:$0x2] =	wrdreg s24  }
0xaf: {  	[dreg:$0x3] =	wrdreg $0x168800  }
0xb0: {  	[dreg:$0x4] =	wrdreg $0x9  }
0xb1: {  	_ =	task.clear_ibuf [dreg:s6], $0x5FFFF;
	_ =	strace $0x90000046  }
0xb2: {  	s29 =	simm.s32 $0x9;
	_ =	strace $0x80000048  }
0xb3: {  	_ =	swait.ge [sflag:s29], $0x1  }
0xb4: {  	[sflag:s29] =	ssyncadd.s32 $0xFFFFFFFF  }
0xb5: {  	_ =	strace $0x90000048  }
0xb6: {  	_ =	sfence  }
0xb7: {  	s30 =	sld [smem:$0x0];
	_ =	sdelay $0x2  }
0xb8: {  	s31 =	sshll.u32 s1, $0xD;
	s1 =	sshrl.u32 s1, $0x2  }
0xb9: {  	s3 =	sand.u32 $0x4000, s31;
	s1 =	sadd.s32 s1, s30  }
0xba: {  	s0 =	sor.u32 s3, s0;
	s1 =	sshll.u32 s1, $0x11  }
0xbb: {  	s0 =	sor.u32 s1, s0  }
0xbc: {  	s0 =	sadd.s32 $0x8F2B, s0  }
0xbd: {  	[sflag:s0] =	ssyncadd.remote.s32 $0x1  }
0xbe: {  	_ =	sfence.sel $0xFFFF  }
0xbf: {  	[dreg:$0x0] =	wrdreg $0xFFFFFFFF;
	(pc) =	sbr.abs _section_cstart, $3  }
0xc0: {  	[dreg:$0x1] =	wrdreg $0xFFFFFFFF  }
0xc1: {  	_ =	task.clear_ibuf [dreg:s6], $0x2FFFF;
	_ =	strace $0x9FFFFFFF  }
0xc2: {  	(tm) =	ssettm $0x7FFFFFFF  }
0xc3: {  	_ =	shalt  }
tec
execute0_lowered:
.L_overlay_start_1:
0x0: {  	(tag) =	ssettag $0x1  }
0x1: {  	s0 =	srdreg.scid;
	s5 =	rddreg [dreg:$0x0]  }
0x2: {  	s2 =	rddreg [dreg:$0x1];
	s3 =	simm.s32 $0x0;
	s11 =	simm.s32 $0x14000  }
0x3: {  	s12 =	simm.s32 $0x50;
	s15 =	simm.s32 $0x0;
	s4 =	sand.u32 $0x1, s0  }
0x4: {  	s0 =	stileid.u32;
	[smem:$0x7FF] =	sst s3;
	s1 =	sshll.u32 s4, $0x4  }
0x5: {  	s7 =	smul.u32 $0x2800, s4;
	s8 =	sshll.u32 s0, $0xA;
	s9 =	ssub.s32 $0x2, s4  }
0x6: {  	s4 =	sadd.s32 $0x51C00, s5;
	p0 =	sgt.u32 s0, $0x9;
	s6 =	sor.u32 s0, s1  }
0x7: {  	s1 =	rddreg [dreg:$0x2];
	_ =	strace $0x80000047;
	s10 =	sshrl.u32 s9, $0x1  }
0x8: {  	s13 =	sshll.u32 @!p0 s0, $0x6;
	s6 =	smul.u32 $0x2800, s6;
	s7 =	sadd.s32 s8, s7  }
0x9: {  	s9 =	ssub.s32 s9, s10;
	s10 =	simm.s32 $0x16800;
	s7 =	sshrl.u32 s7, $0x3  }
0xa: {  	s13 =	sor.u32 @!p0 $0x1C01, s13;
	s6 =	sadd.s32 s6, s5;
	s7 =	sadd.s32 s7, s5  }
0xb: {  	s5 =	sadd.s32 $0x1C00, s6;
	s6 =	sadd.s32 s8, s2;
	s7 =	sadd.s32 $0x51E00, s7  }
0xc: {  	v0 =	vimm.f32 $0.0e+00;
	v1 =	vimm.f32 $1.000000000e+00;
	s8 =	smax.u32 s9, $0x1;
	s9 =	simm.s32 $0x1;
	s14 =	sshrl.u32 @!p0 s6, $0x3  }
.LBB2_1:
0xd: {  	[tilespmem:s3], [sflag:$0x1] =	stream.linear.gather [hbm4b:s5+s3], $0x14000, $0x38;
	[tilespmem:$0x16B00] =	vst v63  }
0xe: {  	_ =	swait.ge [sflag:s9], $0x14000  }
0xf: {  	[sflag:s9] =	ssyncset.done $0x0  }
0x10: {  	[sflag:s9] =	ssyncadd.s32 $0xFFFEC000  }
0x11: {  	[tilespmem:s10], [sflag:$0x1] =	stream.linear.gather [hbm4b:s4+s3], $0x80, $0x38;
	[tilespmem:$0x16B00] =	vst v63  }
0x12: {  	_ =	swait.ge [sflag:s9], $0x80  }
0x13: {  	[sflag:s9] =	ssyncset.done $0x0  }
0x14: {  	s16 =	simm.s32 $0x0;
	s17 =	simm.s32 $0x200;
	[sflag:s9] =	ssyncadd.s32 $0xFFFFFF80  }
.LBB2_2:
0x15: {  	p1 =	sne.s32 s17, $0x9E00;
	[tilespmem:s16+$0x14070] =	vst v0  }
0x16: {  	[tilespmem:s16+$0x14000] =	vst v0  }
0x17: {  	[tilespmem:s16+$0x14010] =	vst v0  }
.Ltmp0:
0x18: {  	[tilespmem:s16+$0x14020] =	vst v0;
	(pc) =	sbr.rel @p1 .LBB2_2-.Ltmp0, $4  }
0x19: {  	[tilespmem:s16+$0x14030] =	vst v0  }
0x1a: {  	[tilespmem:s16+$0x14040] =	vst v0  }
0x1b: {  	[tilespmem:s16+$0x14050] =	vst v0  }
0x1c: {  	[tilespmem:s16+$0x14060] =	vst v0;
	s16 =	sshra.s32 s17, $0x2;
	s17 =	sadd.s32 $0x200, s17  }
0x1d: {  	[tilespmem:s16+$0x14070] =	vst v0  }
0x1e: {  	[tilespmem:s16+$0x14000] =	vst v0  }
0x1f: {  	[tilespmem:s16+$0x14010] =	vst v0  }
0x20: {  	[tilespmem:s16+$0x14020] =	vst v0  }
0x21: {  	[tilespmem:s16+$0x14030] =	vst v0  }
0x22: {  	[tilespmem:s16+$0x14040] =	vst v0  }
0x23: {  	[tilespmem:s16+$0x14050] =	vst v0  }
0x24: {  	[tilespmem:s16+$0x14060] =	vst v0;
	s16 =	simm.s32 @!p0 $0x14000  }
0x25: {  	[spmem:s6] =	stream.linear.scatter @!p0 [tilespmem:s16], [sflag:$0x1], $0x400, $0x38;
	[tilespmem:$0x16B00] =	vst v63  }
0x26: {  	s16 =	simm.s32 @!p0 $0x1  }
0x27: {  	_ =	swait.ge @!p0 [sflag:s16], $0x400  }
0x28: {  	[sflag:s16] =	ssyncset.done @!p0 $0x0  }
0x29: {  	[sflag:s16] =	ssyncadd.s32 @!p0 $0xFFFFFC00  }
0x2a: {  	s17 =	simm.s32 $0x0;
	s16 =	simm.s32 $0x200;
	[bflag:$0x0] =	sbarrier.arrive $0xFFFF  }
.LBB2_4:
0x2b: {  	p1 =	sne.s32 s16, $0x4FE00;
	v2 =	vld [tilespmem:s17+$0x0];
	_ =	sdelay $0x3  }
.Ltmp1:
0x2c: {  	(pc) =	sbr.rel @p1 .LBB2_4-.Ltmp1, $2  }
0x2d: {  	_ =	sdelay $0x2  }
0x2e: {  	s17 =	sshra.s32 s16, $0x2;
	s16 =	sadd.s32 $0x200, s16;
	[tilespmem:v2+s11+$0x0] =	vst.idx.add.f32.msk $0xffff, v1  }
0x2f: {  	v2 =	vld [tilespmem:s17+$0x0];
	_ =	sdelay $0x7  }
0x30: {  	[tilespmem:v2+s11+$0x0] =	vst.idx.add.f32.msk $0xffff, v1  }
0x31: {  	[spmem:s2] =	stream.indirect.scatter.add.f32 [tilespmem:s11], [sflag:$0x1], $0x80, s10, s12, $0xb8;
	[tilespmem:$0x16B00] =	vst v63  }
0x32: {  	_ =	swait.ge [sflag:s9], $0x2800  }
0x33: {  	s15 =	sadd.s32 $0x1, s15;
	[sflag:s9] =	ssyncset.done $0x0  }
0x34: {  	p1 =	sne.s32 s15, s8;
	[sflag:s9] =	ssyncadd.s32 $0xFFFFD800  }
.Ltmp2:
0x35: {  	s16 =	simm.s32 @!p0 $0x1;
	[bflag:$0x0] =	sbarrier.arrive $0xFFFF;
	(pc) =	sbr.rel @p1 .LBB2_1-.Ltmp2, $4  }
0x36: {  	[hbm:s7], [sflag:s13] =	dma.local @!p0 [spmem:s14], $0x80  }
0x37: {  	_ =	swait.ge @!p0 [sflag:s16], $0x80  }
0x38: {  	[sflag:s16] =	ssyncset.done @!p0 $0x0  }
0x39: {  	[sflag:s16] =	ssyncadd.s32 @!p0 $0xFFFFFF80  }
0x3a: {  	_ =	sfence.sel $0x180000  }
0x3b: {  	[bflag:$0x0] =	sbarrier.arrive $0xFFFF  }
0x3c: {  	p0 =	sne.s32 s0, $0x0;
	_ =	strace $0x90000047  }
0x3d: {  	s0 =	sadd.s32 @!p0 $0x100000, s1;
	[bflag:$0x2] =	sbarrier.arrive $0xFFFF  }
0x3e: {  	[sflag:s0] =	ssyncadd.tile.s32 @!p0 $0x1;
	_ =	shalt  }
.Lfunc_end2:
_tile_overlayer_lowered:
.L_overlay_start_2:
0x3f: {  	(tag) =	ssettag $0x2  }
0x40: {  	s0 =	rddreg [dreg:$0x0];
	s2 =	stileid.u32  }
0x41: {  	s1 =	rddreg [dreg:$0x1];
	p0 =	sne.s32 s2, $0x0  }
0x42: {  	s3 =	rddreg [dreg:$0x2];
	[bflag:$0x3] =	sbarrier.arrive $0xFFFF;
	s2 =	simm.s32 @!p0 $0x1C01  }
0x43: {  	[timem:s3], [sflag:s2] =	dma.local @!p0 [hbm:s0], s1  }
0x44: {  	s0 =	simm.s32 @!p0 $0x1  }
0x45: {  	_ =	swait.ge @!p0 [sflag:s0], s1  }
0x46: {  	s1 =	ssub.s32 @!p0 $0x0, s1;
	[sflag:s0] =	ssyncset.done @!p0 $0x0  }
0x47: {  	[sflag:s0] =	ssyncadd.s32 @!p0 s1  }
0x48: {  	[bflag:$0x3] =	sbarrier.arrive $0xFFFF  }
0x49: {  	_ =	shalt  }

</sc_bundles>
